<compile_context>
chip_gen: v7x
topology: tpu7x:2x2x1
jax: 0.10.2.dev20260603
libtpu: 0.0.44.dev20260713+nightly
codegen_flags: <defaults>
</compile_context>

<pallas_src>
import functools

import jax
import jax.numpy as jnp
from jax import lax
from jax.experimental import pallas as pl
from jax.experimental.pallas import tpu as pltpu
from jax.experimental.pallas import tpu_sc as plsc

DIM = 64
BATCH = 4096
MARGIN = 1.0
NC = 2
NS = 16
NW = NC * NS
BPW = BATCH // NW
LANES = 16
GROUPS = BPW // LANES

_GATHER_DNUMS = lax.GatherDimensionNumbers(
    offset_dims=(), collapsed_slice_dims=(0,), start_index_map=(0,))


def _shuffle16(v, perm):
    return lax.gather(v, perm, _GATHER_DNUMS, slice_sizes=(1,),
                      mode=lax.GatherScatterMode.PROMISE_IN_BOUNDS)


def _lane_total(v, perms):
    for perm in perms:
        v = v + _shuffle16(v, perm)
    return v


def _sqrt16(x):
    x = jnp.maximum(x, jnp.float32(1e-12))
    i = lax.bitcast_convert_type(x, jnp.int32)
    i = jnp.int32(0x5F3759DF) - lax.shift_right_logical(i, 1)
    y = lax.bitcast_convert_type(i, jnp.float32)
    for _ in range(3):
        y = y * (jnp.float32(1.5) - jnp.float32(0.5) * x * y * y)
    return x * y


_MESH = plsc.VectorSubcoreMesh(core_axis_name="c", subcore_axis_name="s")


@functools.partial(
    pl.kernel,
    out_type=jax.ShapeDtypeStruct((NW, LANES), jnp.float32),
    mesh=_MESH,
    scratch_types=[
        pltpu.VMEM((6, BPW), jnp.int32),
        pltpu.VMEM((BPW, DIM), jnp.float32),
        pltpu.VMEM((BPW, DIM), jnp.float32),
        pltpu.VMEM((BPW, DIM), jnp.float32),
        pltpu.VMEM((BPW, DIM), jnp.float32),
        pltpu.VMEM((BPW, DIM), jnp.float32),
        pltpu.VMEM((BPW, DIM), jnp.float32),
        pltpu.VMEM((LANES,), jnp.float32),
        pltpu.SemaphoreType.DMA,
    ],
)
def _transe_sc(ent_hbm, rel_hbm, idx_hbm, out_hbm,
               idx_v, hp_v, rp_v, tp_v, hn_v, rn_v, tn_v, loss_v,
               sem):
    wid = lax.axis_index("s") * NC + lax.axis_index("c")

    pltpu.sync_copy(idx_hbm.at[wid], idx_v)

    tables = (ent_hbm, rel_hbm, ent_hbm, ent_hbm, rel_hbm, ent_hbm)
    dsts = (hp_v, rp_v, tp_v, hn_v, rn_v, tn_v)

    def fetch_body(g, carry):
        base = g * LANES
        for j in range(6):
            vec = idx_v[j, pl.ds(base, LANES)]
            for b in range(LANES):
                i = vec[b]
                pltpu.async_copy(
                    tables[j].at[i >> 3, i & 7], dsts[j].at[base + b], sem)
        return carry

    lax.fori_loop(0, GROUPS, fetch_body, 0)

    def drain_body(e, carry):
        for j in range(6):
            pltpu.make_async_copy(
                tables[j].at[0, 0], dsts[j].at[e], sem).wait()
        return carry

    lax.fori_loop(0, BPW, drain_body, 0)

    iota = lax.iota(jnp.int32, LANES)
    zeros = jnp.zeros((LANES,), jnp.float32)
    perms = [(iota ^ k)[:, None] for k in (8, 4, 2, 1)]

    def group_body(g, loss_vec):
        def elem_body(b, carry):
            d2p, d2n = carry
            e = g * LANES + b
            accp = zeros
            accn = zeros
            for c in range(DIM // LANES):
                sl = pl.ds(c * LANES, LANES)
                dp = hp_v[e, sl] + rp_v[e, sl] - tp_v[e, sl]
                accp = accp + dp * dp
                dn = hn_v[e, sl] + rn_v[e, sl] - tn_v[e, sl]
                accn = accn + dn * dn
            lane = iota == b
            d2p = jnp.where(lane, _lane_total(accp, perms), d2p)
            d2n = jnp.where(lane, _lane_total(accn, perms), d2n)
            return d2p, d2n

        d2p, d2n = lax.fori_loop(0, LANES, elem_body, (zeros, zeros))
        dpos = _sqrt16(d2p)
        dneg = _sqrt16(d2n)
        return loss_vec + jnp.maximum(jnp.float32(MARGIN) + dpos - dneg,
                                      jnp.float32(0.0))

    loss_v[...] = lax.fori_loop(0, GROUPS, group_body, zeros)
    pltpu.sync_copy(loss_v, out_hbm.at[wid])


def kernel(ent_emb, rel_emb, t_batch):
    idx = jnp.transpose(t_batch.astype(jnp.int32), (1, 2, 0))
    idx = jnp.transpose(idx.reshape(6, NW, BPW), (1, 0, 2))
    ent3 = ent_emb.reshape(ent_emb.shape[0] // 8, 8, DIM)
    rel3 = rel_emb.reshape(rel_emb.shape[0] // 8, 8, DIM)
    partial = _transe_sc(ent3, rel3, idx)
    return jnp.sum(partial)

# --- scband reference (transcript-rebuilt; emitter-appended) ---
"""Pipeline reference for scband-trans-e-46677704573832 (READ-ONLY COPY).

The authoritative reference and input builder live on the scoring server;
editing this copy changes nothing except your own understanding.
"""

import jax, jax.numpy as jnp
import numpy as np

ENTITIES_CNT = 1000000
RELATIONS_CNT = 1000000
DIM = 64
BATCH = 4096
MARGIN = 1.0


def setup_inputs(seed: int = 0) -> dict:
    key = jax.random.key(seed)
    k1, k2, k3 = jax.random.split(key, 3)
    # t_batch[b, 0, :] = (head, relation, tail) positive triplet indices
    # t_batch[b, 1, :] = (head, relation, tail) corrupted triplet indices
    t_batch = jax.random.randint(k1, (BATCH, 2, 3), 0, ENTITIES_CNT, dtype=jnp.int64)
    emb_range = 6.0 / np.sqrt(DIM)
    ent_emb = jax.random.uniform(k2, (ENTITIES_CNT, DIM), dtype=jnp.float32,
                                 minval=-emb_range, maxval=emb_range)
    rel_emb = jax.random.uniform(k3, (RELATIONS_CNT, DIM), dtype=jnp.float32,
                                 minval=-emb_range, maxval=emb_range)
    rel_emb = rel_emb / jnp.linalg.norm(rel_emb)
    return {"ent_emb": ent_emb, "rel_emb": rel_emb, "t_batch": t_batch}


def reference(ent_emb, rel_emb, t_batch):
    # Vectorized, faithful translation of TransE.forward:
    # loss = sum_b relu(margin + ||h+r-t||_2 - ||h'+r'-t'||_2)
    pos = t_batch[:, 0, :]
    neg = t_batch[:, 1, :]
    h_pos = jnp.take(ent_emb, pos[:, 0], axis=0)
    r_pos = jnp.take(rel_emb, pos[:, 1], axis=0)
    t_pos = jnp.take(ent_emb, pos[:, 2], axis=0)
    h_neg = jnp.take(ent_emb, neg[:, 0], axis=0)
    r_neg = jnp.take(rel_emb, neg[:, 1], axis=0)
    t_neg = jnp.take(ent_emb, neg[:, 2], axis=0)
    d_pos = jnp.sqrt(jnp.sum(jnp.square(h_pos + r_pos - t_pos), axis=-1))
    d_neg = jnp.sqrt(jnp.sum(jnp.square(h_neg + r_neg - t_neg), axis=-1))
    loss = jnp.sum(jax.nn.relu(MARGIN + d_pos - d_neg))
    return loss

if __name__ == "__main__":
    import jax
    _d = setup_inputs()
    print(jax.jit(kernel)(*tuple(_d.values())))

</pallas_src>

<mosaic_0001>
#map = affine_map<(d0, d1) -> (0, 0, 0)>
#map1 = affine_map<(d0, d1) -> (0, 0)>
module attributes {stable_mosaic.version = 14 : i64} {
  func.func @_transe_sc(%arg0: i32, %arg1: i32, %arg2: memref<125000x8x64xf32, #tpu.memory_space<hbm>>, %arg3: memref<125000x8x64xf32, #tpu.memory_space<hbm>>, %arg4: memref<32x6x128xi32, #tpu.memory_space<hbm>>, %arg5: memref<32x16xf32, #tpu.memory_space<hbm>>, %arg6: memref<6x128xi32, #tpu.memory_space<vmem>>, %arg7: memref<128x64xf32, #tpu.memory_space<vmem>>, %arg8: memref<128x64xf32, #tpu.memory_space<vmem>>, %arg9: memref<128x64xf32, #tpu.memory_space<vmem>>, %arg10: memref<128x64xf32, #tpu.memory_space<vmem>>, %arg11: memref<128x64xf32, #tpu.memory_space<vmem>>, %arg12: memref<128x64xf32, #tpu.memory_space<vmem>>, %arg13: memref<16xf32, #tpu.memory_space<vmem>>, %arg14: memref<!tpu.dma_semaphore, #tpu.memory_space<semaphore_mem>>) attributes {dimension_semantics = [#tpu.dimension_semantics<core_parallel>, #tpu.dimension_semantics<subcore_parallel>], iteration_bounds = array<i64: 2, 16>, scalar_prefetch = 0 : i64, scratch_operands = 9 : i64, tpu.core_type = #tpu.core_type<sc_vector_subcore>, window_params = [{transform_indices = #map}, {transform_indices = #map}, {transform_indices = #map}, {transform_indices = #map1}]} {
    %mul3A = arith.constant 2 : i32
    %mul3A_0 = arith.muli %arg1, %mul3A : i32
    %add3A = arith.addi %mul3A_0, %arg0 : i32
    "tpu.region"() ({
      %run_scoped3A = tpu.sem_alloc : memref<!tpu.dma_semaphore, #tpu.memory_space<semaphore_mem>>
      %dma_start3A = arith.constant 0 : i32
      %dma_start3A_37 = arith.constant 0 : i32
      %dma_start3A_38 = tpu.memref_slice %arg4[%add3A, %dma_start3A, %dma_start3A_37] : memref<32x6x128xi32, #tpu.memory_space<hbm>> -> memref<1x6x128xi32, #tpu.memory_space<hbm>>
      %dma_start3A_39 = tpu.memref_squeeze %dma_start3A_38 : memref<1x6x128xi32, #tpu.memory_space<hbm>> -> memref<6x128xi32, #tpu.memory_space<hbm>>
      %dma_start3A_40 = arith.constant 0 : i32
      %dma_start3A_41 = arith.constant 0 : i32
      %dma_start3A_42 = tpu.memref_slice %arg4[%add3A, %dma_start3A_40, %dma_start3A_41] : memref<32x6x128xi32, #tpu.memory_space<hbm>> -> memref<1x6x128xi32, #tpu.memory_space<hbm>>
      %dma_start3A_43 = tpu.memref_squeeze %dma_start3A_42 : memref<1x6x128xi32, #tpu.memory_space<hbm>> -> memref<6x128xi32, #tpu.memory_space<hbm>>
      tpu.enqueue_dma source(%dma_start3A_43 : memref<6x128xi32, #tpu.memory_space<hbm>>) target(%arg6 : memref<6x128xi32, #tpu.memory_space<vmem>>) target_semaphore(%run_scoped3A : memref<!tpu.dma_semaphore, #tpu.memory_space<semaphore_mem>>)
      %dma_wait3A = arith.constant 0 : i32
      %dma_wait3A_44 = arith.constant 0 : i32
      %dma_wait3A_45 = tpu.memref_slice %arg4[%add3A, %dma_wait3A, %dma_wait3A_44] : memref<32x6x128xi32, #tpu.memory_space<hbm>> -> memref<1x6x128xi32, #tpu.memory_space<hbm>>
      %dma_wait3A_46 = tpu.memref_squeeze %dma_wait3A_45 : memref<1x6x128xi32, #tpu.memory_space<hbm>> -> memref<6x128xi32, #tpu.memory_space<hbm>>
      %dma_wait3A_47 = arith.constant 0 : i32
      %dma_wait3A_48 = arith.constant 0 : i32
      %dma_wait3A_49 = tpu.memref_slice %arg4[%add3A, %dma_wait3A_47, %dma_wait3A_48] : memref<32x6x128xi32, #tpu.memory_space<hbm>> -> memref<1x6x128xi32, #tpu.memory_space<hbm>>
      %dma_wait3A_50 = tpu.memref_squeeze %dma_wait3A_49 : memref<1x6x128xi32, #tpu.memory_space<hbm>> -> memref<6x128xi32, #tpu.memory_space<hbm>>
      tpu.wait_dma2 semaphore(%run_scoped3A : memref<!tpu.dma_semaphore, #tpu.memory_space<semaphore_mem>>) src(%dma_wait3A_50 : memref<6x128xi32, #tpu.memory_space<hbm>>) dst(%arg6 : memref<6x128xi32, #tpu.memory_space<vmem>>)
      tpu.yield
    }) : () -> ()
    %scan3A = arith.constant 0 : i32
    %scan3A_1 = arith.constant 0 : i32
    %scan3A_2 = arith.constant 8 : i32
    %scan3A_3 = arith.addi %scan3A_1, %scan3A_2 : i32
    %scan3A_4 = arith.constant 1 : i32
    scf.for %scan3A_37 = %scan3A_1 to %scan3A_3 step %scan3A_4  : i32 {
      %mul3A_38 = arith.constant 16 : i32
      %mul3A_39 = arith.muli %scan3A_37, %mul3A_38 : i32
      %get3A = arith.constant 0 : i32
      %get3A_40 = arith.index_cast %get3A : i32 to index
      %get3A_41 = arith.index_cast %mul3A_39 : i32 to index
      %get3A_42 = tpu.vector_load %arg6[%get3A_40, %get3A_41] {strides = array<i32>} : memref<6x128xi32, #tpu.memory_space<vmem>>, vector<1x16xi32>,
      %get3A_43 = vector.shape_cast %get3A_42 : vector<1x16xi32> to vector<16xi32>
      %slice3A = vector.extract_strided_slice %get3A_43 {offsets = [0], sizes = [1], strides = [1]} : vector<16xi32> to vector<1xi32>
      %squeeze3A = vector.extract %slice3A[0] : i32 from vector<1xi32>
      %shift_right_arithmetic3A = arith.constant 3 : i32
      %shift_right_arithmetic3A_44 = arith.shrsi %squeeze3A, %shift_right_arithmetic3A : i32
      %and3A = arith.constant 7 : i32
      %and3A_45 = arith.andi %squeeze3A, %and3A : i32
      %add3A_46 = arith.constant 0 : i32
      %add3A_47 = arith.addi %mul3A_39, %add3A_46 : i32
      %dma_start3A = arith.constant 0 : i32
      %dma_start3A_48 = tpu.memref_slice %arg7[%add3A_47, %dma_start3A] : memref<128x64xf32, #tpu.memory_space<vmem>> -> memref<1x64xf32, #tpu.memory_space<vmem>>
      %dma_start3A_49 = tpu.memref_squeeze %dma_start3A_48 : memref<1x64xf32, #tpu.memory_space<vmem>> -> memref<64xf32, #tpu.memory_space<vmem>>
      %dma_start3A_50 = arith.constant 0 : i32
      %dma_start3A_51 = tpu.memref_slice %arg2[%shift_right_arithmetic3A_44, %and3A_45, %dma_start3A_50] : memref<125000x8x64xf32, #tpu.memory_space<hbm>> -> memref<1x1x64xf32, #tpu.memory_space<hbm>>
      %dma_start3A_52 = tpu.memref_squeeze %dma_start3A_51 : memref<1x1x64xf32, #tpu.memory_space<hbm>> -> memref<64xf32, #tpu.memory_space<hbm>>
      %dma_start3A_53 = arith.constant 0 : i32
      %dma_start3A_54 = tpu.memref_slice %arg7[%add3A_47, %dma_start3A_53] : memref<128x64xf32, #tpu.memory_space<vmem>> -> memref<1x64xf32, #tpu.memory_space<vmem>>
      %dma_start3A_55 = tpu.memref_squeeze %dma_start3A_54 : memref<1x64xf32, #tpu.memory_space<vmem>> -> memref<64xf32, #tpu.memory_space<vmem>>
      %dma_start3A_56 = arith.constant 0 : i32
      %dma_start3A_57 = tpu.memref_slice %arg2[%shift_right_arithmetic3A_44, %and3A_45, %dma_start3A_56] : memref<125000x8x64xf32, #tpu.memory_space<hbm>> -> memref<1x1x64xf32, #tpu.memory_space<hbm>>
      %dma_start3A_58 = tpu.memref_squeeze %dma_start3A_57 : memref<1x1x64xf32, #tpu.memory_space<hbm>> -> memref<64xf32, #tpu.memory_space<hbm>>
      tpu.enqueue_dma source(%dma_start3A_58 : memref<64xf32, #tpu.memory_space<hbm>>) target(%dma_start3A_55 : memref<64xf32, #tpu.memory_space<vmem>>) target_semaphore(%arg14 : memref<!tpu.dma_semaphore, #tpu.memory_space<semaphore_mem>>)
      %slice3A_59 = vector.extract_strided_slice %get3A_43 {offsets = [1], sizes = [1], strides = [1]} : vector<16xi32> to vector<1xi32>
      %squeeze3A_60 = vector.extract %slice3A_59[0] : i32 from vector<1xi32>
      %shift_right_arithmetic3A_61 = arith.constant 3 : i32
      %shift_right_arithmetic3A_62 = arith.shrsi %squeeze3A_60, %shift_right_arithmetic3A_61 : i32
      %and3A_63 = arith.constant 7 : i32
      %and3A_64 = arith.andi %squeeze3A_60, %and3A_63 : i32
      %add3A_65 = arith.constant 1 : i32
      %add3A_66 = arith.addi %mul3A_39, %add3A_65 : i32
      %dma_start3A_67 = arith.constant 0 : i32
      %dma_start3A_68 = tpu.memref_slice %arg7[%add3A_66, %dma_start3A_67] : memref<128x64xf32, #tpu.memory_space<vmem>> -> memref<1x64xf32, #tpu.memory_space<vmem>>
      %dma_start3A_69 = tpu.memref_squeeze %dma_start3A_68 : memref<1x64xf32, #tpu.memory_space<vmem>> -> memref<64xf32, #tpu.memory_space<vmem>>
      %dma_start3A_70 = arith.constant 0 : i32
      %dma_start3A_71 = tpu.memref_slice %arg2[%shift_right_arithmetic3A_62, %and3A_64, %dma_start3A_70] : memref<125000x8x64xf32, #tpu.memory_space<hbm>> -> memref<1x1x64xf32, #tpu.memory_space<hbm>>
      %dma_start3A_72 = tpu.memref_squeeze %dma_start3A_71 : memref<1x1x64xf32, #tpu.memory_space<hbm>> -> memref<64xf32, #tpu.memory_space<hbm>>
      %dma_start3A_73 = arith.constant 0 : i32
      %dma_start3A_74 = tpu.memref_slice %arg7[%add3A_66, %dma_start3A_73] : memref<128x64xf32, #tpu.memory_space<vmem>> -> memref<1x64xf32, #tpu.memory_space<vmem>>
      %dma_start3A_75 = tpu.memref_squeeze %dma_start3A_74 : memref<1x64xf32, #tpu.memory_space<vmem>> -> memref<64xf32, #tpu.memory_space<vmem>>
      %dma_start3A_76 = arith.constant 0 : i32
      %dma_start3A_77 = tpu.memref_slice %arg2[%shift_right_arithmetic3A_62, %and3A_64, %dma_start3A_76] : memref<125000x8x64xf32, #tpu.memory_space<hbm>> -> memref<1x1x64xf32, #tpu.memory_space<hbm>>
      %dma_start3A_78 = tpu.memref_squeeze %dma_start3A_77 : memref<1x1x64xf32, #tpu.memory_space<hbm>> -> memref<64xf32, #tpu.memory_space<hbm>>
      tpu.enqueue_dma source(%dma_start3A_78 : memref<64xf32, #tpu.memory_space<hbm>>) target(%dma_start3A_75 : memref<64xf32, #tpu.memory_space<vmem>>) target_semaphore(%arg14 : memref<!tpu.dma_semaphore, #tpu.memory_space<semaphore_mem>>)
      %slice3A_79 = vector.extract_strided_slice %get3A_43 {offsets = [2], sizes = [1], strides = [1]} : vector<16xi32> to vector<1xi32>
      %squeeze3A_80 = vector.extract %slice3A_79[0] : i32 from vector<1xi32>
      %shift_right_arithmetic3A_81 = arith.constant 3 : i32
      %shift_right_arithmetic3A_82 = arith.shrsi %squeeze3A_80, %shift_right_arithmetic3A_81 : i32
      %and3A_83 = arith.constant 7 : i32
      %and3A_84 = arith.andi %squeeze3A_80, %and3A_83 : i32
      %add3A_85 = arith.constant 2 : i32
      %add3A_86 = arith.addi %mul3A_39, %add3A_85 : i32
      %dma_start3A_87 = arith.constant 0 : i32
      %dma_start3A_88 = tpu.memref_slice %arg7[%add3A_86, %dma_start3A_87] : memref<128x64xf32, #tpu.memory_space<vmem>> -> memref<1x64xf32, #tpu.memory_space<vmem>>
      %dma_start3A_89 = tpu.memref_squeeze %dma_start3A_88 : memref<1x64xf32, #tpu.memory_space<vmem>> -> memref<64xf32, #tpu.memory_space<vmem>>
      %dma_start3A_90 = arith.constant 0 : i32
      %dma_start3A_91 = tpu.memref_slice %arg2[%shift_right_arithmetic3A_82, %and3A_84, %dma_start3A_90] : memref<125000x8x64xf32, #tpu.memory_space<hbm>> -> memref<1x1x64xf32, #tpu.memory_space<hbm>>
      %dma_start3A_92 = tpu.memref_squeeze %dma_start3A_91 : memref<1x1x64xf32, #tpu.memory_space<hbm>> -> memref<64xf32, #tpu.memory_space<hbm>>
      %dma_start3A_93 = arith.constant 0 : i32
      %dma_start3A_94 = tpu.memref_slice %arg7[%add3A_86, %dma_start3A_93] : memref<128x64xf32, #tpu.memory_space<vmem>> -> memref<1x64xf32, #tpu.memory_space<vmem>>
      %dma_start3A_95 = tpu.memref_squeeze %dma_start3A_94 : memref<1x64xf32, #tpu.memory_space<vmem>> -> memref<64xf32, #tpu.memory_space<vmem>>
      %dma_start3A_96 = arith.constant 0 : i32
      %dma_start3A_97 = tpu.memref_slice %arg2[%shift_right_arithmetic3A_82, %and3A_84, %dma_start3A_96] : memref<125000x8x64xf32, #tpu.memory_space<hbm>> -> memref<1x1x64xf32, #tpu.memory_space<hbm>>
      %dma_start3A_98 = tpu.memref_squeeze %dma_start3A_97 : memref<1x1x64xf32, #tpu.memory_space<hbm>> -> memref<64xf32, #tpu.memory_space<hbm>>
      tpu.enqueue_dma source(%dma_start3A_98 : memref<64xf32, #tpu.memory_space<hbm>>) target(%dma_start3A_95 : memref<64xf32, #tpu.memory_space<vmem>>) target_semaphore(%arg14 : memref<!tpu.dma_semaphore, #tpu.memory_space<semaphore_mem>>)
      %slice3A_99 = vector.extract_strided_slice %get3A_43 {offsets = [3], sizes = [1], strides = [1]} : vector<16xi32> to vector<1xi32>
      %squeeze3A_100 = vector.extract %slice3A_99[0] : i32 from vector<1xi32>
      %shift_right_arithmetic3A_101 = arith.constant 3 : i32
      %shift_right_arithmetic3A_102 = arith.shrsi %squeeze3A_100, %shift_right_arithmetic3A_101 : i32
      %and3A_103 = arith.constant 7 : i32
      %and3A_104 = arith.andi %squeeze3A_100, %and3A_103 : i32
      %add3A_105 = arith.constant 3 : i32
      %add3A_106 = arith.addi %mul3A_39, %add3A_105 : i32
      %dma_start3A_107 = arith.constant 0 : i32
      %dma_start3A_108 = tpu.memref_slice %arg7[%add3A_106, %dma_start3A_107] : memref<128x64xf32, #tpu.memory_space<vmem>> -> memref<1x64xf32, #tpu.memory_space<vmem>>
      %dma_start3A_109 = tpu.memref_squeeze %dma_start3A_108 : memref<1x64xf32, #tpu.memory_space<vmem>> -> memref<64xf32, #tpu.memory_space<vmem>>
      %dma_start3A_110 = arith.constant 0 : i32
      %dma_start3A_111 = tpu.memref_slice %arg2[%shift_right_arithmetic3A_102, %and3A_104, %dma_start3A_110] : memref<125000x8x64xf32, #tpu.memory_space<hbm>> -> memref<1x1x64xf32, #tpu.memory_space<hbm>>
      %dma_start3A_112 = tpu.memref_squeeze %dma_start3A_111 : memref<1x1x64xf32, #tpu.memory_space<hbm>> -> memref<64xf32, #tpu.memory_space<hbm>>
      %dma_start3A_113 = arith.constant 0 : i32
      %dma_start3A_114 = tpu.memref_slice %arg7[%add3A_106, %dma_start3A_113] : memref<128x64xf32, #tpu.memory_space<vmem>> -> memref<1x64xf32, #tpu.memory_space<vmem>>
      %dma_start3A_115 = tpu.memref_squeeze %dma_start3A_114 : memref<1x64xf32, #tpu.memory_space<vmem>> -> memref<64xf32, #tpu.memory_space<vmem>>
      %dma_start3A_116 = arith.constant 0 : i32
      %dma_start3A_117 = tpu.memref_slice %arg2[%shift_right_arithmetic3A_102, %and3A_104, %dma_start3A_116] : memref<125000x8x64xf32, #tpu.memory_space<hbm>> -> memref<1x1x64xf32, #tpu.memory_space<hbm>>
      %dma_start3A_118 = tpu.memref_squeeze %dma_start3A_117 : memref<1x1x64xf32, #tpu.memory_space<hbm>> -> memref<64xf32, #tpu.memory_space<hbm>>
      tpu.enqueue_dma source(%dma_start3A_118 : memref<64xf32, #tpu.memory_space<hbm>>) target(%dma_start3A_115 : memref<64xf32, #tpu.memory_space<vmem>>) target_semaphore(%arg14 : memref<!tpu.dma_semaphore, #tpu.memory_space<semaphore_mem>>)
      %slice3A_119 = vector.extract_strided_slice %get3A_43 {offsets = [4], sizes = [1], strides = [1]} : vector<16xi32> to vector<1xi32>
      %squeeze3A_120 = vector.extract %slice3A_119[0] : i32 from vector<1xi32>
      %shift_right_arithmetic3A_121 = arith.constant 3 : i32
      %shift_right_arithmetic3A_122 = arith.shrsi %squeeze3A_120, %shift_right_arithmetic3A_121 : i32
      %and3A_123 = arith.constant 7 : i32
      %and3A_124 = arith.andi %squeeze3A_120, %and3A_123 : i32
      %add3A_125 = arith.constant 4 : i32
      %add3A_126 = arith.addi %mul3A_39, %add3A_125 : i32
      %dma_start3A_127 = arith.constant 0 : i32
      %dma_start3A_128 = tpu.memref_slice %arg7[%add3A_126, %dma_start3A_127] : memref<128x64xf32, #tpu.memory_space<vmem>> -> memref<1x64xf32, #tpu.memory_space<vmem>>
      %dma_start3A_129 = tpu.memref_squeeze %dma_start3A_128 : memref<1x64xf32, #tpu.memory_space<vmem>> -> memref<64xf32, #tpu.memory_space<vmem>>
      %dma_start3A_130 = arith.constant 0 : i32
      %dma_start3A_131 = tpu.memref_slice %arg2[%shift_right_arithmetic3A_122, %and3A_124, %dma_start3A_130] : memref<125000x8x64xf32, #tpu.memory_space<hbm>> -> memref<1x1x64xf32, #tpu.memory_space<hbm>>
      %dma_start3A_132 = tpu.memref_squeeze %dma_start3A_131 : memref<1x1x64xf32, #tpu.memory_space<hbm>> -> memref<64xf32, #tpu.memory_space<hbm>>
      %dma_start3A_133 = arith.constant 0 : i32
      %dma_start3A_134 = tpu.memref_slice %arg7[%add3A_126, %dma_start3A_133] : memref<128x64xf32, #tpu.memory_space<vmem>> -> memref<1x64xf32, #tpu.memory_space<vmem>>
      %dma_start3A_135 = tpu.memref_squeeze %dma_start3A_134 : memref<1x64xf32, #tpu.memory_space<vmem>> -> memref<64xf32, #tpu.memory_space<vmem>>
      %dma_start3A_136 = arith.constant 0 : i32
      %dma_start3A_137 = tpu.memref_slice %arg2[%shift_right_arithmetic3A_122, %and3A_124, %dma_start3A_136] : memref<125000x8x64xf32, #tpu.memory_space<hbm>> -> memref<1x1x64xf32, #tpu.memory_space<hbm>>
      %dma_start3A_138 = tpu.memref_squeeze %dma_start3A_137 : memref<1x1x64xf32, #tpu.memory_space<hbm>> -> memref<64xf32, #tpu.memory_space<hbm>>
      tpu.enqueue_dma source(%dma_start3A_138 : memref<64xf32, #tpu.memory_space<hbm>>) target(%dma_start3A_135 : memref<64xf32, #tpu.memory_space<vmem>>) target_semaphore(%arg14 : memref<!tpu.dma_semaphore, #tpu.memory_space<semaphore_mem>>)
      %slice3A_139 = vector.extract_strided_slice %get3A_43 {offsets = [5], sizes = [1], strides = [1]} : vector<16xi32> to vector<1xi32>
      %squeeze3A_140 = vector.extract %slice3A_139[0] : i32 from vector<1xi32>
      %shift_right_arithmetic3A_141 = arith.constant 3 : i32
      %shift_right_arithmetic3A_142 = arith.shrsi %squeeze3A_140, %shift_right_arithmetic3A_141 : i32
      %and3A_143 = arith.constant 7 : i32
      %and3A_144 = arith.andi %squeeze3A_140, %and3A_143 : i32
      %add3A_145 = arith.constant 5 : i32
      %add3A_146 = arith.addi %mul3A_39, %add3A_145 : i32
      %dma_start3A_147 = arith.constant 0 : i32
      %dma_start3A_148 = tpu.memref_slice %arg7[%add3A_146, %dma_start3A_147] : memref<128x64xf32, #tpu.memory_space<vmem>> -> memref<1x64xf32, #tpu.memory_space<vmem>>
      %dma_start3A_149 = tpu.memref_squeeze %dma_start3A_148 : memref<1x64xf32, #tpu.memory_space<vmem>> -> memref<64xf32, #tpu.memory_space<vmem>>
      %dma_start3A_150 = arith.constant 0 : i32
      %dma_start3A_151 = tpu.memref_slice %arg2[%shift_right_arithmetic3A_142, %and3A_144, %dma_start3A_150] : memref<125000x8x64xf32, #tpu.memory_space<hbm>> -> memref<1x1x64xf32, #tpu.memory_space<hbm>>
      %dma_start3A_152 = tpu.memref_squeeze %dma_start3A_151 : memref<1x1x64xf32, #tpu.memory_space<hbm>> -> memref<64xf32, #tpu.memory_space<hbm>>
      %dma_start3A_153 = arith.constant 0 : i32
      %dma_start3A_154 = tpu.memref_slice %arg7[%add3A_146, %dma_start3A_153] : memref<128x64xf32, #tpu.memory_space<vmem>> -> memref<1x64xf32, #tpu.memory_space<vmem>>
      %dma_start3A_155 = tpu.memref_squeeze %dma_start3A_154 : memref<1x64xf32, #tpu.memory_space<vmem>> -> memref<64xf32, #tpu.memory_space<vmem>>
      %dma_start3A_156 = arith.constant 0 : i32
      %dma_start3A_157 = tpu.memref_slice %arg2[%shift_right_arithmetic3A_142, %and3A_144, %dma_start3A_156] : memref<125000x8x64xf32, #tpu.memory_space<hbm>> -> memref<1x1x64xf32, #tpu.memory_space<hbm>>
      %dma_start3A_158 = tpu.memref_squeeze %dma_start3A_157 : memref<1x1x64xf32, #tpu.memory_space<hbm>> -> memref<64xf32, #tpu.memory_space<hbm>>
      tpu.enqueue_dma source(%dma_start3A_158 : memref<64xf32, #tpu.memory_space<hbm>>) target(%dma_start3A_155 : memref<64xf32, #tpu.memory_space<vmem>>) target_semaphore(%arg14 : memref<!tpu.dma_semaphore, #tpu.memory_space<semaphore_mem>>)
      %slice3A_159 = vector.extract_strided_slice %get3A_43 {offsets = [6], sizes = [1], strides = [1]} : vector<16xi32> to vector<1xi32>
      %squeeze3A_160 = vector.extract %slice3A_159[0] : i32 from vector<1xi32>
      %shift_right_arithmetic3A_161 = arith.constant 3 : i32
      %shift_right_arithmetic3A_162 = arith.shrsi %squeeze3A_160, %shift_right_arithmetic3A_161 : i32
      %and3A_163 = arith.constant 7 : i32
      %and3A_164 = arith.andi %squeeze3A_160, %and3A_163 : i32
      %add3A_165 = arith.constant 6 : i32
      %add3A_166 = arith.addi %mul3A_39, %add3A_165 : i32
      %dma_start3A_167 = arith.constant 0 : i32
      %dma_start3A_168 = tpu.memref_slice %arg7[%add3A_166, %dma_start3A_167] : memref<128x64xf32, #tpu.memory_space<vmem>> -> memref<1x64xf32, #tpu.memory_space<vmem>>
      %dma_start3A_169 = tpu.memref_squeeze %dma_start3A_168 : memref<1x64xf32, #tpu.memory_space<vmem>> -> memref<64xf32, #tpu.memory_space<vmem>>
      %dma_start3A_170 = arith.constant 0 : i32
      %dma_start3A_171 = tpu.memref_slice %arg2[%shift_right_arithmetic3A_162, %and3A_164, %dma_start3A_170] : memref<125000x8x64xf32, #tpu.memory_space<hbm>> -> memref<1x1x64xf32, #tpu.memory_space<hbm>>
      %dma_start3A_172 = tpu.memref_squeeze %dma_start3A_171 : memref<1x1x64xf32, #tpu.memory_space<hbm>> -> memref<64xf32, #tpu.memory_space<hbm>>
      %dma_start3A_173 = arith.constant 0 : i32
      %dma_start3A_174 = tpu.memref_slice %arg7[%add3A_166, %dma_start3A_173] : memref<128x64xf32, #tpu.memory_space<vmem>> -> memref<1x64xf32, #tpu.memory_space<vmem>>
      %dma_start3A_175 = tpu.memref_squeeze %dma_start3A_174 : memref<1x64xf32, #tpu.memory_space<vmem>> -> memref<64xf32, #tpu.memory_space<vmem>>
      %dma_start3A_176 = arith.constant 0 : i32
      %dma_start3A_177 = tpu.memref_slice %arg2[%shift_right_arithmetic3A_162, %and3A_164, %dma_start3A_176] : memref<125000x8x64xf32, #tpu.memory_space<hbm>> -> memref<1x1x64xf32, #tpu.memory_space<hbm>>
      %dma_start3A_178 = tpu.memref_squeeze %dma_start3A_177 : memref<1x1x64xf32, #tpu.memory_space<hbm>> -> memref<64xf32, #tpu.memory_space<hbm>>
      tpu.enqueue_dma source(%dma_start3A_178 : memref<64xf32, #tpu.memory_space<hbm>>) target(%dma_start3A_175 : memref<64xf32, #tpu.memory_space<vmem>>) target_semaphore(%arg14 : memref<!tpu.dma_semaphore, #tpu.memory_space<semaphore_mem>>)
      %slice3A_179 = vector.extract_strided_slice %get3A_43 {offsets = [7], sizes = [1], strides = [1]} : vector<16xi32> to vector<1xi32>
      %squeeze3A_180 = vector.extract %slice3A_179[0] : i32 from vector<1xi32>
      %shift_right_arithmetic3A_181 = arith.constant 3 : i32
      %shift_right_arithmetic3A_182 = arith.shrsi %squeeze3A_180, %shift_right_arithmetic3A_181 : i32
      %and3A_183 = arith.constant 7 : i32
      %and3A_184 = arith.andi %squeeze3A_180, %and3A_183 : i32
      %add3A_185 = arith.constant 7 : i32
      %add3A_186 = arith.addi %mul3A_39, %add3A_185 : i32
      %dma_start3A_187 = arith.constant 0 : i32
      %dma_start3A_188 = tpu.memref_slice %arg7[%add3A_186, %dma_start3A_187] : memref<128x64xf32, #tpu.memory_space<vmem>> -> memref<1x64xf32, #tpu.memory_space<vmem>>
      %dma_start3A_189 = tpu.memref_squeeze %dma_start3A_188 : memref<1x64xf32, #tpu.memory_space<vmem>> -> memref<64xf32, #tpu.memory_space<vmem>>
      %dma_start3A_190 = arith.constant 0 : i32
      %dma_start3A_191 = tpu.memref_slice %arg2[%shift_right_arithmetic3A_182, %and3A_184, %dma_start3A_190] : memref<125000x8x64xf32, #tpu.memory_space<hbm>> -> memref<1x1x64xf32, #tpu.memory_space<hbm>>
      %dma_start3A_192 = tpu.memref_squeeze %dma_start3A_191 : memref<1x1x64xf32, #tpu.memory_space<hbm>> -> memref<64xf32, #tpu.memory_space<hbm>>
      %dma_start3A_193 = arith.constant 0 : i32
      %dma_start3A_194 = tpu.memref_slice %arg7[%add3A_186, %dma_start3A_193] : memref<128x64xf32, #tpu.memory_space<vmem>> -> memref<1x64xf32, #tpu.memory_space<vmem>>
      %dma_start3A_195 = tpu.memref_squeeze %dma_start3A_194 : memref<1x64xf32, #tpu.memory_space<vmem>> -> memref<64xf32, #tpu.memory_space<vmem>>
      %dma_start3A_196 = arith.constant 0 : i32
      %dma_start3A_197 = tpu.memref_slice %arg2[%shift_right_arithmetic3A_182, %and3A_184, %dma_start3A_196] : memref<125000x8x64xf32, #tpu.memory_space<hbm>> -> memref<1x1x64xf32, #tpu.memory_space<hbm>>
      %dma_start3A_198 = tpu.memref_squeeze %dma_start3A_197 : memref<1x1x64xf32, #tpu.memory_space<hbm>> -> memref<64xf32, #tpu.memory_space<hbm>>
      tpu.enqueue_dma source(%dma_start3A_198 : memref<64xf32, #tpu.memory_space<hbm>>) target(%dma_start3A_195 : memref<64xf32, #tpu.memory_space<vmem>>) target_semaphore(%arg14 : memref<!tpu.dma_semaphore, #tpu.memory_space<semaphore_mem>>)
      %slice3A_199 = vector.extract_strided_slice %get3A_43 {offsets = [8], sizes = [1], strides = [1]} : vector<16xi32> to vector<1xi32>
      %squeeze3A_200 = vector.extract %slice3A_199[0] : i32 from vector<1xi32>
      %shift_right_arithmetic3A_201 = arith.constant 3 : i32
      %shift_right_arithmetic3A_202 = arith.shrsi %squeeze3A_200, %shift_right_arithmetic3A_201 : i32
      %and3A_203 = arith.constant 7 : i32
      %and3A_204 = arith.andi %squeeze3A_200, %and3A_203 : i32
      %add3A_205 = arith.constant 8 : i32
      %add3A_206 = arith.addi %mul3A_39, %add3A_205 : i32
      %dma_start3A_207 = arith.constant 0 : i32
      %dma_start3A_208 = tpu.memref_slice %arg7[%add3A_206, %dma_start3A_207] : memref<128x64xf32, #tpu.memory_space<vmem>> -> memref<1x64xf32, #tpu.memory_space<vmem>>
      %dma_start3A_209 = tpu.memref_squeeze %dma_start3A_208 : memref<1x64xf32, #tpu.memory_space<vmem>> -> memref<64xf32, #tpu.memory_space<vmem>>
      %dma_start3A_210 = arith.constant 0 : i32
      %dma_start3A_211 = tpu.memref_slice %arg2[%shift_right_arithmetic3A_202, %and3A_204, %dma_start3A_210] : memref<125000x8x64xf32, #tpu.memory_space<hbm>> -> memref<1x1x64xf32, #tpu.memory_space<hbm>>
      %dma_start3A_212 = tpu.memref_squeeze %dma_start3A_211 : memref<1x1x64xf32, #tpu.memory_space<hbm>> -> memref<64xf32, #tpu.memory_space<hbm>>
      %dma_start3A_213 = arith.constant 0 : i32
      %dma_start3A_214 = tpu.memref_slice %arg7[%add3A_206, %dma_start3A_213] : memref<128x64xf32, #tpu.memory_space<vmem>> -> memref<1x64xf32, #tpu.memory_space<vmem>>
      %dma_start3A_215 = tpu.memref_squeeze %dma_start3A_214 : memref<1x64xf32, #tpu.memory_space<vmem>> -> memref<64xf32, #tpu.memory_space<vmem>>
      %dma_start3A_216 = arith.constant 0 : i32
      %dma_start3A_217 = tpu.memref_slice %arg2[%shift_right_arithmetic3A_202, %and3A_204, %dma_start3A_216] : memref<125000x8x64xf32, #tpu.memory_space<hbm>> -> memref<1x1x64xf32, #tpu.memory_space<hbm>>
      %dma_start3A_218 = tpu.memref_squeeze %dma_start3A_217 : memref<1x1x64xf32, #tpu.memory_space<hbm>> -> memref<64xf32, #tpu.memory_space<hbm>>
      tpu.enqueue_dma source(%dma_start3A_218 : memref<64xf32, #tpu.memory_space<hbm>>) target(%dma_start3A_215 : memref<64xf32, #tpu.memory_space<vmem>>) target_semaphore(%arg14 : memref<!tpu.dma_semaphore, #tpu.memory_space<semaphore_mem>>)
      %slice3A_219 = vector.extract_strided_slice %get3A_43 {offsets = [9], sizes = [1], strides = [1]} : vector<16xi32> to vector<1xi32>
      %squeeze3A_220 = vector.extract %slice3A_219[0] : i32 from vector<1xi32>
      %shift_right_arithmetic3A_221 = arith.constant 3 : i32
      %shift_right_arithmetic3A_222 = arith.shrsi %squeeze3A_220, %shift_right_arithmetic3A_221 : i32
      %and3A_223 = arith.constant 7 : i32
      %and3A_224 = arith.andi %squeeze3A_220, %and3A_223 : i32
      %add3A_225 = arith.constant 9 : i32
      %add3A_226 = arith.addi %mul3A_39, %add3A_225 : i32
      %dma_start3A_227 = arith.constant 0 : i32
      %dma_start3A_228 = tpu.memref_slice %arg7[%add3A_226, %dma_start3A_227] : memref<128x64xf32, #tpu.memory_space<vmem>> -> memref<1x64xf32, #tpu.memory_space<vmem>>
      %dma_start3A_229 = tpu.memref_squeeze %dma_start3A_228 : memref<1x64xf32, #tpu.memory_space<vmem>> -> memref<64xf32, #tpu.memory_space<vmem>>
      %dma_start3A_230 = arith.constant 0 : i32
      %dma_start3A_231 = tpu.memref_slice %arg2[%shift_right_arithmetic3A_222, %and3A_224, %dma_start3A_230] : memref<125000x8x64xf32, #tpu.memory_space<hbm>> -> memref<1x1x64xf32, #tpu.memory_space<hbm>>
      %dma_start3A_232 = tpu.memref_squeeze %dma_start3A_231 : memref<1x1x64xf32, #tpu.memory_space<hbm>> -> memref<64xf32, #tpu.memory_space<hbm>>
      %dma_start3A_233 = arith.constant 0 : i32
      %dma_start3A_234 = tpu.memref_slice %arg7[%add3A_226, %dma_start3A_233] : memref<128x64xf32, #tpu.memory_space<vmem>> -> memref<1x64xf32, #tpu.memory_space<vmem>>
      %dma_start3A_235 = tpu.memref_squeeze %dma_start3A_234 : memref<1x64xf32, #tpu.memory_space<vmem>> -> memref<64xf32, #tpu.memory_space<vmem>>
      %dma_start3A_236 = arith.constant 0 : i32
      %dma_start3A_237 = tpu.memref_slice %arg2[%shift_right_arithmetic3A_222, %and3A_224, %dma_start3A_236] : memref<125000x8x64xf32, #tpu.memory_space<hbm>> -> memref<1x1x64xf32, #tpu.memory_space<hbm>>
      %dma_start3A_238 = tpu.memref_squeeze %dma_start3A_237 : memref<1x1x64xf32, #tpu.memory_space<hbm>> -> memref<64xf32, #tpu.memory_space<hbm>>
      tpu.enqueue_dma source(%dma_start3A_238 : memref<64xf32, #tpu.memory_space<hbm>>) target(%dma_start3A_235 : memref<64xf32, #tpu.memory_space<vmem>>) target_semaphore(%arg14 : memref<!tpu.dma_semaphore, #tpu.memory_space<semaphore_mem>>)
      %slice3A_239 = vector.extract_strided_slice %get3A_43 {offsets = [10], sizes = [1], strides = [1]} : vector<16xi32> to vector<1xi32>
      %squeeze3A_240 = vector.extract %slice3A_239[0] : i32 from vector<1xi32>
      %shift_right_arithmetic3A_241 = arith.constant 3 : i32
      %shift_right_arithmetic3A_242 = arith.shrsi %squeeze3A_240, %shift_right_arithmetic3A_241 : i32
      %and3A_243 = arith.constant 7 : i32
      %and3A_244 = arith.andi %squeeze3A_240, %and3A_243 : i32
      %add3A_245 = arith.constant 10 : i32
      %add3A_246 = arith.addi %mul3A_39, %add3A_245 : i32
      %dma_start3A_247 = arith.constant 0 : i32
      %dma_start3A_248 = tpu.memref_slice %arg7[%add3A_246, %dma_start3A_247] : memref<128x64xf32, #tpu.memory_space<vmem>> -> memref<1x64xf32, #tpu.memory_space<vmem>>
      %dma_start3A_249 = tpu.memref_squeeze %dma_start3A_248 : memref<1x64xf32, #tpu.memory_space<vmem>> -> memref<64xf32, #tpu.memory_space<vmem>>
      %dma_start3A_250 = arith.constant 0 : i32
      %dma_start3A_251 = tpu.memref_slice %arg2[%shift_right_arithmetic3A_242, %and3A_244, %dma_start3A_250] : memref<125000x8x64xf32, #tpu.memory_space<hbm>> -> memref<1x1x64xf32, #tpu.memory_space<hbm>>
      %dma_start3A_252 = tpu.memref_squeeze %dma_start3A_251 : memref<1x1x64xf32, #tpu.memory_space<hbm>> -> memref<64xf32, #tpu.memory_space<hbm>>
      %dma_start3A_253 = arith.constant 0 : i32
      %dma_start3A_254 = tpu.memref_slice %arg7[%add3A_246, %dma_start3A_253] : memref<128x64xf32, #tpu.memory_space<vmem>> -> memref<1x64xf32, #tpu.memory_space<vmem>>
      %dma_start3A_255 = tpu.memref_squeeze %dma_start3A_254 : memref<1x64xf32, #tpu.memory_space<vmem>> -> memref<64xf32, #tpu.memory_space<vmem>>
      %dma_start3A_256 = arith.constant 0 : i32
      %dma_start3A_257 = tpu.memref_slice %arg2[%shift_right_arithmetic3A_242, %and3A_244, %dma_start3A_256] : memref<125000x8x64xf32, #tpu.memory_space<hbm>> -> memref<1x1x64xf32, #tpu.memory_space<hbm>>
      %dma_start3A_258 = tpu.memref_squeeze %dma_start3A_257 : memref<1x1x64xf32, #tpu.memory_space<hbm>> -> memref<64xf32, #tpu.memory_space<hbm>>
      tpu.enqueue_dma source(%dma_start3A_258 : memref<64xf32, #tpu.memory_space<hbm>>) target(%dma_start3A_255 : memref<64xf32, #tpu.memory_space<vmem>>) target_semaphore(%arg14 : memref<!tpu.dma_semaphore, #tpu.memory_space<semaphore_mem>>)
      %slice3A_259 = vector.extract_strided_slice %get3A_43 {offsets = [11], sizes = [1], strides = [1]} : vector<16xi32> to vector<1xi32>
      %squeeze3A_260 = vector.extract %slice3A_259[0] : i32 from vector<1xi32>
      %shift_right_arithmetic3A_261 = arith.constant 3 : i32
      %shift_right_arithmetic3A_262 = arith.shrsi %squeeze3A_260, %shift_right_arithmetic3A_261 : i32
      %and3A_263 = arith.constant 7 : i32
      %and3A_264 = arith.andi %squeeze3A_260, %and3A_263 : i32
      %add3A_265 = arith.constant 11 : i32
      %add3A_266 = arith.addi %mul3A_39, %add3A_265 : i32
      %dma_start3A_267 = arith.constant 0 : i32
      %dma_start3A_268 = tpu.memref_slice %arg7[%add3A_266, %dma_start3A_267] : memref<128x64xf32, #tpu.memory_space<vmem>> -> memref<1x64xf32, #tpu.memory_space<vmem>>
      %dma_start3A_269 = tpu.memref_squeeze %dma_start3A_268 : memref<1x64xf32, #tpu.memory_space<vmem>> -> memref<64xf32, #tpu.memory_space<vmem>>
      %dma_start3A_270 = arith.constant 0 : i32
      %dma_start3A_271 = tpu.memref_slice %arg2[%shift_right_arithmetic3A_262, %and3A_264, %dma_start3A_270] : memref<125000x8x64xf32, #tpu.memory_space<hbm>> -> memref<1x1x64xf32, #tpu.memory_space<hbm>>
      %dma_start3A_272 = tpu.memref_squeeze %dma_start3A_271 : memref<1x1x64xf32, #tpu.memory_space<hbm>> -> memref<64xf32, #tpu.memory_space<hbm>>
      %dma_start3A_273 = arith.constant 0 : i32
      %dma_start3A_274 = tpu.memref_slice %arg7[%add3A_266, %dma_start3A_273] : memref<128x64xf32, #tpu.memory_space<vmem>> -> memref<1x64xf32, #tpu.memory_space<vmem>>
      %dma_start3A_275 = tpu.memref_squeeze %dma_start3A_274 : memref<1x64xf32, #tpu.memory_space<vmem>> -> memref<64xf32, #tpu.memory_space<vmem>>
      %dma_start3A_276 = arith.constant 0 : i32
      %dma_start3A_277 = tpu.memref_slice %arg2[%shift_right_arithmetic3A_262, %and3A_264, %dma_start3A_276] : memref<125000x8x64xf32, #tpu.memory_space<hbm>> -> memref<1x1x64xf32, #tpu.memory_space<hbm>>
      %dma_start3A_278 = tpu.memref_squeeze %dma_start3A_277 : memref<1x1x64xf32, #tpu.memory_space<hbm>> -> memref<64xf32, #tpu.memory_space<hbm>>
      tpu.enqueue_dma source(%dma_start3A_278 : memref<64xf32, #tpu.memory_space<hbm>>) target(%dma_start3A_275 : memref<64xf32, #tpu.memory_space<vmem>>) target_semaphore(%arg14 : memref<!tpu.dma_semaphore, #tpu.memory_space<semaphore_mem>>)
      %slice3A_279 = vector.extract_strided_slice %get3A_43 {offsets = [12], sizes = [1], strides = [1]} : vector<16xi32> to vector<1xi32>
      %squeeze3A_280 = vector.extract %slice3A_279[0] : i32 from vector<1xi32>
      %shift_right_arithmetic3A_281 = arith.constant 3 : i32
      %shift_right_arithmetic3A_282 = arith.shrsi %squeeze3A_280, %shift_right_arithmetic3A_281 : i32
      %and3A_283 = arith.constant 7 : i32
      %and3A_284 = arith.andi %squeeze3A_280, %and3A_283 : i32
      %add3A_285 = arith.constant 12 : i32
      %add3A_286 = arith.addi %mul3A_39, %add3A_285 : i32
      %dma_start3A_287 = arith.constant 0 : i32
      %dma_start3A_288 = tpu.memref_slice %arg7[%add3A_286, %dma_start3A_287] : memref<128x64xf32, #tpu.memory_space<vmem>> -> memref<1x64xf32, #tpu.memory_space<vmem>>
      %dma_start3A_289 = tpu.memref_squeeze %dma_start3A_288 : memref<1x64xf32, #tpu.memory_space<vmem>> -> memref<64xf32, #tpu.memory_space<vmem>>
      %dma_start3A_290 = arith.constant 0 : i32
      %dma_start3A_291 = tpu.memref_slice %arg2[%shift_right_arithmetic3A_282, %and3A_284, %dma_start3A_290] : memref<125000x8x64xf32, #tpu.memory_space<hbm>> -> memref<1x1x64xf32, #tpu.memory_space<hbm>>
      %dma_start3A_292 = tpu.memref_squeeze %dma_start3A_291 : memref<1x1x64xf32, #tpu.memory_space<hbm>> -> memref<64xf32, #tpu.memory_space<hbm>>
      %dma_start3A_293 = arith.constant 0 : i32
      %dma_start3A_294 = tpu.memref_slice %arg7[%add3A_286, %dma_start3A_293] : memref<128x64xf32, #tpu.memory_space<vmem>> -> memref<1x64xf32, #tpu.memory_space<vmem>>
      %dma_start3A_295 = tpu.memref_squeeze %dma_start3A_294 : memref<1x64xf32, #tpu.memory_space<vmem>> -> memref<64xf32, #tpu.memory_space<vmem>>
      %dma_start3A_296 = arith.constant 0 : i32
      %dma_start3A_297 = tpu.memref_slice %arg2[%shift_right_arithmetic3A_282, %and3A_284, %dma_start3A_296] : memref<125000x8x64xf32, #tpu.memory_space<hbm>> -> memref<1x1x64xf32, #tpu.memory_space<hbm>>
      %dma_start3A_298 = tpu.memref_squeeze %dma_start3A_297 : memref<1x1x64xf32, #tpu.memory_space<hbm>> -> memref<64xf32, #tpu.memory_space<hbm>>
      tpu.enqueue_dma source(%dma_start3A_298 : memref<64xf32, #tpu.memory_space<hbm>>) target(%dma_start3A_295 : memref<64xf32, #tpu.memory_space<vmem>>) target_semaphore(%arg14 : memref<!tpu.dma_semaphore, #tpu.memory_space<semaphore_mem>>)
      %slice3A_299 = vector.extract_strided_slice %get3A_43 {offsets = [13], sizes = [1], strides = [1]} : vector<16xi32> to vector<1xi32>
      %squeeze3A_300 = vector.extract %slice3A_299[0] : i32 from vector<1xi32>
      %shift_right_arithmetic3A_301 = arith.constant 3 : i32
      %shift_right_arithmetic3A_302 = arith.shrsi %squeeze3A_300, %shift_right_arithmetic3A_301 : i32
      %and3A_303 = arith.constant 7 : i32
      %and3A_304 = arith.andi %squeeze3A_300, %and3A_303 : i32
      %add3A_305 = arith.constant 13 : i32
      %add3A_306 = arith.addi %mul3A_39, %add3A_305 : i32
      %dma_start3A_307 = arith.constant 0 : i32
      %dma_start3A_308 = tpu.memref_slice %arg7[%add3A_306, %dma_start3A_307] : memref<128x64xf32, #tpu.memory_space<vmem>> -> memref<1x64xf32, #tpu.memory_space<vmem>>
      %dma_start3A_309 = tpu.memref_squeeze %dma_start3A_308 : memref<1x64xf32, #tpu.memory_space<vmem>> -> memref<64xf32, #tpu.memory_space<vmem>>
      %dma_start3A_310 = arith.constant 0 : i32
      %dma_start3A_311 = tpu.memref_slice %arg2[%shift_right_arithmetic3A_302, %and3A_304, %dma_start3A_310] : memref<125000x8x64xf32, #tpu.memory_space<hbm>> -> memref<1x1x64xf32, #tpu.memory_space<hbm>>
      %dma_start3A_312 = tpu.memref_squeeze %dma_start3A_311 : memref<1x1x64xf32, #tpu.memory_space<hbm>> -> memref<64xf32, #tpu.memory_space<hbm>>
      %dma_start3A_313 = arith.constant 0 : i32
      %dma_start3A_314 = tpu.memref_slice %arg7[%add3A_306, %dma_start3A_313] : memref<128x64xf32, #tpu.memory_space<vmem>> -> memref<1x64xf32, #tpu.memory_space<vmem>>
      %dma_start3A_315 = tpu.memref_squeeze %dma_start3A_314 : memref<1x64xf32, #tpu.memory_space<vmem>> -> memref<64xf32, #tpu.memory_space<vmem>>
      %dma_start3A_316 = arith.constant 0 : i32
      %dma_start3A_317 = tpu.memref_slice %arg2[%shift_right_arithmetic3A_302, %and3A_304, %dma_start3A_316] : memref<125000x8x64xf32, #tpu.memory_space<hbm>> -> memref<1x1x64xf32, #tpu.memory_space<hbm>>
      %dma_start3A_318 = tpu.memref_squeeze %dma_start3A_317 : memref<1x1x64xf32, #tpu.memory_space<hbm>> -> memref<64xf32, #tpu.memory_space<hbm>>
      tpu.enqueue_dma source(%dma_start3A_318 : memref<64xf32, #tpu.memory_space<hbm>>) target(%dma_start3A_315 : memref<64xf32, #tpu.memory_space<vmem>>) target_semaphore(%arg14 : memref<!tpu.dma_semaphore, #tpu.memory_space<semaphore_mem>>)
      %slice3A_319 = vector.extract_strided_slice %get3A_43 {offsets = [14], sizes = [1], strides = [1]} : vector<16xi32> to vector<1xi32>
      %squeeze3A_320 = vector.extract %slice3A_319[0] : i32 from vector<1xi32>
      %shift_right_arithmetic3A_321 = arith.constant 3 : i32
      %shift_right_arithmetic3A_322 = arith.shrsi %squeeze3A_320, %shift_right_arithmetic3A_321 : i32
      %and3A_323 = arith.constant 7 : i32
      %and3A_324 = arith.andi %squeeze3A_320, %and3A_323 : i32
      %add3A_325 = arith.constant 14 : i32
      %add3A_326 = arith.addi %mul3A_39, %add3A_325 : i32
      %dma_start3A_327 = arith.constant 0 : i32
      %dma_start3A_328 = tpu.memref_slice %arg7[%add3A_326, %dma_start3A_327] : memref<128x64xf32, #tpu.memory_space<vmem>> -> memref<1x64xf32, #tpu.memory_space<vmem>>
      %dma_start3A_329 = tpu.memref_squeeze %dma_start3A_328 : memref<1x64xf32, #tpu.memory_space<vmem>> -> memref<64xf32, #tpu.memory_space<vmem>>
      %dma_start3A_330 = arith.constant 0 : i32
      %dma_start3A_331 = tpu.memref_slice %arg2[%shift_right_arithmetic3A_322, %and3A_324, %dma_start3A_330] : memref<125000x8x64xf32, #tpu.memory_space<hbm>> -> memref<1x1x64xf32, #tpu.memory_space<hbm>>
      %dma_start3A_332 = tpu.memref_squeeze %dma_start3A_331 : memref<1x1x64xf32, #tpu.memory_space<hbm>> -> memref<64xf32, #tpu.memory_space<hbm>>
      %dma_start3A_333 = arith.constant 0 : i32
      %dma_start3A_334 = tpu.memref_slice %arg7[%add3A_326, %dma_start3A_333] : memref<128x64xf32, #tpu.memory_space<vmem>> -> memref<1x64xf32, #tpu.memory_space<vmem>>
      %dma_start3A_335 = tpu.memref_squeeze %dma_start3A_334 : memref<1x64xf32, #tpu.memory_space<vmem>> -> memref<64xf32, #tpu.memory_space<vmem>>
      %dma_start3A_336 = arith.constant 0 : i32
      %dma_start3A_337 = tpu.memref_slice %arg2[%shift_right_arithmetic3A_322, %and3A_324, %dma_start3A_336] : memref<125000x8x64xf32, #tpu.memory_space<hbm>> -> memref<1x1x64xf32, #tpu.memory_space<hbm>>
      %dma_start3A_338 = tpu.memref_squeeze %dma_start3A_337 : memref<1x1x64xf32, #tpu.memory_space<hbm>> -> memref<64xf32, #tpu.memory_space<hbm>>
      tpu.enqueue_dma source(%dma_start3A_338 : memref<64xf32, #tpu.memory_space<hbm>>) target(%dma_start3A_335 : memref<64xf32, #tpu.memory_space<vmem>>) target_semaphore(%arg14 : memref<!tpu.dma_semaphore, #tpu.memory_space<semaphore_mem>>)
      %slice3A_339 = vector.extract_strided_slice %get3A_43 {offsets = [15], sizes = [1], strides = [1]} : vector<16xi32> to vector<1xi32>
      %squeeze3A_340 = vector.extract %slice3A_339[0] : i32 from vector<1xi32>
      %shift_right_arithmetic3A_341 = arith.constant 3 : i32
      %shift_right_arithmetic3A_342 = arith.shrsi %squeeze3A_340, %shift_right_arithmetic3A_341 : i32
      %and3A_343 = arith.constant 7 : i32
      %and3A_344 = arith.andi %squeeze3A_340, %and3A_343 : i32
      %add3A_345 = arith.constant 15 : i32
      %add3A_346 = arith.addi %mul3A_39, %add3A_345 : i32
      %dma_start3A_347 = arith.constant 0 : i32
      %dma_start3A_348 = tpu.memref_slice %arg7[%add3A_346, %dma_start3A_347] : memref<128x64xf32, #tpu.memory_space<vmem>> -> memref<1x64xf32, #tpu.memory_space<vmem>>
      %dma_start3A_349 = tpu.memref_squeeze %dma_start3A_348 : memref<1x64xf32, #tpu.memory_space<vmem>> -> memref<64xf32, #tpu.memory_space<vmem>>
      %dma_start3A_350 = arith.constant 0 : i32
      %dma_start3A_351 = tpu.memref_slice %arg2[%shift_right_arithmetic3A_342, %and3A_344, %dma_start3A_350] : memref<125000x8x64xf32, #tpu.memory_space<hbm>> -> memref<1x1x64xf32, #tpu.memory_space<hbm>>
      %dma_start3A_352 = tpu.memref_squeeze %dma_start3A_351 : memref<1x1x64xf32, #tpu.memory_space<hbm>> -> memref<64xf32, #tpu.memory_space<hbm>>
      %dma_start3A_353 = arith.constant 0 : i32
      %dma_start3A_354 = tpu.memref_slice %arg7[%add3A_346, %dma_start3A_353] : memref<128x64xf32, #tpu.memory_space<vmem>> -> memref<1x64xf32, #tpu.memory_space<vmem>>
      %dma_start3A_355 = tpu.memref_squeeze %dma_start3A_354 : memref<1x64xf32, #tpu.memory_space<vmem>> -> memref<64xf32, #tpu.memory_space<vmem>>
      %dma_start3A_356 = arith.constant 0 : i32
      %dma_start3A_357 = tpu.memref_slice %arg2[%shift_right_arithmetic3A_342, %and3A_344, %dma_start3A_356] : memref<125000x8x64xf32, #tpu.memory_space<hbm>> -> memref<1x1x64xf32, #tpu.memory_space<hbm>>
      %dma_start3A_358 = tpu.memref_squeeze %dma_start3A_357 : memref<1x1x64xf32, #tpu.memory_space<hbm>> -> memref<64xf32, #tpu.memory_space<hbm>>
      tpu.enqueue_dma source(%dma_start3A_358 : memref<64xf32, #tpu.memory_space<hbm>>) target(%dma_start3A_355 : memref<64xf32, #tpu.memory_space<vmem>>) target_semaphore(%arg14 : memref<!tpu.dma_semaphore, #tpu.memory_space<semaphore_mem>>)
      %get3A_359 = arith.constant 1 : i32
      %get3A_360 = arith.index_cast %get3A_359 : i32 to index
      %get3A_361 = arith.index_cast %mul3A_39 : i32 to index
      %get3A_362 = tpu.vector_load %arg6[%get3A_360, %get3A_361] {strides = array<i32>} : memref<6x128xi32, #tpu.memory_space<vmem>>, vector<1x16xi32>,
      %get3A_363 = vector.shape_cast %get3A_362 : vector<1x16xi32> to vector<16xi32>
      %slice3A_364 = vector.extract_strided_slice %get3A_363 {offsets = [0], sizes = [1], strides = [1]} : vector<16xi32> to vector<1xi32>
      %squeeze3A_365 = vector.extract %slice3A_364[0] : i32 from vector<1xi32>
      %shift_right_arithmetic3A_366 = arith.constant 3 : i32
      %shift_right_arithmetic3A_367 = arith.shrsi %squeeze3A_365, %shift_right_arithmetic3A_366 : i32
      %and3A_368 = arith.constant 7 : i32
      %and3A_369 = arith.andi %squeeze3A_365, %and3A_368 : i32
      %add3A_370 = arith.constant 0 : i32
      %add3A_371 = arith.addi %mul3A_39, %add3A_370 : i32
      %dma_start3A_372 = arith.constant 0 : i32
      %dma_start3A_373 = tpu.memref_slice %arg8[%add3A_371, %dma_start3A_372] : memref<128x64xf32, #tpu.memory_space<vmem>> -> memref<1x64xf32, #tpu.memory_space<vmem>>
      %dma_start3A_374 = tpu.memref_squeeze %dma_start3A_373 : memref<1x64xf32, #tpu.memory_space<vmem>> -> memref<64xf32, #tpu.memory_space<vmem>>
      %dma_start3A_375 = arith.constant 0 : i32
      %dma_start3A_376 = tpu.memref_slice %arg3[%shift_right_arithmetic3A_367, %and3A_369, %dma_start3A_375] : memref<125000x8x64xf32, #tpu.memory_space<hbm>> -> memref<1x1x64xf32, #tpu.memory_space<hbm>>
      %dma_start3A_377 = tpu.memref_squeeze %dma_start3A_376 : memref<1x1x64xf32, #tpu.memory_space<hbm>> -> memref<64xf32, #tpu.memory_space<hbm>>
      %dma_start3A_378 = arith.constant 0 : i32
      %dma_start3A_379 = tpu.memref_slice %arg8[%add3A_371, %dma_start3A_378] : memref<128x64xf32, #tpu.memory_space<vmem>> -> memref<1x64xf32, #tpu.memory_space<vmem>>
      %dma_start3A_380 = tpu.memref_squeeze %dma_start3A_379 : memref<1x64xf32, #tpu.memory_space<vmem>> -> memref<64xf32, #tpu.memory_space<vmem>>
      %dma_start3A_381 = arith.constant 0 : i32
      %dma_start3A_382 = tpu.memref_slice %arg3[%shift_right_arithmetic3A_367, %and3A_369, %dma_start3A_381] : memref<125000x8x64xf32, #tpu.memory_space<hbm>> -> memref<1x1x64xf32, #tpu.memory_space<hbm>>
      %dma_start3A_383 = tpu.memref_squeeze %dma_start3A_382 : memref<1x1x64xf32, #tpu.memory_space<hbm>> -> memref<64xf32, #tpu.memory_space<hbm>>
      tpu.enqueue_dma source(%dma_start3A_383 : memref<64xf32, #tpu.memory_space<hbm>>) target(%dma_start3A_380 : memref<64xf32, #tpu.memory_space<vmem>>) target_semaphore(%arg14 : memref<!tpu.dma_semaphore, #tpu.memory_space<semaphore_mem>>)
      %slice3A_384 = vector.extract_strided_slice %get3A_363 {offsets = [1], sizes = [1], strides = [1]} : vector<16xi32> to vector<1xi32>
      %squeeze3A_385 = vector.extract %slice3A_384[0] : i32 from vector<1xi32>
      %shift_right_arithmetic3A_386 = arith.constant 3 : i32
      %shift_right_arithmetic3A_387 = arith.shrsi %squeeze3A_385, %shift_right_arithmetic3A_386 : i32
      %and3A_388 = arith.constant 7 : i32
      %and3A_389 = arith.andi %squeeze3A_385, %and3A_388 : i32
      %add3A_390 = arith.constant 1 : i32
      %add3A_391 = arith.addi %mul3A_39, %add3A_390 : i32
      %dma_start3A_392 = arith.constant 0 : i32
      %dma_start3A_393 = tpu.memref_slice %arg8[%add3A_391, %dma_start3A_392] : memref<128x64xf32, #tpu.memory_space<vmem>> -> memref<1x64xf32, #tpu.memory_space<vmem>>
      %dma_start3A_394 = tpu.memref_squeeze %dma_start3A_393 : memref<1x64xf32, #tpu.memory_space<vmem>> -> memref<64xf32, #tpu.memory_space<vmem>>
      %dma_start3A_395 = arith.constant 0 : i32
      %dma_start3A_396 = tpu.memref_slice %arg3[%shift_right_arithmetic3A_387, %and3A_389, %dma_start3A_395] : memref<125000x8x64xf32, #tpu.memory_space<hbm>> -> memref<1x1x64xf32, #tpu.memory_space<hbm>>
      %dma_start3A_397 = tpu.memref_squeeze %dma_start3A_396 : memref<1x1x64xf32, #tpu.memory_space<hbm>> -> memref<64xf32, #tpu.memory_space<hbm>>
      %dma_start3A_398 = arith.constant 0 : i32
      %dma_start3A_399 = tpu.memref_slice %arg8[%add3A_391, %dma_start3A_398] : memref<128x64xf32, #tpu.memory_space<vmem>> -> memref<1x64xf32, #tpu.memory_space<vmem>>
      %dma_start3A_400 = tpu.memref_squeeze %dma_start3A_399 : memref<1x64xf32, #tpu.memory_space<vmem>> -> memref<64xf32, #tpu.memory_space<vmem>>
      %dma_start3A_401 = arith.constant 0 : i32
      %dma_start3A_402 = tpu.memref_slice %arg3[%shift_right_arithmetic3A_387, %and3A_389, %dma_start3A_401] : memref<125000x8x64xf32, #tpu.memory_space<hbm>> -> memref<1x1x64xf32, #tpu.memory_space<hbm>>
      %dma_start3A_403 = tpu.memref_squeeze %dma_start3A_402 : memref<1x1x64xf32, #tpu.memory_space<hbm>> -> memref<64xf32, #tpu.memory_space<hbm>>
      tpu.enqueue_dma source(%dma_start3A_403 : memref<64xf32, #tpu.memory_space<hbm>>) target(%dma_start3A_400 : memref<64xf32, #tpu.memory_space<vmem>>) target_semaphore(%arg14 : memref<!tpu.dma_semaphore, #tpu.memory_space<semaphore_mem>>)
      %slice3A_404 = vector.extract_strided_slice %get3A_363 {offsets = [2], sizes = [1], strides = [1]} : vector<16xi32> to vector<1xi32>
      %squeeze3A_405 = vector.extract %slice3A_404[0] : i32 from vector<1xi32>
      %shift_right_arithmetic3A_406 = arith.constant 3 : i32
      %shift_right_arithmetic3A_407 = arith.shrsi %squeeze3A_405, %shift_right_arithmetic3A_406 : i32
      %and3A_408 = arith.constant 7 : i32
      %and3A_409 = arith.andi %squeeze3A_405, %and3A_408 : i32
      %add3A_410 = arith.constant 2 : i32
      %add3A_411 = arith.addi %mul3A_39, %add3A_410 : i32
      %dma_start3A_412 = arith.constant 0 : i32
      %dma_start3A_413 = tpu.memref_slice %arg8[%add3A_411, %dma_start3A_412] : memref<128x64xf32, #tpu.memory_space<vmem>> -> memref<1x64xf32, #tpu.memory_space<vmem>>
      %dma_start3A_414 = tpu.memref_squeeze %dma_start3A_413 : memref<1x64xf32, #tpu.memory_space<vmem>> -> memref<64xf32, #tpu.memory_space<vmem>>
      %dma_start3A_415 = arith.constant 0 : i32
      %dma_start3A_416 = tpu.memref_slice %arg3[%shift_right_arithmetic3A_407, %and3A_409, %dma_start3A_415] : memref<125000x8x64xf32, #tpu.memory_space<hbm>> -> memref<1x1x64xf32, #tpu.memory_space<hbm>>
      %dma_start3A_417 = tpu.memref_squeeze %dma_start3A_416 : memref<1x1x64xf32, #tpu.memory_space<hbm>> -> memref<64xf32, #tpu.memory_space<hbm>>
      %dma_start3A_418 = arith.constant 0 : i32
      %dma_start3A_419 = tpu.memref_slice %arg8[%add3A_411, %dma_start3A_418] : memref<128x64xf32, #tpu.memory_space<vmem>> -> memref<1x64xf32, #tpu.memory_space<vmem>>
      %dma_start3A_420 = tpu.memref_squeeze %dma_start3A_419 : memref<1x64xf32, #tpu.memory_space<vmem>> -> memref<64xf32, #tpu.memory_space<vmem>>
      %dma_start3A_421 = arith.constant 0 : i32
      %dma_start3A_422 = tpu.memref_slice %arg3[%shift_right_arithmetic3A_407, %and3A_409, %dma_start3A_421] : memref<125000x8x64xf32, #tpu.memory_space<hbm>> -> memref<1x1x64xf32, #tpu.memory_space<hbm>>
      %dma_start3A_423 = tpu.memref_squeeze %dma_start3A_422 : memref<1x1x64xf32, #tpu.memory_space<hbm>> -> memref<64xf32, #tpu.memory_space<hbm>>
      tpu.enqueue_dma source(%dma_start3A_423 : memref<64xf32, #tpu.memory_space<hbm>>) target(%dma_start3A_420 : memref<64xf32, #tpu.memory_space<vmem>>) target_semaphore(%arg14 : memref<!tpu.dma_semaphore, #tpu.memory_space<semaphore_mem>>)
      %slice3A_424 = vector.extract_strided_slice %get3A_363 {offsets = [3], sizes = [1], strides = [1]} : vector<16xi32> to vector<1xi32>
      %squeeze3A_425 = vector.extract %slice3A_424[0] : i32 from vector<1xi32>
      %shift_right_arithmetic3A_426 = arith.constant 3 : i32
      %shift_right_arithmetic3A_427 = arith.shrsi %squeeze3A_425, %shift_right_arithmetic3A_426 : i32
      %and3A_428 = arith.constant 7 : i32
      %and3A_429 = arith.andi %squeeze3A_425, %and3A_428 : i32
      %add3A_430 = arith.constant 3 : i32
      %add3A_431 = arith.addi %mul3A_39, %add3A_430 : i32
      %dma_start3A_432 = arith.constant 0 : i32
      %dma_start3A_433 = tpu.memref_slice %arg8[%add3A_431, %dma_start3A_432] : memref<128x64xf32, #tpu.memory_space<vmem>> -> memref<1x64xf32, #tpu.memory_space<vmem>>
      %dma_start3A_434 = tpu.memref_squeeze %dma_start3A_433 : memref<1x64xf32, #tpu.memory_space<vmem>> -> memref<64xf32, #tpu.memory_space<vmem>>
      %dma_start3A_435 = arith.constant 0 : i32
      %dma_start3A_436 = tpu.memref_slice %arg3[%shift_right_arithmetic3A_427, %and3A_429, %dma_start3A_435] : memref<125000x8x64xf32, #tpu.memory_space<hbm>> -> memref<1x1x64xf32, #tpu.memory_space<hbm>>
      %dma_start3A_437 = tpu.memref_squeeze %dma_start3A_436 : memref<1x1x64xf32, #tpu.memory_space<hbm>> -> memref<64xf32, #tpu.memory_space<hbm>>
      %dma_start3A_438 = arith.constant 0 : i32
      %dma_start3A_439 = tpu.memref_slice %arg8[%add3A_431, %dma_start3A_438] : memref<128x64xf32, #tpu.memory_space<vmem>> -> memref<1x64xf32, #tpu.memory_space<vmem>>
      %dma_start3A_440 = tpu.memref_squeeze %dma_start3A_439 : memref<1x64xf32, #tpu.memory_space<vmem>> -> memref<64xf32, #tpu.memory_space<vmem>>
      %dma_start3A_441 = arith.constant 0 : i32
      %dma_start3A_442 = tpu.memref_slice %arg3[%shift_right_arithmetic3A_427, %and3A_429, %dma_start3A_441] : memref<125000x8x64xf32, #tpu.memory_space<hbm>> -> memref<1x1x64xf32, #tpu.memory_space<hbm>>
      %dma_start3A_443 = tpu.memref_squeeze %dma_start3A_442 : memref<1x1x64xf32, #tpu.memory_space<hbm>> -> memref<64xf32, #tpu.memory_space<hbm>>
      tpu.enqueue_dma source(%dma_start3A_443 : memref<64xf32, #tpu.memory_space<hbm>>) target(%dma_start3A_440 : memref<64xf32, #tpu.memory_space<vmem>>) target_semaphore(%arg14 : memref<!tpu.dma_semaphore, #tpu.memory_space<semaphore_mem>>)
      %slice3A_444 = vector.extract_strided_slice %get3A_363 {offsets = [4], sizes = [1], strides = [1]} : vector<16xi32> to vector<1xi32>
      %squeeze3A_445 = vector.extract %slice3A_444[0] : i32 from vector<1xi32>
      %shift_right_arithmetic3A_446 = arith.constant 3 : i32
      %shift_right_arithmetic3A_447 = arith.shrsi %squeeze3A_445, %shift_right_arithmetic3A_446 : i32
      %and3A_448 = arith.constant 7 : i32
      %and3A_449 = arith.andi %squeeze3A_445, %and3A_448 : i32
      %add3A_450 = arith.constant 4 : i32
      %add3A_451 = arith.addi %mul3A_39, %add3A_450 : i32
      %dma_start3A_452 = arith.constant 0 : i32
      %dma_start3A_453 = tpu.memref_slice %arg8[%add3A_451, %dma_start3A_452] : memref<128x64xf32, #tpu.memory_space<vmem>> -> memref<1x64xf32, #tpu.memory_space<vmem>>
      %dma_start3A_454 = tpu.memref_squeeze %dma_start3A_453 : memref<1x64xf32, #tpu.memory_space<vmem>> -> memref<64xf32, #tpu.memory_space<vmem>>
      %dma_start3A_455 = arith.constant 0 : i32
      %dma_start3A_456 = tpu.memref_slice %arg3[%shift_right_arithmetic3A_447, %and3A_449, %dma_start3A_455] : memref<125000x8x64xf32, #tpu.memory_space<hbm>> -> memref<1x1x64xf32, #tpu.memory_space<hbm>>
      %dma_start3A_457 = tpu.memref_squeeze %dma_start3A_456 : memref<1x1x64xf32, #tpu.memory_space<hbm>> -> memref<64xf32, #tpu.memory_space<hbm>>
      %dma_start3A_458 = arith.constant 0 : i32
      %dma_start3A_459 = tpu.memref_slice %arg8[%add3A_451, %dma_start3A_458] : memref<128x64xf32, #tpu.memory_space<vmem>> -> memref<1x64xf32, #tpu.memory_space<vmem>>
      %dma_start3A_460 = tpu.memref_squeeze %dma_start3A_459 : memref<1x64xf32, #tpu.memory_space<vmem>> -> memref<64xf32, #tpu.memory_space<vmem>>
      %dma_start3A_461 = arith.constant 0 : i32
      %dma_start3A_462 = tpu.memref_slice %arg3[%shift_right_arithmetic3A_447, %and3A_449, %dma_start3A_461] : memref<125000x8x64xf32, #tpu.memory_space<hbm>> -> memref<1x1x64xf32, #tpu.memory_space<hbm>>
      %dma_start3A_463 = tpu.memref_squeeze %dma_start3A_462 : memref<1x1x64xf32, #tpu.memory_space<hbm>> -> memref<64xf32, #tpu.memory_space<hbm>>
      tpu.enqueue_dma source(%dma_start3A_463 : memref<64xf32, #tpu.memory_space<hbm>>) target(%dma_start3A_460 : memref<64xf32, #tpu.memory_space<vmem>>) target_semaphore(%arg14 : memref<!tpu.dma_semaphore, #tpu.memory_space<semaphore_mem>>)
      %slice3A_464 = vector.extract_strided_slice %get3A_363 {offsets = [5], sizes = [1], strides = [1]} : vector<16xi32> to vector<1xi32>
      %squeeze3A_465 = vector.extract %slice3A_464[0] : i32 from vector<1xi32>
      %shift_right_arithmetic3A_466 = arith.constant 3 : i32
      %shift_right_arithmetic3A_467 = arith.shrsi %squeeze3A_465, %shift_right_arithmetic3A_466 : i32
      %and3A_468 = arith.constant 7 : i32
      %and3A_469 = arith.andi %squeeze3A_465, %and3A_468 : i32
      %add3A_470 = arith.constant 5 : i32
      %add3A_471 = arith.addi %mul3A_39, %add3A_470 : i32
      %dma_start3A_472 = arith.constant 0 : i32
      %dma_start3A_473 = tpu.memref_slice %arg8[%add3A_471, %dma_start3A_472] : memref<128x64xf32, #tpu.memory_space<vmem>> -> memref<1x64xf32, #tpu.memory_space<vmem>>
      %dma_start3A_474 = tpu.memref_squeeze %dma_start3A_473 : memref<1x64xf32, #tpu.memory_space<vmem>> -> memref<64xf32, #tpu.memory_space<vmem>>
      %dma_start3A_475 = arith.constant 0 : i32
      %dma_start3A_476 = tpu.memref_slice %arg3[%shift_right_arithmetic3A_467, %and3A_469, %dma_start3A_475] : memref<125000x8x64xf32, #tpu.memory_space<hbm>> -> memref<1x1x64xf32, #tpu.memory_space<hbm>>
      %dma_start3A_477 = tpu.memref_squeeze %dma_start3A_476 : memref<1x1x64xf32, #tpu.memory_space<hbm>> -> memref<64xf32, #tpu.memory_space<hbm>>
      %dma_start3A_478 = arith.constant 0 : i32
      %dma_start3A_479 = tpu.memref_slice %arg8[%add3A_471, %dma_start3A_478] : memref<128x64xf32, #tpu.memory_space<vmem>> -> memref<1x64xf32, #tpu.memory_space<vmem>>
      %dma_start3A_480 = tpu.memref_squeeze %dma_start3A_479 : memref<1x64xf32, #tpu.memory_space<vmem>> -> memref<64xf32, #tpu.memory_space<vmem>>
      %dma_start3A_481 = arith.constant 0 : i32
      %dma_start3A_482 = tpu.memref_slice %arg3[%shift_right_arithmetic3A_467, %and3A_469, %dma_start3A_481] : memref<125000x8x64xf32, #tpu.memory_space<hbm>> -> memref<1x1x64xf32, #tpu.memory_space<hbm>>
      %dma_start3A_483 = tpu.memref_squeeze %dma_start3A_482 : memref<1x1x64xf32, #tpu.memory_space<hbm>> -> memref<64xf32, #tpu.memory_space<hbm>>
      tpu.enqueue_dma source(%dma_start3A_483 : memref<64xf32, #tpu.memory_space<hbm>>) target(%dma_start3A_480 : memref<64xf32, #tpu.memory_space<vmem>>) target_semaphore(%arg14 : memref<!tpu.dma_semaphore, #tpu.memory_space<semaphore_mem>>)
      %slice3A_484 = vector.extract_strided_slice %get3A_363 {offsets = [6], sizes = [1], strides = [1]} : vector<16xi32> to vector<1xi32>
      %squeeze3A_485 = vector.extract %slice3A_484[0] : i32 from vector<1xi32>
      %shift_right_arithmetic3A_486 = arith.constant 3 : i32
      %shift_right_arithmetic3A_487 = arith.shrsi %squeeze3A_485, %shift_right_arithmetic3A_486 : i32
      %and3A_488 = arith.constant 7 : i32
      %and3A_489 = arith.andi %squeeze3A_485, %and3A_488 : i32
      %add3A_490 = arith.constant 6 : i32
      %add3A_491 = arith.addi %mul3A_39, %add3A_490 : i32
      %dma_start3A_492 = arith.constant 0 : i32
      %dma_start3A_493 = tpu.memref_slice %arg8[%add3A_491, %dma_start3A_492] : memref<128x64xf32, #tpu.memory_space<vmem>> -> memref<1x64xf32, #tpu.memory_space<vmem>>
      %dma_start3A_494 = tpu.memref_squeeze %dma_start3A_493 : memref<1x64xf32, #tpu.memory_space<vmem>> -> memref<64xf32, #tpu.memory_space<vmem>>
      %dma_start3A_495 = arith.constant 0 : i32
      %dma_start3A_496 = tpu.memref_slice %arg3[%shift_right_arithmetic3A_487, %and3A_489, %dma_start3A_495] : memref<125000x8x64xf32, #tpu.memory_space<hbm>> -> memref<1x1x64xf32, #tpu.memory_space<hbm>>
      %dma_start3A_497 = tpu.memref_squeeze %dma_start3A_496 : memref<1x1x64xf32, #tpu.memory_space<hbm>> -> memref<64xf32, #tpu.memory_space<hbm>>
      %dma_start3A_498 = arith.constant 0 : i32
      %dma_start3A_499 = tpu.memref_slice %arg8[%add3A_491, %dma_start3A_498] : memref<128x64xf32, #tpu.memory_space<vmem>> -> memref<1x64xf32, #tpu.memory_space<vmem>>
      %dma_start3A_500 = tpu.memref_squeeze %dma_start3A_499 : memref<1x64xf32, #tpu.memory_space<vmem>> -> memref<64xf32, #tpu.memory_space<vmem>>
      %dma_start3A_501 = arith.constant 0 : i32
      %dma_start3A_502 = tpu.memref_slice %arg3[%shift_right_arithmetic3A_487, %and3A_489, %dma_start3A_501] : memref<125000x8x64xf32, #tpu.memory_space<hbm>> -> memref<1x1x64xf32, #tpu.memory_space<hbm>>
      %dma_start3A_503 = tpu.memref_squeeze %dma_start3A_502 : memref<1x1x64xf32, #tpu.memory_space<hbm>> -> memref<64xf32, #tpu.memory_space<hbm>>
      tpu.enqueue_dma source(%dma_start3A_503 : memref<64xf32, #tpu.memory_space<hbm>>) target(%dma_start3A_500 : memref<64xf32, #tpu.memory_space<vmem>>) target_semaphore(%arg14 : memref<!tpu.dma_semaphore, #tpu.memory_space<semaphore_mem>>)
      %slice3A_504 = vector.extract_strided_slice %get3A_363 {offsets = [7], sizes = [1], strides = [1]} : vector<16xi32> to vector<1xi32>
      %squeeze3A_505 = vector.extract %slice3A_504[0] : i32 from vector<1xi32>
      %shift_right_arithmetic3A_506 = arith.constant 3 : i32
      %shift_right_arithmetic3A_507 = arith.shrsi %squeeze3A_505, %shift_right_arithmetic3A_506 : i32
      %and3A_508 = arith.constant 7 : i32
      %and3A_509 = arith.andi %squeeze3A_505, %and3A_508 : i32
      %add3A_510 = arith.constant 7 : i32
      %add3A_511 = arith.addi %mul3A_39, %add3A_510 : i32
      %dma_start3A_512 = arith.constant 0 : i32
      %dma_start3A_513 = tpu.memref_slice %arg8[%add3A_511, %dma_start3A_512] : memref<128x64xf32, #tpu.memory_space<vmem>> -> memref<1x64xf32, #tpu.memory_space<vmem>>
      %dma_start3A_514 = tpu.memref_squeeze %dma_start3A_513 : memref<1x64xf32, #tpu.memory_space<vmem>> -> memref<64xf32, #tpu.memory_space<vmem>>
      %dma_start3A_515 = arith.constant 0 : i32
      %dma_start3A_516 = tpu.memref_slice %arg3[%shift_right_arithmetic3A_507, %and3A_509, %dma_start3A_515] : memref<125000x8x64xf32, #tpu.memory_space<hbm>> -> memref<1x1x64xf32, #tpu.memory_space<hbm>>
      %dma_start3A_517 = tpu.memref_squeeze %dma_start3A_516 : memref<1x1x64xf32, #tpu.memory_space<hbm>> -> memref<64xf32, #tpu.memory_space<hbm>>
      %dma_start3A_518 = arith.constant 0 : i32
      %dma_start3A_519 = tpu.memref_slice %arg8[%add3A_511, %dma_start3A_518] : memref<128x64xf32, #tpu.memory_space<vmem>> -> memref<1x64xf32, #tpu.memory_space<vmem>>
      %dma_start3A_520 = tpu.memref_squeeze %dma_start3A_519 : memref<1x64xf32, #tpu.memory_space<vmem>> -> memref<64xf32, #tpu.memory_space<vmem>>
      %dma_start3A_521 = arith.constant 0 : i32
      %dma_start3A_522 = tpu.memref_slice %arg3[%shift_right_arithmetic3A_507, %and3A_509, %dma_start3A_521] : memref<125000x8x64xf32, #tpu.memory_space<hbm>> -> memref<1x1x64xf32, #tpu.memory_space<hbm>>
      %dma_start3A_523 = tpu.memref_squeeze %dma_start3A_522 : memref<1x1x64xf32, #tpu.memory_space<hbm>> -> memref<64xf32, #tpu.memory_space<hbm>>
      tpu.enqueue_dma source(%dma_start3A_523 : memref<64xf32, #tpu.memory_space<hbm>>) target(%dma_start3A_520 : memref<64xf32, #tpu.memory_space<vmem>>) target_semaphore(%arg14 : memref<!tpu.dma_semaphore, #tpu.memory_space<semaphore_mem>>)
      %slice3A_524 = vector.extract_strided_slice %get3A_363 {offsets = [8], sizes = [1], strides = [1]} : vector<16xi32> to vector<1xi32>
      %squeeze3A_525 = vector.extract %slice3A_524[0] : i32 from vector<1xi32>
      %shift_right_arithmetic3A_526 = arith.constant 3 : i32
      %shift_right_arithmetic3A_527 = arith.shrsi %squeeze3A_525, %shift_right_arithmetic3A_526 : i32
      %and3A_528 = arith.constant 7 : i32
      %and3A_529 = arith.andi %squeeze3A_525, %and3A_528 : i32
      %add3A_530 = arith.constant 8 : i32
      %add3A_531 = arith.addi %mul3A_39, %add3A_530 : i32
      %dma_start3A_532 = arith.constant 0 : i32
      %dma_start3A_533 = tpu.memref_slice %arg8[%add3A_531, %dma_start3A_532] : memref<128x64xf32, #tpu.memory_space<vmem>> -> memref<1x64xf32, #tpu.memory_space<vmem>>
      %dma_start3A_534 = tpu.memref_squeeze %dma_start3A_533 : memref<1x64xf32, #tpu.memory_space<vmem>> -> memref<64xf32, #tpu.memory_space<vmem>>
      %dma_start3A_535 = arith.constant 0 : i32
      %dma_start3A_536 = tpu.memref_slice %arg3[%shift_right_arithmetic3A_527, %and3A_529, %dma_start3A_535] : memref<125000x8x64xf32, #tpu.memory_space<hbm>> -> memref<1x1x64xf32, #tpu.memory_space<hbm>>
      %dma_start3A_537 = tpu.memref_squeeze %dma_start3A_536 : memref<1x1x64xf32, #tpu.memory_space<hbm>> -> memref<64xf32, #tpu.memory_space<hbm>>
      %dma_start3A_538 = arith.constant 0 : i32
      %dma_start3A_539 = tpu.memref_slice %arg8[%add3A_531, %dma_start3A_538] : memref<128x64xf32, #tpu.memory_space<vmem>> -> memref<1x64xf32, #tpu.memory_space<vmem>>
      %dma_start3A_540 = tpu.memref_squeeze %dma_start3A_539 : memref<1x64xf32, #tpu.memory_space<vmem>> -> memref<64xf32, #tpu.memory_space<vmem>>
      %dma_start3A_541 = arith.constant 0 : i32
      %dma_start3A_542 = tpu.memref_slice %arg3[%shift_right_arithmetic3A_527, %and3A_529, %dma_start3A_541] : memref<125000x8x64xf32, #tpu.memory_space<hbm>> -> memref<1x1x64xf32, #tpu.memory_space<hbm>>
      %dma_start3A_543 = tpu.memref_squeeze %dma_start3A_542 : memref<1x1x64xf32, #tpu.memory_space<hbm>> -> memref<64xf32, #tpu.memory_space<hbm>>
      tpu.enqueue_dma source(%dma_start3A_543 : memref<64xf32, #tpu.memory_space<hbm>>) target(%dma_start3A_540 : memref<64xf32, #tpu.memory_space<vmem>>) target_semaphore(%arg14 : memref<!tpu.dma_semaphore, #tpu.memory_space<semaphore_mem>>)
      %slice3A_544 = vector.extract_strided_slice %get3A_363 {offsets = [9], sizes = [1], strides = [1]} : vector<16xi32> to vector<1xi32>
      %squeeze3A_545 = vector.extract %slice3A_544[0] : i32 from vector<1xi32>
      %shift_right_arithmetic3A_546 = arith.constant 3 : i32
      %shift_right_arithmetic3A_547 = arith.shrsi %squeeze3A_545, %shift_right_arithmetic3A_546 : i32
      %and3A_548 = arith.constant 7 : i32
      %and3A_549 = arith.andi %squeeze3A_545, %and3A_548 : i32
      %add3A_550 = arith.constant 9 : i32
      %add3A_551 = arith.addi %mul3A_39, %add3A_550 : i32
      %dma_start3A_552 = arith.constant 0 : i32
      %dma_start3A_553 = tpu.memref_slice %arg8[%add3A_551, %dma_start3A_552] : memref<128x64xf32, #tpu.memory_space<vmem>> -> memref<1x64xf32, #tpu.memory_space<vmem>>
      %dma_start3A_554 = tpu.memref_squeeze %dma_start3A_553 : memref<1x64xf32, #tpu.memory_space<vmem>> -> memref<64xf32, #tpu.memory_space<vmem>>
      %dma_start3A_555 = arith.constant 0 : i32
      %dma_start3A_556 = tpu.memref_slice %arg3[%shift_right_arithmetic3A_547, %and3A_549, %dma_start3A_555] : memref<125000x8x64xf32, #tpu.memory_space<hbm>> -> memref<1x1x64xf32, #tpu.memory_space<hbm>>
      %dma_start3A_557 = tpu.memref_squeeze %dma_start3A_556 : memref<1x1x64xf32, #tpu.memory_space<hbm>> -> memref<64xf32, #tpu.memory_space<hbm>>
      %dma_start3A_558 = arith.constant 0 : i32
      %dma_start3A_559 = tpu.memref_slice %arg8[%add3A_551, %dma_start3A_558] : memref<128x64xf32, #tpu.memory_space<vmem>> -> memref<1x64xf32, #tpu.memory_space<vmem>>
      %dma_start3A_560 = tpu.memref_squeeze %dma_start3A_559 : memref<1x64xf32, #tpu.memory_space<vmem>> -> memref<64xf32, #tpu.memory_space<vmem>>
      %dma_start3A_561 = arith.constant 0 : i32
      %dma_start3A_562 = tpu.memref_slice %arg3[%shift_right_arithmetic3A_547, %and3A_549, %dma_start3A_561] : memref<125000x8x64xf32, #tpu.memory_space<hbm>> -> memref<1x1x64xf32, #tpu.memory_space<hbm>>
      %dma_start3A_563 = tpu.memref_squeeze %dma_start3A_562 : memref<1x1x64xf32, #tpu.memory_space<hbm>> -> memref<64xf32, #tpu.memory_space<hbm>>
      tpu.enqueue_dma source(%dma_start3A_563 : memref<64xf32, #tpu.memory_space<hbm>>) target(%dma_start3A_560 : memref<64xf32, #tpu.memory_space<vmem>>) target_semaphore(%arg14 : memref<!tpu.dma_semaphore, #tpu.memory_space<semaphore_mem>>)
      %slice3A_564 = vector.extract_strided_slice %get3A_363 {offsets = [10], sizes = [1], strides = [1]} : vector<16xi32> to vector<1xi32>
      %squeeze3A_565 = vector.extract %slice3A_564[0] : i32 from vector<1xi32>
      %shift_right_arithmetic3A_566 = arith.constant 3 : i32
      %shift_right_arithmetic3A_567 = arith.shrsi %squeeze3A_565, %shift_right_arithmetic3A_566 : i32
      %and3A_568 = arith.constant 7 : i32
      %and3A_569 = arith.andi %squeeze3A_565, %and3A_568 : i32
      %add3A_570 = arith.constant 10 : i32
      %add3A_571 = arith.addi %mul3A_39, %add3A_570 : i32
      %dma_start3A_572 = arith.constant 0 : i32
      %dma_start3A_573 = tpu.memref_slice %arg8[%add3A_571, %dma_start3A_572] : memref<128x64xf32, #tpu.memory_space<vmem>> -> memref<1x64xf32, #tpu.memory_space<vmem>>
      %dma_start3A_574 = tpu.memref_squeeze %dma_start3A_573 : memref<1x64xf32, #tpu.memory_space<vmem>> -> memref<64xf32, #tpu.memory_space<vmem>>
      %dma_start3A_575 = arith.constant 0 : i32
      %dma_start3A_576 = tpu.memref_slice %arg3[%shift_right_arithmetic3A_567, %and3A_569, %dma_start3A_575] : memref<125000x8x64xf32, #tpu.memory_space<hbm>> -> memref<1x1x64xf32, #tpu.memory_space<hbm>>
      %dma_start3A_577 = tpu.memref_squeeze %dma_start3A_576 : memref<1x1x64xf32, #tpu.memory_space<hbm>> -> memref<64xf32, #tpu.memory_space<hbm>>
      %dma_start3A_578 = arith.constant 0 : i32
      %dma_start3A_579 = tpu.memref_slice %arg8[%add3A_571, %dma_start3A_578] : memref<128x64xf32, #tpu.memory_space<vmem>> -> memref<1x64xf32, #tpu.memory_space<vmem>>
      %dma_start3A_580 = tpu.memref_squeeze %dma_start3A_579 : memref<1x64xf32, #tpu.memory_space<vmem>> -> memref<64xf32, #tpu.memory_space<vmem>>
      %dma_start3A_581 = arith.constant 0 : i32
      %dma_start3A_582 = tpu.memref_slice %arg3[%shift_right_arithmetic3A_567, %and3A_569, %dma_start3A_581] : memref<125000x8x64xf32, #tpu.memory_space<hbm>> -> memref<1x1x64xf32, #tpu.memory_space<hbm>>
      %dma_start3A_583 = tpu.memref_squeeze %dma_start3A_582 : memref<1x1x64xf32, #tpu.memory_space<hbm>> -> memref<64xf32, #tpu.memory_space<hbm>>
      tpu.enqueue_dma source(%dma_start3A_583 : memref<64xf32, #tpu.memory_space<hbm>>) target(%dma_start3A_580 : memref<64xf32, #tpu.memory_space<vmem>>) target_semaphore(%arg14 : memref<!tpu.dma_semaphore, #tpu.memory_space<semaphore_mem>>)
      %slice3A_584 = vector.extract_strided_slice %get3A_363 {offsets = [11], sizes = [1], strides = [1]} : vector<16xi32> to vector<1xi32>
      %squeeze3A_585 = vector.extract %slice3A_584[0] : i32 from vector<1xi32>
      %shift_right_arithmetic3A_586 = arith.constant 3 : i32
      %shift_right_arithmetic3A_587 = arith.shrsi %squeeze3A_585, %shift_right_arithmetic3A_586 : i32
      %and3A_588 = arith.constant 7 : i32
      %and3A_589 = arith.andi %squeeze3A_585, %and3A_588 : i32
      %add3A_590 = arith.constant 11 : i32
      %add3A_591 = arith.addi %mul3A_39, %add3A_590 : i32
      %dma_start3A_592 = arith.constant 0 : i32
      %dma_start3A_593 = tpu.memref_slice %arg8[%add3A_591, %dma_start3A_592] : memref<128x64xf32, #tpu.memory_space<vmem>> -> memref<1x64xf32, #tpu.memory_space<vmem>>
      %dma_start3A_594 = tpu.memref_squeeze %dma_start3A_593 : memref<1x64xf32, #tpu.memory_space<vmem>> -> memref<64xf32, #tpu.memory_space<vmem>>
      %dma_start3A_595 = arith.constant 0 : i32
      %dma_start3A_596 = tpu.memref_slice %arg3[%shift_right_arithmetic3A_587, %and3A_589, %dma_start3A_595] : memref<125000x8x64xf32, #tpu.memory_space<hbm>> -> memref<1x1x64xf32, #tpu.memory_space<hbm>>
      %dma_start3A_597 = tpu.memref_squeeze %dma_start3A_596 : memref<1x1x64xf32, #tpu.memory_space<hbm>> -> memref<64xf32, #tpu.memory_space<hbm>>
      %dma_start3A_598 = arith.constant 0 : i32
      %dma_start3A_599 = tpu.memref_slice %arg8[%add3A_591, %dma_start3A_598] : memref<128x64xf32, #tpu.memory_space<vmem>> -> memref<1x64xf32, #tpu.memory_space<vmem>>
      %dma_start3A_600 = tpu.memref_squeeze %dma_start3A_599 : memref<1x64xf32, #tpu.memory_space<vmem>> -> memref<64xf32, #tpu.memory_space<vmem>>
      %dma_start3A_601 = arith.constant 0 : i32
      %dma_start3A_602 = tpu.memref_slice %arg3[%shift_right_arithmetic3A_587, %and3A_589, %dma_start3A_601] : memref<125000x8x64xf32, #tpu.memory_space<hbm>> -> memref<1x1x64xf32, #tpu.memory_space<hbm>>
      %dma_start3A_603 = tpu.memref_squeeze %dma_start3A_602 : memref<1x1x64xf32, #tpu.memory_space<hbm>> -> memref<64xf32, #tpu.memory_space<hbm>>
      tpu.enqueue_dma source(%dma_start3A_603 : memref<64xf32, #tpu.memory_space<hbm>>) target(%dma_start3A_600 : memref<64xf32, #tpu.memory_space<vmem>>) target_semaphore(%arg14 : memref<!tpu.dma_semaphore, #tpu.memory_space<semaphore_mem>>)
      %slice3A_604 = vector.extract_strided_slice %get3A_363 {offsets = [12], sizes = [1], strides = [1]} : vector<16xi32> to vector<1xi32>
      %squeeze3A_605 = vector.extract %slice3A_604[0] : i32 from vector<1xi32>
      %shift_right_arithmetic3A_606 = arith.constant 3 : i32
      %shift_right_arithmetic3A_607 = arith.shrsi %squeeze3A_605, %shift_right_arithmetic3A_606 : i32
      %and3A_608 = arith.constant 7 : i32
      %and3A_609 = arith.andi %squeeze3A_605, %and3A_608 : i32
      %add3A_610 = arith.constant 12 : i32
      %add3A_611 = arith.addi %mul3A_39, %add3A_610 : i32
      %dma_start3A_612 = arith.constant 0 : i32
      %dma_start3A_613 = tpu.memref_slice %arg8[%add3A_611, %dma_start3A_612] : memref<128x64xf32, #tpu.memory_space<vmem>> -> memref<1x64xf32, #tpu.memory_space<vmem>>
      %dma_start3A_614 = tpu.memref_squeeze %dma_start3A_613 : memref<1x64xf32, #tpu.memory_space<vmem>> -> memref<64xf32, #tpu.memory_space<vmem>>
      %dma_start3A_615 = arith.constant 0 : i32
      %dma_start3A_616 = tpu.memref_slice %arg3[%shift_right_arithmetic3A_607, %and3A_609, %dma_start3A_615] : memref<125000x8x64xf32, #tpu.memory_space<hbm>> -> memref<1x1x64xf32, #tpu.memory_space<hbm>>
      %dma_start3A_617 = tpu.memref_squeeze %dma_start3A_616 : memref<1x1x64xf32, #tpu.memory_space<hbm>> -> memref<64xf32, #tpu.memory_space<hbm>>
      %dma_start3A_618 = arith.constant 0 : i32
      %dma_start3A_619 = tpu.memref_slice %arg8[%add3A_611, %dma_start3A_618] : memref<128x64xf32, #tpu.memory_space<vmem>> -> memref<1x64xf32, #tpu.memory_space<vmem>>
      %dma_start3A_620 = tpu.memref_squeeze %dma_start3A_619 : memref<1x64xf32, #tpu.memory_space<vmem>> -> memref<64xf32, #tpu.memory_space<vmem>>
      %dma_start3A_621 = arith.constant 0 : i32
      %dma_start3A_622 = tpu.memref_slice %arg3[%shift_right_arithmetic3A_607, %and3A_609, %dma_start3A_621] : memref<125000x8x64xf32, #tpu.memory_space<hbm>> -> memref<1x1x64xf32, #tpu.memory_space<hbm>>
      %dma_start3A_623 = tpu.memref_squeeze %dma_start3A_622 : memref<1x1x64xf32, #tpu.memory_space<hbm>> -> memref<64xf32, #tpu.memory_space<hbm>>
      tpu.enqueue_dma source(%dma_start3A_623 : memref<64xf32, #tpu.memory_space<hbm>>) target(%dma_start3A_620 : memref<64xf32, #tpu.memory_space<vmem>>) target_semaphore(%arg14 : memref<!tpu.dma_semaphore, #tpu.memory_space<semaphore_mem>>)
      %slice3A_624 = vector.extract_strided_slice %get3A_363 {offsets = [13], sizes = [1], strides = [1]} : vector<16xi32> to vector<1xi32>
      %squeeze3A_625 = vector.extract %slice3A_624[0] : i32 from vector<1xi32>
      %shift_right_arithmetic3A_626 = arith.constant 3 : i32
      %shift_right_arithmetic3A_627 = arith.shrsi %squeeze3A_625, %shift_right_arithmetic3A_626 : i32
      %and3A_628 = arith.constant 7 : i32
      %and3A_629 = arith.andi %squeeze3A_625, %and3A_628 : i32
      %add3A_630 = arith.constant 13 : i32
      %add3A_631 = arith.addi %mul3A_39, %add3A_630 : i32
      %dma_start3A_632 = arith.constant 0 : i32
      %dma_start3A_633 = tpu.memref_slice %arg8[%add3A_631, %dma_start3A_632] : memref<128x64xf32, #tpu.memory_space<vmem>> -> memref<1x64xf32, #tpu.memory_space<vmem>>
      %dma_start3A_634 = tpu.memref_squeeze %dma_start3A_633 : memref<1x64xf32, #tpu.memory_space<vmem>> -> memref<64xf32, #tpu.memory_space<vmem>>
      %dma_start3A_635 = arith.constant 0 : i32
      %dma_start3A_636 = tpu.memref_slice %arg3[%shift_right_arithmetic3A_627, %and3A_629, %dma_start3A_635] : memref<125000x8x64xf32, #tpu.memory_space<hbm>> -> memref<1x1x64xf32, #tpu.memory_space<hbm>>
      %dma_start3A_637 = tpu.memref_squeeze %dma_start3A_636 : memref<1x1x64xf32, #tpu.memory_space<hbm>> -> memref<64xf32, #tpu.memory_space<hbm>>
      %dma_start3A_638 = arith.constant 0 : i32
      %dma_start3A_639 = tpu.memref_slice %arg8[%add3A_631, %dma_start3A_638] : memref<128x64xf32, #tpu.memory_space<vmem>> -> memref<1x64xf32, #tpu.memory_space<vmem>>
      %dma_start3A_640 = tpu.memref_squeeze %dma_start3A_639 : memref<1x64xf32, #tpu.memory_space<vmem>> -> memref<64xf32, #tpu.memory_space<vmem>>
      %dma_start3A_641 = arith.constant 0 : i32
      %dma_start3A_642 = tpu.memref_slice %arg3[%shift_right_arithmetic3A_627, %and3A_629, %dma_start3A_641] : memref<125000x8x64xf32, #tpu.memory_space<hbm>> -> memref<1x1x64xf32, #tpu.memory_space<hbm>>
      %dma_start3A_643 = tpu.memref_squeeze %dma_start3A_642 : memref<1x1x64xf32, #tpu.memory_space<hbm>> -> memref<64xf32, #tpu.memory_space<hbm>>
      tpu.enqueue_dma source(%dma_start3A_643 : memref<64xf32, #tpu.memory_space<hbm>>) target(%dma_start3A_640 : memref<64xf32, #tpu.memory_space<vmem>>) target_semaphore(%arg14 : memref<!tpu.dma_semaphore, #tpu.memory_space<semaphore_mem>>)
      %slice3A_644 = vector.extract_strided_slice %get3A_363 {offsets = [14], sizes = [1], strides = [1]} : vector<16xi32> to vector<1xi32>
      %squeeze3A_645 = vector.extract %slice3A_644[0] : i32 from vector<1xi32>
      %shift_right_arithmetic3A_646 = arith.constant 3 : i32
      %shift_right_arithmetic3A_647 = arith.shrsi %squeeze3A_645, %shift_right_arithmetic3A_646 : i32
      %and3A_648 = arith.constant 7 : i32
      %and3A_649 = arith.andi %squeeze3A_645, %and3A_648 : i32
      %add3A_650 = arith.constant 14 : i32
      %add3A_651 = arith.addi %mul3A_39, %add3A_650 : i32
      %dma_start3A_652 = arith.constant 0 : i32
      %dma_start3A_653 = tpu.memref_slice %arg8[%add3A_651, %dma_start3A_652] : memref<128x64xf32, #tpu.memory_space<vmem>> -> memref<1x64xf32, #tpu.memory_space<vmem>>
      %dma_start3A_654 = tpu.memref_squeeze %dma_start3A_653 : memref<1x64xf32, #tpu.memory_space<vmem>> -> memref<64xf32, #tpu.memory_space<vmem>>
      %dma_start3A_655 = arith.constant 0 : i32
      %dma_start3A_656 = tpu.memref_slice %arg3[%shift_right_arithmetic3A_647, %and3A_649, %dma_start3A_655] : memref<125000x8x64xf32, #tpu.memory_space<hbm>> -> memref<1x1x64xf32, #tpu.memory_space<hbm>>
      %dma_start3A_657 = tpu.memref_squeeze %dma_start3A_656 : memref<1x1x64xf32, #tpu.memory_space<hbm>> -> memref<64xf32, #tpu.memory_space<hbm>>
      %dma_start3A_658 = arith.constant 0 : i32
      %dma_start3A_659 = tpu.memref_slice %arg8[%add3A_651, %dma_start3A_658] : memref<128x64xf32, #tpu.memory_space<vmem>> -> memref<1x64xf32, #tpu.memory_space<vmem>>
      %dma_start3A_660 = tpu.memref_squeeze %dma_start3A_659 : memref<1x64xf32, #tpu.memory_space<vmem>> -> memref<64xf32, #tpu.memory_space<vmem>>
      %dma_start3A_661 = arith.constant 0 : i32
      %dma_start3A_662 = tpu.memref_slice %arg3[%shift_right_arithmetic3A_647, %and3A_649, %dma_start3A_661] : memref<125000x8x64xf32, #tpu.memory_space<hbm>> -> memref<1x1x64xf32, #tpu.memory_space<hbm>>
      %dma_start3A_663 = tpu.memref_squeeze %dma_start3A_662 : memref<1x1x64xf32, #tpu.memory_space<hbm>> -> memref<64xf32, #tpu.memory_space<hbm>>
      tpu.enqueue_dma source(%dma_start3A_663 : memref<64xf32, #tpu.memory_space<hbm>>) target(%dma_start3A_660 : memref<64xf32, #tpu.memory_space<vmem>>) target_semaphore(%arg14 : memref<!tpu.dma_semaphore, #tpu.memory_space<semaphore_mem>>)
      %slice3A_664 = vector.extract_strided_slice %get3A_363 {offsets = [15], sizes = [1], strides = [1]} : vector<16xi32> to vector<1xi32>
      %squeeze3A_665 = vector.extract %slice3A_664[0] : i32 from vector<1xi32>
      %shift_right_arithmetic3A_666 = arith.constant 3 : i32
      %shift_right_arithmetic3A_667 = arith.shrsi %squeeze3A_665, %shift_right_arithmetic3A_666 : i32
      %and3A_668 = arith.constant 7 : i32
      %and3A_669 = arith.andi %squeeze3A_665, %and3A_668 : i32
      %add3A_670 = arith.constant 15 : i32
      %add3A_671 = arith.addi %mul3A_39, %add3A_670 : i32
      %dma_start3A_672 = arith.constant 0 : i32
      %dma_start3A_673 = tpu.memref_slice %arg8[%add3A_671, %dma_start3A_672] : memref<128x64xf32, #tpu.memory_space<vmem>> -> memref<1x64xf32, #tpu.memory_space<vmem>>
      %dma_start3A_674 = tpu.memref_squeeze %dma_start3A_673 : memref<1x64xf32, #tpu.memory_space<vmem>> -> memref<64xf32, #tpu.memory_space<vmem>>
      %dma_start3A_675 = arith.constant 0 : i32
      %dma_start3A_676 = tpu.memref_slice %arg3[%shift_right_arithmetic3A_667, %and3A_669, %dma_start3A_675] : memref<125000x8x64xf32, #tpu.memory_space<hbm>> -> memref<1x1x64xf32, #tpu.memory_space<hbm>>
      %dma_start3A_677 = tpu.memref_squeeze %dma_start3A_676 : memref<1x1x64xf32, #tpu.memory_space<hbm>> -> memref<64xf32, #tpu.memory_space<hbm>>
      %dma_start3A_678 = arith.constant 0 : i32
      %dma_start3A_679 = tpu.memref_slice %arg8[%add3A_671, %dma_start3A_678] : memref<128x64xf32, #tpu.memory_space<vmem>> -> memref<1x64xf32, #tpu.memory_space<vmem>>
      %dma_start3A_680 = tpu.memref_squeeze %dma_start3A_679 : memref<1x64xf32, #tpu.memory_space<vmem>> -> memref<64xf32, #tpu.memory_space<vmem>>
      %dma_start3A_681 = arith.constant 0 : i32
      %dma_start3A_682 = tpu.memref_slice %arg3[%shift_right_arithmetic3A_667, %and3A_669, %dma_start3A_681] : memref<125000x8x64xf32, #tpu.memory_space<hbm>> -> memref<1x1x64xf32, #tpu.memory_space<hbm>>
      %dma_start3A_683 = tpu.memref_squeeze %dma_start3A_682 : memref<1x1x64xf32, #tpu.memory_space<hbm>> -> memref<64xf32, #tpu.memory_space<hbm>>
      tpu.enqueue_dma source(%dma_start3A_683 : memref<64xf32, #tpu.memory_space<hbm>>) target(%dma_start3A_680 : memref<64xf32, #tpu.memory_space<vmem>>) target_semaphore(%arg14 : memref<!tpu.dma_semaphore, #tpu.memory_space<semaphore_mem>>)
      %get3A_684 = arith.constant 2 : i32
      %get3A_685 = arith.index_cast %get3A_684 : i32 to index
      %get3A_686 = arith.index_cast %mul3A_39 : i32 to index
      %get3A_687 = tpu.vector_load %arg6[%get3A_685, %get3A_686] {strides = array<i32>} : memref<6x128xi32, #tpu.memory_space<vmem>>, vector<1x16xi32>,
      %get3A_688 = vector.shape_cast %get3A_687 : vector<1x16xi32> to vector<16xi32>
      %slice3A_689 = vector.extract_strided_slice %get3A_688 {offsets = [0], sizes = [1], strides = [1]} : vector<16xi32> to vector<1xi32>
      %squeeze3A_690 = vector.extract %slice3A_689[0] : i32 from vector<1xi32>
      %shift_right_arithmetic3A_691 = arith.constant 3 : i32
      %shift_right_arithmetic3A_692 = arith.shrsi %squeeze3A_690, %shift_right_arithmetic3A_691 : i32
      %and3A_693 = arith.constant 7 : i32
      %and3A_694 = arith.andi %squeeze3A_690, %and3A_693 : i32
      %add3A_695 = arith.constant 0 : i32
      %add3A_696 = arith.addi %mul3A_39, %add3A_695 : i32
      %dma_start3A_697 = arith.constant 0 : i32
      %dma_start3A_698 = tpu.memref_slice %arg9[%add3A_696, %dma_start3A_697] : memref<128x64xf32, #tpu.memory_space<vmem>> -> memref<1x64xf32, #tpu.memory_space<vmem>>
      %dma_start3A_699 = tpu.memref_squeeze %dma_start3A_698 : memref<1x64xf32, #tpu.memory_space<vmem>> -> memref<64xf32, #tpu.memory_space<vmem>>
      %dma_start3A_700 = arith.constant 0 : i32
      %dma_start3A_701 = tpu.memref_slice %arg2[%shift_right_arithmetic3A_692, %and3A_694, %dma_start3A_700] : memref<125000x8x64xf32, #tpu.memory_space<hbm>> -> memref<1x1x64xf32, #tpu.memory_space<hbm>>
      %dma_start3A_702 = tpu.memref_squeeze %dma_start3A_701 : memref<1x1x64xf32, #tpu.memory_space<hbm>> -> memref<64xf32, #tpu.memory_space<hbm>>
      %dma_start3A_703 = arith.constant 0 : i32
      %dma_start3A_704 = tpu.memref_slice %arg9[%add3A_696, %dma_start3A_703] : memref<128x64xf32, #tpu.memory_space<vmem>> -> memref<1x64xf32, #tpu.memory_space<vmem>>
      %dma_start3A_705 = tpu.memref_squeeze %dma_start3A_704 : memref<1x64xf32, #tpu.memory_space<vmem>> -> memref<64xf32, #tpu.memory_space<vmem>>
      %dma_start3A_706 = arith.constant 0 : i32
      %dma_start3A_707 = tpu.memref_slice %arg2[%shift_right_arithmetic3A_692, %and3A_694, %dma_start3A_706] : memref<125000x8x64xf32, #tpu.memory_space<hbm>> -> memref<1x1x64xf32, #tpu.memory_space<hbm>>
      %dma_start3A_708 = tpu.memref_squeeze %dma_start3A_707 : memref<1x1x64xf32, #tpu.memory_space<hbm>> -> memref<64xf32, #tpu.memory_space<hbm>>
      tpu.enqueue_dma source(%dma_start3A_708 : memref<64xf32, #tpu.memory_space<hbm>>) target(%dma_start3A_705 : memref<64xf32, #tpu.memory_space<vmem>>) target_semaphore(%arg14 : memref<!tpu.dma_semaphore, #tpu.memory_space<semaphore_mem>>)
      %slice3A_709 = vector.extract_strided_slice %get3A_688 {offsets = [1], sizes = [1], strides = [1]} : vector<16xi32> to vector<1xi32>
      %squeeze3A_710 = vector.extract %slice3A_709[0] : i32 from vector<1xi32>
      %shift_right_arithmetic3A_711 = arith.constant 3 : i32
      %shift_right_arithmetic3A_712 = arith.shrsi %squeeze3A_710, %shift_right_arithmetic3A_711 : i32
      %and3A_713 = arith.constant 7 : i32
      %and3A_714 = arith.andi %squeeze3A_710, %and3A_713 : i32
      %add3A_715 = arith.constant 1 : i32
      %add3A_716 = arith.addi %mul3A_39, %add3A_715 : i32
      %dma_start3A_717 = arith.constant 0 : i32
      %dma_start3A_718 = tpu.memref_slice %arg9[%add3A_716, %dma_start3A_717] : memref<128x64xf32, #tpu.memory_space<vmem>> -> memref<1x64xf32, #tpu.memory_space<vmem>>
      %dma_start3A_719 = tpu.memref_squeeze %dma_start3A_718 : memref<1x64xf32, #tpu.memory_space<vmem>> -> memref<64xf32, #tpu.memory_space<vmem>>
      %dma_start3A_720 = arith.constant 0 : i32
      %dma_start3A_721 = tpu.memref_slice %arg2[%shift_right_arithmetic3A_712, %and3A_714, %dma_start3A_720] : memref<125000x8x64xf32, #tpu.memory_space<hbm>> -> memref<1x1x64xf32, #tpu.memory_space<hbm>>
      %dma_start3A_722 = tpu.memref_squeeze %dma_start3A_721 : memref<1x1x64xf32, #tpu.memory_space<hbm>> -> memref<64xf32, #tpu.memory_space<hbm>>
      %dma_start3A_723 = arith.constant 0 : i32
      %dma_start3A_724 = tpu.memref_slice %arg9[%add3A_716, %dma_start3A_723] : memref<128x64xf32, #tpu.memory_space<vmem>> -> memref<1x64xf32, #tpu.memory_space<vmem>>
      %dma_start3A_725 = tpu.memref_squeeze %dma_start3A_724 : memref<1x64xf32, #tpu.memory_space<vmem>> -> memref<64xf32, #tpu.memory_space<vmem>>
      %dma_start3A_726 = arith.constant 0 : i32
      %dma_start3A_727 = tpu.memref_slice %arg2[%shift_right_arithmetic3A_712, %and3A_714, %dma_start3A_726] : memref<125000x8x64xf32, #tpu.memory_space<hbm>> -> memref<1x1x64xf32, #tpu.memory_space<hbm>>
      %dma_start3A_728 = tpu.memref_squeeze %dma_start3A_727 : memref<1x1x64xf32, #tpu.memory_space<hbm>> -> memref<64xf32, #tpu.memory_space<hbm>>
      tpu.enqueue_dma source(%dma_start3A_728 : memref<64xf32, #tpu.memory_space<hbm>>) target(%dma_start3A_725 : memref<64xf32, #tpu.memory_space<vmem>>) target_semaphore(%arg14 : memref<!tpu.dma_semaphore, #tpu.memory_space<semaphore_mem>>)
      %slice3A_729 = vector.extract_strided_slice %get3A_688 {offsets = [2], sizes = [1], strides = [1]} : vector<16xi32> to vector<1xi32>
      %squeeze3A_730 = vector.extract %slice3A_729[0] : i32 from vector<1xi32>
      %shift_right_arithmetic3A_731 = arith.constant 3 : i32
      %shift_right_arithmetic3A_732 = arith.shrsi %squeeze3A_730, %shift_right_arithmetic3A_731 : i32
      %and3A_733 = arith.constant 7 : i32
      %and3A_734 = arith.andi %squeeze3A_730, %and3A_733 : i32
      %add3A_735 = arith.constant 2 : i32
      %add3A_736 = arith.addi %mul3A_39, %add3A_735 : i32
      %dma_start3A_737 = arith.constant 0 : i32
      %dma_start3A_738 = tpu.memref_slice %arg9[%add3A_736, %dma_start3A_737] : memref<128x64xf32, #tpu.memory_space<vmem>> -> memref<1x64xf32, #tpu.memory_space<vmem>>
      %dma_start3A_739 = tpu.memref_squeeze %dma_start3A_738 : memref<1x64xf32, #tpu.memory_space<vmem>> -> memref<64xf32, #tpu.memory_space<vmem>>
      %dma_start3A_740 = arith.constant 0 : i32
      %dma_start3A_741 = tpu.memref_slice %arg2[%shift_right_arithmetic3A_732, %and3A_734, %dma_start3A_740] : memref<125000x8x64xf32, #tpu.memory_space<hbm>> -> memref<1x1x64xf32, #tpu.memory_space<hbm>>
      %dma_start3A_742 = tpu.memref_squeeze %dma_start3A_741 : memref<1x1x64xf32, #tpu.memory_space<hbm>> -> memref<64xf32, #tpu.memory_space<hbm>>
      %dma_start3A_743 = arith.constant 0 : i32
      %dma_start3A_744 = tpu.memref_slice %arg9[%add3A_736, %dma_start3A_743] : memref<128x64xf32, #tpu.memory_space<vmem>> -> memref<1x64xf32, #tpu.memory_space<vmem>>
      %dma_start3A_745 = tpu.memref_squeeze %dma_start3A_744 : memref<1x64xf32, #tpu.memory_space<vmem>> -> memref<64xf32, #tpu.memory_space<vmem>>
      %dma_start3A_746 = arith.constant 0 : i32
      %dma_start3A_747 = tpu.memref_slice %arg2[%shift_right_arithmetic3A_732, %and3A_734, %dma_start3A_746] : memref<125000x8x64xf32, #tpu.memory_space<hbm>> -> memref<1x1x64xf32, #tpu.memory_space<hbm>>
      %dma_start3A_748 = tpu.memref_squeeze %dma_start3A_747 : memref<1x1x64xf32, #tpu.memory_space<hbm>> -> memref<64xf32, #tpu.memory_space<hbm>>
      tpu.enqueue_dma source(%dma_start3A_748 : memref<64xf32, #tpu.memory_space<hbm>>) target(%dma_start3A_745 : memref<64xf32, #tpu.memory_space<vmem>>) target_semaphore(%arg14 : memref<!tpu.dma_semaphore, #tpu.memory_space<semaphore_mem>>)
      %slice3A_749 = vector.extract_strided_slice %get3A_688 {offsets = [3], sizes = [1], strides = [1]} : vector<16xi32> to vector<1xi32>
      %squeeze3A_750 = vector.extract %slice3A_749[0] : i32 from vector<1xi32>
      %shift_right_arithmetic3A_751 = arith.constant 3 : i32
      %shift_right_arithmetic3A_752 = arith.shrsi %squeeze3A_750, %shift_right_arithmetic3A_751 : i32
      %and3A_753 = arith.constant 7 : i32
      %and3A_754 = arith.andi %squeeze3A_750, %and3A_753 : i32
      %add3A_755 = arith.constant 3 : i32
      %add3A_756 = arith.addi %mul3A_39, %add3A_755 : i32
      %dma_start3A_757 = arith.constant 0 : i32
      %dma_start3A_758 = tpu.memref_slice %arg9[%add3A_756, %dma_start3A_757] : memref<128x64xf32, #tpu.memory_space<vmem>> -> memref<1x64xf32, #tpu.memory_space<vmem>>
      %dma_start3A_759 = tpu.memref_squeeze %dma_start3A_758 : memref<1x64xf32, #tpu.memory_space<vmem>> -> memref<64xf32, #tpu.memory_space<vmem>>
      %dma_start3A_760 = arith.constant 0 : i32
      %dma_start3A_761 = tpu.memref_slice %arg2[%shift_right_arithmetic3A_752, %and3A_754, %dma_start3A_760] : memref<125000x8x64xf32, #tpu.memory_space<hbm>> -> memref<1x1x64xf32, #tpu.memory_space<hbm>>
      %dma_start3A_762 = tpu.memref_squeeze %dma_start3A_761 : memref<1x1x64xf32, #tpu.memory_space<hbm>> -> memref<64xf32, #tpu.memory_space<hbm>>
      %dma_start3A_763 = arith.constant 0 : i32
      %dma_start3A_764 = tpu.memref_slice %arg9[%add3A_756, %dma_start3A_763] : memref<128x64xf32, #tpu.memory_space<vmem>> -> memref<1x64xf32, #tpu.memory_space<vmem>>
      %dma_start3A_765 = tpu.memref_squeeze %dma_start3A_764 : memref<1x64xf32, #tpu.memory_space<vmem>> -> memref<64xf32, #tpu.memory_space<vmem>>
      %dma_start3A_766 = arith.constant 0 : i32
      %dma_start3A_767 = tpu.memref_slice %arg2[%shift_right_arithmetic3A_752, %and3A_754, %dma_start3A_766] : memref<125000x8x64xf32, #tpu.memory_space<hbm>> -> memref<1x1x64xf32, #tpu.memory_space<hbm>>
      %dma_start3A_768 = tpu.memref_squeeze %dma_start3A_767 : memref<1x1x64xf32, #tpu.memory_space<hbm>> -> memref<64xf32, #tpu.memory_space<hbm>>
      tpu.enqueue_dma source(%dma_start3A_768 : memref<64xf32, #tpu.memory_space<hbm>>) target(%dma_start3A_765 : memref<64xf32, #tpu.memory_space<vmem>>) target_semaphore(%arg14 : memref<!tpu.dma_semaphore, #tpu.memory_space<semaphore_mem>>)
      %slice3A_769 = vector.extract_strided_slice %get3A_688 {offsets = [4], sizes = [1], strides = [1]} : vector<16xi32> to vector<1xi32>
      %squeeze3A_770 = vector.extract %slice3A_769[0] : i32 from vector<1xi32>
      %shift_right_arithmetic3A_771 = arith.constant 3 : i32
      %shift_right_arithmetic3A_772 = arith.shrsi %squeeze3A_770, %shift_right_arithmetic3A_771 : i32
      %and3A_773 = arith.constant 7 : i32
      %and3A_774 = arith.andi %squeeze3A_770, %and3A_773 : i32
      %add3A_775 = arith.constant 4 : i32
      %add3A_776 = arith.addi %mul3A_39, %add3A_775 : i32
      %dma_start3A_777 = arith.constant 0 : i32
      %dma_start3A_778 = tpu.memref_slice %arg9[%add3A_776, %dma_start3A_777] : memref<128x64xf32, #tpu.memory_space<vmem>> -> memref<1x64xf32, #tpu.memory_space<vmem>>
      %dma_start3A_779 = tpu.memref_squeeze %dma_start3A_778 : memref<1x64xf32, #tpu.memory_space<vmem>> -> memref<64xf32, #tpu.memory_space<vmem>>
      %dma_start3A_780 = arith.constant 0 : i32
      %dma_start3A_781 = tpu.memref_slice %arg2[%shift_right_arithmetic3A_772, %and3A_774, %dma_start3A_780] : memref<125000x8x64xf32, #tpu.memory_space<hbm>> -> memref<1x1x64xf32, #tpu.memory_space<hbm>>
      %dma_start3A_782 = tpu.memref_squeeze %dma_start3A_781 : memref<1x1x64xf32, #tpu.memory_space<hbm>> -> memref<64xf32, #tpu.memory_space<hbm>>
      %dma_start3A_783 = arith.constant 0 : i32
      %dma_start3A_784 = tpu.memref_slice %arg9[%add3A_776, %dma_start3A_783] : memref<128x64xf32, #tpu.memory_space<vmem>> -> memref<1x64xf32, #tpu.memory_space<vmem>>
      %dma_start3A_785 = tpu.memref_squeeze %dma_start3A_784 : memref<1x64xf32, #tpu.memory_space<vmem>> -> memref<64xf32, #tpu.memory_space<vmem>>
      %dma_start3A_786 = arith.constant 0 : i32
      %dma_start3A_787 = tpu.memref_slice %arg2[%shift_right_arithmetic3A_772, %and3A_774, %dma_start3A_786] : memref<125000x8x64xf32, #tpu.memory_space<hbm>> -> memref<1x1x64xf32, #tpu.memory_space<hbm>>
      %dma_start3A_788 = tpu.memref_squeeze %dma_start3A_787 : memref<1x1x64xf32, #tpu.memory_space<hbm>> -> memref<64xf32, #tpu.memory_space<hbm>>
      tpu.enqueue_dma source(%dma_start3A_788 : memref<64xf32, #tpu.memory_space<hbm>>) target(%dma_start3A_785 : memref<64xf32, #tpu.memory_space<vmem>>) target_semaphore(%arg14 : memref<!tpu.dma_semaphore, #tpu.memory_space<semaphore_mem>>)
      %slice3A_789 = vector.extract_strided_slice %get3A_688 {offsets = [5], sizes = [1], strides = [1]} : vector<16xi32> to vector<1xi32>
      %squeeze3A_790 = vector.extract %slice3A_789[0] : i32 from vector<1xi32>
      %shift_right_arithmetic3A_791 = arith.constant 3 : i32
      %shift_right_arithmetic3A_792 = arith.shrsi %squeeze3A_790, %shift_right_arithmetic3A_791 : i32
      %and3A_793 = arith.constant 7 : i32
      %and3A_794 = arith.andi %squeeze3A_790, %and3A_793 : i32
      %add3A_795 = arith.constant 5 : i32
      %add3A_796 = arith.addi %mul3A_39, %add3A_795 : i32
      %dma_start3A_797 = arith.constant 0 : i32
      %dma_start3A_798 = tpu.memref_slice %arg9[%add3A_796, %dma_start3A_797] : memref<128x64xf32, #tpu.memory_space<vmem>> -> memref<1x64xf32, #tpu.memory_space<vmem>>
      %dma_start3A_799 = tpu.memref_squeeze %dma_start3A_798 : memref<1x64xf32, #tpu.memory_space<vmem>> -> memref<64xf32, #tpu.memory_space<vmem>>
      %dma_start3A_800 = arith.constant 0 : i32
      %dma_start3A_801 = tpu.memref_slice %arg2[%shift_right_arithmetic3A_792, %and3A_794, %dma_start3A_800] : memref<125000x8x64xf32, #tpu.memory_space<hbm>> -> memref<1x1x64xf32, #tpu.memory_space<hbm>>
      %dma_start3A_802 = tpu.memref_squeeze %dma_start3A_801 : memref<1x1x64xf32, #tpu.memory_space<hbm>> -> memref<64xf32, #tpu.memory_space<hbm>>
      %dma_start3A_803 = arith.constant 0 : i32
      %dma_start3A_804 = tpu.memref_slice %arg9[%add3A_796, %dma_start3A_803] : memref<128x64xf32, #tpu.memory_space<vmem>> -> memref<1x64xf32, #tpu.memory_space<vmem>>
      %dma_start3A_805 = tpu.memref_squeeze %dma_start3A_804 : memref<1x64xf32, #tpu.memory_space<vmem>> -> memref<64xf32, #tpu.memory_space<vmem>>
      %dma_start3A_806 = arith.constant 0 : i32
      %dma_start3A_807 = tpu.memref_slice %arg2[%shift_right_arithmetic3A_792, %and3A_794, %dma_start3A_806] : memref<125000x8x64xf32, #tpu.memory_space<hbm>> -> memref<1x1x64xf32, #tpu.memory_space<hbm>>
      %dma_start3A_808 = tpu.memref_squeeze %dma_start3A_807 : memref<1x1x64xf32, #tpu.memory_space<hbm>> -> memref<64xf32, #tpu.memory_space<hbm>>
      tpu.enqueue_dma source(%dma_start3A_808 : memref<64xf32, #tpu.memory_space<hbm>>) target(%dma_start3A_805 : memref<64xf32, #tpu.memory_space<vmem>>) target_semaphore(%arg14 : memref<!tpu.dma_semaphore, #tpu.memory_space<semaphore_mem>>)
      %slice3A_809 = vector.extract_strided_slice %get3A_688 {offsets = [6], sizes = [1], strides = [1]} : vector<16xi32> to vector<1xi32>
      %squeeze3A_810 = vector.extract %slice3A_809[0] : i32 from vector<1xi32>
      %shift_right_arithmetic3A_811 = arith.constant 3 : i32
      %shift_right_arithmetic3A_812 = arith.shrsi %squeeze3A_810, %shift_right_arithmetic3A_811 : i32
      %and3A_813 = arith.constant 7 : i32
      %and3A_814 = arith.andi %squeeze3A_810, %and3A_813 : i32
      %add3A_815 = arith.constant 6 : i32
      %add3A_816 = arith.addi %mul3A_39, %add3A_815 : i32
      %dma_start3A_817 = arith.constant 0 : i32
      %dma_start3A_818 = tpu.memref_slice %arg9[%add3A_816, %dma_start3A_817] : memref<128x64xf32, #tpu.memory_space<vmem>> -> memref<1x64xf32, #tpu.memory_space<vmem>>
      %dma_start3A_819 = tpu.memref_squeeze %dma_start3A_818 : memref<1x64xf32, #tpu.memory_space<vmem>> -> memref<64xf32, #tpu.memory_space<vmem>>
      %dma_start3A_820 = arith.constant 0 : i32
      %dma_start3A_821 = tpu.memref_slice %arg2[%shift_right_arithmetic3A_812, %and3A_814, %dma_start3A_820] : memref<125000x8x64xf32, #tpu.memory_space<hbm>> -> memref<1x1x64xf32, #tpu.memory_space<hbm>>
      %dma_start3A_822 = tpu.memref_squeeze %dma_start3A_821 : memref<1x1x64xf32, #tpu.memory_space<hbm>> -> memref<64xf32, #tpu.memory_space<hbm>>
      %dma_start3A_823 = arith.constant 0 : i32
      %dma_start3A_824 = tpu.memref_slice %arg9[%add3A_816, %dma_start3A_823] : memref<128x64xf32, #tpu.memory_space<vmem>> -> memref<1x64xf32, #tpu.memory_space<vmem>>
      %dma_start3A_825 = tpu.memref_squeeze %dma_start3A_824 : memref<1x64xf32, #tpu.memory_space<vmem>> -> memref<64xf32, #tpu.memory_space<vmem>>
      %dma_start3A_826 = arith.constant 0 : i32
      %dma_start3A_827 = tpu.memref_slice %arg2[%shift_right_arithmetic3A_812, %and3A_814, %dma_start3A_826] : memref<125000x8x64xf32, #tpu.memory_space<hbm>> -> memref<1x1x64xf32, #tpu.memory_space<hbm>>
      %dma_start3A_828 = tpu.memref_squeeze %dma_start3A_827 : memref<1x1x64xf32, #tpu.memory_space<hbm>> -> memref<64xf32, #tpu.memory_space<hbm>>
      tpu.enqueue_dma source(%dma_start3A_828 : memref<64xf32, #tpu.memory_space<hbm>>) target(%dma_start3A_825 : memref<64xf32, #tpu.memory_space<vmem>>) target_semaphore(%arg14 : memref<!tpu.dma_semaphore, #tpu.memory_space<semaphore_mem>>)
      %slice3A_829 = vector.extract_strided_slice %get3A_688 {offsets = [7], sizes = [1], strides = [1]} : vector<16xi32> to vector<1xi32>
      %squeeze3A_830 = vector.extract %slice3A_829[0] : i32 from vector<1xi32>
      %shift_right_arithmetic3A_831 = arith.constant 3 : i32
      %shift_right_arithmetic3A_832 = arith.shrsi %squeeze3A_830, %shift_right_arithmetic3A_831 : i32
      %and3A_833 = arith.constant 7 : i32
      %and3A_834 = arith.andi %squeeze3A_830, %and3A_833 : i32
      %add3A_835 = arith.constant 7 : i32
      %add3A_836 = arith.addi %mul3A_39, %add3A_835 : i32
      %dma_start3A_837 = arith.constant 0 : i32
      %dma_start3A_838 = tpu.memref_slice %arg9[%add3A_836, %dma_start3A_837] : memref<128x64xf32, #tpu.memory_space<vmem>> -> memref<1x64xf32, #tpu.memory_space<vmem>>
      %dma_start3A_839 = tpu.memref_squeeze %dma_start3A_838 : memref<1x64xf32, #tpu.memory_space<vmem>> -> memref<64xf32, #tpu.memory_space<vmem>>
      %dma_start3A_840 = arith.constant 0 : i32
      %dma_start3A_841 = tpu.memref_slice %arg2[%shift_right_arithmetic3A_832, %and3A_834, %dma_start3A_840] : memref<125000x8x64xf32, #tpu.memory_space<hbm>> -> memref<1x1x64xf32, #tpu.memory_space<hbm>>
      %dma_start3A_842 = tpu.memref_squeeze %dma_start3A_841 : memref<1x1x64xf32, #tpu.memory_space<hbm>> -> memref<64xf32, #tpu.memory_space<hbm>>
      %dma_start3A_843 = arith.constant 0 : i32
      %dma_start3A_844 = tpu.memref_slice %arg9[%add3A_836, %dma_start3A_843] : memref<128x64xf32, #tpu.memory_space<vmem>> -> memref<1x64xf32, #tpu.memory_space<vmem>>
      %dma_start3A_845 = tpu.memref_squeeze %dma_start3A_844 : memref<1x64xf32, #tpu.memory_space<vmem>> -> memref<64xf32, #tpu.memory_space<vmem>>
      %dma_start3A_846 = arith.constant 0 : i32
      %dma_start3A_847 = tpu.memref_slice %arg2[%shift_right_arithmetic3A_832, %and3A_834, %dma_start3A_846] : memref<125000x8x64xf32, #tpu.memory_space<hbm>> -> memref<1x1x64xf32, #tpu.memory_space<hbm>>
      %dma_start3A_848 = tpu.memref_squeeze %dma_start3A_847 : memref<1x1x64xf32, #tpu.memory_space<hbm>> -> memref<64xf32, #tpu.memory_space<hbm>>
      tpu.enqueue_dma source(%dma_start3A_848 : memref<64xf32, #tpu.memory_space<hbm>>) target(%dma_start3A_845 : memref<64xf32, #tpu.memory_space<vmem>>) target_semaphore(%arg14 : memref<!tpu.dma_semaphore, #tpu.memory_space<semaphore_mem>>)
      %slice3A_849 = vector.extract_strided_slice %get3A_688 {offsets = [8], sizes = [1], strides = [1]} : vector<16xi32> to vector<1xi32>
      %squeeze3A_850 = vector.extract %slice3A_849[0] : i32 from vector<1xi32>
      %shift_right_arithmetic3A_851 = arith.constant 3 : i32
      %shift_right_arithmetic3A_852 = arith.shrsi %squeeze3A_850, %shift_right_arithmetic3A_851 : i32
      %and3A_853 = arith.constant 7 : i32
      %and3A_854 = arith.andi %squeeze3A_850, %and3A_853 : i32
      %add3A_855 = arith.constant 8 : i32
      %add3A_856 = arith.addi %mul3A_39, %add3A_855 : i32
      %dma_start3A_857 = arith.constant 0 : i32
      %dma_start3A_858 = tpu.memref_slice %arg9[%add3A_856, %dma_start3A_857] : memref<128x64xf32, #tpu.memory_space<vmem>> -> memref<1x64xf32, #tpu.memory_space<vmem>>
      %dma_start3A_859 = tpu.memref_squeeze %dma_start3A_858 : memref<1x64xf32, #tpu.memory_space<vmem>> -> memref<64xf32, #tpu.memory_space<vmem>>
      %dma_start3A_860 = arith.constant 0 : i32
      %dma_start3A_861 = tpu.memref_slice %arg2[%shift_right_arithmetic3A_852, %and3A_854, %dma_start3A_860] : memref<125000x8x64xf32, #tpu.memory_space<hbm>> -> memref<1x1x64xf32, #tpu.memory_space<hbm>>
      %dma_start3A_862 = tpu.memref_squeeze %dma_start3A_861 : memref<1x1x64xf32, #tpu.memory_space<hbm>> -> memref<64xf32, #tpu.memory_space<hbm>>
      %dma_start3A_863 = arith.constant 0 : i32
      %dma_start3A_864 = tpu.memref_slice %arg9[%add3A_856, %dma_start3A_863] : memref<128x64xf32, #tpu.memory_space<vmem>> -> memref<1x64xf32, #tpu.memory_space<vmem>>
      %dma_start3A_865 = tpu.memref_squeeze %dma_start3A_864 : memref<1x64xf32, #tpu.memory_space<vmem>> -> memref<64xf32, #tpu.memory_space<vmem>>
      %dma_start3A_866 = arith.constant 0 : i32
      %dma_start3A_867 = tpu.memref_slice %arg2[%shift_right_arithmetic3A_852, %and3A_854, %dma_start3A_866] : memref<125000x8x64xf32, #tpu.memory_space<hbm>> -> memref<1x1x64xf32, #tpu.memory_space<hbm>>
      %dma_start3A_868 = tpu.memref_squeeze %dma_start3A_867 : memref<1x1x64xf32, #tpu.memory_space<hbm>> -> memref<64xf32, #tpu.memory_space<hbm>>
      tpu.enqueue_dma source(%dma_start3A_868 : memref<64xf32, #tpu.memory_space<hbm>>) target(%dma_start3A_865 : memref<64xf32, #tpu.memory_space<vmem>>) target_semaphore(%arg14 : memref<!tpu.dma_semaphore, #tpu.memory_space<semaphore_mem>>)
      %slice3A_869 = vector.extract_strided_slice %get3A_688 {offsets = [9], sizes = [1], strides = [1]} : vector<16xi32> to vector<1xi32>
      %squeeze3A_870 = vector.extract %slice3A_869[0] : i32 from vector<1xi32>
      %shift_right_arithmetic3A_871 = arith.constant 3 : i32
      %shift_right_arithmetic3A_872 = arith.shrsi %squeeze3A_870, %shift_right_arithmetic3A_871 : i32
      %and3A_873 = arith.constant 7 : i32
      %and3A_874 = arith.andi %squeeze3A_870, %and3A_873 : i32
      %add3A_875 = arith.constant 9 : i32
      %add3A_876 = arith.addi %mul3A_39, %add3A_875 : i32
      %dma_start3A_877 = arith.constant 0 : i32
      %dma_start3A_878 = tpu.memref_slice %arg9[%add3A_876, %dma_start3A_877] : memref<128x64xf32, #tpu.memory_space<vmem>> -> memref<1x64xf32, #tpu.memory_space<vmem>>
      %dma_start3A_879 = tpu.memref_squeeze %dma_start3A_878 : memref<1x64xf32, #tpu.memory_space<vmem>> -> memref<64xf32, #tpu.memory_space<vmem>>
      %dma_start3A_880 = arith.constant 0 : i32
      %dma_start3A_881 = tpu.memref_slice %arg2[%shift_right_arithmetic3A_872, %and3A_874, %dma_start3A_880] : memref<125000x8x64xf32, #tpu.memory_space<hbm>> -> memref<1x1x64xf32, #tpu.memory_space<hbm>>
      %dma_start3A_882 = tpu.memref_squeeze %dma_start3A_881 : memref<1x1x64xf32, #tpu.memory_space<hbm>> -> memref<64xf32, #tpu.memory_space<hbm>>
      %dma_start3A_883 = arith.constant 0 : i32
      %dma_start3A_884 = tpu.memref_slice %arg9[%add3A_876, %dma_start3A_883] : memref<128x64xf32, #tpu.memory_space<vmem>> -> memref<1x64xf32, #tpu.memory_space<vmem>>
      %dma_start3A_885 = tpu.memref_squeeze %dma_start3A_884 : memref<1x64xf32, #tpu.memory_space<vmem>> -> memref<64xf32, #tpu.memory_space<vmem>>
      %dma_start3A_886 = arith.constant 0 : i32
      %dma_start3A_887 = tpu.memref_slice %arg2[%shift_right_arithmetic3A_872, %and3A_874, %dma_start3A_886] : memref<125000x8x64xf32, #tpu.memory_space<hbm>> -> memref<1x1x64xf32, #tpu.memory_space<hbm>>
      %dma_start3A_888 = tpu.memref_squeeze %dma_start3A_887 : memref<1x1x64xf32, #tpu.memory_space<hbm>> -> memref<64xf32, #tpu.memory_space<hbm>>
      tpu.enqueue_dma source(%dma_start3A_888 : memref<64xf32, #tpu.memory_space<hbm>>) target(%dma_start3A_885 : memref<64xf32, #tpu.memory_space<vmem>>) target_semaphore(%arg14 : memref<!tpu.dma_semaphore, #tpu.memory_space<semaphore_mem>>)
      %slice3A_889 = vector.extract_strided_slice %get3A_688 {offsets = [10], sizes = [1], strides = [1]} : vector<16xi32> to vector<1xi32>
      %squeeze3A_890 = vector.extract %slice3A_889[0] : i32 from vector<1xi32>
      %shift_right_arithmetic3A_891 = arith.constant 3 : i32
      %shift_right_arithmetic3A_892 = arith.shrsi %squeeze3A_890, %shift_right_arithmetic3A_891 : i32
      %and3A_893 = arith.constant 7 : i32
      %and3A_894 = arith.andi %squeeze3A_890, %and3A_893 : i32
      %add3A_895 = arith.constant 10 : i32
      %add3A_896 = arith.addi %mul3A_39, %add3A_895 : i32
      %dma_start3A_897 = arith.constant 0 : i32
      %dma_start3A_898 = tpu.memref_slice %arg9[%add3A_896, %dma_start3A_897] : memref<128x64xf32, #tpu.memory_space<vmem>> -> memref<1x64xf32, #tpu.memory_space<vmem>>
      %dma_start3A_899 = tpu.memref_squeeze %dma_start3A_898 : memref<1x64xf32, #tpu.memory_space<vmem>> -> memref<64xf32, #tpu.memory_space<vmem>>
      %dma_start3A_900 = arith.constant 0 : i32
      %dma_start3A_901 = tpu.memref_slice %arg2[%shift_right_arithmetic3A_892, %and3A_894, %dma_start3A_900] : memref<125000x8x64xf32, #tpu.memory_space<hbm>> -> memref<1x1x64xf32, #tpu.memory_space<hbm>>
      %dma_start3A_902 = tpu.memref_squeeze %dma_start3A_901 : memref<1x1x64xf32, #tpu.memory_space<hbm>> -> memref<64xf32, #tpu.memory_space<hbm>>
      %dma_start3A_903 = arith.constant 0 : i32
      %dma_start3A_904 = tpu.memref_slice %arg9[%add3A_896, %dma_start3A_903] : memref<128x64xf32, #tpu.memory_space<vmem>> -> memref<1x64xf32, #tpu.memory_space<vmem>>
      %dma_start3A_905 = tpu.memref_squeeze %dma_start3A_904 : memref<1x64xf32, #tpu.memory_space<vmem>> -> memref<64xf32, #tpu.memory_space<vmem>>
      %dma_start3A_906 = arith.constant 0 : i32
      %dma_start3A_907 = tpu.memref_slice %arg2[%shift_right_arithmetic3A_892, %and3A_894, %dma_start3A_906] : memref<125000x8x64xf32, #tpu.memory_space<hbm>> -> memref<1x1x64xf32, #tpu.memory_space<hbm>>
      %dma_start3A_908 = tpu.memref_squeeze %dma_start3A_907 : memref<1x1x64xf32, #tpu.memory_space<hbm>> -> memref<64xf32, #tpu.memory_space<hbm>>
      tpu.enqueue_dma source(%dma_start3A_908 : memref<64xf32, #tpu.memory_space<hbm>>) target(%dma_start3A_905 : memref<64xf32, #tpu.memory_space<vmem>>) target_semaphore(%arg14 : memref<!tpu.dma_semaphore, #tpu.memory_space<semaphore_mem>>)
      %slice3A_909 = vector.extract_strided_slice %get3A_688 {offsets = [11], sizes = [1], strides = [1]} : vector<16xi32> to vector<1xi32>
      %squeeze3A_910 = vector.extract %slice3A_909[0] : i32 from vector<1xi32>
      %shift_right_arithmetic3A_911 = arith.constant 3 : i32
      %shift_right_arithmetic3A_912 = arith.shrsi %squeeze3A_910, %shift_right_arithmetic3A_911 : i32
      %and3A_913 = arith.constant 7 : i32
      %and3A_914 = arith.andi %squeeze3A_910, %and3A_913 : i32
      %add3A_915 = arith.constant 11 : i32
      %add3A_916 = arith.addi %mul3A_39, %add3A_915 : i32
      %dma_start3A_917 = arith.constant 0 : i32
      %dma_start3A_918 = tpu.memref_slice %arg9[%add3A_916, %dma_start3A_917] : memref<128x64xf32, #tpu.memory_space<vmem>> -> memref<1x64xf32, #tpu.memory_space<vmem>>
      %dma_start3A_919 = tpu.memref_squeeze %dma_start3A_918 : memref<1x64xf32, #tpu.memory_space<vmem>> -> memref<64xf32, #tpu.memory_space<vmem>>
      %dma_start3A_920 = arith.constant 0 : i32
      %dma_start3A_921 = tpu.memref_slice %arg2[%shift_right_arithmetic3A_912, %and3A_914, %dma_start3A_920] : memref<125000x8x64xf32, #tpu.memory_space<hbm>> -> memref<1x1x64xf32, #tpu.memory_space<hbm>>
      %dma_start3A_922 = tpu.memref_squeeze %dma_start3A_921 : memref<1x1x64xf32, #tpu.memory_space<hbm>> -> memref<64xf32, #tpu.memory_space<hbm>>
      %dma_start3A_923 = arith.constant 0 : i32
      %dma_start3A_924 = tpu.memref_slice %arg9[%add3A_916, %dma_start3A_923] : memref<128x64xf32, #tpu.memory_space<vmem>> -> memref<1x64xf32, #tpu.memory_space<vmem>>
      %dma_start3A_925 = tpu.memref_squeeze %dma_start3A_924 : memref<1x64xf32, #tpu.memory_space<vmem>> -> memref<64xf32, #tpu.memory_space<vmem>>
      %dma_start3A_926 = arith.constant 0 : i32
      %dma_start3A_927 = tpu.memref_slice %arg2[%shift_right_arithmetic3A_912, %and3A_914, %dma_start3A_926] : memref<125000x8x64xf32, #tpu.memory_space<hbm>> -> memref<1x1x64xf32, #tpu.memory_space<hbm>>
      %dma_start3A_928 = tpu.memref_squeeze %dma_start3A_927 : memref<1x1x64xf32, #tpu.memory_space<hbm>> -> memref<64xf32, #tpu.memory_space<hbm>>
      tpu.enqueue_dma source(%dma_start3A_928 : memref<64xf32, #tpu.memory_space<hbm>>) target(%dma_start3A_925 : memref<64xf32, #tpu.memory_space<vmem>>) target_semaphore(%arg14 : memref<!tpu.dma_semaphore, #tpu.memory_space<semaphore_mem>>)
      %slice3A_929 = vector.extract_strided_slice %get3A_688 {offsets = [12], sizes = [1], strides = [1]} : vector<16xi32> to vector<1xi32>
      %squeeze3A_930 = vector.extract %slice3A_929[0] : i32 from vector<1xi32>
      %shift_right_arithmetic3A_931 = arith.constant 3 : i32
      %shift_right_arithmetic3A_932 = arith.shrsi %squeeze3A_930, %shift_right_arithmetic3A_931 : i32
      %and3A_933 = arith.constant 7 : i32
      %and3A_934 = arith.andi %squeeze3A_930, %and3A_933 : i32
      %add3A_935 = arith.constant 12 : i32
      %add3A_936 = arith.addi %mul3A_39, %add3A_935 : i32
      %dma_start3A_937 = arith.constant 0 : i32
      %dma_start3A_938 = tpu.memref_slice %arg9[%add3A_936, %dma_start3A_937] : memref<128x64xf32, #tpu.memory_space<vmem>> -> memref<1x64xf32, #tpu.memory_space<vmem>>
      %dma_start3A_939 = tpu.memref_squeeze %dma_start3A_938 : memref<1x64xf32, #tpu.memory_space<vmem>> -> memref<64xf32, #tpu.memory_space<vmem>>
      %dma_start3A_940 = arith.constant 0 : i32
      %dma_start3A_941 = tpu.memref_slice %arg2[%shift_right_arithmetic3A_932, %and3A_934, %dma_start3A_940] : memref<125000x8x64xf32, #tpu.memory_space<hbm>> -> memref<1x1x64xf32, #tpu.memory_space<hbm>>
      %dma_start3A_942 = tpu.memref_squeeze %dma_start3A_941 : memref<1x1x64xf32, #tpu.memory_space<hbm>> -> memref<64xf32, #tpu.memory_space<hbm>>
      %dma_start3A_943 = arith.constant 0 : i32
      %dma_start3A_944 = tpu.memref_slice %arg9[%add3A_936, %dma_start3A_943] : memref<128x64xf32, #tpu.memory_space<vmem>> -> memref<1x64xf32, #tpu.memory_space<vmem>>
      %dma_start3A_945 = tpu.memref_squeeze %dma_start3A_944 : memref<1x64xf32, #tpu.memory_space<vmem>> -> memref<64xf32, #tpu.memory_space<vmem>>
      %dma_start3A_946 = arith.constant 0 : i32
      %dma_start3A_947 = tpu.memref_slice %arg2[%shift_right_arithmetic3A_932, %and3A_934, %dma_start3A_946] : memref<125000x8x64xf32, #tpu.memory_space<hbm>> -> memref<1x1x64xf32, #tpu.memory_space<hbm>>
      %dma_start3A_948 = tpu.memref_squeeze %dma_start3A_947 : memref<1x1x64xf32, #tpu.memory_space<hbm>> -> memref<64xf32, #tpu.memory_space<hbm>>
      tpu.enqueue_dma source(%dma_start3A_948 : memref<64xf32, #tpu.memory_space<hbm>>) target(%dma_start3A_945 : memref<64xf32, #tpu.memory_space<vmem>>) target_semaphore(%arg14 : memref<!tpu.dma_semaphore, #tpu.memory_space<semaphore_mem>>)
      %slice3A_949 = vector.extract_strided_slice %get3A_688 {offsets = [13], sizes = [1], strides = [1]} : vector<16xi32> to vector<1xi32>
      %squeeze3A_950 = vector.extract %slice3A_949[0] : i32 from vector<1xi32>
      %shift_right_arithmetic3A_951 = arith.constant 3 : i32
      %shift_right_arithmetic3A_952 = arith.shrsi %squeeze3A_950, %shift_right_arithmetic3A_951 : i32
      %and3A_953 = arith.constant 7 : i32
      %and3A_954 = arith.andi %squeeze3A_950, %and3A_953 : i32
      %add3A_955 = arith.constant 13 : i32
      %add3A_956 = arith.addi %mul3A_39, %add3A_955 : i32
      %dma_start3A_957 = arith.constant 0 : i32
      %dma_start3A_958 = tpu.memref_slice %arg9[%add3A_956, %dma_start3A_957] : memref<128x64xf32, #tpu.memory_space<vmem>> -> memref<1x64xf32, #tpu.memory_space<vmem>>
      %dma_start3A_959 = tpu.memref_squeeze %dma_start3A_958 : memref<1x64xf32, #tpu.memory_space<vmem>> -> memref<64xf32, #tpu.memory_space<vmem>>
      %dma_start3A_960 = arith.constant 0 : i32
      %dma_start3A_961 = tpu.memref_slice %arg2[%shift_right_arithmetic3A_952, %and3A_954, %dma_start3A_960] : memref<125000x8x64xf32, #tpu.memory_space<hbm>> -> memref<1x1x64xf32, #tpu.memory_space<hbm>>
      %dma_start3A_962 = tpu.memref_squeeze %dma_start3A_961 : memref<1x1x64xf32, #tpu.memory_space<hbm>> -> memref<64xf32, #tpu.memory_space<hbm>>
      %dma_start3A_963 = arith.constant 0 : i32
      %dma_start3A_964 = tpu.memref_slice %arg9[%add3A_956, %dma_start3A_963] : memref<128x64xf32, #tpu.memory_space<vmem>> -> memref<1x64xf32, #tpu.memory_space<vmem>>
      %dma_start3A_965 = tpu.memref_squeeze %dma_start3A_964 : memref<1x64xf32, #tpu.memory_space<vmem>> -> memref<64xf32, #tpu.memory_space<vmem>>
      %dma_start3A_966 = arith.constant 0 : i32
      %dma_start3A_967 = tpu.memref_slice %arg2[%shift_right_arithmetic3A_952, %and3A_954, %dma_start3A_966] : memref<125000x8x64xf32, #tpu.memory_space<hbm>> -> memref<1x1x64xf32, #tpu.memory_space<hbm>>
      %dma_start3A_968 = tpu.memref_squeeze %dma_start3A_967 : memref<1x1x64xf32, #tpu.memory_space<hbm>> -> memref<64xf32, #tpu.memory_space<hbm>>
      tpu.enqueue_dma source(%dma_start3A_968 : memref<64xf32, #tpu.memory_space<hbm>>) target(%dma_start3A_965 : memref<64xf32, #tpu.memory_space<vmem>>) target_semaphore(%arg14 : memref<!tpu.dma_semaphore, #tpu.memory_space<semaphore_mem>>)
      %slice3A_969 = vector.extract_strided_slice %get3A_688 {offsets = [14], sizes = [1], strides = [1]} : vector<16xi32> to vector<1xi32>
      %squeeze3A_970 = vector.extract %slice3A_969[0] : i32 from vector<1xi32>
      %shift_right_arithmetic3A_971 = arith.constant 3 : i32
      %shift_right_arithmetic3A_972 = arith.shrsi %squeeze3A_970, %shift_right_arithmetic3A_971 : i32
      %and3A_973 = arith.constant 7 : i32
      %and3A_974 = arith.andi %squeeze3A_970, %and3A_973 : i32
      %add3A_975 = arith.constant 14 : i32
      %add3A_976 = arith.addi %mul3A_39, %add3A_975 : i32
      %dma_start3A_977 = arith.constant 0 : i32
      %dma_start3A_978 = tpu.memref_slice %arg9[%add3A_976, %dma_start3A_977] : memref<128x64xf32, #tpu.memory_space<vmem>> -> memref<1x64xf32, #tpu.memory_space<vmem>>
      %dma_start3A_979 = tpu.memref_squeeze %dma_start3A_978 : memref<1x64xf32, #tpu.memory_space<vmem>> -> memref<64xf32, #tpu.memory_space<vmem>>
      %dma_start3A_980 = arith.constant 0 : i32
      %dma_start3A_981 = tpu.memref_slice %arg2[%shift_right_arithmetic3A_972, %and3A_974, %dma_start3A_980] : memref<125000x8x64xf32, #tpu.memory_space<hbm>> -> memref<1x1x64xf32, #tpu.memory_space<hbm>>
      %dma_start3A_982 = tpu.memref_squeeze %dma_start3A_981 : memref<1x1x64xf32, #tpu.memory_space<hbm>> -> memref<64xf32, #tpu.memory_space<hbm>>
      %dma_start3A_983 = arith.constant 0 : i32
      %dma_start3A_984 = tpu.memref_slice %arg9[%add3A_976, %dma_start3A_983] : memref<128x64xf32, #tpu.memory_space<vmem>> -> memref<1x64xf32, #tpu.memory_space<vmem>>
      %dma_start3A_985 = tpu.memref_squeeze %dma_start3A_984 : memref<1x64xf32, #tpu.memory_space<vmem>> -> memref<64xf32, #tpu.memory_space<vmem>>
      %dma_start3A_986 = arith.constant 0 : i32
      %dma_start3A_987 = tpu.memref_slice %arg2[%shift_right_arithmetic3A_972, %and3A_974, %dma_start3A_986] : memref<125000x8x64xf32, #tpu.memory_space<hbm>> -> memref<1x1x64xf32, #tpu.memory_space<hbm>>
      %dma_start3A_988 = tpu.memref_squeeze %dma_start3A_987 : memref<1x1x64xf32, #tpu.memory_space<hbm>> -> memref<64xf32, #tpu.memory_space<hbm>>
      tpu.enqueue_dma source(%dma_start3A_988 : memref<64xf32, #tpu.memory_space<hbm>>) target(%dma_start3A_985 : memref<64xf32, #tpu.memory_space<vmem>>) target_semaphore(%arg14 : memref<!tpu.dma_semaphore, #tpu.memory_space<semaphore_mem>>)
      %slice3A_989 = vector.extract_strided_slice %get3A_688 {offsets = [15], sizes = [1], strides = [1]} : vector<16xi32> to vector<1xi32>
      %squeeze3A_990 = vector.extract %slice3A_989[0] : i32 from vector<1xi32>
      %shift_right_arithmetic3A_991 = arith.constant 3 : i32
      %shift_right_arithmetic3A_992 = arith.shrsi %squeeze3A_990, %shift_right_arithmetic3A_991 : i32
      %and3A_993 = arith.constant 7 : i32
      %and3A_994 = arith.andi %squeeze3A_990, %and3A_993 : i32
      %add3A_995 = arith.constant 15 : i32
      %add3A_996 = arith.addi %mul3A_39, %add3A_995 : i32
      %dma_start3A_997 = arith.constant 0 : i32
      %dma_start3A_998 = tpu.memref_slice %arg9[%add3A_996, %dma_start3A_997] : memref<128x64xf32, #tpu.memory_space<vmem>> -> memref<1x64xf32, #tpu.memory_space<vmem>>
      %dma_start3A_999 = tpu.memref_squeeze %dma_start3A_998 : memref<1x64xf32, #tpu.memory_space<vmem>> -> memref<64xf32, #tpu.memory_space<vmem>>
      %dma_start3A_1000 = arith.constant 0 : i32
      %dma_start3A_1001 = tpu.memref_slice %arg2[%shift_right_arithmetic3A_992, %and3A_994, %dma_start3A_1000] : memref<125000x8x64xf32, #tpu.memory_space<hbm>> -> memref<1x1x64xf32, #tpu.memory_space<hbm>>
      %dma_start3A_1002 = tpu.memref_squeeze %dma_start3A_1001 : memref<1x1x64xf32, #tpu.memory_space<hbm>> -> memref<64xf32, #tpu.memory_space<hbm>>
      %dma_start3A_1003 = arith.constant 0 : i32
      %dma_start3A_1004 = tpu.memref_slice %arg9[%add3A_996, %dma_start3A_1003] : memref<128x64xf32, #tpu.memory_space<vmem>> -> memref<1x64xf32, #tpu.memory_space<vmem>>
      %dma_start3A_1005 = tpu.memref_squeeze %dma_start3A_1004 : memref<1x64xf32, #tpu.memory_space<vmem>> -> memref<64xf32, #tpu.memory_space<vmem>>
      %dma_start3A_1006 = arith.constant 0 : i32
      %dma_start3A_1007 = tpu.memref_slice %arg2[%shift_right_arithmetic3A_992, %and3A_994, %dma_start3A_1006] : memref<125000x8x64xf32, #tpu.memory_space<hbm>> -> memref<1x1x64xf32, #tpu.memory_space<hbm>>
      %dma_start3A_1008 = tpu.memref_squeeze %dma_start3A_1007 : memref<1x1x64xf32, #tpu.memory_space<hbm>> -> memref<64xf32, #tpu.memory_space<hbm>>
      tpu.enqueue_dma source(%dma_start3A_1008 : memref<64xf32, #tpu.memory_space<hbm>>) target(%dma_start3A_1005 : memref<64xf32, #tpu.memory_space<vmem>>) target_semaphore(%arg14 : memref<!tpu.dma_semaphore, #tpu.memory_space<semaphore_mem>>)
      %get3A_1009 = arith.constant 3 : i32
      %get3A_1010 = arith.index_cast %get3A_1009 : i32 to index
      %get3A_1011 = arith.index_cast %mul3A_39 : i32 to index
      %get3A_1012 = tpu.vector_load %arg6[%get3A_1010, %get3A_1011] {strides = array<i32>} : memref<6x128xi32, #tpu.memory_space<vmem>>, vector<1x16xi32>,
      %get3A_1013 = vector.shape_cast %get3A_1012 : vector<1x16xi32> to vector<16xi32>
      %slice3A_1014 = vector.extract_strided_slice %get3A_1013 {offsets = [0], sizes = [1], strides = [1]} : vector<16xi32> to vector<1xi32>
      %squeeze3A_1015 = vector.extract %slice3A_1014[0] : i32 from vector<1xi32>
      %shift_right_arithmetic3A_1016 = arith.constant 3 : i32
      %shift_right_arithmetic3A_1017 = arith.shrsi %squeeze3A_1015, %shift_right_arithmetic3A_1016 : i32
      %and3A_1018 = arith.constant 7 : i32
      %and3A_1019 = arith.andi %squeeze3A_1015, %and3A_1018 : i32
      %add3A_1020 = arith.constant 0 : i32
      %add3A_1021 = arith.addi %mul3A_39, %add3A_1020 : i32
      %dma_start3A_1022 = arith.constant 0 : i32
      %dma_start3A_1023 = tpu.memref_slice %arg10[%add3A_1021, %dma_start3A_1022] : memref<128x64xf32, #tpu.memory_space<vmem>> -> memref<1x64xf32, #tpu.memory_space<vmem>>
      %dma_start3A_1024 = tpu.memref_squeeze %dma_start3A_1023 : memref<1x64xf32, #tpu.memory_space<vmem>> -> memref<64xf32, #tpu.memory_space<vmem>>
      %dma_start3A_1025 = arith.constant 0 : i32
      %dma_start3A_1026 = tpu.memref_slice %arg2[%shift_right_arithmetic3A_1017, %and3A_1019, %dma_start3A_1025] : memref<125000x8x64xf32, #tpu.memory_space<hbm>> -> memref<1x1x64xf32, #tpu.memory_space<hbm>>
      %dma_start3A_1027 = tpu.memref_squeeze %dma_start3A_1026 : memref<1x1x64xf32, #tpu.memory_space<hbm>> -> memref<64xf32, #tpu.memory_space<hbm>>
      %dma_start3A_1028 = arith.constant 0 : i32
      %dma_start3A_1029 = tpu.memref_slice %arg10[%add3A_1021, %dma_start3A_1028] : memref<128x64xf32, #tpu.memory_space<vmem>> -> memref<1x64xf32, #tpu.memory_space<vmem>>
      %dma_start3A_1030 = tpu.memref_squeeze %dma_start3A_1029 : memref<1x64xf32, #tpu.memory_space<vmem>> -> memref<64xf32, #tpu.memory_space<vmem>>
      %dma_start3A_1031 = arith.constant 0 : i32
      %dma_start3A_1032 = tpu.memref_slice %arg2[%shift_right_arithmetic3A_1017, %and3A_1019, %dma_start3A_1031] : memref<125000x8x64xf32, #tpu.memory_space<hbm>> -> memref<1x1x64xf32, #tpu.memory_space<hbm>>
      %dma_start3A_1033 = tpu.memref_squeeze %dma_start3A_1032 : memref<1x1x64xf32, #tpu.memory_space<hbm>> -> memref<64xf32, #tpu.memory_space<hbm>>
      tpu.enqueue_dma source(%dma_start3A_1033 : memref<64xf32, #tpu.memory_space<hbm>>) target(%dma_start3A_1030 : memref<64xf32, #tpu.memory_space<vmem>>) target_semaphore(%arg14 : memref<!tpu.dma_semaphore, #tpu.memory_space<semaphore_mem>>)
      %slice3A_1034 = vector.extract_strided_slice %get3A_1013 {offsets = [1], sizes = [1], strides = [1]} : vector<16xi32> to vector<1xi32>
      %squeeze3A_1035 = vector.extract %slice3A_1034[0] : i32 from vector<1xi32>
      %shift_right_arithmetic3A_1036 = arith.constant 3 : i32
      %shift_right_arithmetic3A_1037 = arith.shrsi %squeeze3A_1035, %shift_right_arithmetic3A_1036 : i32
      %and3A_1038 = arith.constant 7 : i32
      %and3A_1039 = arith.andi %squeeze3A_1035, %and3A_1038 : i32
      %add3A_1040 = arith.constant 1 : i32
      %add3A_1041 = arith.addi %mul3A_39, %add3A_1040 : i32
      %dma_start3A_1042 = arith.constant 0 : i32
      %dma_start3A_1043 = tpu.memref_slice %arg10[%add3A_1041, %dma_start3A_1042] : memref<128x64xf32, #tpu.memory_space<vmem>> -> memref<1x64xf32, #tpu.memory_space<vmem>>
      %dma_start3A_1044 = tpu.memref_squeeze %dma_start3A_1043 : memref<1x64xf32, #tpu.memory_space<vmem>> -> memref<64xf32, #tpu.memory_space<vmem>>
      %dma_start3A_1045 = arith.constant 0 : i32
      %dma_start3A_1046 = tpu.memref_slice %arg2[%shift_right_arithmetic3A_1037, %and3A_1039, %dma_start3A_1045] : memref<125000x8x64xf32, #tpu.memory_space<hbm>> -> memref<1x1x64xf32, #tpu.memory_space<hbm>>
      %dma_start3A_1047 = tpu.memref_squeeze %dma_start3A_1046 : memref<1x1x64xf32, #tpu.memory_space<hbm>> -> memref<64xf32, #tpu.memory_space<hbm>>
      %dma_start3A_1048 = arith.constant 0 : i32
      %dma_start3A_1049 = tpu.memref_slice %arg10[%add3A_1041, %dma_start3A_1048] : memref<128x64xf32, #tpu.memory_space<vmem>> -> memref<1x64xf32, #tpu.memory_space<vmem>>
      %dma_start3A_1050 = tpu.memref_squeeze %dma_start3A_1049 : memref<1x64xf32, #tpu.memory_space<vmem>> -> memref<64xf32, #tpu.memory_space<vmem>>
      %dma_start3A_1051 = arith.constant 0 : i32
      %dma_start3A_1052 = tpu.memref_slice %arg2[%shift_right_arithmetic3A_1037, %and3A_1039, %dma_start3A_1051] : memref<125000x8x64xf32, #tpu.memory_space<hbm>> -> memref<1x1x64xf32, #tpu.memory_space<hbm>>
      %dma_start3A_1053 = tpu.memref_squeeze %dma_start3A_1052 : memref<1x1x64xf32, #tpu.memory_space<hbm>> -> memref<64xf32, #tpu.memory_space<hbm>>
      tpu.enqueue_dma source(%dma_start3A_1053 : memref<64xf32, #tpu.memory_space<hbm>>) target(%dma_start3A_1050 : memref<64xf32, #tpu.memory_space<vmem>>) target_semaphore(%arg14 : memref<!tpu.dma_semaphore, #tpu.memory_space<semaphore_mem>>)
      %slice3A_1054 = vector.extract_strided_slice %get3A_1013 {offsets = [2], sizes = [1], strides = [1]} : vector<16xi32> to vector<1xi32>
      %squeeze3A_1055 = vector.extract %slice3A_1054[0] : i32 from vector<1xi32>
      %shift_right_arithmetic3A_1056 = arith.constant 3 : i32
      %shift_right_arithmetic3A_1057 = arith.shrsi %squeeze3A_1055, %shift_right_arithmetic3A_1056 : i32
      %and3A_1058 = arith.constant 7 : i32
      %and3A_1059 = arith.andi %squeeze3A_1055, %and3A_1058 : i32
      %add3A_1060 = arith.constant 2 : i32
      %add3A_1061 = arith.addi %mul3A_39, %add3A_1060 : i32
      %dma_start3A_1062 = arith.constant 0 : i32
      %dma_start3A_1063 = tpu.memref_slice %arg10[%add3A_1061, %dma_start3A_1062] : memref<128x64xf32, #tpu.memory_space<vmem>> -> memref<1x64xf32, #tpu.memory_space<vmem>>
      %dma_start3A_1064 = tpu.memref_squeeze %dma_start3A_1063 : memref<1x64xf32, #tpu.memory_space<vmem>> -> memref<64xf32, #tpu.memory_space<vmem>>
      %dma_start3A_1065 = arith.constant 0 : i32
      %dma_start3A_1066 = tpu.memref_slice %arg2[%shift_right_arithmetic3A_1057, %and3A_1059, %dma_start3A_1065] : memref<125000x8x64xf32, #tpu.memory_space<hbm>> -> memref<1x1x64xf32, #tpu.memory_space<hbm>>
      %dma_start3A_1067 = tpu.memref_squeeze %dma_start3A_1066 : memref<1x1x64xf32, #tpu.memory_space<hbm>> -> memref<64xf32, #tpu.memory_space<hbm>>
      %dma_start3A_1068 = arith.constant 0 : i32
      %dma_start3A_1069 = tpu.memref_slice %arg10[%add3A_1061, %dma_start3A_1068] : memref<128x64xf32, #tpu.memory_space<vmem>> -> memref<1x64xf32, #tpu.memory_space<vmem>>
      %dma_start3A_1070 = tpu.memref_squeeze %dma_start3A_1069 : memref<1x64xf32, #tpu.memory_space<vmem>> -> memref<64xf32, #tpu.memory_space<vmem>>
      %dma_start3A_1071 = arith.constant 0 : i32
      %dma_start3A_1072 = tpu.memref_slice %arg2[%shift_right_arithmetic3A_1057, %and3A_1059, %dma_start3A_1071] : memref<125000x8x64xf32, #tpu.memory_space<hbm>> -> memref<1x1x64xf32, #tpu.memory_space<hbm>>
      %dma_start3A_1073 = tpu.memref_squeeze %dma_start3A_1072 : memref<1x1x64xf32, #tpu.memory_space<hbm>> -> memref<64xf32, #tpu.memory_space<hbm>>
      tpu.enqueue_dma source(%dma_start3A_1073 : memref<64xf32, #tpu.memory_space<hbm>>) target(%dma_start3A_1070 : memref<64xf32, #tpu.memory_space<vmem>>) target_semaphore(%arg14 : memref<!tpu.dma_semaphore, #tpu.memory_space<semaphore_mem>>)
      %slice3A_1074 = vector.extract_strided_slice %get3A_1013 {offsets = [3], sizes = [1], strides = [1]} : vector<16xi32> to vector<1xi32>
      %squeeze3A_1075 = vector.extract %slice3A_1074[0] : i32 from vector<1xi32>
      %shift_right_arithmetic3A_1076 = arith.constant 3 : i32
      %shift_right_arithmetic3A_1077 = arith.shrsi %squeeze3A_1075, %shift_right_arithmetic3A_1076 : i32
      %and3A_1078 = arith.constant 7 : i32
      %and3A_1079 = arith.andi %squeeze3A_1075, %and3A_1078 : i32
      %add3A_1080 = arith.constant 3 : i32
      %add3A_1081 = arith.addi %mul3A_39, %add3A_1080 : i32
      %dma_start3A_1082 = arith.constant 0 : i32
      %dma_start3A_1083 = tpu.memref_slice %arg10[%add3A_1081, %dma_start3A_1082] : memref<128x64xf32, #tpu.memory_space<vmem>> -> memref<1x64xf32, #tpu.memory_space<vmem>>
      %dma_start3A_1084 = tpu.memref_squeeze %dma_start3A_1083 : memref<1x64xf32, #tpu.memory_space<vmem>> -> memref<64xf32, #tpu.memory_space<vmem>>
      %dma_start3A_1085 = arith.constant 0 : i32
      %dma_start3A_1086 = tpu.memref_slice %arg2[%shift_right_arithmetic3A_1077, %and3A_1079, %dma_start3A_1085] : memref<125000x8x64xf32, #tpu.memory_space<hbm>> -> memref<1x1x64xf32, #tpu.memory_space<hbm>>
      %dma_start3A_1087 = tpu.memref_squeeze %dma_start3A_1086 : memref<1x1x64xf32, #tpu.memory_space<hbm>> -> memref<64xf32, #tpu.memory_space<hbm>>
      %dma_start3A_1088 = arith.constant 0 : i32
      %dma_start3A_1089 = tpu.memref_slice %arg10[%add3A_1081, %dma_start3A_1088] : memref<128x64xf32, #tpu.memory_space<vmem>> -> memref<1x64xf32, #tpu.memory_space<vmem>>
      %dma_start3A_1090 = tpu.memref_squeeze %dma_start3A_1089 : memref<1x64xf32, #tpu.memory_space<vmem>> -> memref<64xf32, #tpu.memory_space<vmem>>
      %dma_start3A_1091 = arith.constant 0 : i32
      %dma_start3A_1092 = tpu.memref_slice %arg2[%shift_right_arithmetic3A_1077, %and3A_1079, %dma_start3A_1091] : memref<125000x8x64xf32, #tpu.memory_space<hbm>> -> memref<1x1x64xf32, #tpu.memory_space<hbm>>
      %dma_start3A_1093 = tpu.memref_squeeze %dma_start3A_1092 : memref<1x1x64xf32, #tpu.memory_space<hbm>> -> memref<64xf32, #tpu.memory_space<hbm>>
      tpu.enqueue_dma source(%dma_start3A_1093 : memref<64xf32, #tpu.memory_space<hbm>>) target(%dma_start3A_1090 : memref<64xf32, #tpu.memory_space<vmem>>) target_semaphore(%arg14 : memref<!tpu.dma_semaphore, #tpu.memory_space<semaphore_mem>>)
      %slice3A_1094 = vector.extract_strided_slice %get3A_1013 {offsets = [4], sizes = [1], strides = [1]} : vector<16xi32> to vector<1xi32>
      %squeeze3A_1095 = vector.extract %slice3A_1094[0] : i32 from vector<1xi32>
      %shift_right_arithmetic3A_1096 = arith.constant 3 : i32
      %shift_right_arithmetic3A_1097 = arith.shrsi %squeeze3A_1095, %shift_right_arithmetic3A_1096 : i32
      %and3A_1098 = arith.constant 7 : i32
      %and3A_1099 = arith.andi %squeeze3A_1095, %and3A_1098 : i32
      %add3A_1100 = arith.constant 4 : i32
      %add3A_1101 = arith.addi %mul3A_39, %add3A_1100 : i32
      %dma_start3A_1102 = arith.constant 0 : i32
      %dma_start3A_1103 = tpu.memref_slice %arg10[%add3A_1101, %dma_start3A_1102] : memref<128x64xf32, #tpu.memory_space<vmem>> -> memref<1x64xf32, #tpu.memory_space<vmem>>
      %dma_start3A_1104 = tpu.memref_squeeze %dma_start3A_1103 : memref<1x64xf32, #tpu.memory_space<vmem>> -> memref<64xf32, #tpu.memory_space<vmem>>
      %dma_start3A_1105 = arith.constant 0 : i32
      %dma_start3A_1106 = tpu.memref_slice %arg2[%shift_right_arithmetic3A_1097, %and3A_1099, %dma_start3A_1105] : memref<125000x8x64xf32, #tpu.memory_space<hbm>> -> memref<1x1x64xf32, #tpu.memory_space<hbm>>
      %dma_start3A_1107 = tpu.memref_squeeze %dma_start3A_1106 : memref<1x1x64xf32, #tpu.memory_space<hbm>> -> memref<64xf32, #tpu.memory_space<hbm>>
      %dma_start3A_1108 = arith.constant 0 : i32
      %dma_start3A_1109 = tpu.memref_slice %arg10[%add3A_1101, %dma_start3A_1108] : memref<128x64xf32, #tpu.memory_space<vmem>> -> memref<1x64xf32, #tpu.memory_space<vmem>>
      %dma_start3A_1110 = tpu.memref_squeeze %dma_start3A_1109 : memref<1x64xf32, #tpu.memory_space<vmem>> -> memref<64xf32, #tpu.memory_space<vmem>>
      %dma_start3A_1111 = arith.constant 0 : i32
      %dma_start3A_1112 = tpu.memref_slice %arg2[%shift_right_arithmetic3A_1097, %and3A_1099, %dma_start3A_1111] : memref<125000x8x64xf32, #tpu.memory_space<hbm>> -> memref<1x1x64xf32, #tpu.memory_space<hbm>>
      %dma_start3A_1113 = tpu.memref_squeeze %dma_start3A_1112 : memref<1x1x64xf32, #tpu.memory_space<hbm>> -> memref<64xf32, #tpu.memory_space<hbm>>
      tpu.enqueue_dma source(%dma_start3A_1113 : memref<64xf32, #tpu.memory_space<hbm>>) target(%dma_start3A_1110 : memref<64xf32, #tpu.memory_space<vmem>>) target_semaphore(%arg14 : memref<!tpu.dma_semaphore, #tpu.memory_space<semaphore_mem>>)
      %slice3A_1114 = vector.extract_strided_slice %get3A_1013 {offsets = [5], sizes = [1], strides = [1]} : vector<16xi32> to vector<1xi32>
      %squeeze3A_1115 = vector.extract %slice3A_1114[0] : i32 from vector<1xi32>
      %shift_right_arithmetic3A_1116 = arith.constant 3 : i32
      %shift_right_arithmetic3A_1117 = arith.shrsi %squeeze3A_1115, %shift_right_arithmetic3A_1116 : i32
      %and3A_1118 = arith.constant 7 : i32
      %and3A_1119 = arith.andi %squeeze3A_1115, %and3A_1118 : i32
      %add3A_1120 = arith.constant 5 : i32
      %add3A_1121 = arith.addi %mul3A_39, %add3A_1120 : i32
      %dma_start3A_1122 = arith.constant 0 : i32
      %dma_start3A_1123 = tpu.memref_slice %arg10[%add3A_1121, %dma_start3A_1122] : memref<128x64xf32, #tpu.memory_space<vmem>> -> memref<1x64xf32, #tpu.memory_space<vmem>>
      %dma_start3A_1124 = tpu.memref_squeeze %dma_start3A_1123 : memref<1x64xf32, #tpu.memory_space<vmem>> -> memref<64xf32, #tpu.memory_space<vmem>>
      %dma_start3A_1125 = arith.constant 0 : i32
      %dma_start3A_1126 = tpu.memref_slice %arg2[%shift_right_arithmetic3A_1117, %and3A_1119, %dma_start3A_1125] : memref<125000x8x64xf32, #tpu.memory_space<hbm>> -> memref<1x1x64xf32, #tpu.memory_space<hbm>>
      %dma_start3A_1127 = tpu.memref_squeeze %dma_start3A_1126 : memref<1x1x64xf32, #tpu.memory_space<hbm>> -> memref<64xf32, #tpu.memory_space<hbm>>
      %dma_start3A_1128 = arith.constant 0 : i32
      %dma_start3A_1129 = tpu.memref_slice %arg10[%add3A_1121, %dma_start3A_1128] : memref<128x64xf32, #tpu.memory_space<vmem>> -> memref<1x64xf32, #tpu.memory_space<vmem>>
      %dma_start3A_1130 = tpu.memref_squeeze %dma_start3A_1129 : memref<1x64xf32, #tpu.memory_space<vmem>> -> memref<64xf32, #tpu.memory_space<vmem>>
      %dma_start3A_1131 = arith.constant 0 : i32
      %dma_start3A_1132 = tpu.memref_slice %arg2[%shift_right_arithmetic3A_1117, %and3A_1119, %dma_start3A_1131] : memref<125000x8x64xf32, #tpu.memory_space<hbm>> -> memref<1x1x64xf32, #tpu.memory_space<hbm>>
      %dma_start3A_1133 = tpu.memref_squeeze %dma_start3A_1132 : memref<1x1x64xf32, #tpu.memory_space<hbm>> -> memref<64xf32, #tpu.memory_space<hbm>>
      tpu.enqueue_dma source(%dma_start3A_1133 : memref<64xf32, #tpu.memory_space<hbm>>) target(%dma_start3A_1130 : memref<64xf32, #tpu.memory_space<vmem>>) target_semaphore(%arg14 : memref<!tpu.dma_semaphore, #tpu.memory_space<semaphore_mem>>)
      %slice3A_1134 = vector.extract_strided_slice %get3A_1013 {offsets = [6], sizes = [1], strides = [1]} : vector<16xi32> to vector<1xi32>
      %squeeze3A_1135 = vector.extract %slice3A_1134[0] : i32 from vector<1xi32>
      %shift_right_arithmetic3A_1136 = arith.constant 3 : i32
      %shift_right_arithmetic3A_1137 = arith.shrsi %squeeze3A_1135, %shift_right_arithmetic3A_1136 : i32
      %and3A_1138 = arith.constant 7 : i32
      %and3A_1139 = arith.andi %squeeze3A_1135, %and3A_1138 : i32
      %add3A_1140 = arith.constant 6 : i32
      %add3A_1141 = arith.addi %mul3A_39, %add3A_1140 : i32
      %dma_start3A_1142 = arith.constant 0 : i32
      %dma_start3A_1143 = tpu.memref_slice %arg10[%add3A_1141, %dma_start3A_1142] : memref<128x64xf32, #tpu.memory_space<vmem>> -> memref<1x64xf32, #tpu.memory_space<vmem>>
      %dma_start3A_1144 = tpu.memref_squeeze %dma_start3A_1143 : memref<1x64xf32, #tpu.memory_space<vmem>> -> memref<64xf32, #tpu.memory_space<vmem>>
      %dma_start3A_1145 = arith.constant 0 : i32
      %dma_start3A_1146 = tpu.memref_slice %arg2[%shift_right_arithmetic3A_1137, %and3A_1139, %dma_start3A_1145] : memref<125000x8x64xf32, #tpu.memory_space<hbm>> -> memref<1x1x64xf32, #tpu.memory_space<hbm>>
      %dma_start3A_1147 = tpu.memref_squeeze %dma_start3A_1146 : memref<1x1x64xf32, #tpu.memory_space<hbm>> -> memref<64xf32, #tpu.memory_space<hbm>>
      %dma_start3A_1148 = arith.constant 0 : i32
      %dma_start3A_1149 = tpu.memref_slice %arg10[%add3A_1141, %dma_start3A_1148] : memref<128x64xf32, #tpu.memory_space<vmem>> -> memref<1x64xf32, #tpu.memory_space<vmem>>
      %dma_start3A_1150 = tpu.memref_squeeze %dma_start3A_1149 : memref<1x64xf32, #tpu.memory_space<vmem>> -> memref<64xf32, #tpu.memory_space<vmem>>
      %dma_start3A_1151 = arith.constant 0 : i32
      %dma_start3A_1152 = tpu.memref_slice %arg2[%shift_right_arithmetic3A_1137, %and3A_1139, %dma_start3A_1151] : memref<125000x8x64xf32, #tpu.memory_space<hbm>> -> memref<1x1x64xf32, #tpu.memory_space<hbm>>
      %dma_start3A_1153 = tpu.memref_squeeze %dma_start3A_1152 : memref<1x1x64xf32, #tpu.memory_space<hbm>> -> memref<64xf32, #tpu.memory_space<hbm>>
      tpu.enqueue_dma source(%dma_start3A_1153 : memref<64xf32, #tpu.memory_space<hbm>>) target(%dma_start3A_1150 : memref<64xf32, #tpu.memory_space<vmem>>) target_semaphore(%arg14 : memref<!tpu.dma_semaphore, #tpu.memory_space<semaphore_mem>>)
      %slice3A_1154 = vector.extract_strided_slice %get3A_1013 {offsets = [7], sizes = [1], strides = [1]} : vector<16xi32> to vector<1xi32>
      %squeeze3A_1155 = vector.extract %slice3A_1154[0] : i32 from vector<1xi32>
      %shift_right_arithmetic3A_1156 = arith.constant 3 : i32
      %shift_right_arithmetic3A_1157 = arith.shrsi %squeeze3A_1155, %shift_right_arithmetic3A_1156 : i32
      %and3A_1158 = arith.constant 7 : i32
      %and3A_1159 = arith.andi %squeeze3A_1155, %and3A_1158 : i32
      %add3A_1160 = arith.constant 7 : i32
      %add3A_1161 = arith.addi %mul3A_39, %add3A_1160 : i32
      %dma_start3A_1162 = arith.constant 0 : i32
      %dma_start3A_1163 = tpu.memref_slice %arg10[%add3A_1161, %dma_start3A_1162] : memref<128x64xf32, #tpu.memory_space<vmem>> -> memref<1x64xf32, #tpu.memory_space<vmem>>
      %dma_start3A_1164 = tpu.memref_squeeze %dma_start3A_1163 : memref<1x64xf32, #tpu.memory_space<vmem>> -> memref<64xf32, #tpu.memory_space<vmem>>
      %dma_start3A_1165 = arith.constant 0 : i32
      %dma_start3A_1166 = tpu.memref_slice %arg2[%shift_right_arithmetic3A_1157, %and3A_1159, %dma_start3A_1165] : memref<125000x8x64xf32, #tpu.memory_space<hbm>> -> memref<1x1x64xf32, #tpu.memory_space<hbm>>
      %dma_start3A_1167 = tpu.memref_squeeze %dma_start3A_1166 : memref<1x1x64xf32, #tpu.memory_space<hbm>> -> memref<64xf32, #tpu.memory_space<hbm>>
      %dma_start3A_1168 = arith.constant 0 : i32
      %dma_start3A_1169 = tpu.memref_slice %arg10[%add3A_1161, %dma_start3A_1168] : memref<128x64xf32, #tpu.memory_space<vmem>> -> memref<1x64xf32, #tpu.memory_space<vmem>>
      %dma_start3A_1170 = tpu.memref_squeeze %dma_start3A_1169 : memref<1x64xf32, #tpu.memory_space<vmem>> -> memref<64xf32, #tpu.memory_space<vmem>>
      %dma_start3A_1171 = arith.constant 0 : i32
      %dma_start3A_1172 = tpu.memref_slice %arg2[%shift_right_arithmetic3A_1157, %and3A_1159, %dma_start3A_1171] : memref<125000x8x64xf32, #tpu.memory_space<hbm>> -> memref<1x1x64xf32, #tpu.memory_space<hbm>>
      %dma_start3A_1173 = tpu.memref_squeeze %dma_start3A_1172 : memref<1x1x64xf32, #tpu.memory_space<hbm>> -> memref<64xf32, #tpu.memory_space<hbm>>
      tpu.enqueue_dma source(%dma_start3A_1173 : memref<64xf32, #tpu.memory_space<hbm>>) target(%dma_start3A_1170 : memref<64xf32, #tpu.memory_space<vmem>>) target_semaphore(%arg14 : memref<!tpu.dma_semaphore, #tpu.memory_space<semaphore_mem>>)
      %slice3A_1174 = vector.extract_strided_slice %get3A_1013 {offsets = [8], sizes = [1], strides = [1]} : vector<16xi32> to vector<1xi32>
      %squeeze3A_1175 = vector.extract %slice3A_1174[0] : i32 from vector<1xi32>
      %shift_right_arithmetic3A_1176 = arith.constant 3 : i32
      %shift_right_arithmetic3A_1177 = arith.shrsi %squeeze3A_1175, %shift_right_arithmetic3A_1176 : i32
      %and3A_1178 = arith.constant 7 : i32
      %and3A_1179 = arith.andi %squeeze3A_1175, %and3A_1178 : i32
      %add3A_1180 = arith.constant 8 : i32
      %add3A_1181 = arith.addi %mul3A_39, %add3A_1180 : i32
      %dma_start3A_1182 = arith.constant 0 : i32
      %dma_start3A_1183 = tpu.memref_slice %arg10[%add3A_1181, %dma_start3A_1182] : memref<128x64xf32, #tpu.memory_space<vmem>> -> memref<1x64xf32, #tpu.memory_space<vmem>>
      %dma_start3A_1184 = tpu.memref_squeeze %dma_start3A_1183 : memref<1x64xf32, #tpu.memory_space<vmem>> -> memref<64xf32, #tpu.memory_space<vmem>>
      %dma_start3A_1185 = arith.constant 0 : i32
      %dma_start3A_1186 = tpu.memref_slice %arg2[%shift_right_arithmetic3A_1177, %and3A_1179, %dma_start3A_1185] : memref<125000x8x64xf32, #tpu.memory_space<hbm>> -> memref<1x1x64xf32, #tpu.memory_space<hbm>>
      %dma_start3A_1187 = tpu.memref_squeeze %dma_start3A_1186 : memref<1x1x64xf32, #tpu.memory_space<hbm>> -> memref<64xf32, #tpu.memory_space<hbm>>
      %dma_start3A_1188 = arith.constant 0 : i32
      %dma_start3A_1189 = tpu.memref_slice %arg10[%add3A_1181, %dma_start3A_1188] : memref<128x64xf32, #tpu.memory_space<vmem>> -> memref<1x64xf32, #tpu.memory_space<vmem>>
      %dma_start3A_1190 = tpu.memref_squeeze %dma_start3A_1189 : memref<1x64xf32, #tpu.memory_space<vmem>> -> memref<64xf32, #tpu.memory_space<vmem>>
      %dma_start3A_1191 = arith.constant 0 : i32
      %dma_start3A_1192 = tpu.memref_slice %arg2[%shift_right_arithmetic3A_1177, %and3A_1179, %dma_start3A_1191] : memref<125000x8x64xf32, #tpu.memory_space<hbm>> -> memref<1x1x64xf32, #tpu.memory_space<hbm>>
      %dma_start3A_1193 = tpu.memref_squeeze %dma_start3A_1192 : memref<1x1x64xf32, #tpu.memory_space<hbm>> -> memref<64xf32, #tpu.memory_space<hbm>>
      tpu.enqueue_dma source(%dma_start3A_1193 : memref<64xf32, #tpu.memory_space<hbm>>) target(%dma_start3A_1190 : memref<64xf32, #tpu.memory_space<vmem>>) target_semaphore(%arg14 : memref<!tpu.dma_semaphore, #tpu.memory_space<semaphore_mem>>)
      %slice3A_1194 = vector.extract_strided_slice %get3A_1013 {offsets = [9], sizes = [1], strides = [1]} : vector<16xi32> to vector<1xi32>
      %squeeze3A_1195 = vector.extract %slice3A_1194[0] : i32 from vector<1xi32>
      %shift_right_arithmetic3A_1196 = arith.constant 3 : i32
      %shift_right_arithmetic3A_1197 = arith.shrsi %squeeze3A_1195, %shift_right_arithmetic3A_1196 : i32
      %and3A_1198 = arith.constant 7 : i32
      %and3A_1199 = arith.andi %squeeze3A_1195, %and3A_1198 : i32
      %add3A_1200 = arith.constant 9 : i32
      %add3A_1201 = arith.addi %mul3A_39, %add3A_1200 : i32
      %dma_start3A_1202 = arith.constant 0 : i32
      %dma_start3A_1203 = tpu.memref_slice %arg10[%add3A_1201, %dma_start3A_1202] : memref<128x64xf32, #tpu.memory_space<vmem>> -> memref<1x64xf32, #tpu.memory_space<vmem>>
      %dma_start3A_1204 = tpu.memref_squeeze %dma_start3A_1203 : memref<1x64xf32, #tpu.memory_space<vmem>> -> memref<64xf32, #tpu.memory_space<vmem>>
      %dma_start3A_1205 = arith.constant 0 : i32
      %dma_start3A_1206 = tpu.memref_slice %arg2[%shift_right_arithmetic3A_1197, %and3A_1199, %dma_start3A_1205] : memref<125000x8x64xf32, #tpu.memory_space<hbm>> -> memref<1x1x64xf32, #tpu.memory_space<hbm>>
      %dma_start3A_1207 = tpu.memref_squeeze %dma_start3A_1206 : memref<1x1x64xf32, #tpu.memory_space<hbm>> -> memref<64xf32, #tpu.memory_space<hbm>>
      %dma_start3A_1208 = arith.constant 0 : i32
      %dma_start3A_1209 = tpu.memref_slice %arg10[%add3A_1201, %dma_start3A_1208] : memref<128x64xf32, #tpu.memory_space<vmem>> -> memref<1x64xf32, #tpu.memory_space<vmem>>
      %dma_start3A_1210 = tpu.memref_squeeze %dma_start3A_1209 : memref<1x64xf32, #tpu.memory_space<vmem>> -> memref<64xf32, #tpu.memory_space<vmem>>
      %dma_start3A_1211 = arith.constant 0 : i32
      %dma_start3A_1212 = tpu.memref_slice %arg2[%shift_right_arithmetic3A_1197, %and3A_1199, %dma_start3A_1211] : memref<125000x8x64xf32, #tpu.memory_space<hbm>> -> memref<1x1x64xf32, #tpu.memory_space<hbm>>
      %dma_start3A_1213 = tpu.memref_squeeze %dma_start3A_1212 : memref<1x1x64xf32, #tpu.memory_space<hbm>> -> memref<64xf32, #tpu.memory_space<hbm>>
      tpu.enqueue_dma source(%dma_start3A_1213 : memref<64xf32, #tpu.memory_space<hbm>>) target(%dma_start3A_1210 : memref<64xf32, #tpu.memory_space<vmem>>) target_semaphore(%arg14 : memref<!tpu.dma_semaphore, #tpu.memory_space<semaphore_mem>>)
      %slice3A_1214 = vector.extract_strided_slice %get3A_1013 {offsets = [10], sizes = [1], strides = [1]} : vector<16xi32> to vector<1xi32>
      %squeeze3A_1215 = vector.extract %slice3A_1214[0] : i32 from vector<1xi32>
      %shift_right_arithmetic3A_1216 = arith.constant 3 : i32
      %shift_right_arithmetic3A_1217 = arith.shrsi %squeeze3A_1215, %shift_right_arithmetic3A_1216 : i32
      %and3A_1218 = arith.constant 7 : i32
      %and3A_1219 = arith.andi %squeeze3A_1215, %and3A_1218 : i32
      %add3A_1220 = arith.constant 10 : i32
      %add3A_1221 = arith.addi %mul3A_39, %add3A_1220 : i32
      %dma_start3A_1222 = arith.constant 0 : i32
      %dma_start3A_1223 = tpu.memref_slice %arg10[%add3A_1221, %dma_start3A_1222] : memref<128x64xf32, #tpu.memory_space<vmem>> -> memref<1x64xf32, #tpu.memory_space<vmem>>
      %dma_start3A_1224 = tpu.memref_squeeze %dma_start3A_1223 : memref<1x64xf32, #tpu.memory_space<vmem>> -> memref<64xf32, #tpu.memory_space<vmem>>
      %dma_start3A_1225 = arith.constant 0 : i32
      %dma_start3A_1226 = tpu.memref_slice %arg2[%shift_right_arithmetic3A_1217, %and3A_1219, %dma_start3A_1225] : memref<125000x8x64xf32, #tpu.memory_space<hbm>> -> memref<1x1x64xf32, #tpu.memory_space<hbm>>
      %dma_start3A_1227 = tpu.memref_squeeze %dma_start3A_1226 : memref<1x1x64xf32, #tpu.memory_space<hbm>> -> memref<64xf32, #tpu.memory_space<hbm>>
      %dma_start3A_1228 = arith.constant 0 : i32
      %dma_start3A_1229 = tpu.memref_slice %arg10[%add3A_1221, %dma_start3A_1228] : memref<128x64xf32, #tpu.memory_space<vmem>> -> memref<1x64xf32, #tpu.memory_space<vmem>>
      %dma_start3A_1230 = tpu.memref_squeeze %dma_start3A_1229 : memref<1x64xf32, #tpu.memory_space<vmem>> -> memref<64xf32, #tpu.memory_space<vmem>>
      %dma_start3A_1231 = arith.constant 0 : i32
      %dma_start3A_1232 = tpu.memref_slice %arg2[%shift_right_arithmetic3A_1217, %and3A_1219, %dma_start3A_1231] : memref<125000x8x64xf32, #tpu.memory_space<hbm>> -> memref<1x1x64xf32, #tpu.memory_space<hbm>>
      %dma_start3A_1233 = tpu.memref_squeeze %dma_start3A_1232 : memref<1x1x64xf32, #tpu.memory_space<hbm>> -> memref<64xf32, #tpu.memory_space<hbm>>
      tpu.enqueue_dma source(%dma_start3A_1233 : memref<64xf32, #tpu.memory_space<hbm>>) target(%dma_start3A_1230 : memref<64xf32, #tpu.memory_space<vmem>>) target_semaphore(%arg14 : memref<!tpu.dma_semaphore, #tpu.memory_space<semaphore_mem>>)
      %slice3A_1234 = vector.extract_strided_slice %get3A_1013 {offsets = [11], sizes = [1], strides = [1]} : vector<16xi32> to vector<1xi32>
      %squeeze3A_1235 = vector.extract %slice3A_1234[0] : i32 from vector<1xi32>
      %shift_right_arithmetic3A_1236 = arith.constant 3 : i32
      %shift_right_arithmetic3A_1237 = arith.shrsi %squeeze3A_1235, %shift_right_arithmetic3A_1236 : i32
      %and3A_1238 = arith.constant 7 : i32
      %and3A_1239 = arith.andi %squeeze3A_1235, %and3A_1238 : i32
      %add3A_1240 = arith.constant 11 : i32
      %add3A_1241 = arith.addi %mul3A_39, %add3A_1240 : i32
      %dma_start3A_1242 = arith.constant 0 : i32
      %dma_start3A_1243 = tpu.memref_slice %arg10[%add3A_1241, %dma_start3A_1242] : memref<128x64xf32, #tpu.memory_space<vmem>> -> memref<1x64xf32, #tpu.memory_space<vmem>>
      %dma_start3A_1244 = tpu.memref_squeeze %dma_start3A_1243 : memref<1x64xf32, #tpu.memory_space<vmem>> -> memref<64xf32, #tpu.memory_space<vmem>>
      %dma_start3A_1245 = arith.constant 0 : i32
      %dma_start3A_1246 = tpu.memref_slice %arg2[%shift_right_arithmetic3A_1237, %and3A_1239, %dma_start3A_1245] : memref<125000x8x64xf32, #tpu.memory_space<hbm>> -> memref<1x1x64xf32, #tpu.memory_space<hbm>>
      %dma_start3A_1247 = tpu.memref_squeeze %dma_start3A_1246 : memref<1x1x64xf32, #tpu.memory_space<hbm>> -> memref<64xf32, #tpu.memory_space<hbm>>
      %dma_start3A_1248 = arith.constant 0 : i32
      %dma_start3A_1249 = tpu.memref_slice %arg10[%add3A_1241, %dma_start3A_1248] : memref<128x64xf32, #tpu.memory_space<vmem>> -> memref<1x64xf32, #tpu.memory_space<vmem>>
      %dma_start3A_1250 = tpu.memref_squeeze %dma_start3A_1249 : memref<1x64xf32, #tpu.memory_space<vmem>> -> memref<64xf32, #tpu.memory_space<vmem>>
      %dma_start3A_1251 = arith.constant 0 : i32
      %dma_start3A_1252 = tpu.memref_slice %arg2[%shift_right_arithmetic3A_1237, %and3A_1239, %dma_start3A_1251] : memref<125000x8x64xf32, #tpu.memory_space<hbm>> -> memref<1x1x64xf32, #tpu.memory_space<hbm>>
      %dma_start3A_1253 = tpu.memref_squeeze %dma_start3A_1252 : memref<1x1x64xf32, #tpu.memory_space<hbm>> -> memref<64xf32, #tpu.memory_space<hbm>>
      tpu.enqueue_dma source(%dma_start3A_1253 : memref<64xf32, #tpu.memory_space<hbm>>) target(%dma_start3A_1250 : memref<64xf32, #tpu.memory_space<vmem>>) target_semaphore(%arg14 : memref<!tpu.dma_semaphore, #tpu.memory_space<semaphore_mem>>)
      %slice3A_1254 = vector.extract_strided_slice %get3A_1013 {offsets = [12], sizes = [1], strides = [1]} : vector<16xi32> to vector<1xi32>
      %squeeze3A_1255 = vector.extract %slice3A_1254[0] : i32 from vector<1xi32>
      %shift_right_arithmetic3A_1256 = arith.constant 3 : i32
      %shift_right_arithmetic3A_1257 = arith.shrsi %squeeze3A_1255, %shift_right_arithmetic3A_1256 : i32
      %and3A_1258 = arith.constant 7 : i32
      %and3A_1259 = arith.andi %squeeze3A_1255, %and3A_1258 : i32
      %add3A_1260 = arith.constant 12 : i32
      %add3A_1261 = arith.addi %mul3A_39, %add3A_1260 : i32
      %dma_start3A_1262 = arith.constant 0 : i32
      %dma_start3A_1263 = tpu.memref_slice %arg10[%add3A_1261, %dma_start3A_1262] : memref<128x64xf32, #tpu.memory_space<vmem>> -> memref<1x64xf32, #tpu.memory_space<vmem>>
      %dma_start3A_1264 = tpu.memref_squeeze %dma_start3A_1263 : memref<1x64xf32, #tpu.memory_space<vmem>> -> memref<64xf32, #tpu.memory_space<vmem>>
      %dma_start3A_1265 = arith.constant 0 : i32
      %dma_start3A_1266 = tpu.memref_slice %arg2[%shift_right_arithmetic3A_1257, %and3A_1259, %dma_start3A_1265] : memref<125000x8x64xf32, #tpu.memory_space<hbm>> -> memref<1x1x64xf32, #tpu.memory_space<hbm>>
      %dma_start3A_1267 = tpu.memref_squeeze %dma_start3A_1266 : memref<1x1x64xf32, #tpu.memory_space<hbm>> -> memref<64xf32, #tpu.memory_space<hbm>>
      %dma_start3A_1268 = arith.constant 0 : i32
      %dma_start3A_1269 = tpu.memref_slice %arg10[%add3A_1261, %dma_start3A_1268] : memref<128x64xf32, #tpu.memory_space<vmem>> -> memref<1x64xf32, #tpu.memory_space<vmem>>
      %dma_start3A_1270 = tpu.memref_squeeze %dma_start3A_1269 : memref<1x64xf32, #tpu.memory_space<vmem>> -> memref<64xf32, #tpu.memory_space<vmem>>
      %dma_start3A_1271 = arith.constant 0 : i32
      %dma_start3A_1272 = tpu.memref_slice %arg2[%shift_right_arithmetic3A_1257, %and3A_1259, %dma_start3A_1271] : memref<125000x8x64xf32, #tpu.memory_space<hbm>> -> memref<1x1x64xf32, #tpu.memory_space<hbm>>
      %dma_start3A_1273 = tpu.memref_squeeze %dma_start3A_1272 : memref<1x1x64xf32, #tpu.memory_space<hbm>> -> memref<64xf32, #tpu.memory_space<hbm>>
      tpu.enqueue_dma source(%dma_start3A_1273 : memref<64xf32, #tpu.memory_space<hbm>>) target(%dma_start3A_1270 : memref<64xf32, #tpu.memory_space<vmem>>) target_semaphore(%arg14 : memref<!tpu.dma_semaphore, #tpu.memory_space<semaphore_mem>>)
      %slice3A_1274 = vector.extract_strided_slice %get3A_1013 {offsets = [13], sizes = [1], strides = [1]} : vector<16xi32> to vector<1xi32>
      %squeeze3A_1275 = vector.extract %slice3A_1274[0] : i32 from vector<1xi32>
      %shift_right_arithmetic3A_1276 = arith.constant 3 : i32
      %shift_right_arithmetic3A_1277 = arith.shrsi %squeeze3A_1275, %shift_right_arithmetic3A_1276 : i32
      %and3A_1278 = arith.constant 7 : i32
      %and3A_1279 = arith.andi %squeeze3A_1275, %and3A_1278 : i32
      %add3A_1280 = arith.constant 13 : i32
      %add3A_1281 = arith.addi %mul3A_39, %add3A_1280 : i32
      %dma_start3A_1282 = arith.constant 0 : i32
      %dma_start3A_1283 = tpu.memref_slice %arg10[%add3A_1281, %dma_start3A_1282] : memref<128x64xf32, #tpu.memory_space<vmem>> -> memref<1x64xf32, #tpu.memory_space<vmem>>
      %dma_start3A_1284 = tpu.memref_squeeze %dma_start3A_1283 : memref<1x64xf32, #tpu.memory_space<vmem>> -> memref<64xf32, #tpu.memory_space<vmem>>
      %dma_start3A_1285 = arith.constant 0 : i32
      %dma_start3A_1286 = tpu.memref_slice %arg2[%shift_right_arithmetic3A_1277, %and3A_1279, %dma_start3A_1285] : memref<125000x8x64xf32, #tpu.memory_space<hbm>> -> memref<1x1x64xf32, #tpu.memory_space<hbm>>
      %dma_start3A_1287 = tpu.memref_squeeze %dma_start3A_1286 : memref<1x1x64xf32, #tpu.memory_space<hbm>> -> memref<64xf32, #tpu.memory_space<hbm>>
      %dma_start3A_1288 = arith.constant 0 : i32
      %dma_start3A_1289 = tpu.memref_slice %arg10[%add3A_1281, %dma_start3A_1288] : memref<128x64xf32, #tpu.memory_space<vmem>> -> memref<1x64xf32, #tpu.memory_space<vmem>>
      %dma_start3A_1290 = tpu.memref_squeeze %dma_start3A_1289 : memref<1x64xf32, #tpu.memory_space<vmem>> -> memref<64xf32, #tpu.memory_space<vmem>>
      %dma_start3A_1291 = arith.constant 0 : i32
      %dma_start3A_1292 = tpu.memref_slice %arg2[%shift_right_arithmetic3A_1277, %and3A_1279, %dma_start3A_1291] : memref<125000x8x64xf32, #tpu.memory_space<hbm>> -> memref<1x1x64xf32, #tpu.memory_space<hbm>>
      %dma_start3A_1293 = tpu.memref_squeeze %dma_start3A_1292 : memref<1x1x64xf32, #tpu.memory_space<hbm>> -> memref<64xf32, #tpu.memory_space<hbm>>
      tpu.enqueue_dma source(%dma_start3A_1293 : memref<64xf32, #tpu.memory_space<hbm>>) target(%dma_start3A_1290 : memref<64xf32, #tpu.memory_space<vmem>>) target_semaphore(%arg14 : memref<!tpu.dma_semaphore, #tpu.memory_space<semaphore_mem>>)
      %slice3A_1294 = vector.extract_strided_slice %get3A_1013 {offsets = [14], sizes = [1], strides = [1]} : vector<16xi32> to vector<1xi32>
      %squeeze3A_1295 = vector.extract %slice3A_1294[0] : i32 from vector<1xi32>
      %shift_right_arithmetic3A_1296 = arith.constant 3 : i32
      %shift_right_arithmetic3A_1297 = arith.shrsi %squeeze3A_1295, %shift_right_arithmetic3A_1296 : i32
      %and3A_1298 = arith.constant 7 : i32
      %and3A_1299 = arith.andi %squeeze3A_1295, %and3A_1298 : i32
      %add3A_1300 = arith.constant 14 : i32
      %add3A_1301 = arith.addi %mul3A_39, %add3A_1300 : i32
      %dma_start3A_1302 = arith.constant 0 : i32
      %dma_start3A_1303 = tpu.memref_slice %arg10[%add3A_1301, %dma_start3A_1302] : memref<128x64xf32, #tpu.memory_space<vmem>> -> memref<1x64xf32, #tpu.memory_space<vmem>>
      %dma_start3A_1304 = tpu.memref_squeeze %dma_start3A_1303 : memref<1x64xf32, #tpu.memory_space<vmem>> -> memref<64xf32, #tpu.memory_space<vmem>>
      %dma_start3A_1305 = arith.constant 0 : i32
      %dma_start3A_1306 = tpu.memref_slice %arg2[%shift_right_arithmetic3A_1297, %and3A_1299, %dma_start3A_1305] : memref<125000x8x64xf32, #tpu.memory_space<hbm>> -> memref<1x1x64xf32, #tpu.memory_space<hbm>>
      %dma_start3A_1307 = tpu.memref_squeeze %dma_start3A_1306 : memref<1x1x64xf32, #tpu.memory_space<hbm>> -> memref<64xf32, #tpu.memory_space<hbm>>
      %dma_start3A_1308 = arith.constant 0 : i32
      %dma_start3A_1309 = tpu.memref_slice %arg10[%add3A_1301, %dma_start3A_1308] : memref<128x64xf32, #tpu.memory_space<vmem>> -> memref<1x64xf32, #tpu.memory_space<vmem>>
      %dma_start3A_1310 = tpu.memref_squeeze %dma_start3A_1309 : memref<1x64xf32, #tpu.memory_space<vmem>> -> memref<64xf32, #tpu.memory_space<vmem>>
      %dma_start3A_1311 = arith.constant 0 : i32
      %dma_start3A_1312 = tpu.memref_slice %arg2[%shift_right_arithmetic3A_1297, %and3A_1299, %dma_start3A_1311] : memref<125000x8x64xf32, #tpu.memory_space<hbm>> -> memref<1x1x64xf32, #tpu.memory_space<hbm>>
      %dma_start3A_1313 = tpu.memref_squeeze %dma_start3A_1312 : memref<1x1x64xf32, #tpu.memory_space<hbm>> -> memref<64xf32, #tpu.memory_space<hbm>>
      tpu.enqueue_dma source(%dma_start3A_1313 : memref<64xf32, #tpu.memory_space<hbm>>) target(%dma_start3A_1310 : memref<64xf32, #tpu.memory_space<vmem>>) target_semaphore(%arg14 : memref<!tpu.dma_semaphore, #tpu.memory_space<semaphore_mem>>)
      %slice3A_1314 = vector.extract_strided_slice %get3A_1013 {offsets = [15], sizes = [1], strides = [1]} : vector<16xi32> to vector<1xi32>
      %squeeze3A_1315 = vector.extract %slice3A_1314[0] : i32 from vector<1xi32>
      %shift_right_arithmetic3A_1316 = arith.constant 3 : i32
      %shift_right_arithmetic3A_1317 = arith.shrsi %squeeze3A_1315, %shift_right_arithmetic3A_1316 : i32
      %and3A_1318 = arith.constant 7 : i32
      %and3A_1319 = arith.andi %squeeze3A_1315, %and3A_1318 : i32
      %add3A_1320 = arith.constant 15 : i32
      %add3A_1321 = arith.addi %mul3A_39, %add3A_1320 : i32
      %dma_start3A_1322 = arith.constant 0 : i32
      %dma_start3A_1323 = tpu.memref_slice %arg10[%add3A_1321, %dma_start3A_1322] : memref<128x64xf32, #tpu.memory_space<vmem>> -> memref<1x64xf32, #tpu.memory_space<vmem>>
      %dma_start3A_1324 = tpu.memref_squeeze %dma_start3A_1323 : memref<1x64xf32, #tpu.memory_space<vmem>> -> memref<64xf32, #tpu.memory_space<vmem>>
      %dma_start3A_1325 = arith.constant 0 : i32
      %dma_start3A_1326 = tpu.memref_slice %arg2[%shift_right_arithmetic3A_1317, %and3A_1319, %dma_start3A_1325] : memref<125000x8x64xf32, #tpu.memory_space<hbm>> -> memref<1x1x64xf32, #tpu.memory_space<hbm>>
      %dma_start3A_1327 = tpu.memref_squeeze %dma_start3A_1326 : memref<1x1x64xf32, #tpu.memory_space<hbm>> -> memref<64xf32, #tpu.memory_space<hbm>>
      %dma_start3A_1328 = arith.constant 0 : i32
      %dma_start3A_1329 = tpu.memref_slice %arg10[%add3A_1321, %dma_start3A_1328] : memref<128x64xf32, #tpu.memory_space<vmem>> -> memref<1x64xf32, #tpu.memory_space<vmem>>
      %dma_start3A_1330 = tpu.memref_squeeze %dma_start3A_1329 : memref<1x64xf32, #tpu.memory_space<vmem>> -> memref<64xf32, #tpu.memory_space<vmem>>
      %dma_start3A_1331 = arith.constant 0 : i32
      %dma_start3A_1332 = tpu.memref_slice %arg2[%shift_right_arithmetic3A_1317, %and3A_1319, %dma_start3A_1331] : memref<125000x8x64xf32, #tpu.memory_space<hbm>> -> memref<1x1x64xf32, #tpu.memory_space<hbm>>
      %dma_start3A_1333 = tpu.memref_squeeze %dma_start3A_1332 : memref<1x1x64xf32, #tpu.memory_space<hbm>> -> memref<64xf32, #tpu.memory_space<hbm>>
      tpu.enqueue_dma source(%dma_start3A_1333 : memref<64xf32, #tpu.memory_space<hbm>>) target(%dma_start3A_1330 : memref<64xf32, #tpu.memory_space<vmem>>) target_semaphore(%arg14 : memref<!tpu.dma_semaphore, #tpu.memory_space<semaphore_mem>>)
      %get3A_1334 = arith.constant 4 : i32
      %get3A_1335 = arith.index_cast %get3A_1334 : i32 to index
      %get3A_1336 = arith.index_cast %mul3A_39 : i32 to index
      %get3A_1337 = tpu.vector_load %arg6[%get3A_1335, %get3A_1336] {strides = array<i32>} : memref<6x128xi32, #tpu.memory_space<vmem>>, vector<1x16xi32>,
      %get3A_1338 = vector.shape_cast %get3A_1337 : vector<1x16xi32> to vector<16xi32>
      %slice3A_1339 = vector.extract_strided_slice %get3A_1338 {offsets = [0], sizes = [1], strides = [1]} : vector<16xi32> to vector<1xi32>
      %squeeze3A_1340 = vector.extract %slice3A_1339[0] : i32 from vector<1xi32>
      %shift_right_arithmetic3A_1341 = arith.constant 3 : i32
      %shift_right_arithmetic3A_1342 = arith.shrsi %squeeze3A_1340, %shift_right_arithmetic3A_1341 : i32
      %and3A_1343 = arith.constant 7 : i32
      %and3A_1344 = arith.andi %squeeze3A_1340, %and3A_1343 : i32
      %add3A_1345 = arith.constant 0 : i32
      %add3A_1346 = arith.addi %mul3A_39, %add3A_1345 : i32
      %dma_start3A_1347 = arith.constant 0 : i32
      %dma_start3A_1348 = tpu.memref_slice %arg11[%add3A_1346, %dma_start3A_1347] : memref<128x64xf32, #tpu.memory_space<vmem>> -> memref<1x64xf32, #tpu.memory_space<vmem>>
      %dma_start3A_1349 = tpu.memref_squeeze %dma_start3A_1348 : memref<1x64xf32, #tpu.memory_space<vmem>> -> memref<64xf32, #tpu.memory_space<vmem>>
      %dma_start3A_1350 = arith.constant 0 : i32
      %dma_start3A_1351 = tpu.memref_slice %arg3[%shift_right_arithmetic3A_1342, %and3A_1344, %dma_start3A_1350] : memref<125000x8x64xf32, #tpu.memory_space<hbm>> -> memref<1x1x64xf32, #tpu.memory_space<hbm>>
      %dma_start3A_1352 = tpu.memref_squeeze %dma_start3A_1351 : memref<1x1x64xf32, #tpu.memory_space<hbm>> -> memref<64xf32, #tpu.memory_space<hbm>>
      %dma_start3A_1353 = arith.constant 0 : i32
      %dma_start3A_1354 = tpu.memref_slice %arg11[%add3A_1346, %dma_start3A_1353] : memref<128x64xf32, #tpu.memory_space<vmem>> -> memref<1x64xf32, #tpu.memory_space<vmem>>
      %dma_start3A_1355 = tpu.memref_squeeze %dma_start3A_1354 : memref<1x64xf32, #tpu.memory_space<vmem>> -> memref<64xf32, #tpu.memory_space<vmem>>
      %dma_start3A_1356 = arith.constant 0 : i32
      %dma_start3A_1357 = tpu.memref_slice %arg3[%shift_right_arithmetic3A_1342, %and3A_1344, %dma_start3A_1356] : memref<125000x8x64xf32, #tpu.memory_space<hbm>> -> memref<1x1x64xf32, #tpu.memory_space<hbm>>
      %dma_start3A_1358 = tpu.memref_squeeze %dma_start3A_1357 : memref<1x1x64xf32, #tpu.memory_space<hbm>> -> memref<64xf32, #tpu.memory_space<hbm>>
      tpu.enqueue_dma source(%dma_start3A_1358 : memref<64xf32, #tpu.memory_space<hbm>>) target(%dma_start3A_1355 : memref<64xf32, #tpu.memory_space<vmem>>) target_semaphore(%arg14 : memref<!tpu.dma_semaphore, #tpu.memory_space<semaphore_mem>>)
      %slice3A_1359 = vector.extract_strided_slice %get3A_1338 {offsets = [1], sizes = [1], strides = [1]} : vector<16xi32> to vector<1xi32>
      %squeeze3A_1360 = vector.extract %slice3A_1359[0] : i32 from vector<1xi32>
      %shift_right_arithmetic3A_1361 = arith.constant 3 : i32
      %shift_right_arithmetic3A_1362 = arith.shrsi %squeeze3A_1360, %shift_right_arithmetic3A_1361 : i32
      %and3A_1363 = arith.constant 7 : i32
      %and3A_1364 = arith.andi %squeeze3A_1360, %and3A_1363 : i32
      %add3A_1365 = arith.constant 1 : i32
      %add3A_1366 = arith.addi %mul3A_39, %add3A_1365 : i32
      %dma_start3A_1367 = arith.constant 0 : i32
      %dma_start3A_1368 = tpu.memref_slice %arg11[%add3A_1366, %dma_start3A_1367] : memref<128x64xf32, #tpu.memory_space<vmem>> -> memref<1x64xf32, #tpu.memory_space<vmem>>
      %dma_start3A_1369 = tpu.memref_squeeze %dma_start3A_1368 : memref<1x64xf32, #tpu.memory_space<vmem>> -> memref<64xf32, #tpu.memory_space<vmem>>
      %dma_start3A_1370 = arith.constant 0 : i32
      %dma_start3A_1371 = tpu.memref_slice %arg3[%shift_right_arithmetic3A_1362, %and3A_1364, %dma_start3A_1370] : memref<125000x8x64xf32, #tpu.memory_space<hbm>> -> memref<1x1x64xf32, #tpu.memory_space<hbm>>
      %dma_start3A_1372 = tpu.memref_squeeze %dma_start3A_1371 : memref<1x1x64xf32, #tpu.memory_space<hbm>> -> memref<64xf32, #tpu.memory_space<hbm>>
      %dma_start3A_1373 = arith.constant 0 : i32
      %dma_start3A_1374 = tpu.memref_slice %arg11[%add3A_1366, %dma_start3A_1373] : memref<128x64xf32, #tpu.memory_space<vmem>> -> memref<1x64xf32, #tpu.memory_space<vmem>>
      %dma_start3A_1375 = tpu.memref_squeeze %dma_start3A_1374 : memref<1x64xf32, #tpu.memory_space<vmem>> -> memref<64xf32, #tpu.memory_space<vmem>>
      %dma_start3A_1376 = arith.constant 0 : i32
      %dma_start3A_1377 = tpu.memref_slice %arg3[%shift_right_arithmetic3A_1362, %and3A_1364, %dma_start3A_1376] : memref<125000x8x64xf32, #tpu.memory_space<hbm>> -> memref<1x1x64xf32, #tpu.memory_space<hbm>>
      %dma_start3A_1378 = tpu.memref_squeeze %dma_start3A_1377 : memref<1x1x64xf32, #tpu.memory_space<hbm>> -> memref<64xf32, #tpu.memory_space<hbm>>
      tpu.enqueue_dma source(%dma_start3A_1378 : memref<64xf32, #tpu.memory_space<hbm>>) target(%dma_start3A_1375 : memref<64xf32, #tpu.memory_space<vmem>>) target_semaphore(%arg14 : memref<!tpu.dma_semaphore, #tpu.memory_space<semaphore_mem>>)
      %slice3A_1379 = vector.extract_strided_slice %get3A_1338 {offsets = [2], sizes = [1], strides = [1]} : vector<16xi32> to vector<1xi32>
      %squeeze3A_1380 = vector.extract %slice3A_1379[0] : i32 from vector<1xi32>
      %shift_right_arithmetic3A_1381 = arith.constant 3 : i32
      %shift_right_arithmetic3A_1382 = arith.shrsi %squeeze3A_1380, %shift_right_arithmetic3A_1381 : i32
      %and3A_1383 = arith.constant 7 : i32
      %and3A_1384 = arith.andi %squeeze3A_1380, %and3A_1383 : i32
      %add3A_1385 = arith.constant 2 : i32
      %add3A_1386 = arith.addi %mul3A_39, %add3A_1385 : i32
      %dma_start3A_1387 = arith.constant 0 : i32
      %dma_start3A_1388 = tpu.memref_slice %arg11[%add3A_1386, %dma_start3A_1387] : memref<128x64xf32, #tpu.memory_space<vmem>> -> memref<1x64xf32, #tpu.memory_space<vmem>>
      %dma_start3A_1389 = tpu.memref_squeeze %dma_start3A_1388 : memref<1x64xf32, #tpu.memory_space<vmem>> -> memref<64xf32, #tpu.memory_space<vmem>>
      %dma_start3A_1390 = arith.constant 0 : i32
      %dma_start3A_1391 = tpu.memref_slice %arg3[%shift_right_arithmetic3A_1382, %and3A_1384, %dma_start3A_1390] : memref<125000x8x64xf32, #tpu.memory_space<hbm>> -> memref<1x1x64xf32, #tpu.memory_space<hbm>>
      %dma_start3A_1392 = tpu.memref_squeeze %dma_start3A_1391 : memref<1x1x64xf32, #tpu.memory_space<hbm>> -> memref<64xf32, #tpu.memory_space<hbm>>
      %dma_start3A_1393 = arith.constant 0 : i32
      %dma_start3A_1394 = tpu.memref_slice %arg11[%add3A_1386, %dma_start3A_1393] : memref<128x64xf32, #tpu.memory_space<vmem>> -> memref<1x64xf32, #tpu.memory_space<vmem>>
      %dma_start3A_1395 = tpu.memref_squeeze %dma_start3A_1394 : memref<1x64xf32, #tpu.memory_space<vmem>> -> memref<64xf32, #tpu.memory_space<vmem>>
      %dma_start3A_1396 = arith.constant 0 : i32
      %dma_start3A_1397 = tpu.memref_slice %arg3[%shift_right_arithmetic3A_1382, %and3A_1384, %dma_start3A_1396] : memref<125000x8x64xf32, #tpu.memory_space<hbm>> -> memref<1x1x64xf32, #tpu.memory_space<hbm>>
      %dma_start3A_1398 = tpu.memref_squeeze %dma_start3A_1397 : memref<1x1x64xf32, #tpu.memory_space<hbm>> -> memref<64xf32, #tpu.memory_space<hbm>>
      tpu.enqueue_dma source(%dma_start3A_1398 : memref<64xf32, #tpu.memory_space<hbm>>) target(%dma_start3A_1395 : memref<64xf32, #tpu.memory_space<vmem>>) target_semaphore(%arg14 : memref<!tpu.dma_semaphore, #tpu.memory_space<semaphore_mem>>)
      %slice3A_1399 = vector.extract_strided_slice %get3A_1338 {offsets = [3], sizes = [1], strides = [1]} : vector<16xi32> to vector<1xi32>
      %squeeze3A_1400 = vector.extract %slice3A_1399[0] : i32 from vector<1xi32>
      %shift_right_arithmetic3A_1401 = arith.constant 3 : i32
      %shift_right_arithmetic3A_1402 = arith.shrsi %squeeze3A_1400, %shift_right_arithmetic3A_1401 : i32
      %and3A_1403 = arith.constant 7 : i32
      %and3A_1404 = arith.andi %squeeze3A_1400, %and3A_1403 : i32
      %add3A_1405 = arith.constant 3 : i32
      %add3A_1406 = arith.addi %mul3A_39, %add3A_1405 : i32
      %dma_start3A_1407 = arith.constant 0 : i32
      %dma_start3A_1408 = tpu.memref_slice %arg11[%add3A_1406, %dma_start3A_1407] : memref<128x64xf32, #tpu.memory_space<vmem>> -> memref<1x64xf32, #tpu.memory_space<vmem>>
      %dma_start3A_1409 = tpu.memref_squeeze %dma_start3A_1408 : memref<1x64xf32, #tpu.memory_space<vmem>> -> memref<64xf32, #tpu.memory_space<vmem>>
      %dma_start3A_1410 = arith.constant 0 : i32
      %dma_start3A_1411 = tpu.memref_slice %arg3[%shift_right_arithmetic3A_1402, %and3A_1404, %dma_start3A_1410] : memref<125000x8x64xf32, #tpu.memory_space<hbm>> -> memref<1x1x64xf32, #tpu.memory_space<hbm>>
      %dma_start3A_1412 = tpu.memref_squeeze %dma_start3A_1411 : memref<1x1x64xf32, #tpu.memory_space<hbm>> -> memref<64xf32, #tpu.memory_space<hbm>>
      %dma_start3A_1413 = arith.constant 0 : i32
      %dma_start3A_1414 = tpu.memref_slice %arg11[%add3A_1406, %dma_start3A_1413] : memref<128x64xf32, #tpu.memory_space<vmem>> -> memref<1x64xf32, #tpu.memory_space<vmem>>
      %dma_start3A_1415 = tpu.memref_squeeze %dma_start3A_1414 : memref<1x64xf32, #tpu.memory_space<vmem>> -> memref<64xf32, #tpu.memory_space<vmem>>
      %dma_start3A_1416 = arith.constant 0 : i32
      %dma_start3A_1417 = tpu.memref_slice %arg3[%shift_right_arithmetic3A_1402, %and3A_1404, %dma_start3A_1416] : memref<125000x8x64xf32, #tpu.memory_space<hbm>> -> memref<1x1x64xf32, #tpu.memory_space<hbm>>
      %dma_start3A_1418 = tpu.memref_squeeze %dma_start3A_1417 : memref<1x1x64xf32, #tpu.memory_space<hbm>> -> memref<64xf32, #tpu.memory_space<hbm>>
      tpu.enqueue_dma source(%dma_start3A_1418 : memref<64xf32, #tpu.memory_space<hbm>>) target(%dma_start3A_1415 : memref<64xf32, #tpu.memory_space<vmem>>) target_semaphore(%arg14 : memref<!tpu.dma_semaphore, #tpu.memory_space<semaphore_mem>>)
      %slice3A_1419 = vector.extract_strided_slice %get3A_1338 {offsets = [4], sizes = [1], strides = [1]} : vector<16xi32> to vector<1xi32>
      %squeeze3A_1420 = vector.extract %slice3A_1419[0] : i32 from vector<1xi32>
      %shift_right_arithmetic3A_1421 = arith.constant 3 : i32
      %shift_right_arithmetic3A_1422 = arith.shrsi %squeeze3A_1420, %shift_right_arithmetic3A_1421 : i32
      %and3A_1423 = arith.constant 7 : i32
      %and3A_1424 = arith.andi %squeeze3A_1420, %and3A_1423 : i32
      %add3A_1425 = arith.constant 4 : i32
      %add3A_1426 = arith.addi %mul3A_39, %add3A_1425 : i32
      %dma_start3A_1427 = arith.constant 0 : i32
      %dma_start3A_1428 = tpu.memref_slice %arg11[%add3A_1426, %dma_start3A_1427] : memref<128x64xf32, #tpu.memory_space<vmem>> -> memref<1x64xf32, #tpu.memory_space<vmem>>
      %dma_start3A_1429 = tpu.memref_squeeze %dma_start3A_1428 : memref<1x64xf32, #tpu.memory_space<vmem>> -> memref<64xf32, #tpu.memory_space<vmem>>
      %dma_start3A_1430 = arith.constant 0 : i32
      %dma_start3A_1431 = tpu.memref_slice %arg3[%shift_right_arithmetic3A_1422, %and3A_1424, %dma_start3A_1430] : memref<125000x8x64xf32, #tpu.memory_space<hbm>> -> memref<1x1x64xf32, #tpu.memory_space<hbm>>
      %dma_start3A_1432 = tpu.memref_squeeze %dma_start3A_1431 : memref<1x1x64xf32, #tpu.memory_space<hbm>> -> memref<64xf32, #tpu.memory_space<hbm>>
      %dma_start3A_1433 = arith.constant 0 : i32
      %dma_start3A_1434 = tpu.memref_slice %arg11[%add3A_1426, %dma_start3A_1433] : memref<128x64xf32, #tpu.memory_space<vmem>> -> memref<1x64xf32, #tpu.memory_space<vmem>>
      %dma_start3A_1435 = tpu.memref_squeeze %dma_start3A_1434 : memref<1x64xf32, #tpu.memory_space<vmem>> -> memref<64xf32, #tpu.memory_space<vmem>>
      %dma_start3A_1436 = arith.constant 0 : i32
      %dma_start3A_1437 = tpu.memref_slice %arg3[%shift_right_arithmetic3A_1422, %and3A_1424, %dma_start3A_1436] : memref<125000x8x64xf32, #tpu.memory_space<hbm>> -> memref<1x1x64xf32, #tpu.memory_space<hbm>>
      %dma_start3A_1438 = tpu.memref_squeeze %dma_start3A_1437 : memref<1x1x64xf32, #tpu.memory_space<hbm>> -> memref<64xf32, #tpu.memory_space<hbm>>
      tpu.enqueue_dma source(%dma_start3A_1438 : memref<64xf32, #tpu.memory_space<hbm>>) target(%dma_start3A_1435 : memref<64xf32, #tpu.memory_space<vmem>>) target_semaphore(%arg14 : memref<!tpu.dma_semaphore, #tpu.memory_space<semaphore_mem>>)
      %slice3A_1439 = vector.extract_strided_slice %get3A_1338 {offsets = [5], sizes = [1], strides = [1]} : vector<16xi32> to vector<1xi32>
      %squeeze3A_1440 = vector.extract %slice3A_1439[0] : i32 from vector<1xi32>
      %shift_right_arithmetic3A_1441 = arith.constant 3 : i32
      %shift_right_arithmetic3A_1442 = arith.shrsi %squeeze3A_1440, %shift_right_arithmetic3A_1441 : i32
      %and3A_1443 = arith.constant 7 : i32
      %and3A_1444 = arith.andi %squeeze3A_1440, %and3A_1443 : i32
      %add3A_1445 = arith.constant 5 : i32
      %add3A_1446 = arith.addi %mul3A_39, %add3A_1445 : i32
      %dma_start3A_1447 = arith.constant 0 : i32
      %dma_start3A_1448 = tpu.memref_slice %arg11[%add3A_1446, %dma_start3A_1447] : memref<128x64xf32, #tpu.memory_space<vmem>> -> memref<1x64xf32, #tpu.memory_space<vmem>>
      %dma_start3A_1449 = tpu.memref_squeeze %dma_start3A_1448 : memref<1x64xf32, #tpu.memory_space<vmem>> -> memref<64xf32, #tpu.memory_space<vmem>>
      %dma_start3A_1450 = arith.constant 0 : i32
      %dma_start3A_1451 = tpu.memref_slice %arg3[%shift_right_arithmetic3A_1442, %and3A_1444, %dma_start3A_1450] : memref<125000x8x64xf32, #tpu.memory_space<hbm>> -> memref<1x1x64xf32, #tpu.memory_space<hbm>>
      %dma_start3A_1452 = tpu.memref_squeeze %dma_start3A_1451 : memref<1x1x64xf32, #tpu.memory_space<hbm>> -> memref<64xf32, #tpu.memory_space<hbm>>
      %dma_start3A_1453 = arith.constant 0 : i32
      %dma_start3A_1454 = tpu.memref_slice %arg11[%add3A_1446, %dma_start3A_1453] : memref<128x64xf32, #tpu.memory_space<vmem>> -> memref<1x64xf32, #tpu.memory_space<vmem>>
      %dma_start3A_1455 = tpu.memref_squeeze %dma_start3A_1454 : memref<1x64xf32, #tpu.memory_space<vmem>> -> memref<64xf32, #tpu.memory_space<vmem>>
      %dma_start3A_1456 = arith.constant 0 : i32
      %dma_start3A_1457 = tpu.memref_slice %arg3[%shift_right_arithmetic3A_1442, %and3A_1444, %dma_start3A_1456] : memref<125000x8x64xf32, #tpu.memory_space<hbm>> -> memref<1x1x64xf32, #tpu.memory_space<hbm>>
      %dma_start3A_1458 = tpu.memref_squeeze %dma_start3A_1457 : memref<1x1x64xf32, #tpu.memory_space<hbm>> -> memref<64xf32, #tpu.memory_space<hbm>>
      tpu.enqueue_dma source(%dma_start3A_1458 : memref<64xf32, #tpu.memory_space<hbm>>) target(%dma_start3A_1455 : memref<64xf32, #tpu.memory_space<vmem>>) target_semaphore(%arg14 : memref<!tpu.dma_semaphore, #tpu.memory_space<semaphore_mem>>)
      %slice3A_1459 = vector.extract_strided_slice %get3A_1338 {offsets = [6], sizes = [1], strides = [1]} : vector<16xi32> to vector<1xi32>
      %squeeze3A_1460 = vector.extract %slice3A_1459[0] : i32 from vector<1xi32>
      %shift_right_arithmetic3A_1461 = arith.constant 3 : i32
      %shift_right_arithmetic3A_1462 = arith.shrsi %squeeze3A_1460, %shift_right_arithmetic3A_1461 : i32
      %and3A_1463 = arith.constant 7 : i32
      %and3A_1464 = arith.andi %squeeze3A_1460, %and3A_1463 : i32
      %add3A_1465 = arith.constant 6 : i32
      %add3A_1466 = arith.addi %mul3A_39, %add3A_1465 : i32
      %dma_start3A_1467 = arith.constant 0 : i32
      %dma_start3A_1468 = tpu.memref_slice %arg11[%add3A_1466, %dma_start3A_1467] : memref<128x64xf32, #tpu.memory_space<vmem>> -> memref<1x64xf32, #tpu.memory_space<vmem>>
      %dma_start3A_1469 = tpu.memref_squeeze %dma_start3A_1468 : memref<1x64xf32, #tpu.memory_space<vmem>> -> memref<64xf32, #tpu.memory_space<vmem>>
      %dma_start3A_1470 = arith.constant 0 : i32
      %dma_start3A_1471 = tpu.memref_slice %arg3[%shift_right_arithmetic3A_1462, %and3A_1464, %dma_start3A_1470] : memref<125000x8x64xf32, #tpu.memory_space<hbm>> -> memref<1x1x64xf32, #tpu.memory_space<hbm>>
      %dma_start3A_1472 = tpu.memref_squeeze %dma_start3A_1471 : memref<1x1x64xf32, #tpu.memory_space<hbm>> -> memref<64xf32, #tpu.memory_space<hbm>>
      %dma_start3A_1473 = arith.constant 0 : i32
      %dma_start3A_1474 = tpu.memref_slice %arg11[%add3A_1466, %dma_start3A_1473] : memref<128x64xf32, #tpu.memory_space<vmem>> -> memref<1x64xf32, #tpu.memory_space<vmem>>
      %dma_start3A_1475 = tpu.memref_squeeze %dma_start3A_1474 : memref<1x64xf32, #tpu.memory_space<vmem>> -> memref<64xf32, #tpu.memory_space<vmem>>
      %dma_start3A_1476 = arith.constant 0 : i32
      %dma_start3A_1477 = tpu.memref_slice %arg3[%shift_right_arithmetic3A_1462, %and3A_1464, %dma_start3A_1476] : memref<125000x8x64xf32, #tpu.memory_space<hbm>> -> memref<1x1x64xf32, #tpu.memory_space<hbm>>
      %dma_start3A_1478 = tpu.memref_squeeze %dma_start3A_1477 : memref<1x1x64xf32, #tpu.memory_space<hbm>> -> memref<64xf32, #tpu.memory_space<hbm>>
      tpu.enqueue_dma source(%dma_start3A_1478 : memref<64xf32, #tpu.memory_space<hbm>>) target(%dma_start3A_1475 : memref<64xf32, #tpu.memory_space<vmem>>) target_semaphore(%arg14 : memref<!tpu.dma_semaphore, #tpu.memory_space<semaphore_mem>>)
      %slice3A_1479 = vector.extract_strided_slice %get3A_1338 {offsets = [7], sizes = [1], strides = [1]} : vector<16xi32> to vector<1xi32>
      %squeeze3A_1480 = vector.extract %slice3A_1479[0] : i32 from vector<1xi32>
      %shift_right_arithmetic3A_1481 = arith.constant 3 : i32
      %shift_right_arithmetic3A_1482 = arith.shrsi %squeeze3A_1480, %shift_right_arithmetic3A_1481 : i32
      %and3A_1483 = arith.constant 7 : i32
      %and3A_1484 = arith.andi %squeeze3A_1480, %and3A_1483 : i32
      %add3A_1485 = arith.constant 7 : i32
      %add3A_1486 = arith.addi %mul3A_39, %add3A_1485 : i32
      %dma_start3A_1487 = arith.constant 0 : i32
      %dma_start3A_1488 = tpu.memref_slice %arg11[%add3A_1486, %dma_start3A_1487] : memref<128x64xf32, #tpu.memory_space<vmem>> -> memref<1x64xf32, #tpu.memory_space<vmem>>
      %dma_start3A_1489 = tpu.memref_squeeze %dma_start3A_1488 : memref<1x64xf32, #tpu.memory_space<vmem>> -> memref<64xf32, #tpu.memory_space<vmem>>
      %dma_start3A_1490 = arith.constant 0 : i32
      %dma_start3A_1491 = tpu.memref_slice %arg3[%shift_right_arithmetic3A_1482, %and3A_1484, %dma_start3A_1490] : memref<125000x8x64xf32, #tpu.memory_space<hbm>> -> memref<1x1x64xf32, #tpu.memory_space<hbm>>
      %dma_start3A_1492 = tpu.memref_squeeze %dma_start3A_1491 : memref<1x1x64xf32, #tpu.memory_space<hbm>> -> memref<64xf32, #tpu.memory_space<hbm>>
      %dma_start3A_1493 = arith.constant 0 : i32
      %dma_start3A_1494 = tpu.memref_slice %arg11[%add3A_1486, %dma_start3A_1493] : memref<128x64xf32, #tpu.memory_space<vmem>> -> memref<1x64xf32, #tpu.memory_space<vmem>>
      %dma_start3A_1495 = tpu.memref_squeeze %dma_start3A_1494 : memref<1x64xf32, #tpu.memory_space<vmem>> -> memref<64xf32, #tpu.memory_space<vmem>>
      %dma_start3A_1496 = arith.constant 0 : i32
      %dma_start3A_1497 = tpu.memref_slice %arg3[%shift_right_arithmetic3A_1482, %and3A_1484, %dma_start3A_1496] : memref<125000x8x64xf32, #tpu.memory_space<hbm>> -> memref<1x1x64xf32, #tpu.memory_space<hbm>>
      %dma_start3A_1498 = tpu.memref_squeeze %dma_start3A_1497 : memref<1x1x64xf32, #tpu.memory_space<hbm>> -> memref<64xf32, #tpu.memory_space<hbm>>
      tpu.enqueue_dma source(%dma_start3A_1498 : memref<64xf32, #tpu.memory_space<hbm>>) target(%dma_start3A_1495 : memref<64xf32, #tpu.memory_space<vmem>>) target_semaphore(%arg14 : memref<!tpu.dma_semaphore, #tpu.memory_space<semaphore_mem>>)
      %slice3A_1499 = vector.extract_strided_slice %get3A_1338 {offsets = [8], sizes = [1], strides = [1]} : vector<16xi32> to vector<1xi32>
      %squeeze3A_1500 = vector.extract %slice3A_1499[0] : i32 from vector<1xi32>
      %shift_right_arithmetic3A_1501 = arith.constant 3 : i32
      %shift_right_arithmetic3A_1502 = arith.shrsi %squeeze3A_1500, %shift_right_arithmetic3A_1501 : i32
      %and3A_1503 = arith.constant 7 : i32
      %and3A_1504 = arith.andi %squeeze3A_1500, %and3A_1503 : i32
      %add3A_1505 = arith.constant 8 : i32
      %add3A_1506 = arith.addi %mul3A_39, %add3A_1505 : i32
      %dma_start3A_1507 = arith.constant 0 : i32
      %dma_start3A_1508 = tpu.memref_slice %arg11[%add3A_1506, %dma_start3A_1507] : memref<128x64xf32, #tpu.memory_space<vmem>> -> memref<1x64xf32, #tpu.memory_space<vmem>>
      %dma_start3A_1509 = tpu.memref_squeeze %dma_start3A_1508 : memref<1x64xf32, #tpu.memory_space<vmem>> -> memref<64xf32, #tpu.memory_space<vmem>>
      %dma_start3A_1510 = arith.constant 0 : i32
      %dma_start3A_1511 = tpu.memref_slice %arg3[%shift_right_arithmetic3A_1502, %and3A_1504, %dma_start3A_1510] : memref<125000x8x64xf32, #tpu.memory_space<hbm>> -> memref<1x1x64xf32, #tpu.memory_space<hbm>>
      %dma_start3A_1512 = tpu.memref_squeeze %dma_start3A_1511 : memref<1x1x64xf32, #tpu.memory_space<hbm>> -> memref<64xf32, #tpu.memory_space<hbm>>
      %dma_start3A_1513 = arith.constant 0 : i32
      %dma_start3A_1514 = tpu.memref_slice %arg11[%add3A_1506, %dma_start3A_1513] : memref<128x64xf32, #tpu.memory_space<vmem>> -> memref<1x64xf32, #tpu.memory_space<vmem>>
      %dma_start3A_1515 = tpu.memref_squeeze %dma_start3A_1514 : memref<1x64xf32, #tpu.memory_space<vmem>> -> memref<64xf32, #tpu.memory_space<vmem>>
      %dma_start3A_1516 = arith.constant 0 : i32
      %dma_start3A_1517 = tpu.memref_slice %arg3[%shift_right_arithmetic3A_1502, %and3A_1504, %dma_start3A_1516] : memref<125000x8x64xf32, #tpu.memory_space<hbm>> -> memref<1x1x64xf32, #tpu.memory_space<hbm>>
      %dma_start3A_1518 = tpu.memref_squeeze %dma_start3A_1517 : memref<1x1x64xf32, #tpu.memory_space<hbm>> -> memref<64xf32, #tpu.memory_space<hbm>>
      tpu.enqueue_dma source(%dma_start3A_1518 : memref<64xf32, #tpu.memory_space<hbm>>) target(%dma_start3A_1515 : memref<64xf32, #tpu.memory_space<vmem>>) target_semaphore(%arg14 : memref<!tpu.dma_semaphore, #tpu.memory_space<semaphore_mem>>)
      %slice3A_1519 = vector.extract_strided_slice %get3A_1338 {offsets = [9], sizes = [1], strides = [1]} : vector<16xi32> to vector<1xi32>
      %squeeze3A_1520 = vector.extract %slice3A_1519[0] : i32 from vector<1xi32>
      %shift_right_arithmetic3A_1521 = arith.constant 3 : i32
      %shift_right_arithmetic3A_1522 = arith.shrsi %squeeze3A_1520, %shift_right_arithmetic3A_1521 : i32
      %and3A_1523 = arith.constant 7 : i32
      %and3A_1524 = arith.andi %squeeze3A_1520, %and3A_1523 : i32
      %add3A_1525 = arith.constant 9 : i32
      %add3A_1526 = arith.addi %mul3A_39, %add3A_1525 : i32
      %dma_start3A_1527 = arith.constant 0 : i32
      %dma_start3A_1528 = tpu.memref_slice %arg11[%add3A_1526, %dma_start3A_1527] : memref<128x64xf32, #tpu.memory_space<vmem>> -> memref<1x64xf32, #tpu.memory_space<vmem>>
      %dma_start3A_1529 = tpu.memref_squeeze %dma_start3A_1528 : memref<1x64xf32, #tpu.memory_space<vmem>> -> memref<64xf32, #tpu.memory_space<vmem>>
      %dma_start3A_1530 = arith.constant 0 : i32
      %dma_start3A_1531 = tpu.memref_slice %arg3[%shift_right_arithmetic3A_1522, %and3A_1524, %dma_start3A_1530] : memref<125000x8x64xf32, #tpu.memory_space<hbm>> -> memref<1x1x64xf32, #tpu.memory_space<hbm>>
      %dma_start3A_1532 = tpu.memref_squeeze %dma_start3A_1531 : memref<1x1x64xf32, #tpu.memory_space<hbm>> -> memref<64xf32, #tpu.memory_space<hbm>>
      %dma_start3A_1533 = arith.constant 0 : i32
      %dma_start3A_1534 = tpu.memref_slice %arg11[%add3A_1526, %dma_start3A_1533] : memref<128x64xf32, #tpu.memory_space<vmem>> -> memref<1x64xf32, #tpu.memory_space<vmem>>
      %dma_start3A_1535 = tpu.memref_squeeze %dma_start3A_1534 : memref<1x64xf32, #tpu.memory_space<vmem>> -> memref<64xf32, #tpu.memory_space<vmem>>
      %dma_start3A_1536 = arith.constant 0 : i32
      %dma_start3A_1537 = tpu.memref_slice %arg3[%shift_right_arithmetic3A_1522, %and3A_1524, %dma_start3A_1536] : memref<125000x8x64xf32, #tpu.memory_space<hbm>> -> memref<1x1x64xf32, #tpu.memory_space<hbm>>
      %dma_start3A_1538 = tpu.memref_squeeze %dma_start3A_1537 : memref<1x1x64xf32, #tpu.memory_space<hbm>> -> memref<64xf32, #tpu.memory_space<hbm>>
      tpu.enqueue_dma source(%dma_start3A_1538 : memref<64xf32, #tpu.memory_space<hbm>>) target(%dma_start3A_1535 : memref<64xf32, #tpu.memory_space<vmem>>) target_semaphore(%arg14 : memref<!tpu.dma_semaphore, #tpu.memory_space<semaphore_mem>>)
      %slice3A_1539 = vector.extract_strided_slice %get3A_1338 {offsets = [10], sizes = [1], strides = [1]} : vector<16xi32> to vector<1xi32>
      %squeeze3A_1540 = vector.extract %slice3A_1539[0] : i32 from vector<1xi32>
      %shift_right_arithmetic3A_1541 = arith.constant 3 : i32
      %shift_right_arithmetic3A_1542 = arith.shrsi %squeeze3A_1540, %shift_right_arithmetic3A_1541 : i32
      %and3A_1543 = arith.constant 7 : i32
      %and3A_1544 = arith.andi %squeeze3A_1540, %and3A_1543 : i32
      %add3A_1545 = arith.constant 10 : i32
      %add3A_1546 = arith.addi %mul3A_39, %add3A_1545 : i32
      %dma_start3A_1547 = arith.constant 0 : i32
      %dma_start3A_1548 = tpu.memref_slice %arg11[%add3A_1546, %dma_start3A_1547] : memref<128x64xf32, #tpu.memory_space<vmem>> -> memref<1x64xf32, #tpu.memory_space<vmem>>
      %dma_start3A_1549 = tpu.memref_squeeze %dma_start3A_1548 : memref<1x64xf32, #tpu.memory_space<vmem>> -> memref<64xf32, #tpu.memory_space<vmem>>
      %dma_start3A_1550 = arith.constant 0 : i32
      %dma_start3A_1551 = tpu.memref_slice %arg3[%shift_right_arithmetic3A_1542, %and3A_1544, %dma_start3A_1550] : memref<125000x8x64xf32, #tpu.memory_space<hbm>> -> memref<1x1x64xf32, #tpu.memory_space<hbm>>
      %dma_start3A_1552 = tpu.memref_squeeze %dma_start3A_1551 : memref<1x1x64xf32, #tpu.memory_space<hbm>> -> memref<64xf32, #tpu.memory_space<hbm>>
      %dma_start3A_1553 = arith.constant 0 : i32
      %dma_start3A_1554 = tpu.memref_slice %arg11[%add3A_1546, %dma_start3A_1553] : memref<128x64xf32, #tpu.memory_space<vmem>> -> memref<1x64xf32, #tpu.memory_space<vmem>>
      %dma_start3A_1555 = tpu.memref_squeeze %dma_start3A_1554 : memref<1x64xf32, #tpu.memory_space<vmem>> -> memref<64xf32, #tpu.memory_space<vmem>>
      %dma_start3A_1556 = arith.constant 0 : i32
      %dma_start3A_1557 = tpu.memref_slice %arg3[%shift_right_arithmetic3A_1542, %and3A_1544, %dma_start3A_1556] : memref<125000x8x64xf32, #tpu.memory_space<hbm>> -> memref<1x1x64xf32, #tpu.memory_space<hbm>>
      %dma_start3A_1558 = tpu.memref_squeeze %dma_start3A_1557 : memref<1x1x64xf32, #tpu.memory_space<hbm>> -> memref<64xf32, #tpu.memory_space<hbm>>
      tpu.enqueue_dma source(%dma_start3A_1558 : memref<64xf32, #tpu.memory_space<hbm>>) target(%dma_start3A_1555 : memref<64xf32, #tpu.memory_space<vmem>>) target_semaphore(%arg14 : memref<!tpu.dma_semaphore, #tpu.memory_space<semaphore_mem>>)
      %slice3A_1559 = vector.extract_strided_slice %get3A_1338 {offsets = [11], sizes = [1], strides = [1]} : vector<16xi32> to vector<1xi32>
      %squeeze3A_1560 = vector.extract %slice3A_1559[0] : i32 from vector<1xi32>
      %shift_right_arithmetic3A_1561 = arith.constant 3 : i32
      %shift_right_arithmetic3A_1562 = arith.shrsi %squeeze3A_1560, %shift_right_arithmetic3A_1561 : i32
      %and3A_1563 = arith.constant 7 : i32
      %and3A_1564 = arith.andi %squeeze3A_1560, %and3A_1563 : i32
      %add3A_1565 = arith.constant 11 : i32
      %add3A_1566 = arith.addi %mul3A_39, %add3A_1565 : i32
      %dma_start3A_1567 = arith.constant 0 : i32
      %dma_start3A_1568 = tpu.memref_slice %arg11[%add3A_1566, %dma_start3A_1567] : memref<128x64xf32, #tpu.memory_space<vmem>> -> memref<1x64xf32, #tpu.memory_space<vmem>>
      %dma_start3A_1569 = tpu.memref_squeeze %dma_start3A_1568 : memref<1x64xf32, #tpu.memory_space<vmem>> -> memref<64xf32, #tpu.memory_space<vmem>>
      %dma_start3A_1570 = arith.constant 0 : i32
      %dma_start3A_1571 = tpu.memref_slice %arg3[%shift_right_arithmetic3A_1562, %and3A_1564, %dma_start3A_1570] : memref<125000x8x64xf32, #tpu.memory_space<hbm>> -> memref<1x1x64xf32, #tpu.memory_space<hbm>>
      %dma_start3A_1572 = tpu.memref_squeeze %dma_start3A_1571 : memref<1x1x64xf32, #tpu.memory_space<hbm>> -> memref<64xf32, #tpu.memory_space<hbm>>
      %dma_start3A_1573 = arith.constant 0 : i32
      %dma_start3A_1574 = tpu.memref_slice %arg11[%add3A_1566, %dma_start3A_1573] : memref<128x64xf32, #tpu.memory_space<vmem>> -> memref<1x64xf32, #tpu.memory_space<vmem>>
      %dma_start3A_1575 = tpu.memref_squeeze %dma_start3A_1574 : memref<1x64xf32, #tpu.memory_space<vmem>> -> memref<64xf32, #tpu.memory_space<vmem>>
      %dma_start3A_1576 = arith.constant 0 : i32
      %dma_start3A_1577 = tpu.memref_slice %arg3[%shift_right_arithmetic3A_1562, %and3A_1564, %dma_start3A_1576] : memref<125000x8x64xf32, #tpu.memory_space<hbm>> -> memref<1x1x64xf32, #tpu.memory_space<hbm>>
      %dma_start3A_1578 = tpu.memref_squeeze %dma_start3A_1577 : memref<1x1x64xf32, #tpu.memory_space<hbm>> -> memref<64xf32, #tpu.memory_space<hbm>>
      tpu.enqueue_dma source(%dma_start3A_1578 : memref<64xf32, #tpu.memory_space<hbm>>) target(%dma_start3A_1575 : memref<64xf32, #tpu.memory_space<vmem>>) target_semaphore(%arg14 : memref<!tpu.dma_semaphore, #tpu.memory_space<semaphore_mem>>)
      %slice3A_1579 = vector.extract_strided_slice %get3A_1338 {offsets = [12], sizes = [1], strides = [1]} : vector<16xi32> to vector<1xi32>
      %squeeze3A_1580 = vector.extract %slice3A_1579[0] : i32 from vector<1xi32>
      %shift_right_arithmetic3A_1581 = arith.constant 3 : i32
      %shift_right_arithmetic3A_1582 = arith.shrsi %squeeze3A_1580, %shift_right_arithmetic3A_1581 : i32
      %and3A_1583 = arith.constant 7 : i32
      %and3A_1584 = arith.andi %squeeze3A_1580, %and3A_1583 : i32
      %add3A_1585 = arith.constant 12 : i32
      %add3A_1586 = arith.addi %mul3A_39, %add3A_1585 : i32
      %dma_start3A_1587 = arith.constant 0 : i32
      %dma_start3A_1588 = tpu.memref_slice %arg11[%add3A_1586, %dma_start3A_1587] : memref<128x64xf32, #tpu.memory_space<vmem>> -> memref<1x64xf32, #tpu.memory_space<vmem>>
      %dma_start3A_1589 = tpu.memref_squeeze %dma_start3A_1588 : memref<1x64xf32, #tpu.memory_space<vmem>> -> memref<64xf32, #tpu.memory_space<vmem>>
      %dma_start3A_1590 = arith.constant 0 : i32
      %dma_start3A_1591 = tpu.memref_slice %arg3[%shift_right_arithmetic3A_1582, %and3A_1584, %dma_start3A_1590] : memref<125000x8x64xf32, #tpu.memory_space<hbm>> -> memref<1x1x64xf32, #tpu.memory_space<hbm>>
      %dma_start3A_1592 = tpu.memref_squeeze %dma_start3A_1591 : memref<1x1x64xf32, #tpu.memory_space<hbm>> -> memref<64xf32, #tpu.memory_space<hbm>>
      %dma_start3A_1593 = arith.constant 0 : i32
      %dma_start3A_1594 = tpu.memref_slice %arg11[%add3A_1586, %dma_start3A_1593] : memref<128x64xf32, #tpu.memory_space<vmem>> -> memref<1x64xf32, #tpu.memory_space<vmem>>
      %dma_start3A_1595 = tpu.memref_squeeze %dma_start3A_1594 : memref<1x64xf32, #tpu.memory_space<vmem>> -> memref<64xf32, #tpu.memory_space<vmem>>
      %dma_start3A_1596 = arith.constant 0 : i32
      %dma_start3A_1597 = tpu.memref_slice %arg3[%shift_right_arithmetic3A_1582, %and3A_1584, %dma_start3A_1596] : memref<125000x8x64xf32, #tpu.memory_space<hbm>> -> memref<1x1x64xf32, #tpu.memory_space<hbm>>
      %dma_start3A_1598 = tpu.memref_squeeze %dma_start3A_1597 : memref<1x1x64xf32, #tpu.memory_space<hbm>> -> memref<64xf32, #tpu.memory_space<hbm>>
      tpu.enqueue_dma source(%dma_start3A_1598 : memref<64xf32, #tpu.memory_space<hbm>>) target(%dma_start3A_1595 : memref<64xf32, #tpu.memory_space<vmem>>) target_semaphore(%arg14 : memref<!tpu.dma_semaphore, #tpu.memory_space<semaphore_mem>>)
      %slice3A_1599 = vector.extract_strided_slice %get3A_1338 {offsets = [13], sizes = [1], strides = [1]} : vector<16xi32> to vector<1xi32>
      %squeeze3A_1600 = vector.extract %slice3A_1599[0] : i32 from vector<1xi32>
      %shift_right_arithmetic3A_1601 = arith.constant 3 : i32
      %shift_right_arithmetic3A_1602 = arith.shrsi %squeeze3A_1600, %shift_right_arithmetic3A_1601 : i32
      %and3A_1603 = arith.constant 7 : i32
      %and3A_1604 = arith.andi %squeeze3A_1600, %and3A_1603 : i32
      %add3A_1605 = arith.constant 13 : i32
      %add3A_1606 = arith.addi %mul3A_39, %add3A_1605 : i32
      %dma_start3A_1607 = arith.constant 0 : i32
      %dma_start3A_1608 = tpu.memref_slice %arg11[%add3A_1606, %dma_start3A_1607] : memref<128x64xf32, #tpu.memory_space<vmem>> -> memref<1x64xf32, #tpu.memory_space<vmem>>
      %dma_start3A_1609 = tpu.memref_squeeze %dma_start3A_1608 : memref<1x64xf32, #tpu.memory_space<vmem>> -> memref<64xf32, #tpu.memory_space<vmem>>
      %dma_start3A_1610 = arith.constant 0 : i32
      %dma_start3A_1611 = tpu.memref_slice %arg3[%shift_right_arithmetic3A_1602, %and3A_1604, %dma_start3A_1610] : memref<125000x8x64xf32, #tpu.memory_space<hbm>> -> memref<1x1x64xf32, #tpu.memory_space<hbm>>
      %dma_start3A_1612 = tpu.memref_squeeze %dma_start3A_1611 : memref<1x1x64xf32, #tpu.memory_space<hbm>> -> memref<64xf32, #tpu.memory_space<hbm>>
      %dma_start3A_1613 = arith.constant 0 : i32
      %dma_start3A_1614 = tpu.memref_slice %arg11[%add3A_1606, %dma_start3A_1613] : memref<128x64xf32, #tpu.memory_space<vmem>> -> memref<1x64xf32, #tpu.memory_space<vmem>>
      %dma_start3A_1615 = tpu.memref_squeeze %dma_start3A_1614 : memref<1x64xf32, #tpu.memory_space<vmem>> -> memref<64xf32, #tpu.memory_space<vmem>>
      %dma_start3A_1616 = arith.constant 0 : i32
      %dma_start3A_1617 = tpu.memref_slice %arg3[%shift_right_arithmetic3A_1602, %and3A_1604, %dma_start3A_1616] : memref<125000x8x64xf32, #tpu.memory_space<hbm>> -> memref<1x1x64xf32, #tpu.memory_space<hbm>>
      %dma_start3A_1618 = tpu.memref_squeeze %dma_start3A_1617 : memref<1x1x64xf32, #tpu.memory_space<hbm>> -> memref<64xf32, #tpu.memory_space<hbm>>
      tpu.enqueue_dma source(%dma_start3A_1618 : memref<64xf32, #tpu.memory_space<hbm>>) target(%dma_start3A_1615 : memref<64xf32, #tpu.memory_space<vmem>>) target_semaphore(%arg14 : memref<!tpu.dma_semaphore, #tpu.memory_space<semaphore_mem>>)
      %slice3A_1619 = vector.extract_strided_slice %get3A_1338 {offsets = [14], sizes = [1], strides = [1]} : vector<16xi32> to vector<1xi32>
      %squeeze3A_1620 = vector.extract %slice3A_1619[0] : i32 from vector<1xi32>
      %shift_right_arithmetic3A_1621 = arith.constant 3 : i32
      %shift_right_arithmetic3A_1622 = arith.shrsi %squeeze3A_1620, %shift_right_arithmetic3A_1621 : i32
      %and3A_1623 = arith.constant 7 : i32
      %and3A_1624 = arith.andi %squeeze3A_1620, %and3A_1623 : i32
      %add3A_1625 = arith.constant 14 : i32
      %add3A_1626 = arith.addi %mul3A_39, %add3A_1625 : i32
      %dma_start3A_1627 = arith.constant 0 : i32
      %dma_start3A_1628 = tpu.memref_slice %arg11[%add3A_1626, %dma_start3A_1627] : memref<128x64xf32, #tpu.memory_space<vmem>> -> memref<1x64xf32, #tpu.memory_space<vmem>>
      %dma_start3A_1629 = tpu.memref_squeeze %dma_start3A_1628 : memref<1x64xf32, #tpu.memory_space<vmem>> -> memref<64xf32, #tpu.memory_space<vmem>>
      %dma_start3A_1630 = arith.constant 0 : i32
      %dma_start3A_1631 = tpu.memref_slice %arg3[%shift_right_arithmetic3A_1622, %and3A_1624, %dma_start3A_1630] : memref<125000x8x64xf32, #tpu.memory_space<hbm>> -> memref<1x1x64xf32, #tpu.memory_space<hbm>>
      %dma_start3A_1632 = tpu.memref_squeeze %dma_start3A_1631 : memref<1x1x64xf32, #tpu.memory_space<hbm>> -> memref<64xf32, #tpu.memory_space<hbm>>
      %dma_start3A_1633 = arith.constant 0 : i32
      %dma_start3A_1634 = tpu.memref_slice %arg11[%add3A_1626, %dma_start3A_1633] : memref<128x64xf32, #tpu.memory_space<vmem>> -> memref<1x64xf32, #tpu.memory_space<vmem>>
      %dma_start3A_1635 = tpu.memref_squeeze %dma_start3A_1634 : memref<1x64xf32, #tpu.memory_space<vmem>> -> memref<64xf32, #tpu.memory_space<vmem>>
      %dma_start3A_1636 = arith.constant 0 : i32
      %dma_start3A_1637 = tpu.memref_slice %arg3[%shift_right_arithmetic3A_1622, %and3A_1624, %dma_start3A_1636] : memref<125000x8x64xf32, #tpu.memory_space<hbm>> -> memref<1x1x64xf32, #tpu.memory_space<hbm>>
      %dma_start3A_1638 = tpu.memref_squeeze %dma_start3A_1637 : memref<1x1x64xf32, #tpu.memory_space<hbm>> -> memref<64xf32, #tpu.memory_space<hbm>>
      tpu.enqueue_dma source(%dma_start3A_1638 : memref<64xf32, #tpu.memory_space<hbm>>) target(%dma_start3A_1635 : memref<64xf32, #tpu.memory_space<vmem>>) target_semaphore(%arg14 : memref<!tpu.dma_semaphore, #tpu.memory_space<semaphore_mem>>)
      %slice3A_1639 = vector.extract_strided_slice %get3A_1338 {offsets = [15], sizes = [1], strides = [1]} : vector<16xi32> to vector<1xi32>
      %squeeze3A_1640 = vector.extract %slice3A_1639[0] : i32 from vector<1xi32>
      %shift_right_arithmetic3A_1641 = arith.constant 3 : i32
      %shift_right_arithmetic3A_1642 = arith.shrsi %squeeze3A_1640, %shift_right_arithmetic3A_1641 : i32
      %and3A_1643 = arith.constant 7 : i32
      %and3A_1644 = arith.andi %squeeze3A_1640, %and3A_1643 : i32
      %add3A_1645 = arith.constant 15 : i32
      %add3A_1646 = arith.addi %mul3A_39, %add3A_1645 : i32
      %dma_start3A_1647 = arith.constant 0 : i32
      %dma_start3A_1648 = tpu.memref_slice %arg11[%add3A_1646, %dma_start3A_1647] : memref<128x64xf32, #tpu.memory_space<vmem>> -> memref<1x64xf32, #tpu.memory_space<vmem>>
      %dma_start3A_1649 = tpu.memref_squeeze %dma_start3A_1648 : memref<1x64xf32, #tpu.memory_space<vmem>> -> memref<64xf32, #tpu.memory_space<vmem>>
      %dma_start3A_1650 = arith.constant 0 : i32
      %dma_start3A_1651 = tpu.memref_slice %arg3[%shift_right_arithmetic3A_1642, %and3A_1644, %dma_start3A_1650] : memref<125000x8x64xf32, #tpu.memory_space<hbm>> -> memref<1x1x64xf32, #tpu.memory_space<hbm>>
      %dma_start3A_1652 = tpu.memref_squeeze %dma_start3A_1651 : memref<1x1x64xf32, #tpu.memory_space<hbm>> -> memref<64xf32, #tpu.memory_space<hbm>>
      %dma_start3A_1653 = arith.constant 0 : i32
      %dma_start3A_1654 = tpu.memref_slice %arg11[%add3A_1646, %dma_start3A_1653] : memref<128x64xf32, #tpu.memory_space<vmem>> -> memref<1x64xf32, #tpu.memory_space<vmem>>
      %dma_start3A_1655 = tpu.memref_squeeze %dma_start3A_1654 : memref<1x64xf32, #tpu.memory_space<vmem>> -> memref<64xf32, #tpu.memory_space<vmem>>
      %dma_start3A_1656 = arith.constant 0 : i32
      %dma_start3A_1657 = tpu.memref_slice %arg3[%shift_right_arithmetic3A_1642, %and3A_1644, %dma_start3A_1656] : memref<125000x8x64xf32, #tpu.memory_space<hbm>> -> memref<1x1x64xf32, #tpu.memory_space<hbm>>
      %dma_start3A_1658 = tpu.memref_squeeze %dma_start3A_1657 : memref<1x1x64xf32, #tpu.memory_space<hbm>> -> memref<64xf32, #tpu.memory_space<hbm>>
      tpu.enqueue_dma source(%dma_start3A_1658 : memref<64xf32, #tpu.memory_space<hbm>>) target(%dma_start3A_1655 : memref<64xf32, #tpu.memory_space<vmem>>) target_semaphore(%arg14 : memref<!tpu.dma_semaphore, #tpu.memory_space<semaphore_mem>>)
      %get3A_1659 = arith.constant 5 : i32
      %get3A_1660 = arith.index_cast %get3A_1659 : i32 to index
      %get3A_1661 = arith.index_cast %mul3A_39 : i32 to index
      %get3A_1662 = tpu.vector_load %arg6[%get3A_1660, %get3A_1661] {strides = array<i32>} : memref<6x128xi32, #tpu.memory_space<vmem>>, vector<1x16xi32>,
      %get3A_1663 = vector.shape_cast %get3A_1662 : vector<1x16xi32> to vector<16xi32>
      %slice3A_1664 = vector.extract_strided_slice %get3A_1663 {offsets = [0], sizes = [1], strides = [1]} : vector<16xi32> to vector<1xi32>
      %squeeze3A_1665 = vector.extract %slice3A_1664[0] : i32 from vector<1xi32>
      %shift_right_arithmetic3A_1666 = arith.constant 3 : i32
      %shift_right_arithmetic3A_1667 = arith.shrsi %squeeze3A_1665, %shift_right_arithmetic3A_1666 : i32
      %and3A_1668 = arith.constant 7 : i32
      %and3A_1669 = arith.andi %squeeze3A_1665, %and3A_1668 : i32
      %add3A_1670 = arith.constant 0 : i32
      %add3A_1671 = arith.addi %mul3A_39, %add3A_1670 : i32
      %dma_start3A_1672 = arith.constant 0 : i32
      %dma_start3A_1673 = tpu.memref_slice %arg12[%add3A_1671, %dma_start3A_1672] : memref<128x64xf32, #tpu.memory_space<vmem>> -> memref<1x64xf32, #tpu.memory_space<vmem>>
      %dma_start3A_1674 = tpu.memref_squeeze %dma_start3A_1673 : memref<1x64xf32, #tpu.memory_space<vmem>> -> memref<64xf32, #tpu.memory_space<vmem>>
      %dma_start3A_1675 = arith.constant 0 : i32
      %dma_start3A_1676 = tpu.memref_slice %arg2[%shift_right_arithmetic3A_1667, %and3A_1669, %dma_start3A_1675] : memref<125000x8x64xf32, #tpu.memory_space<hbm>> -> memref<1x1x64xf32, #tpu.memory_space<hbm>>
      %dma_start3A_1677 = tpu.memref_squeeze %dma_start3A_1676 : memref<1x1x64xf32, #tpu.memory_space<hbm>> -> memref<64xf32, #tpu.memory_space<hbm>>
      %dma_start3A_1678 = arith.constant 0 : i32
      %dma_start3A_1679 = tpu.memref_slice %arg12[%add3A_1671, %dma_start3A_1678] : memref<128x64xf32, #tpu.memory_space<vmem>> -> memref<1x64xf32, #tpu.memory_space<vmem>>
      %dma_start3A_1680 = tpu.memref_squeeze %dma_start3A_1679 : memref<1x64xf32, #tpu.memory_space<vmem>> -> memref<64xf32, #tpu.memory_space<vmem>>
      %dma_start3A_1681 = arith.constant 0 : i32
      %dma_start3A_1682 = tpu.memref_slice %arg2[%shift_right_arithmetic3A_1667, %and3A_1669, %dma_start3A_1681] : memref<125000x8x64xf32, #tpu.memory_space<hbm>> -> memref<1x1x64xf32, #tpu.memory_space<hbm>>
      %dma_start3A_1683 = tpu.memref_squeeze %dma_start3A_1682 : memref<1x1x64xf32, #tpu.memory_space<hbm>> -> memref<64xf32, #tpu.memory_space<hbm>>
      tpu.enqueue_dma source(%dma_start3A_1683 : memref<64xf32, #tpu.memory_space<hbm>>) target(%dma_start3A_1680 : memref<64xf32, #tpu.memory_space<vmem>>) target_semaphore(%arg14 : memref<!tpu.dma_semaphore, #tpu.memory_space<semaphore_mem>>)
      %slice3A_1684 = vector.extract_strided_slice %get3A_1663 {offsets = [1], sizes = [1], strides = [1]} : vector<16xi32> to vector<1xi32>
      %squeeze3A_1685 = vector.extract %slice3A_1684[0] : i32 from vector<1xi32>
      %shift_right_arithmetic3A_1686 = arith.constant 3 : i32
      %shift_right_arithmetic3A_1687 = arith.shrsi %squeeze3A_1685, %shift_right_arithmetic3A_1686 : i32
      %and3A_1688 = arith.constant 7 : i32
      %and3A_1689 = arith.andi %squeeze3A_1685, %and3A_1688 : i32
      %add3A_1690 = arith.constant 1 : i32
      %add3A_1691 = arith.addi %mul3A_39, %add3A_1690 : i32
      %dma_start3A_1692 = arith.constant 0 : i32
      %dma_start3A_1693 = tpu.memref_slice %arg12[%add3A_1691, %dma_start3A_1692] : memref<128x64xf32, #tpu.memory_space<vmem>> -> memref<1x64xf32, #tpu.memory_space<vmem>>
      %dma_start3A_1694 = tpu.memref_squeeze %dma_start3A_1693 : memref<1x64xf32, #tpu.memory_space<vmem>> -> memref<64xf32, #tpu.memory_space<vmem>>
      %dma_start3A_1695 = arith.constant 0 : i32
      %dma_start3A_1696 = tpu.memref_slice %arg2[%shift_right_arithmetic3A_1687, %and3A_1689, %dma_start3A_1695] : memref<125000x8x64xf32, #tpu.memory_space<hbm>> -> memref<1x1x64xf32, #tpu.memory_space<hbm>>
      %dma_start3A_1697 = tpu.memref_squeeze %dma_start3A_1696 : memref<1x1x64xf32, #tpu.memory_space<hbm>> -> memref<64xf32, #tpu.memory_space<hbm>>
      %dma_start3A_1698 = arith.constant 0 : i32
      %dma_start3A_1699 = tpu.memref_slice %arg12[%add3A_1691, %dma_start3A_1698] : memref<128x64xf32, #tpu.memory_space<vmem>> -> memref<1x64xf32, #tpu.memory_space<vmem>>
      %dma_start3A_1700 = tpu.memref_squeeze %dma_start3A_1699 : memref<1x64xf32, #tpu.memory_space<vmem>> -> memref<64xf32, #tpu.memory_space<vmem>>
      %dma_start3A_1701 = arith.constant 0 : i32
      %dma_start3A_1702 = tpu.memref_slice %arg2[%shift_right_arithmetic3A_1687, %and3A_1689, %dma_start3A_1701] : memref<125000x8x64xf32, #tpu.memory_space<hbm>> -> memref<1x1x64xf32, #tpu.memory_space<hbm>>
      %dma_start3A_1703 = tpu.memref_squeeze %dma_start3A_1702 : memref<1x1x64xf32, #tpu.memory_space<hbm>> -> memref<64xf32, #tpu.memory_space<hbm>>
      tpu.enqueue_dma source(%dma_start3A_1703 : memref<64xf32, #tpu.memory_space<hbm>>) target(%dma_start3A_1700 : memref<64xf32, #tpu.memory_space<vmem>>) target_semaphore(%arg14 : memref<!tpu.dma_semaphore, #tpu.memory_space<semaphore_mem>>)
      %slice3A_1704 = vector.extract_strided_slice %get3A_1663 {offsets = [2], sizes = [1], strides = [1]} : vector<16xi32> to vector<1xi32>
      %squeeze3A_1705 = vector.extract %slice3A_1704[0] : i32 from vector<1xi32>
      %shift_right_arithmetic3A_1706 = arith.constant 3 : i32
      %shift_right_arithmetic3A_1707 = arith.shrsi %squeeze3A_1705, %shift_right_arithmetic3A_1706 : i32
      %and3A_1708 = arith.constant 7 : i32
      %and3A_1709 = arith.andi %squeeze3A_1705, %and3A_1708 : i32
      %add3A_1710 = arith.constant 2 : i32
      %add3A_1711 = arith.addi %mul3A_39, %add3A_1710 : i32
      %dma_start3A_1712 = arith.constant 0 : i32
      %dma_start3A_1713 = tpu.memref_slice %arg12[%add3A_1711, %dma_start3A_1712] : memref<128x64xf32, #tpu.memory_space<vmem>> -> memref<1x64xf32, #tpu.memory_space<vmem>>
      %dma_start3A_1714 = tpu.memref_squeeze %dma_start3A_1713 : memref<1x64xf32, #tpu.memory_space<vmem>> -> memref<64xf32, #tpu.memory_space<vmem>>
      %dma_start3A_1715 = arith.constant 0 : i32
      %dma_start3A_1716 = tpu.memref_slice %arg2[%shift_right_arithmetic3A_1707, %and3A_1709, %dma_start3A_1715] : memref<125000x8x64xf32, #tpu.memory_space<hbm>> -> memref<1x1x64xf32, #tpu.memory_space<hbm>>
      %dma_start3A_1717 = tpu.memref_squeeze %dma_start3A_1716 : memref<1x1x64xf32, #tpu.memory_space<hbm>> -> memref<64xf32, #tpu.memory_space<hbm>>
      %dma_start3A_1718 = arith.constant 0 : i32
      %dma_start3A_1719 = tpu.memref_slice %arg12[%add3A_1711, %dma_start3A_1718] : memref<128x64xf32, #tpu.memory_space<vmem>> -> memref<1x64xf32, #tpu.memory_space<vmem>>
      %dma_start3A_1720 = tpu.memref_squeeze %dma_start3A_1719 : memref<1x64xf32, #tpu.memory_space<vmem>> -> memref<64xf32, #tpu.memory_space<vmem>>
      %dma_start3A_1721 = arith.constant 0 : i32
      %dma_start3A_1722 = tpu.memref_slice %arg2[%shift_right_arithmetic3A_1707, %and3A_1709, %dma_start3A_1721] : memref<125000x8x64xf32, #tpu.memory_space<hbm>> -> memref<1x1x64xf32, #tpu.memory_space<hbm>>
      %dma_start3A_1723 = tpu.memref_squeeze %dma_start3A_1722 : memref<1x1x64xf32, #tpu.memory_space<hbm>> -> memref<64xf32, #tpu.memory_space<hbm>>
      tpu.enqueue_dma source(%dma_start3A_1723 : memref<64xf32, #tpu.memory_space<hbm>>) target(%dma_start3A_1720 : memref<64xf32, #tpu.memory_space<vmem>>) target_semaphore(%arg14 : memref<!tpu.dma_semaphore, #tpu.memory_space<semaphore_mem>>)
      %slice3A_1724 = vector.extract_strided_slice %get3A_1663 {offsets = [3], sizes = [1], strides = [1]} : vector<16xi32> to vector<1xi32>
      %squeeze3A_1725 = vector.extract %slice3A_1724[0] : i32 from vector<1xi32>
      %shift_right_arithmetic3A_1726 = arith.constant 3 : i32
      %shift_right_arithmetic3A_1727 = arith.shrsi %squeeze3A_1725, %shift_right_arithmetic3A_1726 : i32
      %and3A_1728 = arith.constant 7 : i32
      %and3A_1729 = arith.andi %squeeze3A_1725, %and3A_1728 : i32
      %add3A_1730 = arith.constant 3 : i32
      %add3A_1731 = arith.addi %mul3A_39, %add3A_1730 : i32
      %dma_start3A_1732 = arith.constant 0 : i32
      %dma_start3A_1733 = tpu.memref_slice %arg12[%add3A_1731, %dma_start3A_1732] : memref<128x64xf32, #tpu.memory_space<vmem>> -> memref<1x64xf32, #tpu.memory_space<vmem>>
      %dma_start3A_1734 = tpu.memref_squeeze %dma_start3A_1733 : memref<1x64xf32, #tpu.memory_space<vmem>> -> memref<64xf32, #tpu.memory_space<vmem>>
      %dma_start3A_1735 = arith.constant 0 : i32
      %dma_start3A_1736 = tpu.memref_slice %arg2[%shift_right_arithmetic3A_1727, %and3A_1729, %dma_start3A_1735] : memref<125000x8x64xf32, #tpu.memory_space<hbm>> -> memref<1x1x64xf32, #tpu.memory_space<hbm>>
      %dma_start3A_1737 = tpu.memref_squeeze %dma_start3A_1736 : memref<1x1x64xf32, #tpu.memory_space<hbm>> -> memref<64xf32, #tpu.memory_space<hbm>>
      %dma_start3A_1738 = arith.constant 0 : i32
      %dma_start3A_1739 = tpu.memref_slice %arg12[%add3A_1731, %dma_start3A_1738] : memref<128x64xf32, #tpu.memory_space<vmem>> -> memref<1x64xf32, #tpu.memory_space<vmem>>
      %dma_start3A_1740 = tpu.memref_squeeze %dma_start3A_1739 : memref<1x64xf32, #tpu.memory_space<vmem>> -> memref<64xf32, #tpu.memory_space<vmem>>
      %dma_start3A_1741 = arith.constant 0 : i32
      %dma_start3A_1742 = tpu.memref_slice %arg2[%shift_right_arithmetic3A_1727, %and3A_1729, %dma_start3A_1741] : memref<125000x8x64xf32, #tpu.memory_space<hbm>> -> memref<1x1x64xf32, #tpu.memory_space<hbm>>
      %dma_start3A_1743 = tpu.memref_squeeze %dma_start3A_1742 : memref<1x1x64xf32, #tpu.memory_space<hbm>> -> memref<64xf32, #tpu.memory_space<hbm>>
      tpu.enqueue_dma source(%dma_start3A_1743 : memref<64xf32, #tpu.memory_space<hbm>>) target(%dma_start3A_1740 : memref<64xf32, #tpu.memory_space<vmem>>) target_semaphore(%arg14 : memref<!tpu.dma_semaphore, #tpu.memory_space<semaphore_mem>>)
      %slice3A_1744 = vector.extract_strided_slice %get3A_1663 {offsets = [4], sizes = [1], strides = [1]} : vector<16xi32> to vector<1xi32>
      %squeeze3A_1745 = vector.extract %slice3A_1744[0] : i32 from vector<1xi32>
      %shift_right_arithmetic3A_1746 = arith.constant 3 : i32
      %shift_right_arithmetic3A_1747 = arith.shrsi %squeeze3A_1745, %shift_right_arithmetic3A_1746 : i32
      %and3A_1748 = arith.constant 7 : i32
      %and3A_1749 = arith.andi %squeeze3A_1745, %and3A_1748 : i32
      %add3A_1750 = arith.constant 4 : i32
      %add3A_1751 = arith.addi %mul3A_39, %add3A_1750 : i32
      %dma_start3A_1752 = arith.constant 0 : i32
      %dma_start3A_1753 = tpu.memref_slice %arg12[%add3A_1751, %dma_start3A_1752] : memref<128x64xf32, #tpu.memory_space<vmem>> -> memref<1x64xf32, #tpu.memory_space<vmem>>
      %dma_start3A_1754 = tpu.memref_squeeze %dma_start3A_1753 : memref<1x64xf32, #tpu.memory_space<vmem>> -> memref<64xf32, #tpu.memory_space<vmem>>
      %dma_start3A_1755 = arith.constant 0 : i32
      %dma_start3A_1756 = tpu.memref_slice %arg2[%shift_right_arithmetic3A_1747, %and3A_1749, %dma_start3A_1755] : memref<125000x8x64xf32, #tpu.memory_space<hbm>> -> memref<1x1x64xf32, #tpu.memory_space<hbm>>
      %dma_start3A_1757 = tpu.memref_squeeze %dma_start3A_1756 : memref<1x1x64xf32, #tpu.memory_space<hbm>> -> memref<64xf32, #tpu.memory_space<hbm>>
      %dma_start3A_1758 = arith.constant 0 : i32
      %dma_start3A_1759 = tpu.memref_slice %arg12[%add3A_1751, %dma_start3A_1758] : memref<128x64xf32, #tpu.memory_space<vmem>> -> memref<1x64xf32, #tpu.memory_space<vmem>>
      %dma_start3A_1760 = tpu.memref_squeeze %dma_start3A_1759 : memref<1x64xf32, #tpu.memory_space<vmem>> -> memref<64xf32, #tpu.memory_space<vmem>>
      %dma_start3A_1761 = arith.constant 0 : i32
      %dma_start3A_1762 = tpu.memref_slice %arg2[%shift_right_arithmetic3A_1747, %and3A_1749, %dma_start3A_1761] : memref<125000x8x64xf32, #tpu.memory_space<hbm>> -> memref<1x1x64xf32, #tpu.memory_space<hbm>>
      %dma_start3A_1763 = tpu.memref_squeeze %dma_start3A_1762 : memref<1x1x64xf32, #tpu.memory_space<hbm>> -> memref<64xf32, #tpu.memory_space<hbm>>
      tpu.enqueue_dma source(%dma_start3A_1763 : memref<64xf32, #tpu.memory_space<hbm>>) target(%dma_start3A_1760 : memref<64xf32, #tpu.memory_space<vmem>>) target_semaphore(%arg14 : memref<!tpu.dma_semaphore, #tpu.memory_space<semaphore_mem>>)
      %slice3A_1764 = vector.extract_strided_slice %get3A_1663 {offsets = [5], sizes = [1], strides = [1]} : vector<16xi32> to vector<1xi32>
      %squeeze3A_1765 = vector.extract %slice3A_1764[0] : i32 from vector<1xi32>
      %shift_right_arithmetic3A_1766 = arith.constant 3 : i32
      %shift_right_arithmetic3A_1767 = arith.shrsi %squeeze3A_1765, %shift_right_arithmetic3A_1766 : i32
      %and3A_1768 = arith.constant 7 : i32
      %and3A_1769 = arith.andi %squeeze3A_1765, %and3A_1768 : i32
      %add3A_1770 = arith.constant 5 : i32
      %add3A_1771 = arith.addi %mul3A_39, %add3A_1770 : i32
      %dma_start3A_1772 = arith.constant 0 : i32
      %dma_start3A_1773 = tpu.memref_slice %arg12[%add3A_1771, %dma_start3A_1772] : memref<128x64xf32, #tpu.memory_space<vmem>> -> memref<1x64xf32, #tpu.memory_space<vmem>>
      %dma_start3A_1774 = tpu.memref_squeeze %dma_start3A_1773 : memref<1x64xf32, #tpu.memory_space<vmem>> -> memref<64xf32, #tpu.memory_space<vmem>>
      %dma_start3A_1775 = arith.constant 0 : i32
      %dma_start3A_1776 = tpu.memref_slice %arg2[%shift_right_arithmetic3A_1767, %and3A_1769, %dma_start3A_1775] : memref<125000x8x64xf32, #tpu.memory_space<hbm>> -> memref<1x1x64xf32, #tpu.memory_space<hbm>>
      %dma_start3A_1777 = tpu.memref_squeeze %dma_start3A_1776 : memref<1x1x64xf32, #tpu.memory_space<hbm>> -> memref<64xf32, #tpu.memory_space<hbm>>
      %dma_start3A_1778 = arith.constant 0 : i32
      %dma_start3A_1779 = tpu.memref_slice %arg12[%add3A_1771, %dma_start3A_1778] : memref<128x64xf32, #tpu.memory_space<vmem>> -> memref<1x64xf32, #tpu.memory_space<vmem>>
      %dma_start3A_1780 = tpu.memref_squeeze %dma_start3A_1779 : memref<1x64xf32, #tpu.memory_space<vmem>> -> memref<64xf32, #tpu.memory_space<vmem>>
      %dma_start3A_1781 = arith.constant 0 : i32
      %dma_start3A_1782 = tpu.memref_slice %arg2[%shift_right_arithmetic3A_1767, %and3A_1769, %dma_start3A_1781] : memref<125000x8x64xf32, #tpu.memory_space<hbm>> -> memref<1x1x64xf32, #tpu.memory_space<hbm>>
      %dma_start3A_1783 = tpu.memref_squeeze %dma_start3A_1782 : memref<1x1x64xf32, #tpu.memory_space<hbm>> -> memref<64xf32, #tpu.memory_space<hbm>>
      tpu.enqueue_dma source(%dma_start3A_1783 : memref<64xf32, #tpu.memory_space<hbm>>) target(%dma_start3A_1780 : memref<64xf32, #tpu.memory_space<vmem>>) target_semaphore(%arg14 : memref<!tpu.dma_semaphore, #tpu.memory_space<semaphore_mem>>)
      %slice3A_1784 = vector.extract_strided_slice %get3A_1663 {offsets = [6], sizes = [1], strides = [1]} : vector<16xi32> to vector<1xi32>
      %squeeze3A_1785 = vector.extract %slice3A_1784[0] : i32 from vector<1xi32>
      %shift_right_arithmetic3A_1786 = arith.constant 3 : i32
      %shift_right_arithmetic3A_1787 = arith.shrsi %squeeze3A_1785, %shift_right_arithmetic3A_1786 : i32
      %and3A_1788 = arith.constant 7 : i32
      %and3A_1789 = arith.andi %squeeze3A_1785, %and3A_1788 : i32
      %add3A_1790 = arith.constant 6 : i32
      %add3A_1791 = arith.addi %mul3A_39, %add3A_1790 : i32
      %dma_start3A_1792 = arith.constant 0 : i32
      %dma_start3A_1793 = tpu.memref_slice %arg12[%add3A_1791, %dma_start3A_1792] : memref<128x64xf32, #tpu.memory_space<vmem>> -> memref<1x64xf32, #tpu.memory_space<vmem>>
      %dma_start3A_1794 = tpu.memref_squeeze %dma_start3A_1793 : memref<1x64xf32, #tpu.memory_space<vmem>> -> memref<64xf32, #tpu.memory_space<vmem>>
      %dma_start3A_1795 = arith.constant 0 : i32
      %dma_start3A_1796 = tpu.memref_slice %arg2[%shift_right_arithmetic3A_1787, %and3A_1789, %dma_start3A_1795] : memref<125000x8x64xf32, #tpu.memory_space<hbm>> -> memref<1x1x64xf32, #tpu.memory_space<hbm>>
      %dma_start3A_1797 = tpu.memref_squeeze %dma_start3A_1796 : memref<1x1x64xf32, #tpu.memory_space<hbm>> -> memref<64xf32, #tpu.memory_space<hbm>>
      %dma_start3A_1798 = arith.constant 0 : i32
      %dma_start3A_1799 = tpu.memref_slice %arg12[%add3A_1791, %dma_start3A_1798] : memref<128x64xf32, #tpu.memory_space<vmem>> -> memref<1x64xf32, #tpu.memory_space<vmem>>
      %dma_start3A_1800 = tpu.memref_squeeze %dma_start3A_1799 : memref<1x64xf32, #tpu.memory_space<vmem>> -> memref<64xf32, #tpu.memory_space<vmem>>
      %dma_start3A_1801 = arith.constant 0 : i32
      %dma_start3A_1802 = tpu.memref_slice %arg2[%shift_right_arithmetic3A_1787, %and3A_1789, %dma_start3A_1801] : memref<125000x8x64xf32, #tpu.memory_space<hbm>> -> memref<1x1x64xf32, #tpu.memory_space<hbm>>
      %dma_start3A_1803 = tpu.memref_squeeze %dma_start3A_1802 : memref<1x1x64xf32, #tpu.memory_space<hbm>> -> memref<64xf32, #tpu.memory_space<hbm>>
      tpu.enqueue_dma source(%dma_start3A_1803 : memref<64xf32, #tpu.memory_space<hbm>>) target(%dma_start3A_1800 : memref<64xf32, #tpu.memory_space<vmem>>) target_semaphore(%arg14 : memref<!tpu.dma_semaphore, #tpu.memory_space<semaphore_mem>>)
      %slice3A_1804 = vector.extract_strided_slice %get3A_1663 {offsets = [7], sizes = [1], strides = [1]} : vector<16xi32> to vector<1xi32>
      %squeeze3A_1805 = vector.extract %slice3A_1804[0] : i32 from vector<1xi32>
      %shift_right_arithmetic3A_1806 = arith.constant 3 : i32
      %shift_right_arithmetic3A_1807 = arith.shrsi %squeeze3A_1805, %shift_right_arithmetic3A_1806 : i32
      %and3A_1808 = arith.constant 7 : i32
      %and3A_1809 = arith.andi %squeeze3A_1805, %and3A_1808 : i32
      %add3A_1810 = arith.constant 7 : i32
      %add3A_1811 = arith.addi %mul3A_39, %add3A_1810 : i32
      %dma_start3A_1812 = arith.constant 0 : i32
      %dma_start3A_1813 = tpu.memref_slice %arg12[%add3A_1811, %dma_start3A_1812] : memref<128x64xf32, #tpu.memory_space<vmem>> -> memref<1x64xf32, #tpu.memory_space<vmem>>
      %dma_start3A_1814 = tpu.memref_squeeze %dma_start3A_1813 : memref<1x64xf32, #tpu.memory_space<vmem>> -> memref<64xf32, #tpu.memory_space<vmem>>
      %dma_start3A_1815 = arith.constant 0 : i32
      %dma_start3A_1816 = tpu.memref_slice %arg2[%shift_right_arithmetic3A_1807, %and3A_1809, %dma_start3A_1815] : memref<125000x8x64xf32, #tpu.memory_space<hbm>> -> memref<1x1x64xf32, #tpu.memory_space<hbm>>
      %dma_start3A_1817 = tpu.memref_squeeze %dma_start3A_1816 : memref<1x1x64xf32, #tpu.memory_space<hbm>> -> memref<64xf32, #tpu.memory_space<hbm>>
      %dma_start3A_1818 = arith.constant 0 : i32
      %dma_start3A_1819 = tpu.memref_slice %arg12[%add3A_1811, %dma_start3A_1818] : memref<128x64xf32, #tpu.memory_space<vmem>> -> memref<1x64xf32, #tpu.memory_space<vmem>>
      %dma_start3A_1820 = tpu.memref_squeeze %dma_start3A_1819 : memref<1x64xf32, #tpu.memory_space<vmem>> -> memref<64xf32, #tpu.memory_space<vmem>>
      %dma_start3A_1821 = arith.constant 0 : i32
      %dma_start3A_1822 = tpu.memref_slice %arg2[%shift_right_arithmetic3A_1807, %and3A_1809, %dma_start3A_1821] : memref<125000x8x64xf32, #tpu.memory_space<hbm>> -> memref<1x1x64xf32, #tpu.memory_space<hbm>>
      %dma_start3A_1823 = tpu.memref_squeeze %dma_start3A_1822 : memref<1x1x64xf32, #tpu.memory_space<hbm>> -> memref<64xf32, #tpu.memory_space<hbm>>
      tpu.enqueue_dma source(%dma_start3A_1823 : memref<64xf32, #tpu.memory_space<hbm>>) target(%dma_start3A_1820 : memref<64xf32, #tpu.memory_space<vmem>>) target_semaphore(%arg14 : memref<!tpu.dma_semaphore, #tpu.memory_space<semaphore_mem>>)
      %slice3A_1824 = vector.extract_strided_slice %get3A_1663 {offsets = [8], sizes = [1], strides = [1]} : vector<16xi32> to vector<1xi32>
      %squeeze3A_1825 = vector.extract %slice3A_1824[0] : i32 from vector<1xi32>
      %shift_right_arithmetic3A_1826 = arith.constant 3 : i32
      %shift_right_arithmetic3A_1827 = arith.shrsi %squeeze3A_1825, %shift_right_arithmetic3A_1826 : i32
      %and3A_1828 = arith.constant 7 : i32
      %and3A_1829 = arith.andi %squeeze3A_1825, %and3A_1828 : i32
      %add3A_1830 = arith.constant 8 : i32
      %add3A_1831 = arith.addi %mul3A_39, %add3A_1830 : i32
      %dma_start3A_1832 = arith.constant 0 : i32
      %dma_start3A_1833 = tpu.memref_slice %arg12[%add3A_1831, %dma_start3A_1832] : memref<128x64xf32, #tpu.memory_space<vmem>> -> memref<1x64xf32, #tpu.memory_space<vmem>>
      %dma_start3A_1834 = tpu.memref_squeeze %dma_start3A_1833 : memref<1x64xf32, #tpu.memory_space<vmem>> -> memref<64xf32, #tpu.memory_space<vmem>>
      %dma_start3A_1835 = arith.constant 0 : i32
      %dma_start3A_1836 = tpu.memref_slice %arg2[%shift_right_arithmetic3A_1827, %and3A_1829, %dma_start3A_1835] : memref<125000x8x64xf32, #tpu.memory_space<hbm>> -> memref<1x1x64xf32, #tpu.memory_space<hbm>>
      %dma_start3A_1837 = tpu.memref_squeeze %dma_start3A_1836 : memref<1x1x64xf32, #tpu.memory_space<hbm>> -> memref<64xf32, #tpu.memory_space<hbm>>
      %dma_start3A_1838 = arith.constant 0 : i32
      %dma_start3A_1839 = tpu.memref_slice %arg12[%add3A_1831, %dma_start3A_1838] : memref<128x64xf32, #tpu.memory_space<vmem>> -> memref<1x64xf32, #tpu.memory_space<vmem>>
      %dma_start3A_1840 = tpu.memref_squeeze %dma_start3A_1839 : memref<1x64xf32, #tpu.memory_space<vmem>> -> memref<64xf32, #tpu.memory_space<vmem>>
      %dma_start3A_1841 = arith.constant 0 : i32
      %dma_start3A_1842 = tpu.memref_slice %arg2[%shift_right_arithmetic3A_1827, %and3A_1829, %dma_start3A_1841] : memref<125000x8x64xf32, #tpu.memory_space<hbm>> -> memref<1x1x64xf32, #tpu.memory_space<hbm>>
      %dma_start3A_1843 = tpu.memref_squeeze %dma_start3A_1842 : memref<1x1x64xf32, #tpu.memory_space<hbm>> -> memref<64xf32, #tpu.memory_space<hbm>>
      tpu.enqueue_dma source(%dma_start3A_1843 : memref<64xf32, #tpu.memory_space<hbm>>) target(%dma_start3A_1840 : memref<64xf32, #tpu.memory_space<vmem>>) target_semaphore(%arg14 : memref<!tpu.dma_semaphore, #tpu.memory_space<semaphore_mem>>)
      %slice3A_1844 = vector.extract_strided_slice %get3A_1663 {offsets = [9], sizes = [1], strides = [1]} : vector<16xi32> to vector<1xi32>
      %squeeze3A_1845 = vector.extract %slice3A_1844[0] : i32 from vector<1xi32>
      %shift_right_arithmetic3A_1846 = arith.constant 3 : i32
      %shift_right_arithmetic3A_1847 = arith.shrsi %squeeze3A_1845, %shift_right_arithmetic3A_1846 : i32
      %and3A_1848 = arith.constant 7 : i32
      %and3A_1849 = arith.andi %squeeze3A_1845, %and3A_1848 : i32
      %add3A_1850 = arith.constant 9 : i32
      %add3A_1851 = arith.addi %mul3A_39, %add3A_1850 : i32
      %dma_start3A_1852 = arith.constant 0 : i32
      %dma_start3A_1853 = tpu.memref_slice %arg12[%add3A_1851, %dma_start3A_1852] : memref<128x64xf32, #tpu.memory_space<vmem>> -> memref<1x64xf32, #tpu.memory_space<vmem>>
      %dma_start3A_1854 = tpu.memref_squeeze %dma_start3A_1853 : memref<1x64xf32, #tpu.memory_space<vmem>> -> memref<64xf32, #tpu.memory_space<vmem>>
      %dma_start3A_1855 = arith.constant 0 : i32
      %dma_start3A_1856 = tpu.memref_slice %arg2[%shift_right_arithmetic3A_1847, %and3A_1849, %dma_start3A_1855] : memref<125000x8x64xf32, #tpu.memory_space<hbm>> -> memref<1x1x64xf32, #tpu.memory_space<hbm>>
      %dma_start3A_1857 = tpu.memref_squeeze %dma_start3A_1856 : memref<1x1x64xf32, #tpu.memory_space<hbm>> -> memref<64xf32, #tpu.memory_space<hbm>>
      %dma_start3A_1858 = arith.constant 0 : i32
      %dma_start3A_1859 = tpu.memref_slice %arg12[%add3A_1851, %dma_start3A_1858] : memref<128x64xf32, #tpu.memory_space<vmem>> -> memref<1x64xf32, #tpu.memory_space<vmem>>
      %dma_start3A_1860 = tpu.memref_squeeze %dma_start3A_1859 : memref<1x64xf32, #tpu.memory_space<vmem>> -> memref<64xf32, #tpu.memory_space<vmem>>
      %dma_start3A_1861 = arith.constant 0 : i32
      %dma_start3A_1862 = tpu.memref_slice %arg2[%shift_right_arithmetic3A_1847, %and3A_1849, %dma_start3A_1861] : memref<125000x8x64xf32, #tpu.memory_space<hbm>> -> memref<1x1x64xf32, #tpu.memory_space<hbm>>
      %dma_start3A_1863 = tpu.memref_squeeze %dma_start3A_1862 : memref<1x1x64xf32, #tpu.memory_space<hbm>> -> memref<64xf32, #tpu.memory_space<hbm>>
      tpu.enqueue_dma source(%dma_start3A_1863 : memref<64xf32, #tpu.memory_space<hbm>>) target(%dma_start3A_1860 : memref<64xf32, #tpu.memory_space<vmem>>) target_semaphore(%arg14 : memref<!tpu.dma_semaphore, #tpu.memory_space<semaphore_mem>>)
      %slice3A_1864 = vector.extract_strided_slice %get3A_1663 {offsets = [10], sizes = [1], strides = [1]} : vector<16xi32> to vector<1xi32>
      %squeeze3A_1865 = vector.extract %slice3A_1864[0] : i32 from vector<1xi32>
      %shift_right_arithmetic3A_1866 = arith.constant 3 : i32
      %shift_right_arithmetic3A_1867 = arith.shrsi %squeeze3A_1865, %shift_right_arithmetic3A_1866 : i32
      %and3A_1868 = arith.constant 7 : i32
      %and3A_1869 = arith.andi %squeeze3A_1865, %and3A_1868 : i32
      %add3A_1870 = arith.constant 10 : i32
      %add3A_1871 = arith.addi %mul3A_39, %add3A_1870 : i32
      %dma_start3A_1872 = arith.constant 0 : i32
      %dma_start3A_1873 = tpu.memref_slice %arg12[%add3A_1871, %dma_start3A_1872] : memref<128x64xf32, #tpu.memory_space<vmem>> -> memref<1x64xf32, #tpu.memory_space<vmem>>
      %dma_start3A_1874 = tpu.memref_squeeze %dma_start3A_1873 : memref<1x64xf32, #tpu.memory_space<vmem>> -> memref<64xf32, #tpu.memory_space<vmem>>
      %dma_start3A_1875 = arith.constant 0 : i32
      %dma_start3A_1876 = tpu.memref_slice %arg2[%shift_right_arithmetic3A_1867, %and3A_1869, %dma_start3A_1875] : memref<125000x8x64xf32, #tpu.memory_space<hbm>> -> memref<1x1x64xf32, #tpu.memory_space<hbm>>
      %dma_start3A_1877 = tpu.memref_squeeze %dma_start3A_1876 : memref<1x1x64xf32, #tpu.memory_space<hbm>> -> memref<64xf32, #tpu.memory_space<hbm>>
      %dma_start3A_1878 = arith.constant 0 : i32
      %dma_start3A_1879 = tpu.memref_slice %arg12[%add3A_1871, %dma_start3A_1878] : memref<128x64xf32, #tpu.memory_space<vmem>> -> memref<1x64xf32, #tpu.memory_space<vmem>>
      %dma_start3A_1880 = tpu.memref_squeeze %dma_start3A_1879 : memref<1x64xf32, #tpu.memory_space<vmem>> -> memref<64xf32, #tpu.memory_space<vmem>>
      %dma_start3A_1881 = arith.constant 0 : i32
      %dma_start3A_1882 = tpu.memref_slice %arg2[%shift_right_arithmetic3A_1867, %and3A_1869, %dma_start3A_1881] : memref<125000x8x64xf32, #tpu.memory_space<hbm>> -> memref<1x1x64xf32, #tpu.memory_space<hbm>>
      %dma_start3A_1883 = tpu.memref_squeeze %dma_start3A_1882 : memref<1x1x64xf32, #tpu.memory_space<hbm>> -> memref<64xf32, #tpu.memory_space<hbm>>
      tpu.enqueue_dma source(%dma_start3A_1883 : memref<64xf32, #tpu.memory_space<hbm>>) target(%dma_start3A_1880 : memref<64xf32, #tpu.memory_space<vmem>>) target_semaphore(%arg14 : memref<!tpu.dma_semaphore, #tpu.memory_space<semaphore_mem>>)
      %slice3A_1884 = vector.extract_strided_slice %get3A_1663 {offsets = [11], sizes = [1], strides = [1]} : vector<16xi32> to vector<1xi32>
      %squeeze3A_1885 = vector.extract %slice3A_1884[0] : i32 from vector<1xi32>
      %shift_right_arithmetic3A_1886 = arith.constant 3 : i32
      %shift_right_arithmetic3A_1887 = arith.shrsi %squeeze3A_1885, %shift_right_arithmetic3A_1886 : i32
      %and3A_1888 = arith.constant 7 : i32
      %and3A_1889 = arith.andi %squeeze3A_1885, %and3A_1888 : i32
      %add3A_1890 = arith.constant 11 : i32
      %add3A_1891 = arith.addi %mul3A_39, %add3A_1890 : i32
      %dma_start3A_1892 = arith.constant 0 : i32
      %dma_start3A_1893 = tpu.memref_slice %arg12[%add3A_1891, %dma_start3A_1892] : memref<128x64xf32, #tpu.memory_space<vmem>> -> memref<1x64xf32, #tpu.memory_space<vmem>>
      %dma_start3A_1894 = tpu.memref_squeeze %dma_start3A_1893 : memref<1x64xf32, #tpu.memory_space<vmem>> -> memref<64xf32, #tpu.memory_space<vmem>>
      %dma_start3A_1895 = arith.constant 0 : i32
      %dma_start3A_1896 = tpu.memref_slice %arg2[%shift_right_arithmetic3A_1887, %and3A_1889, %dma_start3A_1895] : memref<125000x8x64xf32, #tpu.memory_space<hbm>> -> memref<1x1x64xf32, #tpu.memory_space<hbm>>
      %dma_start3A_1897 = tpu.memref_squeeze %dma_start3A_1896 : memref<1x1x64xf32, #tpu.memory_space<hbm>> -> memref<64xf32, #tpu.memory_space<hbm>>
      %dma_start3A_1898 = arith.constant 0 : i32
      %dma_start3A_1899 = tpu.memref_slice %arg12[%add3A_1891, %dma_start3A_1898] : memref<128x64xf32, #tpu.memory_space<vmem>> -> memref<1x64xf32, #tpu.memory_space<vmem>>
      %dma_start3A_1900 = tpu.memref_squeeze %dma_start3A_1899 : memref<1x64xf32, #tpu.memory_space<vmem>> -> memref<64xf32, #tpu.memory_space<vmem>>
      %dma_start3A_1901 = arith.constant 0 : i32
      %dma_start3A_1902 = tpu.memref_slice %arg2[%shift_right_arithmetic3A_1887, %and3A_1889, %dma_start3A_1901] : memref<125000x8x64xf32, #tpu.memory_space<hbm>> -> memref<1x1x64xf32, #tpu.memory_space<hbm>>
      %dma_start3A_1903 = tpu.memref_squeeze %dma_start3A_1902 : memref<1x1x64xf32, #tpu.memory_space<hbm>> -> memref<64xf32, #tpu.memory_space<hbm>>
      tpu.enqueue_dma source(%dma_start3A_1903 : memref<64xf32, #tpu.memory_space<hbm>>) target(%dma_start3A_1900 : memref<64xf32, #tpu.memory_space<vmem>>) target_semaphore(%arg14 : memref<!tpu.dma_semaphore, #tpu.memory_space<semaphore_mem>>)
      %slice3A_1904 = vector.extract_strided_slice %get3A_1663 {offsets = [12], sizes = [1], strides = [1]} : vector<16xi32> to vector<1xi32>
      %squeeze3A_1905 = vector.extract %slice3A_1904[0] : i32 from vector<1xi32>
      %shift_right_arithmetic3A_1906 = arith.constant 3 : i32
      %shift_right_arithmetic3A_1907 = arith.shrsi %squeeze3A_1905, %shift_right_arithmetic3A_1906 : i32
      %and3A_1908 = arith.constant 7 : i32
      %and3A_1909 = arith.andi %squeeze3A_1905, %and3A_1908 : i32
      %add3A_1910 = arith.constant 12 : i32
      %add3A_1911 = arith.addi %mul3A_39, %add3A_1910 : i32
      %dma_start3A_1912 = arith.constant 0 : i32
      %dma_start3A_1913 = tpu.memref_slice %arg12[%add3A_1911, %dma_start3A_1912] : memref<128x64xf32, #tpu.memory_space<vmem>> -> memref<1x64xf32, #tpu.memory_space<vmem>>
      %dma_start3A_1914 = tpu.memref_squeeze %dma_start3A_1913 : memref<1x64xf32, #tpu.memory_space<vmem>> -> memref<64xf32, #tpu.memory_space<vmem>>
      %dma_start3A_1915 = arith.constant 0 : i32
      %dma_start3A_1916 = tpu.memref_slice %arg2[%shift_right_arithmetic3A_1907, %and3A_1909, %dma_start3A_1915] : memref<125000x8x64xf32, #tpu.memory_space<hbm>> -> memref<1x1x64xf32, #tpu.memory_space<hbm>>
      %dma_start3A_1917 = tpu.memref_squeeze %dma_start3A_1916 : memref<1x1x64xf32, #tpu.memory_space<hbm>> -> memref<64xf32, #tpu.memory_space<hbm>>
      %dma_start3A_1918 = arith.constant 0 : i32
      %dma_start3A_1919 = tpu.memref_slice %arg12[%add3A_1911, %dma_start3A_1918] : memref<128x64xf32, #tpu.memory_space<vmem>> -> memref<1x64xf32, #tpu.memory_space<vmem>>
      %dma_start3A_1920 = tpu.memref_squeeze %dma_start3A_1919 : memref<1x64xf32, #tpu.memory_space<vmem>> -> memref<64xf32, #tpu.memory_space<vmem>>
      %dma_start3A_1921 = arith.constant 0 : i32
      %dma_start3A_1922 = tpu.memref_slice %arg2[%shift_right_arithmetic3A_1907, %and3A_1909, %dma_start3A_1921] : memref<125000x8x64xf32, #tpu.memory_space<hbm>> -> memref<1x1x64xf32, #tpu.memory_space<hbm>>
      %dma_start3A_1923 = tpu.memref_squeeze %dma_start3A_1922 : memref<1x1x64xf32, #tpu.memory_space<hbm>> -> memref<64xf32, #tpu.memory_space<hbm>>
      tpu.enqueue_dma source(%dma_start3A_1923 : memref<64xf32, #tpu.memory_space<hbm>>) target(%dma_start3A_1920 : memref<64xf32, #tpu.memory_space<vmem>>) target_semaphore(%arg14 : memref<!tpu.dma_semaphore, #tpu.memory_space<semaphore_mem>>)
      %slice3A_1924 = vector.extract_strided_slice %get3A_1663 {offsets = [13], sizes = [1], strides = [1]} : vector<16xi32> to vector<1xi32>
      %squeeze3A_1925 = vector.extract %slice3A_1924[0] : i32 from vector<1xi32>
      %shift_right_arithmetic3A_1926 = arith.constant 3 : i32
      %shift_right_arithmetic3A_1927 = arith.shrsi %squeeze3A_1925, %shift_right_arithmetic3A_1926 : i32
      %and3A_1928 = arith.constant 7 : i32
      %and3A_1929 = arith.andi %squeeze3A_1925, %and3A_1928 : i32
      %add3A_1930 = arith.constant 13 : i32
      %add3A_1931 = arith.addi %mul3A_39, %add3A_1930 : i32
      %dma_start3A_1932 = arith.constant 0 : i32
      %dma_start3A_1933 = tpu.memref_slice %arg12[%add3A_1931, %dma_start3A_1932] : memref<128x64xf32, #tpu.memory_space<vmem>> -> memref<1x64xf32, #tpu.memory_space<vmem>>
      %dma_start3A_1934 = tpu.memref_squeeze %dma_start3A_1933 : memref<1x64xf32, #tpu.memory_space<vmem>> -> memref<64xf32, #tpu.memory_space<vmem>>
      %dma_start3A_1935 = arith.constant 0 : i32
      %dma_start3A_1936 = tpu.memref_slice %arg2[%shift_right_arithmetic3A_1927, %and3A_1929, %dma_start3A_1935] : memref<125000x8x64xf32, #tpu.memory_space<hbm>> -> memref<1x1x64xf32, #tpu.memory_space<hbm>>
      %dma_start3A_1937 = tpu.memref_squeeze %dma_start3A_1936 : memref<1x1x64xf32, #tpu.memory_space<hbm>> -> memref<64xf32, #tpu.memory_space<hbm>>
      %dma_start3A_1938 = arith.constant 0 : i32
      %dma_start3A_1939 = tpu.memref_slice %arg12[%add3A_1931, %dma_start3A_1938] : memref<128x64xf32, #tpu.memory_space<vmem>> -> memref<1x64xf32, #tpu.memory_space<vmem>>
      %dma_start3A_1940 = tpu.memref_squeeze %dma_start3A_1939 : memref<1x64xf32, #tpu.memory_space<vmem>> -> memref<64xf32, #tpu.memory_space<vmem>>
      %dma_start3A_1941 = arith.constant 0 : i32
      %dma_start3A_1942 = tpu.memref_slice %arg2[%shift_right_arithmetic3A_1927, %and3A_1929, %dma_start3A_1941] : memref<125000x8x64xf32, #tpu.memory_space<hbm>> -> memref<1x1x64xf32, #tpu.memory_space<hbm>>
      %dma_start3A_1943 = tpu.memref_squeeze %dma_start3A_1942 : memref<1x1x64xf32, #tpu.memory_space<hbm>> -> memref<64xf32, #tpu.memory_space<hbm>>
      tpu.enqueue_dma source(%dma_start3A_1943 : memref<64xf32, #tpu.memory_space<hbm>>) target(%dma_start3A_1940 : memref<64xf32, #tpu.memory_space<vmem>>) target_semaphore(%arg14 : memref<!tpu.dma_semaphore, #tpu.memory_space<semaphore_mem>>)
      %slice3A_1944 = vector.extract_strided_slice %get3A_1663 {offsets = [14], sizes = [1], strides = [1]} : vector<16xi32> to vector<1xi32>
      %squeeze3A_1945 = vector.extract %slice3A_1944[0] : i32 from vector<1xi32>
      %shift_right_arithmetic3A_1946 = arith.constant 3 : i32
      %shift_right_arithmetic3A_1947 = arith.shrsi %squeeze3A_1945, %shift_right_arithmetic3A_1946 : i32
      %and3A_1948 = arith.constant 7 : i32
      %and3A_1949 = arith.andi %squeeze3A_1945, %and3A_1948 : i32
      %add3A_1950 = arith.constant 14 : i32
      %add3A_1951 = arith.addi %mul3A_39, %add3A_1950 : i32
      %dma_start3A_1952 = arith.constant 0 : i32
      %dma_start3A_1953 = tpu.memref_slice %arg12[%add3A_1951, %dma_start3A_1952] : memref<128x64xf32, #tpu.memory_space<vmem>> -> memref<1x64xf32, #tpu.memory_space<vmem>>
      %dma_start3A_1954 = tpu.memref_squeeze %dma_start3A_1953 : memref<1x64xf32, #tpu.memory_space<vmem>> -> memref<64xf32, #tpu.memory_space<vmem>>
      %dma_start3A_1955 = arith.constant 0 : i32
      %dma_start3A_1956 = tpu.memref_slice %arg2[%shift_right_arithmetic3A_1947, %and3A_1949, %dma_start3A_1955] : memref<125000x8x64xf32, #tpu.memory_space<hbm>> -> memref<1x1x64xf32, #tpu.memory_space<hbm>>
      %dma_start3A_1957 = tpu.memref_squeeze %dma_start3A_1956 : memref<1x1x64xf32, #tpu.memory_space<hbm>> -> memref<64xf32, #tpu.memory_space<hbm>>
      %dma_start3A_1958 = arith.constant 0 : i32
      %dma_start3A_1959 = tpu.memref_slice %arg12[%add3A_1951, %dma_start3A_1958] : memref<128x64xf32, #tpu.memory_space<vmem>> -> memref<1x64xf32, #tpu.memory_space<vmem>>
      %dma_start3A_1960 = tpu.memref_squeeze %dma_start3A_1959 : memref<1x64xf32, #tpu.memory_space<vmem>> -> memref<64xf32, #tpu.memory_space<vmem>>
      %dma_start3A_1961 = arith.constant 0 : i32
      %dma_start3A_1962 = tpu.memref_slice %arg2[%shift_right_arithmetic3A_1947, %and3A_1949, %dma_start3A_1961] : memref<125000x8x64xf32, #tpu.memory_space<hbm>> -> memref<1x1x64xf32, #tpu.memory_space<hbm>>
      %dma_start3A_1963 = tpu.memref_squeeze %dma_start3A_1962 : memref<1x1x64xf32, #tpu.memory_space<hbm>> -> memref<64xf32, #tpu.memory_space<hbm>>
      tpu.enqueue_dma source(%dma_start3A_1963 : memref<64xf32, #tpu.memory_space<hbm>>) target(%dma_start3A_1960 : memref<64xf32, #tpu.memory_space<vmem>>) target_semaphore(%arg14 : memref<!tpu.dma_semaphore, #tpu.memory_space<semaphore_mem>>)
      %slice3A_1964 = vector.extract_strided_slice %get3A_1663 {offsets = [15], sizes = [1], strides = [1]} : vector<16xi32> to vector<1xi32>
      %squeeze3A_1965 = vector.extract %slice3A_1964[0] : i32 from vector<1xi32>
      %shift_right_arithmetic3A_1966 = arith.constant 3 : i32
      %shift_right_arithmetic3A_1967 = arith.shrsi %squeeze3A_1965, %shift_right_arithmetic3A_1966 : i32
      %and3A_1968 = arith.constant 7 : i32
      %and3A_1969 = arith.andi %squeeze3A_1965, %and3A_1968 : i32
      %add3A_1970 = arith.constant 15 : i32
      %add3A_1971 = arith.addi %mul3A_39, %add3A_1970 : i32
      %dma_start3A_1972 = arith.constant 0 : i32
      %dma_start3A_1973 = tpu.memref_slice %arg12[%add3A_1971, %dma_start3A_1972] : memref<128x64xf32, #tpu.memory_space<vmem>> -> memref<1x64xf32, #tpu.memory_space<vmem>>
      %dma_start3A_1974 = tpu.memref_squeeze %dma_start3A_1973 : memref<1x64xf32, #tpu.memory_space<vmem>> -> memref<64xf32, #tpu.memory_space<vmem>>
      %dma_start3A_1975 = arith.constant 0 : i32
      %dma_start3A_1976 = tpu.memref_slice %arg2[%shift_right_arithmetic3A_1967, %and3A_1969, %dma_start3A_1975] : memref<125000x8x64xf32, #tpu.memory_space<hbm>> -> memref<1x1x64xf32, #tpu.memory_space<hbm>>
      %dma_start3A_1977 = tpu.memref_squeeze %dma_start3A_1976 : memref<1x1x64xf32, #tpu.memory_space<hbm>> -> memref<64xf32, #tpu.memory_space<hbm>>
      %dma_start3A_1978 = arith.constant 0 : i32
      %dma_start3A_1979 = tpu.memref_slice %arg12[%add3A_1971, %dma_start3A_1978] : memref<128x64xf32, #tpu.memory_space<vmem>> -> memref<1x64xf32, #tpu.memory_space<vmem>>
      %dma_start3A_1980 = tpu.memref_squeeze %dma_start3A_1979 : memref<1x64xf32, #tpu.memory_space<vmem>> -> memref<64xf32, #tpu.memory_space<vmem>>
      %dma_start3A_1981 = arith.constant 0 : i32
      %dma_start3A_1982 = tpu.memref_slice %arg2[%shift_right_arithmetic3A_1967, %and3A_1969, %dma_start3A_1981] : memref<125000x8x64xf32, #tpu.memory_space<hbm>> -> memref<1x1x64xf32, #tpu.memory_space<hbm>>
      %dma_start3A_1983 = tpu.memref_squeeze %dma_start3A_1982 : memref<1x1x64xf32, #tpu.memory_space<hbm>> -> memref<64xf32, #tpu.memory_space<hbm>>
      tpu.enqueue_dma source(%dma_start3A_1983 : memref<64xf32, #tpu.memory_space<hbm>>) target(%dma_start3A_1980 : memref<64xf32, #tpu.memory_space<vmem>>) target_semaphore(%arg14 : memref<!tpu.dma_semaphore, #tpu.memory_space<semaphore_mem>>)
    }
    %scan3A_5 = arith.constant 8 : i32
    %scan3A_6 = arith.constant 0 : i32
    %scan3A_7 = arith.constant 0 : i32
    %scan3A_8 = arith.constant 128 : i32
    %scan3A_9 = arith.addi %scan3A_7, %scan3A_8 : i32
    %scan3A_10 = arith.constant 1 : i32
    scf.for %scan3A_37 = %scan3A_7 to %scan3A_9 step %scan3A_10  : i32 {
      %dma_wait3A = arith.constant 0 : i32
      %dma_wait3A_38 = arith.constant 0 : i32
      %dma_wait3A_39 = arith.constant 0 : i32
      %dma_wait3A_40 = tpu.memref_slice %arg7[%scan3A_37, %dma_wait3A_39] : memref<128x64xf32, #tpu.memory_space<vmem>> -> memref<1x64xf32, #tpu.memory_space<vmem>>
      %dma_wait3A_41 = tpu.memref_squeeze %dma_wait3A_40 : memref<1x64xf32, #tpu.memory_space<vmem>> -> memref<64xf32, #tpu.memory_space<vmem>>
      %dma_wait3A_42 = arith.constant 0 : i32
      %dma_wait3A_43 = tpu.memref_slice %arg2[%dma_wait3A, %dma_wait3A_38, %dma_wait3A_42] : memref<125000x8x64xf32, #tpu.memory_space<hbm>> -> memref<1x1x64xf32, #tpu.memory_space<hbm>>
      %dma_wait3A_44 = tpu.memref_squeeze %dma_wait3A_43 : memref<1x1x64xf32, #tpu.memory_space<hbm>> -> memref<64xf32, #tpu.memory_space<hbm>>
      %dma_wait3A_45 = arith.constant 0 : i32
      %dma_wait3A_46 = tpu.memref_slice %arg7[%scan3A_37, %dma_wait3A_45] : memref<128x64xf32, #tpu.memory_space<vmem>> -> memref<1x64xf32, #tpu.memory_space<vmem>>
      %dma_wait3A_47 = tpu.memref_squeeze %dma_wait3A_46 : memref<1x64xf32, #tpu.memory_space<vmem>> -> memref<64xf32, #tpu.memory_space<vmem>>
      %dma_wait3A_48 = arith.constant 0 : i32
      %dma_wait3A_49 = tpu.memref_slice %arg2[%dma_wait3A, %dma_wait3A_38, %dma_wait3A_48] : memref<125000x8x64xf32, #tpu.memory_space<hbm>> -> memref<1x1x64xf32, #tpu.memory_space<hbm>>
      %dma_wait3A_50 = tpu.memref_squeeze %dma_wait3A_49 : memref<1x1x64xf32, #tpu.memory_space<hbm>> -> memref<64xf32, #tpu.memory_space<hbm>>
      tpu.wait_dma2 semaphore(%arg14 : memref<!tpu.dma_semaphore, #tpu.memory_space<semaphore_mem>>) src(%dma_wait3A_50 : memref<64xf32, #tpu.memory_space<hbm>>) dst(%dma_wait3A_47 : memref<64xf32, #tpu.memory_space<vmem>>)
      %dma_wait3A_51 = arith.constant 0 : i32
      %dma_wait3A_52 = arith.constant 0 : i32
      %dma_wait3A_53 = arith.constant 0 : i32
      %dma_wait3A_54 = tpu.memref_slice %arg8[%scan3A_37, %dma_wait3A_53] : memref<128x64xf32, #tpu.memory_space<vmem>> -> memref<1x64xf32, #tpu.memory_space<vmem>>
      %dma_wait3A_55 = tpu.memref_squeeze %dma_wait3A_54 : memref<1x64xf32, #tpu.memory_space<vmem>> -> memref<64xf32, #tpu.memory_space<vmem>>
      %dma_wait3A_56 = arith.constant 0 : i32
      %dma_wait3A_57 = tpu.memref_slice %arg3[%dma_wait3A_51, %dma_wait3A_52, %dma_wait3A_56] : memref<125000x8x64xf32, #tpu.memory_space<hbm>> -> memref<1x1x64xf32, #tpu.memory_space<hbm>>
      %dma_wait3A_58 = tpu.memref_squeeze %dma_wait3A_57 : memref<1x1x64xf32, #tpu.memory_space<hbm>> -> memref<64xf32, #tpu.memory_space<hbm>>
      %dma_wait3A_59 = arith.constant 0 : i32
      %dma_wait3A_60 = tpu.memref_slice %arg8[%scan3A_37, %dma_wait3A_59] : memref<128x64xf32, #tpu.memory_space<vmem>> -> memref<1x64xf32, #tpu.memory_space<vmem>>
      %dma_wait3A_61 = tpu.memref_squeeze %dma_wait3A_60 : memref<1x64xf32, #tpu.memory_space<vmem>> -> memref<64xf32, #tpu.memory_space<vmem>>
      %dma_wait3A_62 = arith.constant 0 : i32
      %dma_wait3A_63 = tpu.memref_slice %arg3[%dma_wait3A_51, %dma_wait3A_52, %dma_wait3A_62] : memref<125000x8x64xf32, #tpu.memory_space<hbm>> -> memref<1x1x64xf32, #tpu.memory_space<hbm>>
      %dma_wait3A_64 = tpu.memref_squeeze %dma_wait3A_63 : memref<1x1x64xf32, #tpu.memory_space<hbm>> -> memref<64xf32, #tpu.memory_space<hbm>>
      tpu.wait_dma2 semaphore(%arg14 : memref<!tpu.dma_semaphore, #tpu.memory_space<semaphore_mem>>) src(%dma_wait3A_64 : memref<64xf32, #tpu.memory_space<hbm>>) dst(%dma_wait3A_61 : memref<64xf32, #tpu.memory_space<vmem>>)
      %dma_wait3A_65 = arith.constant 0 : i32
      %dma_wait3A_66 = arith.constant 0 : i32
      %dma_wait3A_67 = arith.constant 0 : i32
      %dma_wait3A_68 = tpu.memref_slice %arg9[%scan3A_37, %dma_wait3A_67] : memref<128x64xf32, #tpu.memory_space<vmem>> -> memref<1x64xf32, #tpu.memory_space<vmem>>
      %dma_wait3A_69 = tpu.memref_squeeze %dma_wait3A_68 : memref<1x64xf32, #tpu.memory_space<vmem>> -> memref<64xf32, #tpu.memory_space<vmem>>
      %dma_wait3A_70 = arith.constant 0 : i32
      %dma_wait3A_71 = tpu.memref_slice %arg2[%dma_wait3A_65, %dma_wait3A_66, %dma_wait3A_70] : memref<125000x8x64xf32, #tpu.memory_space<hbm>> -> memref<1x1x64xf32, #tpu.memory_space<hbm>>
      %dma_wait3A_72 = tpu.memref_squeeze %dma_wait3A_71 : memref<1x1x64xf32, #tpu.memory_space<hbm>> -> memref<64xf32, #tpu.memory_space<hbm>>
      %dma_wait3A_73 = arith.constant 0 : i32
      %dma_wait3A_74 = tpu.memref_slice %arg9[%scan3A_37, %dma_wait3A_73] : memref<128x64xf32, #tpu.memory_space<vmem>> -> memref<1x64xf32, #tpu.memory_space<vmem>>
      %dma_wait3A_75 = tpu.memref_squeeze %dma_wait3A_74 : memref<1x64xf32, #tpu.memory_space<vmem>> -> memref<64xf32, #tpu.memory_space<vmem>>
      %dma_wait3A_76 = arith.constant 0 : i32
      %dma_wait3A_77 = tpu.memref_slice %arg2[%dma_wait3A_65, %dma_wait3A_66, %dma_wait3A_76] : memref<125000x8x64xf32, #tpu.memory_space<hbm>> -> memref<1x1x64xf32, #tpu.memory_space<hbm>>
      %dma_wait3A_78 = tpu.memref_squeeze %dma_wait3A_77 : memref<1x1x64xf32, #tpu.memory_space<hbm>> -> memref<64xf32, #tpu.memory_space<hbm>>
      tpu.wait_dma2 semaphore(%arg14 : memref<!tpu.dma_semaphore, #tpu.memory_space<semaphore_mem>>) src(%dma_wait3A_78 : memref<64xf32, #tpu.memory_space<hbm>>) dst(%dma_wait3A_75 : memref<64xf32, #tpu.memory_space<vmem>>)
      %dma_wait3A_79 = arith.constant 0 : i32
      %dma_wait3A_80 = arith.constant 0 : i32
      %dma_wait3A_81 = arith.constant 0 : i32
      %dma_wait3A_82 = tpu.memref_slice %arg10[%scan3A_37, %dma_wait3A_81] : memref<128x64xf32, #tpu.memory_space<vmem>> -> memref<1x64xf32, #tpu.memory_space<vmem>>
      %dma_wait3A_83 = tpu.memref_squeeze %dma_wait3A_82 : memref<1x64xf32, #tpu.memory_space<vmem>> -> memref<64xf32, #tpu.memory_space<vmem>>
      %dma_wait3A_84 = arith.constant 0 : i32
      %dma_wait3A_85 = tpu.memref_slice %arg2[%dma_wait3A_79, %dma_wait3A_80, %dma_wait3A_84] : memref<125000x8x64xf32, #tpu.memory_space<hbm>> -> memref<1x1x64xf32, #tpu.memory_space<hbm>>
      %dma_wait3A_86 = tpu.memref_squeeze %dma_wait3A_85 : memref<1x1x64xf32, #tpu.memory_space<hbm>> -> memref<64xf32, #tpu.memory_space<hbm>>
      %dma_wait3A_87 = arith.constant 0 : i32
      %dma_wait3A_88 = tpu.memref_slice %arg10[%scan3A_37, %dma_wait3A_87] : memref<128x64xf32, #tpu.memory_space<vmem>> -> memref<1x64xf32, #tpu.memory_space<vmem>>
      %dma_wait3A_89 = tpu.memref_squeeze %dma_wait3A_88 : memref<1x64xf32, #tpu.memory_space<vmem>> -> memref<64xf32, #tpu.memory_space<vmem>>
      %dma_wait3A_90 = arith.constant 0 : i32
      %dma_wait3A_91 = tpu.memref_slice %arg2[%dma_wait3A_79, %dma_wait3A_80, %dma_wait3A_90] : memref<125000x8x64xf32, #tpu.memory_space<hbm>> -> memref<1x1x64xf32, #tpu.memory_space<hbm>>
      %dma_wait3A_92 = tpu.memref_squeeze %dma_wait3A_91 : memref<1x1x64xf32, #tpu.memory_space<hbm>> -> memref<64xf32, #tpu.memory_space<hbm>>
      tpu.wait_dma2 semaphore(%arg14 : memref<!tpu.dma_semaphore, #tpu.memory_space<semaphore_mem>>) src(%dma_wait3A_92 : memref<64xf32, #tpu.memory_space<hbm>>) dst(%dma_wait3A_89 : memref<64xf32, #tpu.memory_space<vmem>>)
      %dma_wait3A_93 = arith.constant 0 : i32
      %dma_wait3A_94 = arith.constant 0 : i32
      %dma_wait3A_95 = arith.constant 0 : i32
      %dma_wait3A_96 = tpu.memref_slice %arg11[%scan3A_37, %dma_wait3A_95] : memref<128x64xf32, #tpu.memory_space<vmem>> -> memref<1x64xf32, #tpu.memory_space<vmem>>
      %dma_wait3A_97 = tpu.memref_squeeze %dma_wait3A_96 : memref<1x64xf32, #tpu.memory_space<vmem>> -> memref<64xf32, #tpu.memory_space<vmem>>
      %dma_wait3A_98 = arith.constant 0 : i32
      %dma_wait3A_99 = tpu.memref_slice %arg3[%dma_wait3A_93, %dma_wait3A_94, %dma_wait3A_98] : memref<125000x8x64xf32, #tpu.memory_space<hbm>> -> memref<1x1x64xf32, #tpu.memory_space<hbm>>
      %dma_wait3A_100 = tpu.memref_squeeze %dma_wait3A_99 : memref<1x1x64xf32, #tpu.memory_space<hbm>> -> memref<64xf32, #tpu.memory_space<hbm>>
      %dma_wait3A_101 = arith.constant 0 : i32
      %dma_wait3A_102 = tpu.memref_slice %arg11[%scan3A_37, %dma_wait3A_101] : memref<128x64xf32, #tpu.memory_space<vmem>> -> memref<1x64xf32, #tpu.memory_space<vmem>>
      %dma_wait3A_103 = tpu.memref_squeeze %dma_wait3A_102 : memref<1x64xf32, #tpu.memory_space<vmem>> -> memref<64xf32, #tpu.memory_space<vmem>>
      %dma_wait3A_104 = arith.constant 0 : i32
      %dma_wait3A_105 = tpu.memref_slice %arg3[%dma_wait3A_93, %dma_wait3A_94, %dma_wait3A_104] : memref<125000x8x64xf32, #tpu.memory_space<hbm>> -> memref<1x1x64xf32, #tpu.memory_space<hbm>>
      %dma_wait3A_106 = tpu.memref_squeeze %dma_wait3A_105 : memref<1x1x64xf32, #tpu.memory_space<hbm>> -> memref<64xf32, #tpu.memory_space<hbm>>
      tpu.wait_dma2 semaphore(%arg14 : memref<!tpu.dma_semaphore, #tpu.memory_space<semaphore_mem>>) src(%dma_wait3A_106 : memref<64xf32, #tpu.memory_space<hbm>>) dst(%dma_wait3A_103 : memref<64xf32, #tpu.memory_space<vmem>>)
      %dma_wait3A_107 = arith.constant 0 : i32
      %dma_wait3A_108 = arith.constant 0 : i32
      %dma_wait3A_109 = arith.constant 0 : i32
      %dma_wait3A_110 = tpu.memref_slice %arg12[%scan3A_37, %dma_wait3A_109] : memref<128x64xf32, #tpu.memory_space<vmem>> -> memref<1x64xf32, #tpu.memory_space<vmem>>
      %dma_wait3A_111 = tpu.memref_squeeze %dma_wait3A_110 : memref<1x64xf32, #tpu.memory_space<vmem>> -> memref<64xf32, #tpu.memory_space<vmem>>
      %dma_wait3A_112 = arith.constant 0 : i32
      %dma_wait3A_113 = tpu.memref_slice %arg2[%dma_wait3A_107, %dma_wait3A_108, %dma_wait3A_112] : memref<125000x8x64xf32, #tpu.memory_space<hbm>> -> memref<1x1x64xf32, #tpu.memory_space<hbm>>
      %dma_wait3A_114 = tpu.memref_squeeze %dma_wait3A_113 : memref<1x1x64xf32, #tpu.memory_space<hbm>> -> memref<64xf32, #tpu.memory_space<hbm>>
      %dma_wait3A_115 = arith.constant 0 : i32
      %dma_wait3A_116 = tpu.memref_slice %arg12[%scan3A_37, %dma_wait3A_115] : memref<128x64xf32, #tpu.memory_space<vmem>> -> memref<1x64xf32, #tpu.memory_space<vmem>>
      %dma_wait3A_117 = tpu.memref_squeeze %dma_wait3A_116 : memref<1x64xf32, #tpu.memory_space<vmem>> -> memref<64xf32, #tpu.memory_space<vmem>>
      %dma_wait3A_118 = arith.constant 0 : i32
      %dma_wait3A_119 = tpu.memref_slice %arg2[%dma_wait3A_107, %dma_wait3A_108, %dma_wait3A_118] : memref<125000x8x64xf32, #tpu.memory_space<hbm>> -> memref<1x1x64xf32, #tpu.memory_space<hbm>>
      %dma_wait3A_120 = tpu.memref_squeeze %dma_wait3A_119 : memref<1x1x64xf32, #tpu.memory_space<hbm>> -> memref<64xf32, #tpu.memory_space<hbm>>
      tpu.wait_dma2 semaphore(%arg14 : memref<!tpu.dma_semaphore, #tpu.memory_space<semaphore_mem>>) src(%dma_wait3A_120 : memref<64xf32, #tpu.memory_space<hbm>>) dst(%dma_wait3A_117 : memref<64xf32, #tpu.memory_space<vmem>>)
    }
    %scan3A_11 = arith.constant 128 : i32
    %iota3A = tpu.iota {dimensions = array<i32: 0>} : vector<16xi32>
    %broadcast_in_dim3A = arith.constant 0.000000e+00 : f32
    %broadcast_in_dim3A_12 = vector.broadcast %broadcast_in_dim3A : f32 to vector<16xf32>
    %xor3A = arith.constant 8 : i32
    %xor3A_13 = vector.broadcast %xor3A : i32 to vector<16xi32>
    %xor3A_14 = arith.xori %iota3A, %xor3A_13 : vector<16xi32>
    %broadcast_in_dim3A_15 = vector.shape_cast %xor3A_14 : vector<16xi32> to vector<16x1xi32>
    %xor3A_16 = arith.constant 4 : i32
    %xor3A_17 = vector.broadcast %xor3A_16 : i32 to vector<16xi32>
    %xor3A_18 = arith.xori %iota3A, %xor3A_17 : vector<16xi32>
    %broadcast_in_dim3A_19 = vector.shape_cast %xor3A_18 : vector<16xi32> to vector<16x1xi32>
    %xor3A_20 = arith.constant 2 : i32
    %xor3A_21 = vector.broadcast %xor3A_20 : i32 to vector<16xi32>
    %xor3A_22 = arith.xori %iota3A, %xor3A_21 : vector<16xi32>
    %broadcast_in_dim3A_23 = vector.shape_cast %xor3A_22 : vector<16xi32> to vector<16x1xi32>
    %xor3A_24 = arith.constant 1 : i32
    %xor3A_25 = vector.broadcast %xor3A_24 : i32 to vector<16xi32>
    %xor3A_26 = arith.xori %iota3A, %xor3A_25 : vector<16xi32>
    %broadcast_in_dim3A_27 = vector.shape_cast %xor3A_26 : vector<16xi32> to vector<16x1xi32>
    %scan3A_28 = arith.constant 0 : i32
    %scan3A_29 = arith.constant 8 : i32
    %scan3A_30 = arith.addi %scan3A_28, %scan3A_29 : i32
    %scan3A_31 = arith.constant 1 : i32
    %scan3A_32 = scf.for %scan3A_37 = %scan3A_28 to %scan3A_30 step %scan3A_31 iter_args(%scan3A_38 = %broadcast_in_dim3A_12) -> (vector<16xf32>)  : i32 {
      %scan3A_39 = arith.constant 0 : i32
      %scan3A_40 = arith.constant 16 : i32
      %scan3A_41 = arith.addi %scan3A_39, %scan3A_40 : i32
      %scan3A_42 = arith.constant 1 : i32
      %scan3A_43:2 = scf.for %scan3A_127 = %scan3A_39 to %scan3A_41 step %scan3A_42 iter_args(%scan3A_128 = %broadcast_in_dim3A_12, %scan3A_129 = %broadcast_in_dim3A_12) -> (vector<16xf32>, vector<16xf32>)  : i32 {
        %mul3A_130 = arith.constant 16 : i32
        %mul3A_131 = arith.muli %scan3A_37, %mul3A_130 : i32
        %add3A_132 = arith.addi %mul3A_131, %scan3A_127 : i32
        %get3A = arith.index_cast %add3A_132 : i32 to index
        %get3A_133 = arith.constant 0 : index
        %get3A_134 = tpu.vector_load %arg7[%get3A, %get3A_133] {strides = array<i32>} : memref<128x64xf32, #tpu.memory_space<vmem>>, vector<1x16xf32>,
        %get3A_135 = vector.shape_cast %get3A_134 : vector<1x16xf32> to vector<16xf32>
        %get3A_136 = arith.index_cast %add3A_132 : i32 to index
        %get3A_137 = arith.constant 0 : index
        %get3A_138 = tpu.vector_load %arg8[%get3A_136, %get3A_137] {strides = array<i32>} : memref<128x64xf32, #tpu.memory_space<vmem>>, vector<1x16xf32>,
        %get3A_139 = vector.shape_cast %get3A_138 : vector<1x16xf32> to vector<16xf32>
        %add3A_140 = arith.addf %get3A_135, %get3A_139 : vector<16xf32>
        %get3A_141 = arith.index_cast %add3A_132 : i32 to index
        %get3A_142 = arith.constant 0 : index
        %get3A_143 = tpu.vector_load %arg9[%get3A_141, %get3A_142] {strides = array<i32>} : memref<128x64xf32, #tpu.memory_space<vmem>>, vector<1x16xf32>,
        %get3A_144 = vector.shape_cast %get3A_143 : vector<1x16xf32> to vector<16xf32>
        %sub3A_145 = arith.subf %add3A_140, %get3A_144 : vector<16xf32>
        %mul3A_146 = arith.mulf %sub3A_145, %sub3A_145 : vector<16xf32>
        %add3A_147 = arith.addf %broadcast_in_dim3A_12, %mul3A_146 : vector<16xf32>
        %get3A_148 = arith.index_cast %add3A_132 : i32 to index
        %get3A_149 = arith.constant 0 : index
        %get3A_150 = tpu.vector_load %arg10[%get3A_148, %get3A_149] {strides = array<i32>} : memref<128x64xf32, #tpu.memory_space<vmem>>, vector<1x16xf32>,
        %get3A_151 = vector.shape_cast %get3A_150 : vector<1x16xf32> to vector<16xf32>
        %get3A_152 = arith.index_cast %add3A_132 : i32 to index
        %get3A_153 = arith.constant 0 : index
        %get3A_154 = tpu.vector_load %arg11[%get3A_152, %get3A_153] {strides = array<i32>} : memref<128x64xf32, #tpu.memory_space<vmem>>, vector<1x16xf32>,
        %get3A_155 = vector.shape_cast %get3A_154 : vector<1x16xf32> to vector<16xf32>
        %add3A_156 = arith.addf %get3A_151, %get3A_155 : vector<16xf32>
        %get3A_157 = arith.index_cast %add3A_132 : i32 to index
        %get3A_158 = arith.constant 0 : index
        %get3A_159 = tpu.vector_load %arg12[%get3A_157, %get3A_158] {strides = array<i32>} : memref<128x64xf32, #tpu.memory_space<vmem>>, vector<1x16xf32>,
        %get3A_160 = vector.shape_cast %get3A_159 : vector<1x16xf32> to vector<16xf32>
        %sub3A_161 = arith.subf %add3A_156, %get3A_160 : vector<16xf32>
        %mul3A_162 = arith.mulf %sub3A_161, %sub3A_161 : vector<16xf32>
        %add3A_163 = arith.addf %broadcast_in_dim3A_12, %mul3A_162 : vector<16xf32>
        %get3A_164 = arith.index_cast %add3A_132 : i32 to index
        %get3A_165 = arith.constant 16 : index
        %get3A_166 = tpu.vector_load %arg7[%get3A_164, %get3A_165] {strides = array<i32>} : memref<128x64xf32, #tpu.memory_space<vmem>>, vector<1x16xf32>,
        %get3A_167 = vector.shape_cast %get3A_166 : vector<1x16xf32> to vector<16xf32>
        %get3A_168 = arith.index_cast %add3A_132 : i32 to index
        %get3A_169 = arith.constant 16 : index
        %get3A_170 = tpu.vector_load %arg8[%get3A_168, %get3A_169] {strides = array<i32>} : memref<128x64xf32, #tpu.memory_space<vmem>>, vector<1x16xf32>,
        %get3A_171 = vector.shape_cast %get3A_170 : vector<1x16xf32> to vector<16xf32>
        %add3A_172 = arith.addf %get3A_167, %get3A_171 : vector<16xf32>
        %get3A_173 = arith.index_cast %add3A_132 : i32 to index
        %get3A_174 = arith.constant 16 : index
        %get3A_175 = tpu.vector_load %arg9[%get3A_173, %get3A_174] {strides = array<i32>} : memref<128x64xf32, #tpu.memory_space<vmem>>, vector<1x16xf32>,
        %get3A_176 = vector.shape_cast %get3A_175 : vector<1x16xf32> to vector<16xf32>
        %sub3A_177 = arith.subf %add3A_172, %get3A_176 : vector<16xf32>
        %mul3A_178 = arith.mulf %sub3A_177, %sub3A_177 : vector<16xf32>
        %add3A_179 = arith.addf %add3A_147, %mul3A_178 : vector<16xf32>
        %get3A_180 = arith.index_cast %add3A_132 : i32 to index
        %get3A_181 = arith.constant 16 : index
        %get3A_182 = tpu.vector_load %arg10[%get3A_180, %get3A_181] {strides = array<i32>} : memref<128x64xf32, #tpu.memory_space<vmem>>, vector<1x16xf32>,
        %get3A_183 = vector.shape_cast %get3A_182 : vector<1x16xf32> to vector<16xf32>
        %get3A_184 = arith.index_cast %add3A_132 : i32 to index
        %get3A_185 = arith.constant 16 : index
        %get3A_186 = tpu.vector_load %arg11[%get3A_184, %get3A_185] {strides = array<i32>} : memref<128x64xf32, #tpu.memory_space<vmem>>, vector<1x16xf32>,
        %get3A_187 = vector.shape_cast %get3A_186 : vector<1x16xf32> to vector<16xf32>
        %add3A_188 = arith.addf %get3A_183, %get3A_187 : vector<16xf32>
        %get3A_189 = arith.index_cast %add3A_132 : i32 to index
        %get3A_190 = arith.constant 16 : index
        %get3A_191 = tpu.vector_load %arg12[%get3A_189, %get3A_190] {strides = array<i32>} : memref<128x64xf32, #tpu.memory_space<vmem>>, vector<1x16xf32>,
        %get3A_192 = vector.shape_cast %get3A_191 : vector<1x16xf32> to vector<16xf32>
        %sub3A_193 = arith.subf %add3A_188, %get3A_192 : vector<16xf32>
        %mul3A_194 = arith.mulf %sub3A_193, %sub3A_193 : vector<16xf32>
        %add3A_195 = arith.addf %add3A_163, %mul3A_194 : vector<16xf32>
        %get3A_196 = arith.index_cast %add3A_132 : i32 to index
        %get3A_197 = arith.constant 32 : index
        %get3A_198 = tpu.vector_load %arg7[%get3A_196, %get3A_197] {strides = array<i32>} : memref<128x64xf32, #tpu.memory_space<vmem>>, vector<1x16xf32>,
        %get3A_199 = vector.shape_cast %get3A_198 : vector<1x16xf32> to vector<16xf32>
        %get3A_200 = arith.index_cast %add3A_132 : i32 to index
        %get3A_201 = arith.constant 32 : index
        %get3A_202 = tpu.vector_load %arg8[%get3A_200, %get3A_201] {strides = array<i32>} : memref<128x64xf32, #tpu.memory_space<vmem>>, vector<1x16xf32>,
        %get3A_203 = vector.shape_cast %get3A_202 : vector<1x16xf32> to vector<16xf32>
        %add3A_204 = arith.addf %get3A_199, %get3A_203 : vector<16xf32>
        %get3A_205 = arith.index_cast %add3A_132 : i32 to index
        %get3A_206 = arith.constant 32 : index
        %get3A_207 = tpu.vector_load %arg9[%get3A_205, %get3A_206] {strides = array<i32>} : memref<128x64xf32, #tpu.memory_space<vmem>>, vector<1x16xf32>,
        %get3A_208 = vector.shape_cast %get3A_207 : vector<1x16xf32> to vector<16xf32>
        %sub3A_209 = arith.subf %add3A_204, %get3A_208 : vector<16xf32>
        %mul3A_210 = arith.mulf %sub3A_209, %sub3A_209 : vector<16xf32>
        %add3A_211 = arith.addf %add3A_179, %mul3A_210 : vector<16xf32>
        %get3A_212 = arith.index_cast %add3A_132 : i32 to index
        %get3A_213 = arith.constant 32 : index
        %get3A_214 = tpu.vector_load %arg10[%get3A_212, %get3A_213] {strides = array<i32>} : memref<128x64xf32, #tpu.memory_space<vmem>>, vector<1x16xf32>,
        %get3A_215 = vector.shape_cast %get3A_214 : vector<1x16xf32> to vector<16xf32>
        %get3A_216 = arith.index_cast %add3A_132 : i32 to index
        %get3A_217 = arith.constant 32 : index
        %get3A_218 = tpu.vector_load %arg11[%get3A_216, %get3A_217] {strides = array<i32>} : memref<128x64xf32, #tpu.memory_space<vmem>>, vector<1x16xf32>,
        %get3A_219 = vector.shape_cast %get3A_218 : vector<1x16xf32> to vector<16xf32>
        %add3A_220 = arith.addf %get3A_215, %get3A_219 : vector<16xf32>
        %get3A_221 = arith.index_cast %add3A_132 : i32 to index
        %get3A_222 = arith.constant 32 : index
        %get3A_223 = tpu.vector_load %arg12[%get3A_221, %get3A_222] {strides = array<i32>} : memref<128x64xf32, #tpu.memory_space<vmem>>, vector<1x16xf32>,
        %get3A_224 = vector.shape_cast %get3A_223 : vector<1x16xf32> to vector<16xf32>
        %sub3A_225 = arith.subf %add3A_220, %get3A_224 : vector<16xf32>
        %mul3A_226 = arith.mulf %sub3A_225, %sub3A_225 : vector<16xf32>
        %add3A_227 = arith.addf %add3A_195, %mul3A_226 : vector<16xf32>
        %get3A_228 = arith.index_cast %add3A_132 : i32 to index
        %get3A_229 = arith.constant 48 : index
        %get3A_230 = tpu.vector_load %arg7[%get3A_228, %get3A_229] {strides = array<i32>} : memref<128x64xf32, #tpu.memory_space<vmem>>, vector<1x16xf32>,
        %get3A_231 = vector.shape_cast %get3A_230 : vector<1x16xf32> to vector<16xf32>
        %get3A_232 = arith.index_cast %add3A_132 : i32 to index
        %get3A_233 = arith.constant 48 : index
        %get3A_234 = tpu.vector_load %arg8[%get3A_232, %get3A_233] {strides = array<i32>} : memref<128x64xf32, #tpu.memory_space<vmem>>, vector<1x16xf32>,
        %get3A_235 = vector.shape_cast %get3A_234 : vector<1x16xf32> to vector<16xf32>
        %add3A_236 = arith.addf %get3A_231, %get3A_235 : vector<16xf32>
        %get3A_237 = arith.index_cast %add3A_132 : i32 to index
        %get3A_238 = arith.constant 48 : index
        %get3A_239 = tpu.vector_load %arg9[%get3A_237, %get3A_238] {strides = array<i32>} : memref<128x64xf32, #tpu.memory_space<vmem>>, vector<1x16xf32>,
        %get3A_240 = vector.shape_cast %get3A_239 : vector<1x16xf32> to vector<16xf32>
        %sub3A_241 = arith.subf %add3A_236, %get3A_240 : vector<16xf32>
        %mul3A_242 = arith.mulf %sub3A_241, %sub3A_241 : vector<16xf32>
        %add3A_243 = arith.addf %add3A_211, %mul3A_242 : vector<16xf32>
        %get3A_244 = arith.index_cast %add3A_132 : i32 to index
        %get3A_245 = arith.constant 48 : index
        %get3A_246 = tpu.vector_load %arg10[%get3A_244, %get3A_245] {strides = array<i32>} : memref<128x64xf32, #tpu.memory_space<vmem>>, vector<1x16xf32>,
        %get3A_247 = vector.shape_cast %get3A_246 : vector<1x16xf32> to vector<16xf32>
        %get3A_248 = arith.index_cast %add3A_132 : i32 to index
        %get3A_249 = arith.constant 48 : index
        %get3A_250 = tpu.vector_load %arg11[%get3A_248, %get3A_249] {strides = array<i32>} : memref<128x64xf32, #tpu.memory_space<vmem>>, vector<1x16xf32>,
        %get3A_251 = vector.shape_cast %get3A_250 : vector<1x16xf32> to vector<16xf32>
        %add3A_252 = arith.addf %get3A_247, %get3A_251 : vector<16xf32>
        %get3A_253 = arith.index_cast %add3A_132 : i32 to index
        %get3A_254 = arith.constant 48 : index
        %get3A_255 = tpu.vector_load %arg12[%get3A_253, %get3A_254] {strides = array<i32>} : memref<128x64xf32, #tpu.memory_space<vmem>>, vector<1x16xf32>,
        %get3A_256 = vector.shape_cast %get3A_255 : vector<1x16xf32> to vector<16xf32>
        %sub3A_257 = arith.subf %add3A_252, %get3A_256 : vector<16xf32>
        %mul3A_258 = arith.mulf %sub3A_257, %sub3A_257 : vector<16xf32>
        %add3A_259 = arith.addf %add3A_227, %mul3A_258 : vector<16xf32>
        %eq3A = vector.broadcast %scan3A_127 : i32 to vector<16xi32>
        %eq3A_260 = arith.cmpi eq, %iota3A, %eq3A : vector<16xi32>
        %gather3A = vector.shape_cast %broadcast_in_dim3A_15 : vector<16x1xi32> to vector<16xi32>
        %gather3A_261 = tpu.dynamic_gather %add3A_243[%gather3A] in [0] : vector<16xf32>, vector<16xi32> -> vector<16xf32>
        %add3A_262 = arith.addf %add3A_243, %gather3A_261 : vector<16xf32>
        %gather3A_263 = vector.shape_cast %broadcast_in_dim3A_19 : vector<16x1xi32> to vector<16xi32>
        %gather3A_264 = tpu.dynamic_gather %add3A_262[%gather3A_263] in [0] : vector<16xf32>, vector<16xi32> -> vector<16xf32>
        %add3A_265 = arith.addf %add3A_262, %gather3A_264 : vector<16xf32>
        %gather3A_266 = vector.shape_cast %broadcast_in_dim3A_23 : vector<16x1xi32> to vector<16xi32>
        %gather3A_267 = tpu.dynamic_gather %add3A_265[%gather3A_266] in [0] : vector<16xf32>, vector<16xi32> -> vector<16xf32>
        %add3A_268 = arith.addf %add3A_265, %gather3A_267 : vector<16xf32>
        %gather3A_269 = vector.shape_cast %broadcast_in_dim3A_27 : vector<16x1xi32> to vector<16xi32>
        %gather3A_270 = tpu.dynamic_gather %add3A_268[%gather3A_269] in [0] : vector<16xf32>, vector<16xi32> -> vector<16xf32>
        %add3A_271 = arith.addf %add3A_268, %gather3A_270 : vector<16xf32>
        %select_n3A = arith.select %eq3A_260, %add3A_271, %scan3A_128 : vector<16xi1>, vector<16xf32>
        %gather3A_272 = vector.shape_cast %broadcast_in_dim3A_15 : vector<16x1xi32> to vector<16xi32>
        %gather3A_273 = tpu.dynamic_gather %add3A_259[%gather3A_272] in [0] : vector<16xf32>, vector<16xi32> -> vector<16xf32>
        %add3A_274 = arith.addf %add3A_259, %gather3A_273 : vector<16xf32>
        %gather3A_275 = vector.shape_cast %broadcast_in_dim3A_19 : vector<16x1xi32> to vector<16xi32>
        %gather3A_276 = tpu.dynamic_gather %add3A_274[%gather3A_275] in [0] : vector<16xf32>, vector<16xi32> -> vector<16xf32>
        %add3A_277 = arith.addf %add3A_274, %gather3A_276 : vector<16xf32>
        %gather3A_278 = vector.shape_cast %broadcast_in_dim3A_23 : vector<16x1xi32> to vector<16xi32>
        %gather3A_279 = tpu.dynamic_gather %add3A_277[%gather3A_278] in [0] : vector<16xf32>, vector<16xi32> -> vector<16xf32>
        %add3A_280 = arith.addf %add3A_277, %gather3A_279 : vector<16xf32>
        %gather3A_281 = vector.shape_cast %broadcast_in_dim3A_27 : vector<16x1xi32> to vector<16xi32>
        %gather3A_282 = tpu.dynamic_gather %add3A_280[%gather3A_281] in [0] : vector<16xf32>, vector<16xi32> -> vector<16xf32>
        %add3A_283 = arith.addf %add3A_280, %gather3A_282 : vector<16xf32>
        %select_n3A_284 = arith.select %eq3A_260, %add3A_283, %scan3A_129 : vector<16xi1>, vector<16xf32>
        scf.yield %select_n3A, %select_n3A_284 : vector<16xf32>, vector<16xf32>
      }
      %scan3A_44 = arith.constant 16 : i32
      %max3A = arith.constant 9.99999996E-13 : f32
      %max3A_45 = vector.broadcast %max3A : f32 to vector<16xf32>
      %max3A_46 = arith.maximumf %scan3A_43#0, %max3A_45 : vector<16xf32>
      %bitcast_convert_type3A = tpu.bitcast %max3A_46 : vector<16xf32> -> vector<16xi32>
      %shift_right_logical3A = arith.constant 1 : i32
      %shift_right_logical3A_47 = vector.broadcast %shift_right_logical3A : i32 to vector<16xi32>
      %shift_right_logical3A_48 = arith.shrui %bitcast_convert_type3A, %shift_right_logical3A_47 : vector<16xi32>
      %sub3A = arith.constant 1597463007 : i32
      %sub3A_49 = vector.broadcast %sub3A : i32 to vector<16xi32>
      %sub3A_50 = arith.subi %sub3A_49, %shift_right_logical3A_48 : vector<16xi32>
      %bitcast_convert_type3A_51 = tpu.bitcast %sub3A_50 : vector<16xi32> -> vector<16xf32>
      %mul3A_52 = arith.constant 5.000000e-01 : f32
      %mul3A_53 = vector.broadcast %mul3A_52 : f32 to vector<16xf32>
      %mul3A_54 = arith.mulf %mul3A_53, %max3A_46 : vector<16xf32>
      %mul3A_55 = arith.mulf %mul3A_54, %bitcast_convert_type3A_51 : vector<16xf32>
      %mul3A_56 = arith.mulf %mul3A_55, %bitcast_convert_type3A_51 : vector<16xf32>
      %sub3A_57 = arith.constant 1.500000e+00 : f32
      %sub3A_58 = vector.broadcast %sub3A_57 : f32 to vector<16xf32>
      %sub3A_59 = arith.subf %sub3A_58, %mul3A_56 : vector<16xf32>
      %mul3A_60 = arith.mulf %bitcast_convert_type3A_51, %sub3A_59 : vector<16xf32>
      %mul3A_61 = arith.constant 5.000000e-01 : f32
      %mul3A_62 = vector.broadcast %mul3A_61 : f32 to vector<16xf32>
      %mul3A_63 = arith.mulf %mul3A_62, %max3A_46 : vector<16xf32>
      %mul3A_64 = arith.mulf %mul3A_63, %mul3A_60 : vector<16xf32>
      %mul3A_65 = arith.mulf %mul3A_64, %mul3A_60 : vector<16xf32>
      %sub3A_66 = arith.constant 1.500000e+00 : f32
      %sub3A_67 = vector.broadcast %sub3A_66 : f32 to vector<16xf32>
      %sub3A_68 = arith.subf %sub3A_67, %mul3A_65 : vector<16xf32>
      %mul3A_69 = arith.mulf %mul3A_60, %sub3A_68 : vector<16xf32>
      %mul3A_70 = arith.constant 5.000000e-01 : f32
      %mul3A_71 = vector.broadcast %mul3A_70 : f32 to vector<16xf32>
      %mul3A_72 = arith.mulf %mul3A_71, %max3A_46 : vector<16xf32>
      %mul3A_73 = arith.mulf %mul3A_72, %mul3A_69 : vector<16xf32>
      %mul3A_74 = arith.mulf %mul3A_73, %mul3A_69 : vector<16xf32>
      %sub3A_75 = arith.constant 1.500000e+00 : f32
      %sub3A_76 = vector.broadcast %sub3A_75 : f32 to vector<16xf32>
      %sub3A_77 = arith.subf %sub3A_76, %mul3A_74 : vector<16xf32>
      %mul3A_78 = arith.mulf %mul3A_69, %sub3A_77 : vector<16xf32>
      %mul3A_79 = arith.mulf %max3A_46, %mul3A_78 : vector<16xf32>
      %max3A_80 = arith.constant 9.99999996E-13 : f32
      %max3A_81 = vector.broadcast %max3A_80 : f32 to vector<16xf32>
      %max3A_82 = arith.maximumf %scan3A_43#1, %max3A_81 : vector<16xf32>
      %bitcast_convert_type3A_83 = tpu.bitcast %max3A_82 : vector<16xf32> -> vector<16xi32>
      %shift_right_logical3A_84 = arith.constant 1 : i32
      %shift_right_logical3A_85 = vector.broadcast %shift_right_logical3A_84 : i32 to vector<16xi32>
      %shift_right_logical3A_86 = arith.shrui %bitcast_convert_type3A_83, %shift_right_logical3A_85 : vector<16xi32>
      %sub3A_87 = arith.constant 1597463007 : i32
      %sub3A_88 = vector.broadcast %sub3A_87 : i32 to vector<16xi32>
      %sub3A_89 = arith.subi %sub3A_88, %shift_right_logical3A_86 : vector<16xi32>
      %bitcast_convert_type3A_90 = tpu.bitcast %sub3A_89 : vector<16xi32> -> vector<16xf32>
      %mul3A_91 = arith.constant 5.000000e-01 : f32
      %mul3A_92 = vector.broadcast %mul3A_91 : f32 to vector<16xf32>
      %mul3A_93 = arith.mulf %mul3A_92, %max3A_82 : vector<16xf32>
      %mul3A_94 = arith.mulf %mul3A_93, %bitcast_convert_type3A_90 : vector<16xf32>
      %mul3A_95 = arith.mulf %mul3A_94, %bitcast_convert_type3A_90 : vector<16xf32>
      %sub3A_96 = arith.constant 1.500000e+00 : f32
      %sub3A_97 = vector.broadcast %sub3A_96 : f32 to vector<16xf32>
      %sub3A_98 = arith.subf %sub3A_97, %mul3A_95 : vector<16xf32>
      %mul3A_99 = arith.mulf %bitcast_convert_type3A_90, %sub3A_98 : vector<16xf32>
      %mul3A_100 = arith.constant 5.000000e-01 : f32
      %mul3A_101 = vector.broadcast %mul3A_100 : f32 to vector<16xf32>
      %mul3A_102 = arith.mulf %mul3A_101, %max3A_82 : vector<16xf32>
      %mul3A_103 = arith.mulf %mul3A_102, %mul3A_99 : vector<16xf32>
      %mul3A_104 = arith.mulf %mul3A_103, %mul3A_99 : vector<16xf32>
      %sub3A_105 = arith.constant 1.500000e+00 : f32
      %sub3A_106 = vector.broadcast %sub3A_105 : f32 to vector<16xf32>
      %sub3A_107 = arith.subf %sub3A_106, %mul3A_104 : vector<16xf32>
      %mul3A_108 = arith.mulf %mul3A_99, %sub3A_107 : vector<16xf32>
      %mul3A_109 = arith.constant 5.000000e-01 : f32
      %mul3A_110 = vector.broadcast %mul3A_109 : f32 to vector<16xf32>
      %mul3A_111 = arith.mulf %mul3A_110, %max3A_82 : vector<16xf32>
      %mul3A_112 = arith.mulf %mul3A_111, %mul3A_108 : vector<16xf32>
      %mul3A_113 = arith.mulf %mul3A_112, %mul3A_108 : vector<16xf32>
      %sub3A_114 = arith.constant 1.500000e+00 : f32
      %sub3A_115 = vector.broadcast %sub3A_114 : f32 to vector<16xf32>
      %sub3A_116 = arith.subf %sub3A_115, %mul3A_113 : vector<16xf32>
      %mul3A_117 = arith.mulf %mul3A_108, %sub3A_116 : vector<16xf32>
      %mul3A_118 = arith.mulf %max3A_82, %mul3A_117 : vector<16xf32>
      %add3A_119 = arith.constant 1.000000e+00 : f32
      %add3A_120 = vector.broadcast %add3A_119 : f32 to vector<16xf32>
      %add3A_121 = arith.addf %add3A_120, %mul3A_79 : vector<16xf32>
      %sub3A_122 = arith.subf %add3A_121, %mul3A_118 : vector<16xf32>
      %max3A_123 = arith.constant 0.000000e+00 : f32
      %max3A_124 = vector.broadcast %max3A_123 : f32 to vector<16xf32>
      %max3A_125 = arith.maximumf %sub3A_122, %max3A_124 : vector<16xf32>
      %add3A_126 = arith.addf %scan3A_38, %max3A_125 : vector<16xf32>
      scf.yield %add3A_126 : vector<16xf32>
    }
    %scan3A_33 = arith.constant 8 : i32
    %swap3A = arith.constant 0 : index
    %swap3A_34 = tpu.vector_load %arg13[%swap3A] {strides = array<i32>} : memref<16xf32, #tpu.memory_space<vmem>>, vector<16xf32>,
    %swap3A_35 = vector.shape_cast %swap3A_34 : vector<16xf32> to vector<16xf32>
    %swap3A_36 = vector.shape_cast %scan3A_32 : vector<16xf32> to vector<16xf32>
    tpu.vector_store %arg13[%swap3A], %swap3A_36 {strides = array<i32>} : memref<16xf32, #tpu.memory_space<vmem>>, vector<16xf32>,
    "tpu.region"() ({
      %run_scoped3A = tpu.sem_alloc : memref<!tpu.dma_semaphore, #tpu.memory_space<semaphore_mem>>
      %dma_start3A = arith.constant 0 : i32
      %dma_start3A_37 = tpu.memref_slice %arg5[%add3A, %dma_start3A] : memref<32x16xf32, #tpu.memory_space<hbm>> -> memref<1x16xf32, #tpu.memory_space<hbm>>
      %dma_start3A_38 = tpu.memref_squeeze %dma_start3A_37 : memref<1x16xf32, #tpu.memory_space<hbm>> -> memref<16xf32, #tpu.memory_space<hbm>>
      %dma_start3A_39 = arith.constant 0 : i32
      %dma_start3A_40 = tpu.memref_slice %arg5[%add3A, %dma_start3A_39] : memref<32x16xf32, #tpu.memory_space<hbm>> -> memref<1x16xf32, #tpu.memory_space<hbm>>
      %dma_start3A_41 = tpu.memref_squeeze %dma_start3A_40 : memref<1x16xf32, #tpu.memory_space<hbm>> -> memref<16xf32, #tpu.memory_space<hbm>>
      tpu.enqueue_dma source(%arg13 : memref<16xf32, #tpu.memory_space<vmem>>) target(%dma_start3A_41 : memref<16xf32, #tpu.memory_space<hbm>>) target_semaphore(%run_scoped3A : memref<!tpu.dma_semaphore, #tpu.memory_space<semaphore_mem>>)
      %dma_wait3A = arith.constant 0 : i32
      %dma_wait3A_42 = tpu.memref_slice %arg5[%add3A, %dma_wait3A] : memref<32x16xf32, #tpu.memory_space<hbm>> -> memref<1x16xf32, #tpu.memory_space<hbm>>
      %dma_wait3A_43 = tpu.memref_squeeze %dma_wait3A_42 : memref<1x16xf32, #tpu.memory_space<hbm>> -> memref<16xf32, #tpu.memory_space<hbm>>
      %dma_wait3A_44 = arith.constant 0 : i32
      %dma_wait3A_45 = tpu.memref_slice %arg5[%add3A, %dma_wait3A_44] : memref<32x16xf32, #tpu.memory_space<hbm>> -> memref<1x16xf32, #tpu.memory_space<hbm>>
      %dma_wait3A_46 = tpu.memref_squeeze %dma_wait3A_45 : memref<1x16xf32, #tpu.memory_space<hbm>> -> memref<16xf32, #tpu.memory_space<hbm>>
      tpu.wait_dma2 semaphore(%run_scoped3A : memref<!tpu.dma_semaphore, #tpu.memory_space<semaphore_mem>>) src(%arg13 : memref<16xf32, #tpu.memory_space<vmem>>) dst(%dma_wait3A_46 : memref<16xf32, #tpu.memory_space<hbm>>)
      tpu.yield
    }) : () -> ()
    return
  }
}

</mosaic_0001>

<sc_bundles>
// kernel: kernel.3.cloned.1.call-start
scs
__scs_entry_jumppad:
0x0: {  	(pc) =	sbr.rel $0x88, $3  }
0x1: {  	(tag) =	ssettag $0x0;
	lr =	simm.s32 $0x1  }
0x2: {  	[smem:$0x3F9E] =	sst lr;
	_ =	strace $0xD0000000  }
0x3: {  	_ = 	snop  }
0x4: {  	_ = 	snop  }
0x5: {  	_ = 	snop  }
0x6: {  	_ = 	snop  }
0x7: {  	_ = 	snop  }
__scs_overlays_trampoline_lowered:
0x8: {  	[smem:$0x3FAD] =	sst s0  }
0x9: {  	[smem:$0x3FAE] =	sst s1  }
0xa: {  	[smem:$0x3FAF] =	sst s2  }
0xb: {  	[smem:$0x3FB0] =	sst s3  }
0xc: {  	[smem:$0x3FB1] =	sst s4  }
0xd: {  	[smem:$0x3FB2] =	sst s5  }
0xe: {  	[smem:$0x3FB3] =	sst s6  }
0xf: {  	[smem:$0x3FB4] =	sst s7  }
0x10: {  	[smem:$0x3FB5] =	sst s8  }
0x11: {  	[smem:$0x3FB6] =	sst s9;
	s0 =	simm.s32 @!p0 $0x0  }
0x12: {  	s1 =	sld [smem:$0x3F9C];
	s0 =	simm.s32 @p0 $0x1  }
0x13: {  	[smem:$0x3FB7] =	sst s0;
	s0 =	simm.s32 @!p1 $0x0  }
0x14: {  	s2 =	sld [smem:$0x3F9B];
	s0 =	simm.s32 @p1 $0x1  }
0x15: {  	[smem:$0x3FB8] =	sst s0;
	s0 =	simm.s32 @!p2 $0x0  }
0x16: {  	s3 =	sld [smem:$0x3FDB];
	s0 =	simm.s32 @p2 $0x1  }
0x17: {  	s4 =	simm.s32 $0x1BF5;
	[smem:$0x3FBA] =	sst s0  }
0x18: {  	s0 =	sld [smem:$0x3F9D];
	_ =	swait.ge [sflag:s4], $0x0  }
0x19: {  	s7 =	sld [smem:$0x3F9E]  }
0x1a: {  	s8 =	sadd.s32 $0xFFFFE003, lr  }
0x1b: {  	s9 =	sadd.s32 $0xFFFFFEF7, lr;
	s5 =	simm.s32 $0xFFFFFFFF;
	p2 =	slt.u32 s8, $0xFFFFF086  }
0x1c: {  	p1 =	slt.u32 s9, $0xF7A;
	s5 =	simm.s32 @!p2 $0x0  }
0x1d: {  	s5 =	simm.s32 @p1 $0x1;
	p0 =	seq.s32 s7, s2  }
0x1e: {  	s7 =	smul.u32 @!p0 $0xF7A, s2;
	p2 =	seq.s32 @!p0 s5, $0x0  }
0x1f: {  	s9 =	smul.u32 $0xF7A, s1;
	s8 =	simm.s32 @!p0 $0x1BF5;
	p2 =	por !p2, p0  }
0x20: {  	[sflag:s8] =	ssyncset.s32 @!p0 $0xFFFFF086;
	s6 =	sadd.s32 @!p0 s3, s7;
	s7 =	simm.s32 @!p0 $0x108  }
0x21: {  	s3 =	sadd.s32 s3, s9;
	s6 =	sadd.s32 @!p0 $0x88, s6;
	s7 =	simm.s32 @p2 $0x1082  }
0x22: {  	[simem:s7], [sflag:s8] =	dma.local @!p0 [hbm:s6], $0xF7A  }
0x23: {  	s9 =	sor.u32 $0xD0000000, s2;
	s6 =	simm.s32 $0x108;
	_ =	swait.ge @!p0 [sflag:s8], $0x0  }
0x24: {  	s3 =	sadd.s32 $0x88, s3;
	s6 =	simm.s32 @!p1 $0x1082;
	[sflag:s4] =	ssyncset.s32 $0xFFFFF086  }
0x25: {  	[simem:s6], [sflag:s4] =	dma.local [hbm:s3], $0xF7A  }
0x26: {  	[smem:$0x3F9E] =	sst s1;
	(tag) =	ssettag s2;
	_ =	strace s9  }
0x27: {  	s1 =	sld [smem:$0x3FAE]  }
0x28: {  	s2 =	sld [smem:$0x3FAF]  }
0x29: {  	s4 =	sld [smem:$0x3FB1]  }
0x2a: {  	p0 =	seq.s32 s5, $0x0;
	s5 =	sld [smem:$0x3FB2]  }
0x2b: {  	s6 =	sld [smem:$0x3FB3]  }
0x2c: {  	s7 =	sld [smem:$0x3FB4]  }
0x2d: {  	s3 =	simm.s32 $0x108;
	s8 =	sld [smem:$0x3FB5]  }
0x2e: {  	s3 =	simm.s32 @!p0 $0x1082;
	s9 =	sld [smem:$0x3FB6]  }
0x2f: {  	lr =	sadd.s32 s0, s3;
	s0 =	sld [smem:$0x3FAD]  }
0x30: {  	s3 =	sld [smem:$0x3FB0]  }
0x31: {  	[smem:$0x3FB9] =	sst s10  }
0x32: {  	s10 =	sld [smem:$0x3FB7];
	_ =	sdelay $0x3  }
0x33: {  	p0 =	seq.s32 s10, $0x1;
	s10 =	sld [smem:$0x3FB9];
	_ =	sdelay $0x3  }
0x34: {  	[smem:$0x3FB9] =	sst s10  }
0x35: {  	s10 =	sld [smem:$0x3FB8];
	_ =	sdelay $0x3  }
0x36: {  	p1 =	seq.s32 s10, $0x1;
	s10 =	sld [smem:$0x3FB9];
	_ =	sdelay $0x3  }
0x37: {  	[smem:$0x3FB9] =	sst s10  }
0x38: {  	s10 =	sld [smem:$0x3FBA]  }
0x39: {  	_ = 	snop;
	(pc) =	sbr.ind lr, $3  }
0x3a: {  	_ = 	snop  }
0x3b: {  	_ = 	snop  }
0x3c: {  	p2 =	seq.s32 s10, $0x1;
	s10 =	sld [smem:$0x3FB9]  }
0x3d: {  	_ =	shalt  }
0x3e: {  	_ =	shalt  }
0x3f: {  	_ =	shalt  }
0x40: {  	_ =	shalt  }
0x41: {  	_ =	shalt  }
0x42: {  	_ =	shalt  }
0x43: {  	_ =	shalt  }
0x44: {  	_ =	shalt  }
0x45: {  	_ =	shalt  }
0x46: {  	_ =	shalt  }
0x47: {  	_ =	shalt  }
0x48: {  	_ =	shalt  }
0x49: {  	_ =	shalt  }
0x4a: {  	_ =	shalt  }
0x4b: {  	_ =	shalt  }
0x4c: {  	_ =	shalt  }
0x4d: {  	_ =	shalt  }
0x4e: {  	_ =	shalt  }
0x4f: {  	_ =	shalt  }
0x50: {  	_ =	shalt  }
0x51: {  	_ =	shalt  }
0x52: {  	_ =	shalt  }
0x53: {  	_ =	shalt  }
0x54: {  	_ =	shalt  }
0x55: {  	_ =	shalt  }
0x56: {  	_ =	shalt  }
0x57: {  	_ =	shalt  }
0x58: {  	_ =	shalt  }
0x59: {  	_ =	shalt  }
0x5a: {  	_ =	shalt  }
0x5b: {  	_ =	shalt  }
0x5c: {  	_ =	shalt  }
0x5d: {  	_ =	shalt  }
0x5e: {  	_ =	shalt  }
0x5f: {  	_ =	shalt  }
0x60: {  	_ =	shalt  }
0x61: {  	_ =	shalt  }
0x62: {  	_ =	shalt  }
0x63: {  	_ =	shalt  }
0x64: {  	_ =	shalt  }
0x65: {  	_ =	shalt  }
0x66: {  	_ =	shalt  }
0x67: {  	_ =	shalt  }
0x68: {  	_ =	shalt  }
0x69: {  	_ =	shalt  }
0x6a: {  	_ =	shalt  }
0x6b: {  	_ =	shalt  }
0x6c: {  	_ =	shalt  }
0x6d: {  	_ =	shalt  }
0x6e: {  	_ =	shalt  }
0x6f: {  	_ =	shalt  }
0x70: {  	_ =	shalt  }
0x71: {  	_ =	shalt  }
0x72: {  	_ =	shalt  }
0x73: {  	_ =	shalt  }
0x74: {  	_ =	shalt  }
0x75: {  	_ =	shalt  }
0x76: {  	_ =	shalt  }
0x77: {  	_ =	shalt  }
0x78: {  	_ =	shalt  }
0x79: {  	_ =	shalt  }
0x7a: {  	_ =	shalt  }
0x7b: {  	_ =	shalt  }
0x7c: {  	_ =	shalt  }
0x7d: {  	_ =	shalt  }
0x7e: {  	_ =	shalt  }
0x7f: {  	_ =	shalt  }
0x80: {  	_ =	shalt  }
0x81: {  	_ =	shalt  }
0x82: {  	_ =	shalt  }
0x83: {  	_ =	shalt  }
0x84: {  	_ =	shalt  }
0x85: {  	_ =	shalt  }
0x86: {  	_ =	shalt  }
0x87: {  	_ =	shalt  }
.Lfunc_end0:
.L_simem_size_0:
called_computation_lowered:
.L_overlay_start_0:
0x88: {  	s2 =	sld [smem:$0x3FD9]  }
0x89: {  	s3 =	sld [smem:$0x3FFE];
	_ =	sdelay $0x1  }
0x8a: {  	s1 =	srdreg.scid  }
0x8b: {  	s0 =	sand.u32 $0x1, s1  }
0x8c: {  	s16 =	sshll.u32 s0, $0xA;
	s2 =	sadd.s32 s3, s2  }
0x8d: {  	s2 =	sadd.s32 s2, s16  }
0x8e: {  	[smem:$0x3FC5] =	sst s2  }
0x8f: {  	_ = 	snop  }
0x90: {  	(tm) =	ssettm $0x1  }
0x91: {  	s17 =	sld [smem:$0x3FFB];
	_ =	sdelay $0x3  }
0x92: {  	_ =	strace s17  }
0x93: {  	s2 =	sld [smem:$0x3FFC];
	_ =	sdelay $0x3  }
0x94: {  	_ =	strace s2  }
0x95: {  	s2 =	sld [smem:$0x3FFD];
	_ =	sdelay $0x3  }
0x96: {  	_ =	strace s2  }
0x97: {  	_ =	strace $0x8FFFFFFF  }
0x98: {  	s18 =	sld [smem:$0x3FDB];
	_ =	sdelay $0x1  }
0x99: {  	s19 =	simm.s32 $_scs_section_size  }
0x9a: {  	s4 =	simm.s32 $_size__tile_overlayer_lowered;
	s5 =	simm.s32 $_tile_overlayer_lowered  }
0x9b: {  	s22 =	simm.s32 $0x1BFF;
	s21 =	sshll.u32 s5, $0x1;
	s2 =	sadd.s32 s19, s18  }
0x9c: {  	s6 =	simm.s32 $0x0;
	s20 =	sshll.u32 s4, $0x1;
	s4 =	sadd.s32 s21, s2  }
0x9d: {  	[timem:s6], [sflag:s22] =	dma.local [hbm:s4], s20  }
0x9e: {  	_ =	swait.ge [sflag:s22], s20  }
0x9f: {  	s3 =	ssub.s32 $0x0, s20;
	[sflag:s22] =	ssyncset.done $0x0  }
0xa0: {  	[sflag:s22] =	ssyncadd.s32 s3;
	_ =	sdelay $0x1  }
0xa1: {  	s23 =	simm.s32 $0x1B8B  }
0xa2: {  	_ =	swait.ge [sflag:s23], $0x1  }
0xa3: {  	[sflag:s23] =	ssyncset.done $0x0  }
0xa4: {  	s25 =	simm.s32 $0x1B8E;
	s24 =	sld [smem:$0x3FFE];
	[sflag:s23] =	ssyncadd.s32 $0xFFFFFFFF  }
0xa5: {  	s26 =	simm.s32 $execute0_lowered;
	[smem:$0x3FD2] =	sst s25  }
0xa6: {  	s4 =	sshll.u32 s26, $0x1;
	_ =	strace $0x80000046;
	[dreg:$0x1] =	wrdreg $0xFFFFFFFF  }
0xa7: {  	s28 =	simm.s32 $_size_execute0_lowered;
	s2 =	sadd.s32 s2, s4;
	[dreg:$0x0] =	wrdreg $0x0  }
0xa8: {  	s4 =	sshll.u32 s28, $0x1;
	[dreg:$0x2] =	wrdreg s2  }
0xa9: {  	[dreg:$0x3] =	wrdreg s4  }
0xaa: {  	[dreg:$0x4] =	wrdreg $0xC0  }
0xab: {  	_ =	task [dreg:s6], $0x5FFFF  }
0xac: {  	[dreg:$0x1] =	wrdreg $0xFFFFFFFF  }
0xad: {  	[dreg:$0x0] =	wrdreg $0x60  }
0xae: {  	[dreg:$0x2] =	wrdreg s24  }
0xaf: {  	[dreg:$0x3] =	wrdreg $0x9  }
0xb0: {  	_ =	task.clear_ibuf [dreg:s6], $0x4FFFF;
	_ =	strace $0x90000046  }
0xb1: {  	s29 =	simm.s32 $0x9;
	_ =	strace $0x80000048  }
0xb2: {  	_ =	swait.ge [sflag:s29], $0x1  }
0xb3: {  	[sflag:s29] =	ssyncadd.s32 $0xFFFFFFFF  }
0xb4: {  	_ =	strace $0x90000048  }
0xb5: {  	_ =	sfence  }
0xb6: {  	s30 =	sld [smem:$0x0];
	_ =	sdelay $0x2  }
0xb7: {  	s31 =	sshll.u32 s1, $0xD;
	s1 =	sshrl.u32 s1, $0x2  }
0xb8: {  	s3 =	sand.u32 $0x4000, s31;
	s1 =	sadd.s32 s1, s30  }
0xb9: {  	s0 =	sor.u32 s3, s0;
	s1 =	sshll.u32 s1, $0x11  }
0xba: {  	s0 =	sor.u32 s1, s0  }
0xbb: {  	s0 =	sadd.s32 $0x8F2B, s0  }
0xbc: {  	[sflag:s0] =	ssyncadd.remote.s32 $0x1  }
0xbd: {  	_ =	sfence.sel $0xFFFF  }
0xbe: {  	[dreg:$0x0] =	wrdreg $0xFFFFFFFF;
	(pc) =	sbr.abs _section_cstart, $3  }
0xbf: {  	[dreg:$0x1] =	wrdreg $0xFFFFFFFF  }
0xc0: {  	_ =	task.clear_ibuf [dreg:s6], $0x2FFFF;
	_ =	strace $0x9FFFFFFF  }
0xc1: {  	(tm) =	ssettm $0x7FFFFFFF  }
tec
execute0_lowered:
.L_overlay_start_1:
0x0: {  	(tag) =	ssettag $0x1  }
0x1: {  	v0 =	vimm.s32 $0xFEDCBA98;
	v1 =	vimm.s32 $0x76543210  }
0x2: {  	v2 =	vimm.s32 $0xBA98FEDC;
	v3 =	vimm.s32 $0x32107654;
	v4 =	vimm.s32 $0xDCFE98BA  }
0x3: {  	v5 =	vimm.s32 $0x54761032;
	v6 =	vimm.s32 $0xEFCDAB89;
	v7 =	vimm.s32 $0x67452301  }
0x4: {  	v0 =	vunpack.c.l.s4.s8 v0;
	v1 =	vunpack.c.l.s4.s8 v1;
	v2 =	vunpack.c.l.s4.s8 v2  }
0x5: {  	s5 =	rddreg [dreg:$0x0];
	s1 =	simm.s32 $0x0;
	s3 =	srdreg.scid;
	v3 =	vunpack.c.l.s4.s8 v3;
	v4 =	vunpack.c.l.s4.s8 v4;
	v5 =	vunpack.c.l.s4.s8 v5  }
0x6: {  	s2 =	stileid.u32;
	s10 =	simm.s32 $0x18400;
	s11 =	simm.s32 $0x0;
	v6 =	vunpack.c.l.s4.s8 v6;
	v7 =	vunpack.c.l.s4.s8 v7;
	v0 =	vunpack.c.0.s8.s32 v0  }
0x7: {  	[smem:$0x7FF] =	sst s1;
	s4 =	sand.u32 $0x1, s3;
	s6 =	sshll.u32 s2, $0x8;
	v2 =	vunpack.c.0.s8.s32 v2;
	v3 =	vunpack.c.0.s8.s32 v3;
	v4 =	vunpack.c.0.s8.s32 v4  }
0x8: {  	s3 =	sadd.s32 $0x1000, s5;
	s7 =	sshll.u32 s4, $0x7;
	s31 =	ssub.s32 $0x2, s4;
	v5 =	vunpack.c.0.s8.s32 v5;
	v6 =	vunpack.c.0.s8.s32 v6;
	v7 =	vunpack.c.0.s8.s32 v7  }
0x9: {  	_ =	strace $0x80000047;
	s6 =	sor.u32 s7, s6;
	s9 =	sshrl.u32 s31, $0x1;
	v1 =	vunpack.c.0.s8.s32 v1;
	v2 =	vcombine.low v3, v2  }
0xa: {  	s4 =	sadd.s32 $0xF43400, s5;
	s8 =	sshrl.u32 s6, $0x3;
	s7 =	ssub.s32 s31, s9;
	v3 =	vcombine.low v5, v4;
	v4 =	vand.u32 $0xF, v0;
	v5 =	vcombine.low v7, v6  }
0xb: {  	s9 =	simm.s32 $0x1;
	s8 =	sadd.s32 s8, s5;
	s5 =	sadd.s32 s5, s6;
	v0 =	vlaneseq.u32;
	v1 =	vcombine.low v4, v1  }
0xc: {  	s7 =	smax.u32 s7, $0x1;
	s6 =	sadd.s32 $0x1E85800, s8;
	s8 =	simm.s32 $0x2;
	v2 =	vand.u32 $0xF, v2;
	v3 =	vand.u32 $0xF, v3;
	v4 =	vand.u32 $0xF, v5  }
.LBB2_1:
0xd: {  	[tilespmem:s1], [sflag:$0x2] =	stream.linear.gather [hbm4b:s5+s1], $0x300, $0x38;
	[tilespmem:$0x18480] =	vst v63  }
0xe: {  	_ =	swait.ge [sflag:s8], $0x300  }
0xf: {  	[sflag:s8] =	ssyncset.done $0x0  }
0x10: {  	s12 =	simm.s32 $0x180;
	[sflag:s8] =	ssyncadd.s32 $0xFFFFFD00  }
0x11: {  	v5 =	vld [tilespmem:s12+$0xFFFFFE80];
	_ =	sdelay $0x4  }
0x12: {  	v5 =	vshll.u32 v5, $0x4  }
0x13: {  	(v2sf) =	vpush v5, $0x1  }
0x14: {  	(v2sf) =	vpush v5, $0x0  }
0x15: {  	(v2sf) =	vpush v5, $0x2  }
0x16: {  	(v2sf) =	vpush v5, $0x3;
	_ =	sdelay $0x1  }
0x17: {  	(v2sf) =	vpush v5, $0x4;
	_ =	sdelay $0x1  }
0x18: {  	(v2sf) =	vpush v5, $0x5;
	_ =	sdelay $0x1  }
0x19: {  	(v2sf) =	vpush v5, $0x6;
	_ =	sdelay $0x1  }
0x1a: {  	(v2sf) =	vpush v5, $0x7  }
0x1b: {  	s14 =	simm.s32 $0xA00;
	s13 =	simm.s32 $0xA80  }
0x1c: {  	s16 =	simm.s32 $0x400;
	s17 =	simm.s32 $0x480;
	s15 =	simm.s32 $0x980  }
0x1d: {  	s18 =	simm.s32 $0x880;
	s19 =	simm.s32 $0x900;
	s21 =	simm.s32 $0x500  }
0x1e: {  	s23 =	simm.s32 $0x800;
	s26 =	simm.s32 $0x780;
	s20 =	spop (v2sf);
	(v2sf) =	vpush v5, $0x8  }
0x1f: {  	s30 =	simm.s32 $0x580;
	s0 =	simm.s32 $0x600;
	s22 =	spop (v2sf)  }
0x20: {  	s20 =	sand.u32 $0x1FFFFFF0, s20;
	(v2sf) =	vpush v5, $0x9;
	s22 =	sand.u32 $0x1FFFFFF0, s22;
	s24 =	spop (v2sf)  }
0x21: {  	s22 =	sadd.s32 s3, s22;
	s24 =	sand.u32 $0x1FFFFFF0, s24;
	s25 =	spop (v2sf)  }
0x22: {  	(v2sf) =	vpush v5, $0xA;
	[tilespmem:s16], [sflag:$0x1] =	stream.linear.gather [hbm4b:s22+s1], $0x80, $0x38;
	[tilespmem:$0x18480] =	vst v63  }
0x23: {  	s25 =	sand.u32 $0x1FFFFFF0, s25;
	s28 =	spop (v2sf);
	s22 =	sadd.s32 s3, s20  }
0x24: {  	(v2sf) =	vpush v5, $0xB;
	[tilespmem:s17], [sflag:$0x1] =	stream.linear.gather [hbm4b:s22+s1], $0x80, $0x38;
	[tilespmem:$0x18480] =	vst v63  }
0x25: {  	s29 =	sadd.s32 s3, s24;
	s20 =	sand.u32 $0x1FFFFFF0, s28;
	s28 =	spop (v2sf)  }
0x26: {  	(v2sf) =	vpush v5, $0xC;
	[tilespmem:s21], [sflag:$0x1] =	stream.linear.gather [hbm4b:s29+s1], $0x80, $0x38;
	[tilespmem:$0x18480] =	vst v63  }
0x27: {  	s31 =	sadd.s32 s3, s25;
	s22 =	sand.u32 $0x1FFFFFF0, s28;
	s25 =	spop (v2sf)  }
0x28: {  	(v2sf) =	vpush v5, $0xD;
	[tilespmem:s30], [sflag:$0x1] =	stream.linear.gather [hbm4b:s31+s1], $0x80, $0x38;
	[tilespmem:$0x18480] =	vst v63  }
0x29: {  	s28 =	sadd.s32 s3, s20;
	s24 =	spop (v2sf);
	s30 =	sand.u32 $0x1FFFFFF0, s25  }
0x2a: {  	(v2sf) =	vpush v5, $0xE;
	[tilespmem:s0], [sflag:$0x1] =	stream.linear.gather [hbm4b:s28+s1], $0x80, $0x38;
	[tilespmem:$0x18480] =	vst v63  }
0x2b: {  	s29 =	simm.s32 $0x680;
	s31 =	sadd.s32 s3, s22;
	s25 =	sadd.s32 s3, s30  }
0x2c: {  	(v2sf) =	vpush v5, $0xF;
	[tilespmem:s29], [sflag:$0x1] =	stream.linear.gather [hbm4b:s31+s1], $0x80, $0x38;
	[tilespmem:$0x18480] =	vst v63  }
0x2d: {  	s0 =	simm.s32 $0x700;
	s28 =	sand.u32 $0x1FFFFFF0, s24;
	s29 =	spop (v2sf)  }
0x2e: {  	[tilespmem:s0], [sflag:$0x1] =	stream.linear.gather [hbm4b:s25+s1], $0x80, $0x38;
	[tilespmem:$0x18480] =	vst v63  }
0x2f: {  	s30 =	sadd.s32 s3, s28;
	s31 =	sand.u32 $0x1FFFFFF0, s29;
	s0 =	spop (v2sf)  }
0x30: {  	[tilespmem:s26], [sflag:$0x1] =	stream.linear.gather [hbm4b:s30+s1], $0x80, $0x38;
	[tilespmem:$0x18480] =	vst v63  }
0x31: {  	s17 =	sadd.s32 s3, s31;
	s21 =	sand.u32 $0x1FFFFFF0, s0;
	s22 =	spop (v2sf)  }
0x32: {  	[tilespmem:s23], [sflag:$0x1] =	stream.linear.gather [hbm4b:s17+s1], $0x80, $0x38;
	[tilespmem:$0x18480] =	vst v63  }
0x33: {  	s24 =	sand.u32 $0x1FFFFFF0, s22;
	s25 =	spop (v2sf);
	s23 =	sadd.s32 s3, s21  }
0x34: {  	[tilespmem:s18], [sflag:$0x1] =	stream.linear.gather [hbm4b:s23+s1], $0x80, $0x38;
	[tilespmem:$0x18480] =	vst v63  }
0x35: {  	s26 =	sadd.s32 s3, s24;
	s28 =	sand.u32 $0x1FFFFFF0, s25;
	s29 =	spop (v2sf)  }
0x36: {  	[tilespmem:s19], [sflag:$0x1] =	stream.linear.gather [hbm4b:s26+s1], $0x80, $0x38;
	[tilespmem:$0x18480] =	vst v63  }
0x37: {  	s30 =	sadd.s32 s3, s28;
	s31 =	sand.u32 $0x1FFFFFF0, s29;
	s0 =	spop (v2sf)  }
0x38: {  	[tilespmem:s15], [sflag:$0x1] =	stream.linear.gather [hbm4b:s30+s1], $0x80, $0x38;
	[tilespmem:$0x18480] =	vst v63  }
0x39: {  	s20 =	sand.u32 $0x1FFFFFF0, s0;
	s21 =	spop (v2sf);
	s19 =	sadd.s32 s3, s31  }
0x3a: {  	[tilespmem:s14], [sflag:$0x1] =	stream.linear.gather [hbm4b:s19+s1], $0x80, $0x38;
	[tilespmem:$0x18480] =	vst v63  }
0x3b: {  	s22 =	sadd.s32 s3, s20;
	s23 =	sand.u32 $0x1FFFFFF0, s21;
	s24 =	spop (v2sf)  }
0x3c: {  	[tilespmem:s13], [sflag:$0x1] =	stream.linear.gather [hbm4b:s22+s1], $0x80, $0x38;
	[tilespmem:$0x18480] =	vst v63  }
0x3d: {  	s25 =	simm.s32 $0xB00;
	s28 =	sand.u32 $0x1FFFFFF0, s24;
	s26 =	sadd.s32 s3, s23  }
0x3e: {  	[tilespmem:s25], [sflag:$0x1] =	stream.linear.gather [hbm4b:s26+s1], $0x80, $0x38;
	[tilespmem:$0x18480] =	vst v63  }
0x3f: {  	s29 =	simm.s32 $0xB80;
	s30 =	sadd.s32 s3, s28  }
0x40: {  	[tilespmem:s29], [sflag:$0x1] =	stream.linear.gather [hbm4b:s30+s1], $0x80, $0x38;
	[tilespmem:$0x18480] =	vst v63  }
0x41: {  	v5 =	vld [tilespmem:s12+$0xFFFFFF00];
	_ =	sdelay $0x4  }
0x42: {  	v5 =	vshll.u32 v5, $0x4  }
0x43: {  	(v2sf) =	vpush v5, $0x0  }
0x44: {  	(v2sf) =	vpush v5, $0x1  }
0x45: {  	(v2sf) =	vpush v5, $0x2;
	_ =	sdelay $0x1  }
0x46: {  	(v2sf) =	vpush v5, $0x3;
	_ =	sdelay $0x1  }
0x47: {  	(v2sf) =	vpush v5, $0x4;
	_ =	sdelay $0x1  }
0x48: {  	(v2sf) =	vpush v5, $0x5;
	_ =	sdelay $0x1  }
0x49: {  	(v2sf) =	vpush v5, $0x6  }
0x4a: {  	s16 =	simm.s32 $0x4900;
	s17 =	simm.s32 $0x4880  }
0x4b: {  	s0 =	simm.s32 $0x4400;
	s18 =	simm.s32 $0x4700;
	s20 =	simm.s32 $0x4800;
	(v2sf) =	vpush v5, $0x7  }
0x4c: {  	s21 =	simm.s32 $0x4580;
	s24 =	simm.s32 $0x4480;
	s23 =	simm.s32 $0x4680  }
0x4d: {  	s15 =	simm.s32 $0x4980;
	s14 =	simm.s32 $0x4A00;
	s19 =	simm.s32 $0x4780;
	(v2sf) =	vpush v5, $0x8  }
0x4e: {  	s13 =	simm.s32 $0x4A80;
	s22 =	simm.s32 $0x4600;
	s31 =	spop (v2sf)  }
0x4f: {  	s25 =	simm.s32 $0x4500;
	s26 =	sand.u32 $0x1FFFFFF0, s31;
	s29 =	spop (v2sf);
	(v2sf) =	vpush v5, $0x9  }
0x50: {  	s26 =	sadd.s32 s4, s26;
	s29 =	sand.u32 $0x1FFFFFF0, s29;
	s30 =	spop (v2sf)  }
0x51: {  	(v2sf) =	vpush v5, $0xA;
	[tilespmem:s0], [sflag:$0x1] =	stream.linear.gather [hbm4b:s26+s1], $0x80, $0x38;
	[tilespmem:$0x18480] =	vst v63  }
0x52: {  	s26 =	sadd.s32 s4, s29;
	s31 =	sand.u32 $0x1FFFFFF0, s30;
	s0 =	spop (v2sf)  }
0x53: {  	(v2sf) =	vpush v5, $0xB;
	[tilespmem:s24], [sflag:$0x1] =	stream.linear.gather [hbm4b:s26+s1], $0x80, $0x38;
	[tilespmem:$0x18480] =	vst v63  }
0x54: {  	s30 =	sadd.s32 s4, s31;
	s31 =	sand.u32 $0x1FFFFFF0, s0;
	s0 =	spop (v2sf)  }
0x55: {  	(v2sf) =	vpush v5, $0xC;
	[tilespmem:s25], [sflag:$0x1] =	stream.linear.gather [hbm4b:s30+s1], $0x80, $0x38;
	[tilespmem:$0x18480] =	vst v63  }
0x56: {  	s26 =	sadd.s32 s4, s31;
	s28 =	sand.u32 $0x1FFFFFF0, s0;
	s29 =	spop (v2sf)  }
0x57: {  	(v2sf) =	vpush v5, $0xD;
	[tilespmem:s21], [sflag:$0x1] =	stream.linear.gather [hbm4b:s26+s1], $0x80, $0x38;
	[tilespmem:$0x18480] =	vst v63  }
0x58: {  	s31 =	sand.u32 $0x1FFFFFF0, s29;
	s0 =	spop (v2sf);
	s30 =	sadd.s32 s4, s28  }
0x59: {  	(v2sf) =	vpush v5, $0xE;
	[tilespmem:s22], [sflag:$0x1] =	stream.linear.gather [hbm4b:s30+s1], $0x80, $0x38;
	[tilespmem:$0x18480] =	vst v63  }
0x5a: {  	s24 =	sand.u32 $0x1FFFFFF0, s0;
	s25 =	spop (v2sf);
	s22 =	sadd.s32 s4, s31  }
0x5b: {  	(v2sf) =	vpush v5, $0xF;
	[tilespmem:s23], [sflag:$0x1] =	stream.linear.gather [hbm4b:s22+s1], $0x80, $0x38;
	[tilespmem:$0x18480] =	vst v63  }
0x5c: {  	s28 =	sand.u32 $0x1FFFFFF0, s25;
	s29 =	spop (v2sf);
	s26 =	sadd.s32 s4, s24  }
0x5d: {  	[tilespmem:s18], [sflag:$0x1] =	stream.linear.gather [hbm4b:s26+s1], $0x80, $0x38;
	[tilespmem:$0x18480] =	vst v63  }
0x5e: {  	s30 =	sadd.s32 s4, s28;
	s31 =	sand.u32 $0x1FFFFFF0, s29;
	s0 =	spop (v2sf)  }
0x5f: {  	[tilespmem:s19], [sflag:$0x1] =	stream.linear.gather [hbm4b:s30+s1], $0x80, $0x38;
	[tilespmem:$0x18480] =	vst v63  }
0x60: {  	s19 =	sadd.s32 s4, s31;
	s21 =	sand.u32 $0x1FFFFFF0, s0;
	s22 =	spop (v2sf)  }
0x61: {  	[tilespmem:s20], [sflag:$0x1] =	stream.linear.gather [hbm4b:s19+s1], $0x80, $0x38;
	[tilespmem:$0x18480] =	vst v63  }
0x62: {  	s23 =	sadd.s32 s4, s21;
	s24 =	sand.u32 $0x1FFFFFF0, s22;
	s25 =	spop (v2sf)  }
0x63: {  	[tilespmem:s17], [sflag:$0x1] =	stream.linear.gather [hbm4b:s23+s1], $0x80, $0x38;
	[tilespmem:$0x18480] =	vst v63  }
0x64: {  	s26 =	sadd.s32 s4, s24;
	s28 =	sand.u32 $0x1FFFFFF0, s25;
	s29 =	spop (v2sf)  }
0x65: {  	[tilespmem:s16], [sflag:$0x1] =	stream.linear.gather [hbm4b:s26+s1], $0x80, $0x38;
	[tilespmem:$0x18480] =	vst v63  }
0x66: {  	s30 =	sadd.s32 s4, s28;
	s31 =	sand.u32 $0x1FFFFFF0, s29;
	s0 =	spop (v2sf)  }
0x67: {  	[tilespmem:s15], [sflag:$0x1] =	stream.linear.gather [hbm4b:s30+s1], $0x80, $0x38;
	[tilespmem:$0x18480] =	vst v63  }
0x68: {  	s17 =	sadd.s32 s4, s31;
	s19 =	sand.u32 $0x1FFFFFF0, s0;
	s20 =	spop (v2sf)  }
0x69: {  	[tilespmem:s14], [sflag:$0x1] =	stream.linear.gather [hbm4b:s17+s1], $0x80, $0x38;
	[tilespmem:$0x18480] =	vst v63  }
0x6a: {  	s21 =	sadd.s32 s4, s19;
	s22 =	sand.u32 $0x1FFFFFF0, s20;
	s23 =	spop (v2sf)  }
0x6b: {  	[tilespmem:s13], [sflag:$0x1] =	stream.linear.gather [hbm4b:s21+s1], $0x80, $0x38;
	[tilespmem:$0x18480] =	vst v63  }
0x6c: {  	s24 =	simm.s32 $0x4B00;
	s25 =	sadd.s32 s4, s22;
	s26 =	sand.u32 $0x1FFFFFF0, s23  }
0x6d: {  	[tilespmem:s24], [sflag:$0x1] =	stream.linear.gather [hbm4b:s25+s1], $0x80, $0x38;
	[tilespmem:$0x18480] =	vst v63  }
0x6e: {  	s28 =	simm.s32 $0x4B80;
	s29 =	sadd.s32 s4, s26  }
0x6f: {  	[tilespmem:s28], [sflag:$0x1] =	stream.linear.gather [hbm4b:s29+s1], $0x80, $0x38;
	[tilespmem:$0x18480] =	vst v63  }
0x70: {  	v5 =	vld [tilespmem:s12+$0xFFFFFF80];
	_ =	sdelay $0x4  }
0x71: {  	v5 =	vshll.u32 v5, $0x4  }
0x72: {  	(v2sf) =	vpush v5, $0x0  }
0x73: {  	(v2sf) =	vpush v5, $0x1  }
0x74: {  	(v2sf) =	vpush v5, $0x2;
	_ =	sdelay $0x1  }
0x75: {  	(v2sf) =	vpush v5, $0x3;
	_ =	sdelay $0x1  }
0x76: {  	(v2sf) =	vpush v5, $0x4;
	_ =	sdelay $0x1  }
0x77: {  	(v2sf) =	vpush v5, $0x5;
	_ =	sdelay $0x1  }
0x78: {  	(v2sf) =	vpush v5, $0x6  }
0x79: {  	s18 =	simm.s32 $0x8700;
	s19 =	simm.s32 $0x8780  }
0x7a: {  	s20 =	simm.s32 $0x8800;
	s16 =	simm.s32 $0x8900;
	s22 =	simm.s32 $0x8600;
	(v2sf) =	vpush v5, $0x7  }
0x7b: {  	s23 =	simm.s32 $0x8680;
	s15 =	simm.s32 $0x8980;
	s14 =	simm.s32 $0x8A00  }
0x7c: {  	s17 =	simm.s32 $0x8880;
	s13 =	simm.s32 $0x8A80;
	s21 =	simm.s32 $0x8580;
	(v2sf) =	vpush v5, $0x8  }
0x7d: {  	s24 =	simm.s32 $0x8480;
	s25 =	simm.s32 $0x8500;
	s30 =	spop (v2sf)  }
0x7e: {  	s28 =	simm.s32 $0x8400;
	s26 =	sand.u32 $0x1FFFFFF0, s30;
	s31 =	spop (v2sf);
	(v2sf) =	vpush v5, $0x9  }
0x7f: {  	s26 =	sadd.s32 s3, s26;
	s29 =	sand.u32 $0x1FFFFFF0, s31;
	s0 =	spop (v2sf)  }
0x80: {  	(v2sf) =	vpush v5, $0xA;
	[tilespmem:s28], [sflag:$0x1] =	stream.linear.gather [hbm4b:s26+s1], $0x80, $0x38;
	[tilespmem:$0x18480] =	vst v63  }
0x81: {  	s26 =	sadd.s32 s3, s29;
	s31 =	sand.u32 $0x1FFFFFF0, s0;
	s0 =	spop (v2sf)  }
0x82: {  	(v2sf) =	vpush v5, $0xB;
	[tilespmem:s24], [sflag:$0x1] =	stream.linear.gather [hbm4b:s26+s1], $0x80, $0x38;
	[tilespmem:$0x18480] =	vst v63  }
0x83: {  	s30 =	sadd.s32 s3, s31;
	s31 =	sand.u32 $0x1FFFFFF0, s0;
	s0 =	spop (v2sf)  }
0x84: {  	(v2sf) =	vpush v5, $0xC;
	[tilespmem:s25], [sflag:$0x1] =	stream.linear.gather [hbm4b:s30+s1], $0x80, $0x38;
	[tilespmem:$0x18480] =	vst v63  }
0x85: {  	s26 =	sadd.s32 s3, s31;
	s28 =	sand.u32 $0x1FFFFFF0, s0;
	s29 =	spop (v2sf)  }
0x86: {  	(v2sf) =	vpush v5, $0xD;
	[tilespmem:s21], [sflag:$0x1] =	stream.linear.gather [hbm4b:s26+s1], $0x80, $0x38;
	[tilespmem:$0x18480] =	vst v63  }
0x87: {  	s31 =	sand.u32 $0x1FFFFFF0, s29;
	s0 =	spop (v2sf);
	s30 =	sadd.s32 s3, s28  }
0x88: {  	(v2sf) =	vpush v5, $0xE;
	[tilespmem:s22], [sflag:$0x1] =	stream.linear.gather [hbm4b:s30+s1], $0x80, $0x38;
	[tilespmem:$0x18480] =	vst v63  }
0x89: {  	s24 =	sand.u32 $0x1FFFFFF0, s0;
	s25 =	spop (v2sf);
	s22 =	sadd.s32 s3, s31  }
0x8a: {  	(v2sf) =	vpush v5, $0xF;
	[tilespmem:s23], [sflag:$0x1] =	stream.linear.gather [hbm4b:s22+s1], $0x80, $0x38;
	[tilespmem:$0x18480] =	vst v63  }
0x8b: {  	s28 =	sand.u32 $0x1FFFFFF0, s25;
	s29 =	spop (v2sf);
	s26 =	sadd.s32 s3, s24  }
0x8c: {  	[tilespmem:s18], [sflag:$0x1] =	stream.linear.gather [hbm4b:s26+s1], $0x80, $0x38;
	[tilespmem:$0x18480] =	vst v63  }
0x8d: {  	s30 =	sadd.s32 s3, s28;
	s31 =	sand.u32 $0x1FFFFFF0, s29;
	s0 =	spop (v2sf)  }
0x8e: {  	[tilespmem:s19], [sflag:$0x1] =	stream.linear.gather [hbm4b:s30+s1], $0x80, $0x38;
	[tilespmem:$0x18480] =	vst v63  }
0x8f: {  	s19 =	sadd.s32 s3, s31;
	s21 =	sand.u32 $0x1FFFFFF0, s0;
	s22 =	spop (v2sf)  }
0x90: {  	[tilespmem:s20], [sflag:$0x1] =	stream.linear.gather [hbm4b:s19+s1], $0x80, $0x38;
	[tilespmem:$0x18480] =	vst v63  }
0x91: {  	s23 =	sadd.s32 s3, s21;
	s24 =	sand.u32 $0x1FFFFFF0, s22;
	s25 =	spop (v2sf)  }
0x92: {  	[tilespmem:s17], [sflag:$0x1] =	stream.linear.gather [hbm4b:s23+s1], $0x80, $0x38;
	[tilespmem:$0x18480] =	vst v63  }
0x93: {  	s26 =	sadd.s32 s3, s24;
	s28 =	sand.u32 $0x1FFFFFF0, s25;
	s29 =	spop (v2sf)  }
0x94: {  	[tilespmem:s16], [sflag:$0x1] =	stream.linear.gather [hbm4b:s26+s1], $0x80, $0x38;
	[tilespmem:$0x18480] =	vst v63  }
0x95: {  	s30 =	sadd.s32 s3, s28;
	s31 =	sand.u32 $0x1FFFFFF0, s29;
	s0 =	spop (v2sf)  }
0x96: {  	[tilespmem:s15], [sflag:$0x1] =	stream.linear.gather [hbm4b:s30+s1], $0x80, $0x38;
	[tilespmem:$0x18480] =	vst v63  }
0x97: {  	s17 =	sadd.s32 s3, s31;
	s19 =	sand.u32 $0x1FFFFFF0, s0;
	s20 =	spop (v2sf)  }
0x98: {  	[tilespmem:s14], [sflag:$0x1] =	stream.linear.gather [hbm4b:s17+s1], $0x80, $0x38;
	[tilespmem:$0x18480] =	vst v63  }
0x99: {  	s21 =	sadd.s32 s3, s19;
	s22 =	sand.u32 $0x1FFFFFF0, s20;
	s23 =	spop (v2sf)  }
0x9a: {  	[tilespmem:s13], [sflag:$0x1] =	stream.linear.gather [hbm4b:s21+s1], $0x80, $0x38;
	[tilespmem:$0x18480] =	vst v63  }
0x9b: {  	s24 =	simm.s32 $0x8B00;
	s25 =	sadd.s32 s3, s22;
	s26 =	sand.u32 $0x1FFFFFF0, s23  }
0x9c: {  	[tilespmem:s24], [sflag:$0x1] =	stream.linear.gather [hbm4b:s25+s1], $0x80, $0x38;
	[tilespmem:$0x18480] =	vst v63  }
0x9d: {  	s28 =	simm.s32 $0x8B80;
	s29 =	sadd.s32 s3, s26  }
0x9e: {  	[tilespmem:s28], [sflag:$0x1] =	stream.linear.gather [hbm4b:s29+s1], $0x80, $0x38;
	[tilespmem:$0x18480] =	vst v63  }
0x9f: {  	v5 =	vld [tilespmem:s12+$0x0];
	_ =	sdelay $0x4  }
0xa0: {  	v5 =	vshll.u32 v5, $0x4  }
0xa1: {  	(v2sf) =	vpush v5, $0x0  }
0xa2: {  	(v2sf) =	vpush v5, $0x1  }
0xa3: {  	(v2sf) =	vpush v5, $0x2;
	_ =	sdelay $0x1  }
0xa4: {  	(v2sf) =	vpush v5, $0x3;
	_ =	sdelay $0x1  }
0xa5: {  	(v2sf) =	vpush v5, $0x4;
	_ =	sdelay $0x1  }
0xa6: {  	(v2sf) =	vpush v5, $0x5;
	_ =	sdelay $0x1  }
0xa7: {  	(v2sf) =	vpush v5, $0x6  }
0xa8: {  	s18 =	simm.s32 $0xC700;
	s19 =	simm.s32 $0xC780  }
0xa9: {  	s20 =	simm.s32 $0xC800;
	s16 =	simm.s32 $0xC900;
	s22 =	simm.s32 $0xC600;
	(v2sf) =	vpush v5, $0x7  }
0xaa: {  	s23 =	simm.s32 $0xC680;
	s15 =	simm.s32 $0xC980;
	s14 =	simm.s32 $0xCA00  }
0xab: {  	s17 =	simm.s32 $0xC880;
	s13 =	simm.s32 $0xCA80;
	s21 =	simm.s32 $0xC580;
	(v2sf) =	vpush v5, $0x8  }
0xac: {  	s24 =	simm.s32 $0xC480;
	s25 =	simm.s32 $0xC500;
	s30 =	spop (v2sf)  }
0xad: {  	s28 =	simm.s32 $0xC400;
	s26 =	sand.u32 $0x1FFFFFF0, s30;
	s31 =	spop (v2sf);
	(v2sf) =	vpush v5, $0x9  }
0xae: {  	s26 =	sadd.s32 s3, s26;
	s29 =	sand.u32 $0x1FFFFFF0, s31;
	s0 =	spop (v2sf)  }
0xaf: {  	(v2sf) =	vpush v5, $0xA;
	[tilespmem:s28], [sflag:$0x1] =	stream.linear.gather [hbm4b:s26+s1], $0x80, $0x38;
	[tilespmem:$0x18480] =	vst v63  }
0xb0: {  	s26 =	sadd.s32 s3, s29;
	s31 =	sand.u32 $0x1FFFFFF0, s0;
	s0 =	spop (v2sf)  }
0xb1: {  	(v2sf) =	vpush v5, $0xB;
	[tilespmem:s24], [sflag:$0x1] =	stream.linear.gather [hbm4b:s26+s1], $0x80, $0x38;
	[tilespmem:$0x18480] =	vst v63  }
0xb2: {  	s30 =	sadd.s32 s3, s31;
	s31 =	sand.u32 $0x1FFFFFF0, s0;
	s0 =	spop (v2sf)  }
0xb3: {  	(v2sf) =	vpush v5, $0xC;
	[tilespmem:s25], [sflag:$0x1] =	stream.linear.gather [hbm4b:s30+s1], $0x80, $0x38;
	[tilespmem:$0x18480] =	vst v63  }
0xb4: {  	s26 =	sadd.s32 s3, s31;
	s28 =	sand.u32 $0x1FFFFFF0, s0;
	s29 =	spop (v2sf)  }
0xb5: {  	(v2sf) =	vpush v5, $0xD;
	[tilespmem:s21], [sflag:$0x1] =	stream.linear.gather [hbm4b:s26+s1], $0x80, $0x38;
	[tilespmem:$0x18480] =	vst v63  }
0xb6: {  	s31 =	sand.u32 $0x1FFFFFF0, s29;
	s0 =	spop (v2sf);
	s30 =	sadd.s32 s3, s28  }
0xb7: {  	(v2sf) =	vpush v5, $0xE;
	[tilespmem:s22], [sflag:$0x1] =	stream.linear.gather [hbm4b:s30+s1], $0x80, $0x38;
	[tilespmem:$0x18480] =	vst v63  }
0xb8: {  	s24 =	sand.u32 $0x1FFFFFF0, s0;
	s25 =	spop (v2sf);
	s22 =	sadd.s32 s3, s31  }
0xb9: {  	(v2sf) =	vpush v5, $0xF;
	[tilespmem:s23], [sflag:$0x1] =	stream.linear.gather [hbm4b:s22+s1], $0x80, $0x38;
	[tilespmem:$0x18480] =	vst v63  }
0xba: {  	s28 =	sand.u32 $0x1FFFFFF0, s25;
	s29 =	spop (v2sf);
	s26 =	sadd.s32 s3, s24  }
0xbb: {  	[tilespmem:s18], [sflag:$0x1] =	stream.linear.gather [hbm4b:s26+s1], $0x80, $0x38;
	[tilespmem:$0x18480] =	vst v63  }
0xbc: {  	s30 =	sadd.s32 s3, s28;
	s31 =	sand.u32 $0x1FFFFFF0, s29;
	s0 =	spop (v2sf)  }
0xbd: {  	[tilespmem:s19], [sflag:$0x1] =	stream.linear.gather [hbm4b:s30+s1], $0x80, $0x38;
	[tilespmem:$0x18480] =	vst v63  }
0xbe: {  	s19 =	sadd.s32 s3, s31;
	s21 =	sand.u32 $0x1FFFFFF0, s0;
	s22 =	spop (v2sf)  }
0xbf: {  	[tilespmem:s20], [sflag:$0x1] =	stream.linear.gather [hbm4b:s19+s1], $0x80, $0x38;
	[tilespmem:$0x18480] =	vst v63  }
0xc0: {  	s23 =	sadd.s32 s3, s21;
	s24 =	sand.u32 $0x1FFFFFF0, s22;
	s25 =	spop (v2sf)  }
0xc1: {  	[tilespmem:s17], [sflag:$0x1] =	stream.linear.gather [hbm4b:s23+s1], $0x80, $0x38;
	[tilespmem:$0x18480] =	vst v63  }
0xc2: {  	s26 =	sadd.s32 s3, s24;
	s28 =	sand.u32 $0x1FFFFFF0, s25;
	s29 =	spop (v2sf)  }
0xc3: {  	[tilespmem:s16], [sflag:$0x1] =	stream.linear.gather [hbm4b:s26+s1], $0x80, $0x38;
	[tilespmem:$0x18480] =	vst v63  }
0xc4: {  	s30 =	sadd.s32 s3, s28;
	s31 =	sand.u32 $0x1FFFFFF0, s29;
	s0 =	spop (v2sf)  }
0xc5: {  	[tilespmem:s15], [sflag:$0x1] =	stream.linear.gather [hbm4b:s30+s1], $0x80, $0x38;
	[tilespmem:$0x18480] =	vst v63  }
0xc6: {  	s17 =	sadd.s32 s3, s31;
	s19 =	sand.u32 $0x1FFFFFF0, s0;
	s20 =	spop (v2sf)  }
0xc7: {  	[tilespmem:s14], [sflag:$0x1] =	stream.linear.gather [hbm4b:s17+s1], $0x80, $0x38;
	[tilespmem:$0x18480] =	vst v63  }
0xc8: {  	s21 =	sadd.s32 s3, s19;
	s22 =	sand.u32 $0x1FFFFFF0, s20;
	s23 =	spop (v2sf)  }
0xc9: {  	[tilespmem:s13], [sflag:$0x1] =	stream.linear.gather [hbm4b:s21+s1], $0x80, $0x38;
	[tilespmem:$0x18480] =	vst v63  }
0xca: {  	s24 =	simm.s32 $0xCB00;
	s25 =	sadd.s32 s3, s22;
	s26 =	sand.u32 $0x1FFFFFF0, s23  }
0xcb: {  	[tilespmem:s24], [sflag:$0x1] =	stream.linear.gather [hbm4b:s25+s1], $0x80, $0x38;
	[tilespmem:$0x18480] =	vst v63  }
0xcc: {  	s28 =	simm.s32 $0xCB80;
	s29 =	sadd.s32 s3, s26  }
0xcd: {  	[tilespmem:s28], [sflag:$0x1] =	stream.linear.gather [hbm4b:s29+s1], $0x80, $0x38;
	[tilespmem:$0x18480] =	vst v63  }
0xce: {  	v5 =	vld [tilespmem:s12+$0x80];
	_ =	sdelay $0x4  }
0xcf: {  	v5 =	vshll.u32 v5, $0x4  }
0xd0: {  	(v2sf) =	vpush v5, $0x0  }
0xd1: {  	(v2sf) =	vpush v5, $0x1  }
0xd2: {  	(v2sf) =	vpush v5, $0x2;
	_ =	sdelay $0x1  }
0xd3: {  	(v2sf) =	vpush v5, $0x3;
	_ =	sdelay $0x1  }
0xd4: {  	(v2sf) =	vpush v5, $0x4;
	_ =	sdelay $0x1  }
0xd5: {  	(v2sf) =	vpush v5, $0x5;
	_ =	sdelay $0x1  }
0xd6: {  	(v2sf) =	vpush v5, $0x6  }
0xd7: {  	s18 =	simm.s32 $0x10700;
	s19 =	simm.s32 $0x10780  }
0xd8: {  	s20 =	simm.s32 $0x10800;
	s16 =	simm.s32 $0x10900;
	s22 =	simm.s32 $0x10600;
	(v2sf) =	vpush v5, $0x7  }
0xd9: {  	s23 =	simm.s32 $0x10680;
	s15 =	simm.s32 $0x10980;
	s14 =	simm.s32 $0x10A00  }
0xda: {  	s17 =	simm.s32 $0x10880;
	s13 =	simm.s32 $0x10A80;
	s21 =	simm.s32 $0x10580;
	(v2sf) =	vpush v5, $0x8  }
0xdb: {  	s24 =	simm.s32 $0x10480;
	s25 =	simm.s32 $0x10500;
	s30 =	spop (v2sf)  }
0xdc: {  	s28 =	simm.s32 $0x10400;
	s26 =	sand.u32 $0x1FFFFFF0, s30;
	s31 =	spop (v2sf);
	(v2sf) =	vpush v5, $0x9  }
0xdd: {  	s26 =	sadd.s32 s4, s26;
	s29 =	sand.u32 $0x1FFFFFF0, s31;
	s0 =	spop (v2sf)  }
0xde: {  	(v2sf) =	vpush v5, $0xA;
	[tilespmem:s28], [sflag:$0x1] =	stream.linear.gather [hbm4b:s26+s1], $0x80, $0x38;
	[tilespmem:$0x18480] =	vst v63  }
0xdf: {  	s26 =	sadd.s32 s4, s29;
	s31 =	sand.u32 $0x1FFFFFF0, s0;
	s0 =	spop (v2sf)  }
0xe0: {  	(v2sf) =	vpush v5, $0xB;
	[tilespmem:s24], [sflag:$0x1] =	stream.linear.gather [hbm4b:s26+s1], $0x80, $0x38;
	[tilespmem:$0x18480] =	vst v63  }
0xe1: {  	s30 =	sadd.s32 s4, s31;
	s31 =	sand.u32 $0x1FFFFFF0, s0;
	s0 =	spop (v2sf)  }
0xe2: {  	(v2sf) =	vpush v5, $0xC;
	[tilespmem:s25], [sflag:$0x1] =	stream.linear.gather [hbm4b:s30+s1], $0x80, $0x38;
	[tilespmem:$0x18480] =	vst v63  }
0xe3: {  	s26 =	sadd.s32 s4, s31;
	s28 =	sand.u32 $0x1FFFFFF0, s0;
	s29 =	spop (v2sf)  }
0xe4: {  	(v2sf) =	vpush v5, $0xD;
	[tilespmem:s21], [sflag:$0x1] =	stream.linear.gather [hbm4b:s26+s1], $0x80, $0x38;
	[tilespmem:$0x18480] =	vst v63  }
0xe5: {  	s31 =	sand.u32 $0x1FFFFFF0, s29;
	s0 =	spop (v2sf);
	s30 =	sadd.s32 s4, s28  }
0xe6: {  	(v2sf) =	vpush v5, $0xE;
	[tilespmem:s22], [sflag:$0x1] =	stream.linear.gather [hbm4b:s30+s1], $0x80, $0x38;
	[tilespmem:$0x18480] =	vst v63  }
0xe7: {  	s24 =	sand.u32 $0x1FFFFFF0, s0;
	s25 =	spop (v2sf);
	s22 =	sadd.s32 s4, s31  }
0xe8: {  	(v2sf) =	vpush v5, $0xF;
	[tilespmem:s23], [sflag:$0x1] =	stream.linear.gather [hbm4b:s22+s1], $0x80, $0x38;
	[tilespmem:$0x18480] =	vst v63  }
0xe9: {  	s28 =	sand.u32 $0x1FFFFFF0, s25;
	s29 =	spop (v2sf);
	s26 =	sadd.s32 s4, s24  }
0xea: {  	[tilespmem:s18], [sflag:$0x1] =	stream.linear.gather [hbm4b:s26+s1], $0x80, $0x38;
	[tilespmem:$0x18480] =	vst v63  }
0xeb: {  	s30 =	sadd.s32 s4, s28;
	s31 =	sand.u32 $0x1FFFFFF0, s29;
	s0 =	spop (v2sf)  }
0xec: {  	[tilespmem:s19], [sflag:$0x1] =	stream.linear.gather [hbm4b:s30+s1], $0x80, $0x38;
	[tilespmem:$0x18480] =	vst v63  }
0xed: {  	s19 =	sadd.s32 s4, s31;
	s21 =	sand.u32 $0x1FFFFFF0, s0;
	s22 =	spop (v2sf)  }
0xee: {  	[tilespmem:s20], [sflag:$0x1] =	stream.linear.gather [hbm4b:s19+s1], $0x80, $0x38;
	[tilespmem:$0x18480] =	vst v63  }
0xef: {  	s23 =	sadd.s32 s4, s21;
	s24 =	sand.u32 $0x1FFFFFF0, s22;
	s25 =	spop (v2sf)  }
0xf0: {  	[tilespmem:s17], [sflag:$0x1] =	stream.linear.gather [hbm4b:s23+s1], $0x80, $0x38;
	[tilespmem:$0x18480] =	vst v63  }
0xf1: {  	s26 =	sadd.s32 s4, s24;
	s28 =	sand.u32 $0x1FFFFFF0, s25;
	s29 =	spop (v2sf)  }
0xf2: {  	[tilespmem:s16], [sflag:$0x1] =	stream.linear.gather [hbm4b:s26+s1], $0x80, $0x38;
	[tilespmem:$0x18480] =	vst v63  }
0xf3: {  	s30 =	sadd.s32 s4, s28;
	s31 =	sand.u32 $0x1FFFFFF0, s29;
	s0 =	spop (v2sf)  }
0xf4: {  	[tilespmem:s15], [sflag:$0x1] =	stream.linear.gather [hbm4b:s30+s1], $0x80, $0x38;
	[tilespmem:$0x18480] =	vst v63  }
0xf5: {  	s19 =	sadd.s32 s4, s31;
	s20 =	sand.u32 $0x1FFFFFF0, s0;
	s21 =	spop (v2sf)  }
0xf6: {  	[tilespmem:s14], [sflag:$0x1] =	stream.linear.gather [hbm4b:s19+s1], $0x80, $0x38;
	[tilespmem:$0x18480] =	vst v63  }
0xf7: {  	s22 =	sadd.s32 s4, s20;
	s23 =	sand.u32 $0x1FFFFFF0, s21;
	s24 =	spop (v2sf)  }
0xf8: {  	[tilespmem:s13], [sflag:$0x1] =	stream.linear.gather [hbm4b:s22+s1], $0x80, $0x38;
	[tilespmem:$0x18480] =	vst v63  }
0xf9: {  	s25 =	simm.s32 $0x10B00;
	s26 =	sadd.s32 s4, s23;
	s28 =	sand.u32 $0x1FFFFFF0, s24  }
0xfa: {  	[tilespmem:s25], [sflag:$0x1] =	stream.linear.gather [hbm4b:s26+s1], $0x80, $0x38;
	[tilespmem:$0x18480] =	vst v63  }
0xfb: {  	s29 =	simm.s32 $0x10B80;
	s30 =	sadd.s32 s4, s28  }
0xfc: {  	[tilespmem:s29], [sflag:$0x1] =	stream.linear.gather [hbm4b:s30+s1], $0x80, $0x38;
	[tilespmem:$0x18480] =	vst v63  }
0xfd: {  	v5 =	vld [tilespmem:s12+$0x100];
	_ =	sdelay $0x4  }
0xfe: {  	v5 =	vshll.u32 v5, $0x4  }
0xff: {  	(v2sf) =	vpush v5, $0x0  }
0x100: {  	(v2sf) =	vpush v5, $0x1  }
0x101: {  	(v2sf) =	vpush v5, $0x2;
	_ =	sdelay $0x1  }
0x102: {  	(v2sf) =	vpush v5, $0x3  }
0x103: {  	(v2sf) =	vpush v5, $0x4;
	_ =	sdelay $0x1  }
0x104: {  	(v2sf) =	vpush v5, $0x5;
	_ =	sdelay $0x1  }
0x105: {  	(v2sf) =	vpush v5, $0x6;
	_ =	sdelay $0x1  }
0x106: {  	(v2sf) =	vpush v5, $0x7  }
0x107: {  	s18 =	simm.s32 $0x14780;
	s17 =	simm.s32 $0x14700  }
0x108: {  	s0 =	simm.s32 $0x14400;
	s20 =	simm.s32 $0x14580;
	s21 =	simm.s32 $0x14600;
	(v2sf) =	vpush v5, $0x8  }
0x109: {  	s16 =	simm.s32 $0x14A00;
	s23 =	simm.s32 $0x14480;
	s24 =	simm.s32 $0x14500  }
0x10a: {  	s15 =	simm.s32 $0x14A80;
	s14 =	simm.s32 $0x14880;
	s31 =	spop (v2sf);
	(v2sf) =	vpush v5, $0x9  }
0x10b: {  	s19 =	simm.s32 $0x14800;
	s25 =	sand.u32 $0x1FFFFFF0, s31;
	s29 =	spop (v2sf)  }
0x10c: {  	s13 =	simm.s32 $0x0;
	s25 =	sadd.s32 s3, s25;
	s30 =	spop (v2sf)  }
0x10d: {  	(v2sf) =	vpush v5, $0xA;
	[tilespmem:s0], [sflag:$0x1] =	stream.linear.gather [hbm4b:s25+s1], $0x80, $0x38;
	[tilespmem:$0x18480] =	vst v63  }
0x10e: {  	s28 =	sand.u32 $0x1FFFFFF0, s29;
	s0 =	sand.u32 $0x1FFFFFF0, s30;
	s29 =	spop (v2sf)  }
0x10f: {  	(v2sf) =	vpush v5, $0xB;
	s31 =	sadd.s32 s3, s28;
	s30 =	sadd.s32 s3, s0;
	s0 =	spop (v2sf)  }
0x110: {  	[tilespmem:s23], [sflag:$0x1] =	stream.linear.gather [hbm4b:s31+s1], $0x80, $0x38;
	[tilespmem:$0x18480] =	vst v63  }
0x111: {  	s22 =	simm.s32 $0x14680;
	(v2sf) =	vpush v5, $0xC;
	s31 =	sand.u32 $0x1FFFFFF0, s29;
	s29 =	spop (v2sf)  }
0x112: {  	[tilespmem:s24], [sflag:$0x1] =	stream.linear.gather [hbm4b:s30+s1], $0x80, $0x38;
	[tilespmem:$0x18480] =	vst v63  }
0x113: {  	s28 =	sand.u32 $0x1FFFFFF0, s0;
	s25 =	sadd.s32 s3, s31;
	s0 =	spop (v2sf)  }
0x114: {  	[tilespmem:s20], [sflag:$0x1] =	stream.linear.gather [hbm4b:s25+s1], $0x80, $0x38;
	[tilespmem:$0x18480] =	vst v63  }
0x115: {  	(v2sf) =	vpush v5, $0xD;
	s31 =	sand.u32 $0x1FFFFFF0, s29;
	s30 =	sadd.s32 s3, s28;
	s25 =	spop (v2sf)  }
0x116: {  	[tilespmem:s21], [sflag:$0x1] =	stream.linear.gather [hbm4b:s30+s1], $0x80, $0x38;
	[tilespmem:$0x18480] =	vst v63  }
0x117: {  	s12 =	simm.s32 $0x2000;
	(v2sf) =	vpush v5, $0xE;
	s23 =	sadd.s32 s3, s31;
	s29 =	spop (v2sf)  }
0x118: {  	[tilespmem:s22], [sflag:$0x1] =	stream.linear.gather [hbm4b:s23+s1], $0x80, $0x38;
	[tilespmem:$0x18480] =	vst v63  }
0x119: {  	s24 =	sand.u32 $0x1FFFFFF0, s0;
	s28 =	sand.u32 $0x1FFFFFF0, s25;
	s0 =	spop (v2sf);
	(v2sf) =	vpush v5, $0xF  }
0x11a: {  	s26 =	sadd.s32 s3, s24;
	s25 =	simm.s32 $0x14900;
	s30 =	sadd.s32 s3, s28  }
0x11b: {  	[tilespmem:s17], [sflag:$0x1] =	stream.linear.gather [hbm4b:s26+s1], $0x80, $0x38;
	[tilespmem:$0x18480] =	vst v63  }
0x11c: {  	s31 =	sand.u32 $0x1FFFFFF0, s29;
	s29 =	simm.s32 $0x14980;
	s21 =	spop (v2sf)  }
0x11d: {  	[tilespmem:s18], [sflag:$0x1] =	stream.linear.gather [hbm4b:s30+s1], $0x80, $0x38;
	[tilespmem:$0x18480] =	vst v63  }
0x11e: {  	s20 =	sand.u32 $0x1FFFFFF0, s0;
	s18 =	sadd.s32 s3, s31;
	s24 =	spop (v2sf)  }
0x11f: {  	[tilespmem:s19], [sflag:$0x1] =	stream.linear.gather [hbm4b:s18+s1], $0x80, $0x38;
	[tilespmem:$0x18480] =	vst v63  }
0x120: {  	s22 =	sadd.s32 s3, s20;
	s23 =	sand.u32 $0x1FFFFFF0, s21;
	s30 =	spop (v2sf)  }
0x121: {  	[tilespmem:s14], [sflag:$0x1] =	stream.linear.gather [hbm4b:s22+s1], $0x80, $0x38;
	[tilespmem:$0x18480] =	vst v63  }
0x122: {  	s26 =	sadd.s32 s3, s23;
	s28 =	sand.u32 $0x1FFFFFF0, s24;
	s17 =	sand.u32 $0x1FFFFFF0, s30  }
0x123: {  	[tilespmem:s25], [sflag:$0x1] =	stream.linear.gather [hbm4b:s26+s1], $0x80, $0x38;
	[tilespmem:$0x18480] =	vst v63  }
0x124: {  	s18 =	sadd.s32 s3, s28;
	s31 =	spop (v2sf);
	s19 =	sadd.s32 s3, s17  }
0x125: {  	[tilespmem:s29], [sflag:$0x1] =	stream.linear.gather [hbm4b:s18+s1], $0x80, $0x38;
	[tilespmem:$0x18480] =	vst v63  }
0x126: {  	s17 =	sand.u32 $0x1FFFFFF0, s31;
	s14 =	simm.s32 $0x190;
	s18 =	spop (v2sf)  }
.LBB2_2:
0x127: {  	[tilespmem:s16], [sflag:$0x1] =	stream.linear.gather [hbm4b:s19+s1], $0x80, $0x38;
	[tilespmem:$0x18480] =	vst v63  }
0x128: {  	s16 =	sadd.s32 s3, s17;
	s17 =	sand.u32 $0x1FFFFFF0, s18;
	s18 =	spop (v2sf)  }
0x129: {  	[tilespmem:s15], [sflag:$0x1] =	stream.linear.gather [hbm4b:s16+s1], $0x80, $0x38;
	[tilespmem:$0x18480] =	vst v63  }
0x12a: {  	s15 =	sadd.s32 $0x14B00, s13;
	s16 =	sadd.s32 s3, s17;
	s17 =	sand.u32 $0x1FFFFFF0, s18  }
0x12b: {  	[tilespmem:s15], [sflag:$0x1] =	stream.linear.gather [hbm4b:s16+s1], $0x80, $0x38;
	[tilespmem:$0x18480] =	vst v63  }
0x12c: {  	p0 =	sne.s32 s12, $0xE000;
	s13 =	sadd.s32 $0x14B80, s13;
	s15 =	sadd.s32 s3, s17  }
0x12d: {  	[tilespmem:s13], [sflag:$0x1] =	stream.linear.gather [hbm4b:s15+s1], $0x80, $0x38;
	[tilespmem:$0x18480] =	vst v63  }
0x12e: {  	s13 =	smov.u32 s12;
	s12 =	sadd.s32 $0x2000, s12;
	v5 =	vld [tilespmem:s14+$0xFFFFFE80];
	_ =	sdelay $0x4  }
0x12f: {  	v5 =	vshll.u32 v5, $0x4  }
0x130: {  	(v2sf) =	vpush v5, $0x1  }
0x131: {  	(v2sf) =	vpush v5, $0x0  }
0x132: {  	(v2sf) =	vpush v5, $0x2  }
0x133: {  	(v2sf) =	vpush v5, $0x3  }
0x134: {  	(v2sf) =	vpush v5, $0x4;
	_ =	sdelay $0x1  }
0x135: {  	(v2sf) =	vpush v5, $0x5;
	_ =	sdelay $0x3  }
0x136: {  	(v2sf) =	vpush v5, $0x6;
	_ =	sdelay $0x1  }
0x137: {  	s13 =	sshra.s32 s13, $0x2  }
0x138: {  	s16 =	sadd.s32 $0xA00, s13;
	s15 =	sadd.s32 $0xA80, s13  }
0x139: {  	s21 =	sadd.s32 $0x400, s13;
	s22 =	sadd.s32 $0x480, s13;
	s17 =	sadd.s32 $0x980, s13;
	(v2sf) =	vpush v5, $0x7  }
0x13a: {  	s19 =	sadd.s32 $0x880, s13;
	s18 =	sadd.s32 $0x900, s13;
	s20 =	spop (v2sf)  }
0x13b: {  	s24 =	sadd.s32 $0x500, s13;
	s23 =	sand.u32 $0x1FFFFFF0, s20;
	s20 =	spop (v2sf);
	(v2sf) =	vpush v5, $0x8  }
0x13c: {  	s25 =	sand.u32 $0x1FFFFFF0, s20;
	s20 =	sadd.s32 $0x800, s13;
	s26 =	spop (v2sf)  }
0x13d: {  	s25 =	sadd.s32 s3, s25;
	s26 =	sand.u32 $0x1FFFFFF0, s26;
	s28 =	spop (v2sf);
	(v2sf) =	vpush v5, $0x9  }
0x13e: {  	s29 =	sadd.s32 $0x780, s13;
	s28 =	sand.u32 $0x1FFFFFF0, s28;
	s30 =	spop (v2sf)  }
0x13f: {  	[tilespmem:s21], [sflag:$0x1] =	stream.linear.gather [hbm4b:s25+s1], $0x80, $0x38;
	(v2sf) =	vpush v5, $0xA;
	[tilespmem:$0x18480] =	vst v63  }
0x140: {  	s21 =	sadd.s32 s3, s23;
	s23 =	sand.u32 $0x1FFFFFF0, s30;
	s25 =	spop (v2sf)  }
0x141: {  	[tilespmem:s22], [sflag:$0x1] =	stream.linear.gather [hbm4b:s21+s1], $0x80, $0x38;
	(v2sf) =	vpush v5, $0xB;
	[tilespmem:$0x18480] =	vst v63  }
0x142: {  	s21 =	sadd.s32 s3, s26;
	s22 =	sadd.s32 $0x580, s13;
	s25 =	sand.u32 $0x1FFFFFF0, s25  }
0x143: {  	[tilespmem:s24], [sflag:$0x1] =	stream.linear.gather [hbm4b:s21+s1], $0x80, $0x38;
	(v2sf) =	vpush v5, $0xC;
	[tilespmem:$0x18480] =	vst v63  }
0x144: {  	s21 =	sadd.s32 s3, s28;
	s24 =	sadd.s32 $0x600, s13;
	s26 =	spop (v2sf)  }
0x145: {  	[tilespmem:s22], [sflag:$0x1] =	stream.linear.gather [hbm4b:s21+s1], $0x80, $0x38;
	(v2sf) =	vpush v5, $0xD;
	[tilespmem:$0x18480] =	vst v63  }
0x146: {  	s21 =	sadd.s32 s3, s23;
	s22 =	sadd.s32 $0x680, s13;
	s23 =	sand.u32 $0x1FFFFFF0, s26  }
0x147: {  	[tilespmem:s24], [sflag:$0x1] =	stream.linear.gather [hbm4b:s21+s1], $0x80, $0x38;
	(v2sf) =	vpush v5, $0xE;
	[tilespmem:$0x18480] =	vst v63  }
0x148: {  	s21 =	sadd.s32 s3, s25;
	s24 =	sadd.s32 $0x700, s13;
	s25 =	spop (v2sf)  }
0x149: {  	[tilespmem:s22], [sflag:$0x1] =	stream.linear.gather [hbm4b:s21+s1], $0x80, $0x38;
	(v2sf) =	vpush v5, $0xF;
	[tilespmem:$0x18480] =	vst v63  }
0x14a: {  	s21 =	sadd.s32 s3, s23;
	s22 =	sand.u32 $0x1FFFFFF0, s25;
	s23 =	spop (v2sf)  }
0x14b: {  	[tilespmem:s24], [sflag:$0x1] =	stream.linear.gather [hbm4b:s21+s1], $0x80, $0x38;
	[tilespmem:$0x18480] =	vst v63  }
0x14c: {  	s21 =	sadd.s32 s3, s22;
	s22 =	sand.u32 $0x1FFFFFF0, s23;
	s23 =	spop (v2sf)  }
0x14d: {  	[tilespmem:s29], [sflag:$0x1] =	stream.linear.gather [hbm4b:s21+s1], $0x80, $0x38;
	[tilespmem:$0x18480] =	vst v63  }
0x14e: {  	s21 =	sadd.s32 s3, s22;
	s22 =	sand.u32 $0x1FFFFFF0, s23;
	s23 =	spop (v2sf)  }
0x14f: {  	[tilespmem:s20], [sflag:$0x1] =	stream.linear.gather [hbm4b:s21+s1], $0x80, $0x38;
	[tilespmem:$0x18480] =	vst v63  }
0x150: {  	s20 =	sadd.s32 s3, s22;
	s21 =	sand.u32 $0x1FFFFFF0, s23;
	s22 =	spop (v2sf)  }
0x151: {  	[tilespmem:s19], [sflag:$0x1] =	stream.linear.gather [hbm4b:s20+s1], $0x80, $0x38;
	[tilespmem:$0x18480] =	vst v63  }
0x152: {  	s19 =	sadd.s32 s3, s21;
	s20 =	sand.u32 $0x1FFFFFF0, s22;
	s21 =	spop (v2sf)  }
0x153: {  	[tilespmem:s18], [sflag:$0x1] =	stream.linear.gather [hbm4b:s19+s1], $0x80, $0x38;
	[tilespmem:$0x18480] =	vst v63  }
0x154: {  	s18 =	sadd.s32 s3, s20;
	s19 =	sand.u32 $0x1FFFFFF0, s21;
	s20 =	spop (v2sf)  }
0x155: {  	[tilespmem:s17], [sflag:$0x1] =	stream.linear.gather [hbm4b:s18+s1], $0x80, $0x38;
	[tilespmem:$0x18480] =	vst v63  }
0x156: {  	s17 =	sadd.s32 s3, s19;
	s18 =	sand.u32 $0x1FFFFFF0, s20;
	s19 =	spop (v2sf)  }
0x157: {  	[tilespmem:s16], [sflag:$0x1] =	stream.linear.gather [hbm4b:s17+s1], $0x80, $0x38;
	[tilespmem:$0x18480] =	vst v63  }
0x158: {  	s16 =	sadd.s32 s3, s18;
	s17 =	sand.u32 $0x1FFFFFF0, s19;
	s18 =	spop (v2sf)  }
0x159: {  	[tilespmem:s15], [sflag:$0x1] =	stream.linear.gather [hbm4b:s16+s1], $0x80, $0x38;
	[tilespmem:$0x18480] =	vst v63  }
0x15a: {  	s15 =	sadd.s32 $0xB00, s13;
	s16 =	sadd.s32 s3, s17;
	s17 =	sand.u32 $0x1FFFFFF0, s18  }
0x15b: {  	[tilespmem:s15], [sflag:$0x1] =	stream.linear.gather [hbm4b:s16+s1], $0x80, $0x38;
	[tilespmem:$0x18480] =	vst v63  }
0x15c: {  	s15 =	sadd.s32 $0xB80, s13;
	s16 =	sadd.s32 s3, s17  }
0x15d: {  	[tilespmem:s15], [sflag:$0x1] =	stream.linear.gather [hbm4b:s16+s1], $0x80, $0x38;
	[tilespmem:$0x18480] =	vst v63  }
0x15e: {  	v5 =	vld [tilespmem:s14+$0xFFFFFF00];
	_ =	sdelay $0x4  }
0x15f: {  	v5 =	vshll.u32 v5, $0x4  }
0x160: {  	(v2sf) =	vpush v5, $0x0  }
0x161: {  	(v2sf) =	vpush v5, $0x1  }
0x162: {  	(v2sf) =	vpush v5, $0x2;
	_ =	sdelay $0x1  }
0x163: {  	(v2sf) =	vpush v5, $0x3;
	_ =	sdelay $0x1  }
0x164: {  	(v2sf) =	vpush v5, $0x4;
	_ =	sdelay $0x1  }
0x165: {  	(v2sf) =	vpush v5, $0x5;
	_ =	sdelay $0x1  }
0x166: {  	(v2sf) =	vpush v5, $0x6  }
0x167: {  	s16 =	sadd.s32 $0x4A00, s13;
	s15 =	sadd.s32 $0x4A80, s13  }
0x168: {  	s19 =	sadd.s32 $0x4880, s13;
	s18 =	sadd.s32 $0x4900, s13;
	s17 =	sadd.s32 $0x4980, s13;
	(v2sf) =	vpush v5, $0x7  }
0x169: {  	s22 =	sadd.s32 $0x4700, s13;
	s21 =	sadd.s32 $0x4780, s13;
	s20 =	sadd.s32 $0x4800, s13  }
0x16a: {  	s25 =	sadd.s32 $0x4680, s13;
	s24 =	sadd.s32 $0x4600, s13;
	s23 =	sadd.s32 $0x4580, s13;
	(v2sf) =	vpush v5, $0x8  }
0x16b: {  	s28 =	sadd.s32 $0x4500, s13;
	s26 =	sadd.s32 $0x4480, s13;
	s29 =	spop (v2sf)  }
0x16c: {  	s30 =	sadd.s32 $0x4400, s13;
	s29 =	sand.u32 $0x1FFFFFF0, s29;
	s31 =	spop (v2sf);
	(v2sf) =	vpush v5, $0x9  }
0x16d: {  	s29 =	sadd.s32 s4, s29;
	s31 =	sand.u32 $0x1FFFFFF0, s31;
	s0 =	spop (v2sf)  }
0x16e: {  	[tilespmem:s30], [sflag:$0x1] =	stream.linear.gather [hbm4b:s29+s1], $0x80, $0x38;
	(v2sf) =	vpush v5, $0xA;
	[tilespmem:$0x18480] =	vst v63  }
0x16f: {  	s29 =	sadd.s32 s4, s31;
	s0 =	sand.u32 $0x1FFFFFF0, s0;
	s30 =	spop (v2sf)  }
0x170: {  	[tilespmem:s26], [sflag:$0x1] =	stream.linear.gather [hbm4b:s29+s1], $0x80, $0x38;
	(v2sf) =	vpush v5, $0xB;
	[tilespmem:$0x18480] =	vst v63  }
0x171: {  	s0 =	sadd.s32 s4, s0;
	s26 =	sand.u32 $0x1FFFFFF0, s30;
	s29 =	spop (v2sf)  }
0x172: {  	[tilespmem:s28], [sflag:$0x1] =	stream.linear.gather [hbm4b:s0+s1], $0x80, $0x38;
	(v2sf) =	vpush v5, $0xC;
	[tilespmem:$0x18480] =	vst v63  }
0x173: {  	s0 =	sadd.s32 s4, s26;
	s26 =	sand.u32 $0x1FFFFFF0, s29;
	s28 =	spop (v2sf)  }
0x174: {  	[tilespmem:s23], [sflag:$0x1] =	stream.linear.gather [hbm4b:s0+s1], $0x80, $0x38;
	(v2sf) =	vpush v5, $0xD;
	[tilespmem:$0x18480] =	vst v63  }
0x175: {  	s0 =	sadd.s32 s4, s26;
	s23 =	sand.u32 $0x1FFFFFF0, s28;
	s26 =	spop (v2sf)  }
0x176: {  	[tilespmem:s24], [sflag:$0x1] =	stream.linear.gather [hbm4b:s0+s1], $0x80, $0x38;
	(v2sf) =	vpush v5, $0xE;
	[tilespmem:$0x18480] =	vst v63  }
0x177: {  	s0 =	sadd.s32 s4, s23;
	s23 =	sand.u32 $0x1FFFFFF0, s26;
	s24 =	spop (v2sf)  }
0x178: {  	[tilespmem:s25], [sflag:$0x1] =	stream.linear.gather [hbm4b:s0+s1], $0x80, $0x38;
	(v2sf) =	vpush v5, $0xF;
	[tilespmem:$0x18480] =	vst v63  }
0x179: {  	s0 =	sadd.s32 s4, s23;
	s23 =	sand.u32 $0x1FFFFFF0, s24;
	s24 =	spop (v2sf)  }
0x17a: {  	[tilespmem:s22], [sflag:$0x1] =	stream.linear.gather [hbm4b:s0+s1], $0x80, $0x38;
	[tilespmem:$0x18480] =	vst v63  }
0x17b: {  	s0 =	sadd.s32 s4, s23;
	s22 =	sand.u32 $0x1FFFFFF0, s24;
	s23 =	spop (v2sf)  }
0x17c: {  	[tilespmem:s21], [sflag:$0x1] =	stream.linear.gather [hbm4b:s0+s1], $0x80, $0x38;
	[tilespmem:$0x18480] =	vst v63  }
0x17d: {  	s0 =	sadd.s32 s4, s22;
	s21 =	sand.u32 $0x1FFFFFF0, s23;
	s22 =	spop (v2sf)  }
0x17e: {  	[tilespmem:s20], [sflag:$0x1] =	stream.linear.gather [hbm4b:s0+s1], $0x80, $0x38;
	[tilespmem:$0x18480] =	vst v63  }
0x17f: {  	s0 =	sadd.s32 s4, s21;
	s20 =	sand.u32 $0x1FFFFFF0, s22;
	s21 =	spop (v2sf)  }
0x180: {  	[tilespmem:s19], [sflag:$0x1] =	stream.linear.gather [hbm4b:s0+s1], $0x80, $0x38;
	[tilespmem:$0x18480] =	vst v63  }
0x181: {  	s0 =	sadd.s32 s4, s20;
	s19 =	sand.u32 $0x1FFFFFF0, s21;
	s20 =	spop (v2sf)  }
0x182: {  	[tilespmem:s18], [sflag:$0x1] =	stream.linear.gather [hbm4b:s0+s1], $0x80, $0x38;
	[tilespmem:$0x18480] =	vst v63  }
0x183: {  	s0 =	sadd.s32 s4, s19;
	s18 =	sand.u32 $0x1FFFFFF0, s20;
	s19 =	spop (v2sf)  }
0x184: {  	[tilespmem:s17], [sflag:$0x1] =	stream.linear.gather [hbm4b:s0+s1], $0x80, $0x38;
	[tilespmem:$0x18480] =	vst v63  }
0x185: {  	s0 =	sadd.s32 s4, s18;
	s17 =	sand.u32 $0x1FFFFFF0, s19;
	s18 =	spop (v2sf)  }
0x186: {  	[tilespmem:s16], [sflag:$0x1] =	stream.linear.gather [hbm4b:s0+s1], $0x80, $0x38;
	[tilespmem:$0x18480] =	vst v63  }
0x187: {  	s0 =	sadd.s32 s4, s17;
	s16 =	sand.u32 $0x1FFFFFF0, s18;
	s17 =	spop (v2sf)  }
0x188: {  	[tilespmem:s15], [sflag:$0x1] =	stream.linear.gather [hbm4b:s0+s1], $0x80, $0x38;
	[tilespmem:$0x18480] =	vst v63  }
0x189: {  	s0 =	sadd.s32 $0x4B00, s13;
	s15 =	sadd.s32 s4, s16;
	s16 =	sand.u32 $0x1FFFFFF0, s17  }
0x18a: {  	[tilespmem:s0], [sflag:$0x1] =	stream.linear.gather [hbm4b:s15+s1], $0x80, $0x38;
	[tilespmem:$0x18480] =	vst v63  }
0x18b: {  	s0 =	sadd.s32 $0x4B80, s13;
	s15 =	sadd.s32 s4, s16  }
0x18c: {  	[tilespmem:s0], [sflag:$0x1] =	stream.linear.gather [hbm4b:s15+s1], $0x80, $0x38;
	[tilespmem:$0x18480] =	vst v63  }
0x18d: {  	v5 =	vld [tilespmem:s14+$0xFFFFFF80];
	_ =	sdelay $0x4  }
0x18e: {  	v5 =	vshll.u32 v5, $0x4  }
0x18f: {  	(v2sf) =	vpush v5, $0x0  }
0x190: {  	(v2sf) =	vpush v5, $0x1  }
0x191: {  	(v2sf) =	vpush v5, $0x2;
	_ =	sdelay $0x1  }
0x192: {  	(v2sf) =	vpush v5, $0x3;
	_ =	sdelay $0x1  }
0x193: {  	(v2sf) =	vpush v5, $0x4;
	_ =	sdelay $0x1  }
0x194: {  	(v2sf) =	vpush v5, $0x5;
	_ =	sdelay $0x1  }
0x195: {  	(v2sf) =	vpush v5, $0x6  }
0x196: {  	s16 =	sadd.s32 $0x8A00, s13;
	s15 =	sadd.s32 $0x8A80, s13  }
0x197: {  	s19 =	sadd.s32 $0x8880, s13;
	s18 =	sadd.s32 $0x8900, s13;
	s17 =	sadd.s32 $0x8980, s13;
	(v2sf) =	vpush v5, $0x7  }
0x198: {  	s22 =	sadd.s32 $0x8700, s13;
	s21 =	sadd.s32 $0x8780, s13;
	s20 =	sadd.s32 $0x8800, s13  }
0x199: {  	s24 =	sadd.s32 $0x8680, s13;
	s23 =	sadd.s32 $0x8600, s13;
	s0 =	sadd.s32 $0x8580, s13;
	(v2sf) =	vpush v5, $0x8  }
0x19a: {  	s26 =	sadd.s32 $0x8500, s13;
	s25 =	sadd.s32 $0x8480, s13;
	s28 =	spop (v2sf)  }
0x19b: {  	s29 =	sadd.s32 $0x8400, s13;
	s28 =	sand.u32 $0x1FFFFFF0, s28;
	s30 =	spop (v2sf);
	(v2sf) =	vpush v5, $0x9  }
0x19c: {  	s28 =	sadd.s32 s3, s28;
	s30 =	sand.u32 $0x1FFFFFF0, s30;
	s31 =	spop (v2sf)  }
0x19d: {  	[tilespmem:s29], [sflag:$0x1] =	stream.linear.gather [hbm4b:s28+s1], $0x80, $0x38;
	(v2sf) =	vpush v5, $0xA;
	[tilespmem:$0x18480] =	vst v63  }
0x19e: {  	s28 =	sadd.s32 s3, s30;
	s29 =	sand.u32 $0x1FFFFFF0, s31;
	s30 =	spop (v2sf)  }
0x19f: {  	[tilespmem:s25], [sflag:$0x1] =	stream.linear.gather [hbm4b:s28+s1], $0x80, $0x38;
	(v2sf) =	vpush v5, $0xB;
	[tilespmem:$0x18480] =	vst v63  }
0x1a0: {  	s25 =	sadd.s32 s3, s29;
	s28 =	sand.u32 $0x1FFFFFF0, s30;
	s29 =	spop (v2sf)  }
0x1a1: {  	[tilespmem:s26], [sflag:$0x1] =	stream.linear.gather [hbm4b:s25+s1], $0x80, $0x38;
	(v2sf) =	vpush v5, $0xC;
	[tilespmem:$0x18480] =	vst v63  }
0x1a2: {  	s25 =	sadd.s32 s3, s28;
	s26 =	sand.u32 $0x1FFFFFF0, s29;
	s28 =	spop (v2sf)  }
0x1a3: {  	[tilespmem:s0], [sflag:$0x1] =	stream.linear.gather [hbm4b:s25+s1], $0x80, $0x38;
	(v2sf) =	vpush v5, $0xD;
	[tilespmem:$0x18480] =	vst v63  }
0x1a4: {  	s0 =	sadd.s32 s3, s26;
	s25 =	sand.u32 $0x1FFFFFF0, s28;
	s26 =	spop (v2sf)  }
0x1a5: {  	[tilespmem:s23], [sflag:$0x1] =	stream.linear.gather [hbm4b:s0+s1], $0x80, $0x38;
	(v2sf) =	vpush v5, $0xE;
	[tilespmem:$0x18480] =	vst v63  }
0x1a6: {  	s0 =	sadd.s32 s3, s25;
	s23 =	sand.u32 $0x1FFFFFF0, s26;
	s25 =	spop (v2sf)  }
0x1a7: {  	[tilespmem:s24], [sflag:$0x1] =	stream.linear.gather [hbm4b:s0+s1], $0x80, $0x38;
	(v2sf) =	vpush v5, $0xF;
	[tilespmem:$0x18480] =	vst v63  }
0x1a8: {  	s0 =	sadd.s32 s3, s23;
	s23 =	sand.u32 $0x1FFFFFF0, s25;
	s24 =	spop (v2sf)  }
0x1a9: {  	[tilespmem:s22], [sflag:$0x1] =	stream.linear.gather [hbm4b:s0+s1], $0x80, $0x38;
	[tilespmem:$0x18480] =	vst v63  }
0x1aa: {  	s0 =	sadd.s32 s3, s23;
	s22 =	sand.u32 $0x1FFFFFF0, s24;
	s23 =	spop (v2sf)  }
0x1ab: {  	[tilespmem:s21], [sflag:$0x1] =	stream.linear.gather [hbm4b:s0+s1], $0x80, $0x38;
	[tilespmem:$0x18480] =	vst v63  }
0x1ac: {  	s0 =	sadd.s32 s3, s22;
	s21 =	sand.u32 $0x1FFFFFF0, s23;
	s22 =	spop (v2sf)  }
0x1ad: {  	[tilespmem:s20], [sflag:$0x1] =	stream.linear.gather [hbm4b:s0+s1], $0x80, $0x38;
	[tilespmem:$0x18480] =	vst v63  }
0x1ae: {  	s0 =	sadd.s32 s3, s21;
	s20 =	sand.u32 $0x1FFFFFF0, s22;
	s21 =	spop (v2sf)  }
0x1af: {  	[tilespmem:s19], [sflag:$0x1] =	stream.linear.gather [hbm4b:s0+s1], $0x80, $0x38;
	[tilespmem:$0x18480] =	vst v63  }
0x1b0: {  	s0 =	sadd.s32 s3, s20;
	s19 =	sand.u32 $0x1FFFFFF0, s21;
	s20 =	spop (v2sf)  }
0x1b1: {  	[tilespmem:s18], [sflag:$0x1] =	stream.linear.gather [hbm4b:s0+s1], $0x80, $0x38;
	[tilespmem:$0x18480] =	vst v63  }
0x1b2: {  	s0 =	sadd.s32 s3, s19;
	s18 =	sand.u32 $0x1FFFFFF0, s20;
	s19 =	spop (v2sf)  }
0x1b3: {  	[tilespmem:s17], [sflag:$0x1] =	stream.linear.gather [hbm4b:s0+s1], $0x80, $0x38;
	[tilespmem:$0x18480] =	vst v63  }
0x1b4: {  	s0 =	sadd.s32 s3, s18;
	s17 =	sand.u32 $0x1FFFFFF0, s19;
	s18 =	spop (v2sf)  }
0x1b5: {  	[tilespmem:s16], [sflag:$0x1] =	stream.linear.gather [hbm4b:s0+s1], $0x80, $0x38;
	[tilespmem:$0x18480] =	vst v63  }
0x1b6: {  	s0 =	sadd.s32 s3, s17;
	s16 =	sand.u32 $0x1FFFFFF0, s18;
	s17 =	spop (v2sf)  }
0x1b7: {  	[tilespmem:s15], [sflag:$0x1] =	stream.linear.gather [hbm4b:s0+s1], $0x80, $0x38;
	[tilespmem:$0x18480] =	vst v63  }
0x1b8: {  	s0 =	sadd.s32 $0x8B00, s13;
	s15 =	sadd.s32 s3, s16;
	s16 =	sand.u32 $0x1FFFFFF0, s17  }
0x1b9: {  	[tilespmem:s0], [sflag:$0x1] =	stream.linear.gather [hbm4b:s15+s1], $0x80, $0x38;
	[tilespmem:$0x18480] =	vst v63  }
0x1ba: {  	s0 =	sadd.s32 $0x8B80, s13;
	s15 =	sadd.s32 s3, s16  }
0x1bb: {  	[tilespmem:s0], [sflag:$0x1] =	stream.linear.gather [hbm4b:s15+s1], $0x80, $0x38;
	[tilespmem:$0x18480] =	vst v63  }
0x1bc: {  	v5 =	vld [tilespmem:s14+$0x0];
	_ =	sdelay $0x4  }
0x1bd: {  	v5 =	vshll.u32 v5, $0x4  }
0x1be: {  	(v2sf) =	vpush v5, $0x0  }
0x1bf: {  	(v2sf) =	vpush v5, $0x1  }
0x1c0: {  	(v2sf) =	vpush v5, $0x2;
	_ =	sdelay $0x1  }
0x1c1: {  	(v2sf) =	vpush v5, $0x3;
	_ =	sdelay $0x1  }
0x1c2: {  	(v2sf) =	vpush v5, $0x4;
	_ =	sdelay $0x1  }
0x1c3: {  	(v2sf) =	vpush v5, $0x5;
	_ =	sdelay $0x1  }
0x1c4: {  	(v2sf) =	vpush v5, $0x6  }
0x1c5: {  	s16 =	sadd.s32 $0xCA00, s13;
	s15 =	sadd.s32 $0xCA80, s13  }
0x1c6: {  	s19 =	sadd.s32 $0xC880, s13;
	s18 =	sadd.s32 $0xC900, s13;
	s17 =	sadd.s32 $0xC980, s13;
	(v2sf) =	vpush v5, $0x7  }
0x1c7: {  	s22 =	sadd.s32 $0xC700, s13;
	s21 =	sadd.s32 $0xC780, s13;
	s20 =	sadd.s32 $0xC800, s13  }
0x1c8: {  	s24 =	sadd.s32 $0xC680, s13;
	s23 =	sadd.s32 $0xC600, s13;
	s0 =	sadd.s32 $0xC580, s13;
	(v2sf) =	vpush v5, $0x8  }
0x1c9: {  	s26 =	sadd.s32 $0xC500, s13;
	s25 =	sadd.s32 $0xC480, s13;
	s28 =	spop (v2sf)  }
0x1ca: {  	s29 =	sadd.s32 $0xC400, s13;
	s28 =	sand.u32 $0x1FFFFFF0, s28;
	s30 =	spop (v2sf);
	(v2sf) =	vpush v5, $0x9  }
0x1cb: {  	s28 =	sadd.s32 s3, s28;
	s30 =	sand.u32 $0x1FFFFFF0, s30;
	s31 =	spop (v2sf)  }
0x1cc: {  	[tilespmem:s29], [sflag:$0x1] =	stream.linear.gather [hbm4b:s28+s1], $0x80, $0x38;
	(v2sf) =	vpush v5, $0xA;
	[tilespmem:$0x18480] =	vst v63  }
0x1cd: {  	s28 =	sadd.s32 s3, s30;
	s29 =	sand.u32 $0x1FFFFFF0, s31;
	s30 =	spop (v2sf)  }
0x1ce: {  	[tilespmem:s25], [sflag:$0x1] =	stream.linear.gather [hbm4b:s28+s1], $0x80, $0x38;
	(v2sf) =	vpush v5, $0xB;
	[tilespmem:$0x18480] =	vst v63  }
0x1cf: {  	s25 =	sadd.s32 s3, s29;
	s28 =	sand.u32 $0x1FFFFFF0, s30;
	s29 =	spop (v2sf)  }
0x1d0: {  	[tilespmem:s26], [sflag:$0x1] =	stream.linear.gather [hbm4b:s25+s1], $0x80, $0x38;
	(v2sf) =	vpush v5, $0xC;
	[tilespmem:$0x18480] =	vst v63  }
0x1d1: {  	s25 =	sadd.s32 s3, s28;
	s26 =	sand.u32 $0x1FFFFFF0, s29;
	s28 =	spop (v2sf)  }
0x1d2: {  	[tilespmem:s0], [sflag:$0x1] =	stream.linear.gather [hbm4b:s25+s1], $0x80, $0x38;
	(v2sf) =	vpush v5, $0xD;
	[tilespmem:$0x18480] =	vst v63  }
0x1d3: {  	s0 =	sadd.s32 s3, s26;
	s25 =	sand.u32 $0x1FFFFFF0, s28;
	s26 =	spop (v2sf)  }
0x1d4: {  	[tilespmem:s23], [sflag:$0x1] =	stream.linear.gather [hbm4b:s0+s1], $0x80, $0x38;
	(v2sf) =	vpush v5, $0xE;
	[tilespmem:$0x18480] =	vst v63  }
0x1d5: {  	s0 =	sadd.s32 s3, s25;
	s23 =	sand.u32 $0x1FFFFFF0, s26;
	s25 =	spop (v2sf)  }
0x1d6: {  	[tilespmem:s24], [sflag:$0x1] =	stream.linear.gather [hbm4b:s0+s1], $0x80, $0x38;
	(v2sf) =	vpush v5, $0xF;
	[tilespmem:$0x18480] =	vst v63  }
0x1d7: {  	s0 =	sadd.s32 s3, s23;
	s23 =	sand.u32 $0x1FFFFFF0, s25;
	s24 =	spop (v2sf)  }
0x1d8: {  	[tilespmem:s22], [sflag:$0x1] =	stream.linear.gather [hbm4b:s0+s1], $0x80, $0x38;
	[tilespmem:$0x18480] =	vst v63  }
0x1d9: {  	s0 =	sadd.s32 s3, s23;
	s22 =	sand.u32 $0x1FFFFFF0, s24;
	s23 =	spop (v2sf)  }
0x1da: {  	[tilespmem:s21], [sflag:$0x1] =	stream.linear.gather [hbm4b:s0+s1], $0x80, $0x38;
	[tilespmem:$0x18480] =	vst v63  }
0x1db: {  	s0 =	sadd.s32 s3, s22;
	s21 =	sand.u32 $0x1FFFFFF0, s23;
	s22 =	spop (v2sf)  }
0x1dc: {  	[tilespmem:s20], [sflag:$0x1] =	stream.linear.gather [hbm4b:s0+s1], $0x80, $0x38;
	[tilespmem:$0x18480] =	vst v63  }
0x1dd: {  	s0 =	sadd.s32 s3, s21;
	s20 =	sand.u32 $0x1FFFFFF0, s22;
	s21 =	spop (v2sf)  }
0x1de: {  	[tilespmem:s19], [sflag:$0x1] =	stream.linear.gather [hbm4b:s0+s1], $0x80, $0x38;
	[tilespmem:$0x18480] =	vst v63  }
0x1df: {  	s0 =	sadd.s32 s3, s20;
	s19 =	sand.u32 $0x1FFFFFF0, s21;
	s20 =	spop (v2sf)  }
0x1e0: {  	[tilespmem:s18], [sflag:$0x1] =	stream.linear.gather [hbm4b:s0+s1], $0x80, $0x38;
	[tilespmem:$0x18480] =	vst v63  }
0x1e1: {  	s0 =	sadd.s32 s3, s19;
	s18 =	sand.u32 $0x1FFFFFF0, s20;
	s19 =	spop (v2sf)  }
0x1e2: {  	[tilespmem:s17], [sflag:$0x1] =	stream.linear.gather [hbm4b:s0+s1], $0x80, $0x38;
	[tilespmem:$0x18480] =	vst v63  }
0x1e3: {  	s0 =	sadd.s32 s3, s18;
	s17 =	sand.u32 $0x1FFFFFF0, s19;
	s18 =	spop (v2sf)  }
0x1e4: {  	[tilespmem:s16], [sflag:$0x1] =	stream.linear.gather [hbm4b:s0+s1], $0x80, $0x38;
	[tilespmem:$0x18480] =	vst v63  }
0x1e5: {  	s0 =	sadd.s32 s3, s17;
	s16 =	sand.u32 $0x1FFFFFF0, s18;
	s17 =	spop (v2sf)  }
0x1e6: {  	[tilespmem:s15], [sflag:$0x1] =	stream.linear.gather [hbm4b:s0+s1], $0x80, $0x38;
	[tilespmem:$0x18480] =	vst v63  }
0x1e7: {  	s0 =	sadd.s32 $0xCB00, s13;
	s15 =	sadd.s32 s3, s16;
	s16 =	sand.u32 $0x1FFFFFF0, s17  }
0x1e8: {  	[tilespmem:s0], [sflag:$0x1] =	stream.linear.gather [hbm4b:s15+s1], $0x80, $0x38;
	[tilespmem:$0x18480] =	vst v63  }
0x1e9: {  	s0 =	sadd.s32 $0xCB80, s13;
	s15 =	sadd.s32 s3, s16  }
0x1ea: {  	[tilespmem:s0], [sflag:$0x1] =	stream.linear.gather [hbm4b:s15+s1], $0x80, $0x38;
	[tilespmem:$0x18480] =	vst v63  }
0x1eb: {  	v5 =	vld [tilespmem:s14+$0x80];
	_ =	sdelay $0x4  }
0x1ec: {  	v5 =	vshll.u32 v5, $0x4  }
0x1ed: {  	(v2sf) =	vpush v5, $0x0  }
0x1ee: {  	(v2sf) =	vpush v5, $0x1  }
0x1ef: {  	(v2sf) =	vpush v5, $0x2;
	_ =	sdelay $0x1  }
0x1f0: {  	(v2sf) =	vpush v5, $0x3;
	_ =	sdelay $0x1  }
0x1f1: {  	(v2sf) =	vpush v5, $0x4;
	_ =	sdelay $0x1  }
0x1f2: {  	(v2sf) =	vpush v5, $0x5;
	_ =	sdelay $0x1  }
0x1f3: {  	(v2sf) =	vpush v5, $0x6  }
0x1f4: {  	s16 =	sadd.s32 $0x10A00, s13;
	s15 =	sadd.s32 $0x10A80, s13  }
0x1f5: {  	s19 =	sadd.s32 $0x10880, s13;
	s18 =	sadd.s32 $0x10900, s13;
	s17 =	sadd.s32 $0x10980, s13;
	(v2sf) =	vpush v5, $0x7  }
0x1f6: {  	s22 =	sadd.s32 $0x10700, s13;
	s21 =	sadd.s32 $0x10780, s13;
	s20 =	sadd.s32 $0x10800, s13  }
0x1f7: {  	s24 =	sadd.s32 $0x10680, s13;
	s23 =	sadd.s32 $0x10600, s13;
	s0 =	sadd.s32 $0x10580, s13;
	(v2sf) =	vpush v5, $0x8  }
0x1f8: {  	s26 =	sadd.s32 $0x10500, s13;
	s25 =	sadd.s32 $0x10480, s13;
	s28 =	spop (v2sf)  }
0x1f9: {  	s29 =	sadd.s32 $0x10400, s13;
	s28 =	sand.u32 $0x1FFFFFF0, s28;
	s30 =	spop (v2sf);
	(v2sf) =	vpush v5, $0x9  }
0x1fa: {  	s28 =	sadd.s32 s4, s28;
	s30 =	sand.u32 $0x1FFFFFF0, s30;
	s31 =	spop (v2sf)  }
0x1fb: {  	[tilespmem:s29], [sflag:$0x1] =	stream.linear.gather [hbm4b:s28+s1], $0x80, $0x38;
	(v2sf) =	vpush v5, $0xA;
	[tilespmem:$0x18480] =	vst v63  }
0x1fc: {  	s28 =	sadd.s32 s4, s30;
	s29 =	sand.u32 $0x1FFFFFF0, s31;
	s30 =	spop (v2sf)  }
0x1fd: {  	[tilespmem:s25], [sflag:$0x1] =	stream.linear.gather [hbm4b:s28+s1], $0x80, $0x38;
	(v2sf) =	vpush v5, $0xB;
	[tilespmem:$0x18480] =	vst v63  }
0x1fe: {  	s25 =	sadd.s32 s4, s29;
	s28 =	sand.u32 $0x1FFFFFF0, s30;
	s29 =	spop (v2sf)  }
0x1ff: {  	[tilespmem:s26], [sflag:$0x1] =	stream.linear.gather [hbm4b:s25+s1], $0x80, $0x38;
	(v2sf) =	vpush v5, $0xC;
	[tilespmem:$0x18480] =	vst v63  }
0x200: {  	s25 =	sadd.s32 s4, s28;
	s26 =	sand.u32 $0x1FFFFFF0, s29;
	s28 =	spop (v2sf)  }
0x201: {  	[tilespmem:s0], [sflag:$0x1] =	stream.linear.gather [hbm4b:s25+s1], $0x80, $0x38;
	(v2sf) =	vpush v5, $0xD;
	[tilespmem:$0x18480] =	vst v63  }
0x202: {  	s0 =	sadd.s32 s4, s26;
	s25 =	sand.u32 $0x1FFFFFF0, s28;
	s26 =	spop (v2sf)  }
0x203: {  	[tilespmem:s23], [sflag:$0x1] =	stream.linear.gather [hbm4b:s0+s1], $0x80, $0x38;
	(v2sf) =	vpush v5, $0xE;
	[tilespmem:$0x18480] =	vst v63  }
0x204: {  	s0 =	sadd.s32 s4, s25;
	s23 =	sand.u32 $0x1FFFFFF0, s26;
	s25 =	spop (v2sf)  }
0x205: {  	[tilespmem:s24], [sflag:$0x1] =	stream.linear.gather [hbm4b:s0+s1], $0x80, $0x38;
	(v2sf) =	vpush v5, $0xF;
	[tilespmem:$0x18480] =	vst v63  }
0x206: {  	s0 =	sadd.s32 s4, s23;
	s23 =	sand.u32 $0x1FFFFFF0, s25;
	s24 =	spop (v2sf)  }
0x207: {  	[tilespmem:s22], [sflag:$0x1] =	stream.linear.gather [hbm4b:s0+s1], $0x80, $0x38;
	[tilespmem:$0x18480] =	vst v63  }
0x208: {  	s0 =	sadd.s32 s4, s23;
	s22 =	sand.u32 $0x1FFFFFF0, s24;
	s23 =	spop (v2sf)  }
0x209: {  	[tilespmem:s21], [sflag:$0x1] =	stream.linear.gather [hbm4b:s0+s1], $0x80, $0x38;
	[tilespmem:$0x18480] =	vst v63  }
0x20a: {  	s0 =	sadd.s32 s4, s22;
	s21 =	sand.u32 $0x1FFFFFF0, s23;
	s22 =	spop (v2sf)  }
0x20b: {  	[tilespmem:s20], [sflag:$0x1] =	stream.linear.gather [hbm4b:s0+s1], $0x80, $0x38;
	[tilespmem:$0x18480] =	vst v63  }
0x20c: {  	s0 =	sadd.s32 s4, s21;
	s20 =	sand.u32 $0x1FFFFFF0, s22;
	s21 =	spop (v2sf)  }
0x20d: {  	[tilespmem:s19], [sflag:$0x1] =	stream.linear.gather [hbm4b:s0+s1], $0x80, $0x38;
	[tilespmem:$0x18480] =	vst v63  }
0x20e: {  	s0 =	sadd.s32 s4, s20;
	s19 =	sand.u32 $0x1FFFFFF0, s21;
	s20 =	spop (v2sf)  }
0x20f: {  	[tilespmem:s18], [sflag:$0x1] =	stream.linear.gather [hbm4b:s0+s1], $0x80, $0x38;
	[tilespmem:$0x18480] =	vst v63  }
0x210: {  	s0 =	sadd.s32 s4, s19;
	s18 =	sand.u32 $0x1FFFFFF0, s20;
	s19 =	spop (v2sf)  }
0x211: {  	[tilespmem:s17], [sflag:$0x1] =	stream.linear.gather [hbm4b:s0+s1], $0x80, $0x38;
	[tilespmem:$0x18480] =	vst v63  }
0x212: {  	s0 =	sadd.s32 s4, s18;
	s17 =	sand.u32 $0x1FFFFFF0, s19;
	s18 =	spop (v2sf)  }
0x213: {  	[tilespmem:s16], [sflag:$0x1] =	stream.linear.gather [hbm4b:s0+s1], $0x80, $0x38;
	[tilespmem:$0x18480] =	vst v63  }
0x214: {  	s0 =	sadd.s32 s4, s17;
	s16 =	sand.u32 $0x1FFFFFF0, s18;
	s17 =	spop (v2sf)  }
0x215: {  	[tilespmem:s15], [sflag:$0x1] =	stream.linear.gather [hbm4b:s0+s1], $0x80, $0x38;
	[tilespmem:$0x18480] =	vst v63  }
0x216: {  	s0 =	sadd.s32 $0x10B00, s13;
	s15 =	sadd.s32 s4, s16;
	s16 =	sand.u32 $0x1FFFFFF0, s17  }
0x217: {  	[tilespmem:s0], [sflag:$0x1] =	stream.linear.gather [hbm4b:s15+s1], $0x80, $0x38;
	[tilespmem:$0x18480] =	vst v63  }
0x218: {  	s0 =	sadd.s32 $0x10B80, s13;
	s15 =	sadd.s32 s4, s16  }
0x219: {  	[tilespmem:s0], [sflag:$0x1] =	stream.linear.gather [hbm4b:s15+s1], $0x80, $0x38;
	[tilespmem:$0x18480] =	vst v63  }
0x21a: {  	v5 =	vld [tilespmem:s14+$0x100];
	_ =	sdelay $0x4  }
0x21b: {  	v5 =	vshll.u32 v5, $0x4  }
0x21c: {  	(v2sf) =	vpush v5, $0x0  }
0x21d: {  	(v2sf) =	vpush v5, $0x1  }
0x21e: {  	(v2sf) =	vpush v5, $0x2;
	_ =	sdelay $0x1  }
0x21f: {  	(v2sf) =	vpush v5, $0x3;
	_ =	sdelay $0x1  }
0x220: {  	(v2sf) =	vpush v5, $0x4;
	_ =	sdelay $0x1  }
0x221: {  	(v2sf) =	vpush v5, $0x5;
	_ =	sdelay $0x1  }
0x222: {  	(v2sf) =	vpush v5, $0x6  }
0x223: {  	s16 =	sadd.s32 $0x14A00, s13;
	s15 =	sadd.s32 $0x14A80, s13;
	s14 =	sadd.s32 $0x10, s14  }
0x224: {  	s19 =	sadd.s32 $0x14880, s13;
	s18 =	sadd.s32 $0x14900, s13;
	s17 =	sadd.s32 $0x14980, s13;
	(v2sf) =	vpush v5, $0x7  }
0x225: {  	s22 =	sadd.s32 $0x14700, s13;
	s21 =	sadd.s32 $0x14780, s13;
	s20 =	sadd.s32 $0x14800, s13  }
0x226: {  	s24 =	sadd.s32 $0x14680, s13;
	s23 =	sadd.s32 $0x14600, s13;
	s0 =	sadd.s32 $0x14580, s13;
	(v2sf) =	vpush v5, $0x8  }
0x227: {  	s26 =	sadd.s32 $0x14500, s13;
	s25 =	sadd.s32 $0x14480, s13;
	s28 =	spop (v2sf)  }
0x228: {  	s29 =	sadd.s32 $0x14400, s13;
	s28 =	sand.u32 $0x1FFFFFF0, s28;
	s30 =	spop (v2sf);
	(v2sf) =	vpush v5, $0x9  }
0x229: {  	s28 =	sadd.s32 s3, s28;
	s30 =	sand.u32 $0x1FFFFFF0, s30;
	s31 =	spop (v2sf)  }
0x22a: {  	[tilespmem:s29], [sflag:$0x1] =	stream.linear.gather [hbm4b:s28+s1], $0x80, $0x38;
	(v2sf) =	vpush v5, $0xA;
	[tilespmem:$0x18480] =	vst v63  }
0x22b: {  	s28 =	sadd.s32 s3, s30;
	s29 =	sand.u32 $0x1FFFFFF0, s31;
	s30 =	spop (v2sf)  }
0x22c: {  	[tilespmem:s25], [sflag:$0x1] =	stream.linear.gather [hbm4b:s28+s1], $0x80, $0x38;
	(v2sf) =	vpush v5, $0xB;
	[tilespmem:$0x18480] =	vst v63  }
0x22d: {  	s25 =	sadd.s32 s3, s29;
	s28 =	sand.u32 $0x1FFFFFF0, s30;
	s29 =	spop (v2sf)  }
0x22e: {  	[tilespmem:s26], [sflag:$0x1] =	stream.linear.gather [hbm4b:s25+s1], $0x80, $0x38;
	(v2sf) =	vpush v5, $0xC;
	[tilespmem:$0x18480] =	vst v63  }
0x22f: {  	s25 =	sadd.s32 s3, s28;
	s26 =	sand.u32 $0x1FFFFFF0, s29;
	s28 =	spop (v2sf)  }
0x230: {  	[tilespmem:s0], [sflag:$0x1] =	stream.linear.gather [hbm4b:s25+s1], $0x80, $0x38;
	(v2sf) =	vpush v5, $0xD;
	[tilespmem:$0x18480] =	vst v63  }
0x231: {  	s0 =	sadd.s32 s3, s26;
	s25 =	sand.u32 $0x1FFFFFF0, s28;
	s26 =	spop (v2sf)  }
0x232: {  	[tilespmem:s23], [sflag:$0x1] =	stream.linear.gather [hbm4b:s0+s1], $0x80, $0x38;
	(v2sf) =	vpush v5, $0xE;
	[tilespmem:$0x18480] =	vst v63  }
0x233: {  	s0 =	sadd.s32 s3, s25;
	s23 =	sand.u32 $0x1FFFFFF0, s26;
	s25 =	spop (v2sf)  }
0x234: {  	[tilespmem:s24], [sflag:$0x1] =	stream.linear.gather [hbm4b:s0+s1], $0x80, $0x38;
	(v2sf) =	vpush v5, $0xF;
	[tilespmem:$0x18480] =	vst v63  }
0x235: {  	s0 =	sadd.s32 s3, s23;
	s23 =	sand.u32 $0x1FFFFFF0, s25;
	s24 =	spop (v2sf)  }
0x236: {  	[tilespmem:s22], [sflag:$0x1] =	stream.linear.gather [hbm4b:s0+s1], $0x80, $0x38;
	[tilespmem:$0x18480] =	vst v63  }
0x237: {  	s0 =	sadd.s32 s3, s23;
	s22 =	sand.u32 $0x1FFFFFF0, s24;
	s23 =	spop (v2sf)  }
0x238: {  	[tilespmem:s21], [sflag:$0x1] =	stream.linear.gather [hbm4b:s0+s1], $0x80, $0x38;
	[tilespmem:$0x18480] =	vst v63  }
0x239: {  	s0 =	sadd.s32 s3, s22;
	s21 =	sand.u32 $0x1FFFFFF0, s23;
	s22 =	spop (v2sf)  }
0x23a: {  	[tilespmem:s20], [sflag:$0x1] =	stream.linear.gather [hbm4b:s0+s1], $0x80, $0x38;
	[tilespmem:$0x18480] =	vst v63  }
0x23b: {  	s0 =	sadd.s32 s3, s21;
	s20 =	sand.u32 $0x1FFFFFF0, s22;
	s21 =	spop (v2sf)  }
0x23c: {  	[tilespmem:s19], [sflag:$0x1] =	stream.linear.gather [hbm4b:s0+s1], $0x80, $0x38;
	[tilespmem:$0x18480] =	vst v63  }
0x23d: {  	s0 =	sadd.s32 s3, s20  }
.Ltmp0:
0x23e: {  	s19 =	sand.u32 $0x1FFFFFF0, s21;
	s20 =	spop (v2sf);
	(pc) =	sbr.rel @p0 .LBB2_2-.Ltmp0, $4  }
0x23f: {  	[tilespmem:s18], [sflag:$0x1] =	stream.linear.gather [hbm4b:s0+s1], $0x80, $0x38;
	[tilespmem:$0x18480] =	vst v63  }
0x240: {  	s0 =	sadd.s32 s3, s19;
	s18 =	sand.u32 $0x1FFFFFF0, s20;
	s20 =	spop (v2sf)  }
0x241: {  	[tilespmem:s17], [sflag:$0x1] =	stream.linear.gather [hbm4b:s0+s1], $0x80, $0x38;
	[tilespmem:$0x18480] =	vst v63  }
0x242: {  	s19 =	sadd.s32 s3, s18;
	s17 =	sand.u32 $0x1FFFFFF0, s20;
	s18 =	spop (v2sf)  }
0x243: {  	[tilespmem:s16], [sflag:$0x1] =	stream.linear.gather [hbm4b:s19+s1], $0x80, $0x38;
	[tilespmem:$0x18480] =	vst v63  }
0x244: {  	s0 =	sadd.s32 s3, s17;
	s12 =	sand.u32 $0x1FFFFFF0, s18;
	s14 =	spop (v2sf)  }
0x245: {  	[tilespmem:s15], [sflag:$0x1] =	stream.linear.gather [hbm4b:s0+s1], $0x80, $0x38;
	[tilespmem:$0x18480] =	vst v63  }
0x246: {  	s29 =	sadd.s32 $0x14B00, s13;
	s12 =	sadd.s32 s3, s12;
	s14 =	sand.u32 $0x1FFFFFF0, s14  }
0x247: {  	[tilespmem:s29], [sflag:$0x1] =	stream.linear.gather [hbm4b:s12+s1], $0x80, $0x38;
	[tilespmem:$0x18480] =	vst v63  }
0x248: {  	s30 =	sadd.s32 $0x14B80, s13;
	s31 =	sadd.s32 s3, s14  }
0x249: {  	[tilespmem:s30], [sflag:$0x1] =	stream.linear.gather [hbm4b:s31+s1], $0x80, $0x38;
	[tilespmem:$0x18480] =	vst v63  }
0x24a: {  	_ =	swait.ge [sflag:s9], $0x80  }
0x24b: {  	[sflag:s9] =	ssyncset.done $0x0  }
0x24c: {  	[sflag:s9] =	ssyncadd.s32 $0xFFFFFF80  }
0x24d: {  	_ =	swait.ge [sflag:s9], $0x80  }
0x24e: {  	[sflag:s9] =	ssyncset.done $0x0  }
0x24f: {  	[sflag:s9] =	ssyncadd.s32 $0xFFFFFF80  }
0x250: {  	_ =	swait.ge [sflag:s9], $0x80  }
0x251: {  	[sflag:s9] =	ssyncset.done $0x0  }
0x252: {  	[sflag:s9] =	ssyncadd.s32 $0xFFFFFF80  }
0x253: {  	_ =	swait.ge [sflag:s9], $0x80  }
0x254: {  	[sflag:s9] =	ssyncset.done $0x0  }
0x255: {  	[sflag:s9] =	ssyncadd.s32 $0xFFFFFF80  }
0x256: {  	_ =	swait.ge [sflag:s9], $0x80  }
0x257: {  	[sflag:s9] =	ssyncset.done $0x0  }
0x258: {  	[sflag:s9] =	ssyncadd.s32 $0xFFFFFF80  }
0x259: {  	_ =	swait.ge [sflag:s9], $0x80  }
0x25a: {  	s12 =	simm.s32 $0x7F;
	[sflag:s9] =	ssyncset.done $0x0  }
.LBB2_4:
0x25b: {  	p0 =	sne.s32 s12, $0x1;
	s12 =	sadd.s32 $0xFFFFFFFF, s12;
	[sflag:s9] =	ssyncadd.s32 $0xFFFFFF80  }
0x25c: {  	_ =	swait.ge [sflag:s9], $0x80  }
0x25d: {  	[sflag:s9] =	ssyncset.done $0x0  }
0x25e: {  	[sflag:s9] =	ssyncadd.s32 $0xFFFFFF80  }
0x25f: {  	_ =	swait.ge [sflag:s9], $0x80  }
0x260: {  	[sflag:s9] =	ssyncset.done $0x0  }
0x261: {  	[sflag:s9] =	ssyncadd.s32 $0xFFFFFF80  }
0x262: {  	_ =	swait.ge [sflag:s9], $0x80  }
0x263: {  	[sflag:s9] =	ssyncset.done $0x0  }
0x264: {  	[sflag:s9] =	ssyncadd.s32 $0xFFFFFF80  }
0x265: {  	_ =	swait.ge [sflag:s9], $0x80  }
0x266: {  	[sflag:s9] =	ssyncset.done $0x0  }
0x267: {  	[sflag:s9] =	ssyncadd.s32 $0xFFFFFF80  }
.Ltmp1:
0x268: {  	_ =	swait.ge [sflag:s9], $0x80;
	(pc) =	sbr.rel @p0 .LBB2_4-.Ltmp1, $4  }
0x269: {  	[sflag:s9] =	ssyncset.done $0x0  }
0x26a: {  	[sflag:s9] =	ssyncadd.s32 $0xFFFFFF80  }
0x26b: {  	_ =	swait.ge [sflag:s9], $0x80  }
0x26c: {  	[sflag:s9] =	ssyncset.done $0x0  }
0x26d: {  	[sflag:s9] =	ssyncadd.s32 $0xFFFFFF80;
	s12 =	simm.s32 $0x0;
	s13 =	simm.s32 $0x420  }
0x26e: {  	s14 =	simm.s32 $0x4430;
	s15 =	simm.s32 $0x8430;
	s16 =	simm.s32 $0xC430  }
0x26f: {  	v5 =	vimm.f32 $0.0e+00;
	s17 =	simm.s32 $0x10430;
	s18 =	simm.s32 $0x14430;
	v6 =	vimm.f32 $0.0e+00;
	s19 =	simm.s32 $0x0  }
.LBB2_6:
0x270: {  	v7 =	vmov s18  }
0x271: {  	v12 =	vmov s16;
	_ =	sdelay $0x2  }
0x272: {  	s0 =	simm.s32 $0x0  }
0x273: {  	v8 =	vmov s17;
	v13 =	vld.idx.msk [tilespmem:v7+s0+$0xFFFFFFF0 ss:$0x1], $0xffff  }
0x274: {  	v14 =	vld.idx.msk [tilespmem:v12+s0+$0x0 ss:$0x1], $0xffff  }
0x275: {  	v15 =	vld.idx.msk [tilespmem:v7+s0+$0xFFFFFFD0 ss:$0x1], $0xffff  }
0x276: {  	v16 =	vld.idx.msk [tilespmem:v12+s0+$0xFFFFFFF0 ss:$0x1], $0xffff  }
0x277: {  	v17 =	vld.idx.msk [tilespmem:v12+s0+$0xFFFFFFD0 ss:$0x1], $0xffff  }
0x278: {  	v18 =	vld.idx.msk [tilespmem:v8+s0+$0xFFFFFFD0 ss:$0x1], $0xffff  }
0x279: {  	v11 =	vmov s13;
	v19 =	vld.idx.msk [tilespmem:v12+s0+$0xFFFFFFE0 ss:$0x1], $0xffff  }
0x27a: {  	v10 =	vmov s14;
	v20 =	vld.idx.msk [tilespmem:v8+s0+$0xFFFFFFE0 ss:$0x1], $0xffff  }
0x27b: {  	v21 =	vld.idx.msk [tilespmem:v8+s0+$0xFFFFFFF0 ss:$0x1], $0xffff  }
0x27c: {  	v22 =	vld.idx.msk [tilespmem:v7+s0+$0xFFFFFFE0 ss:$0x1], $0xffff  }
0x27d: {  	v23 =	vld.idx.msk [tilespmem:v8+s0+$0x0 ss:$0x1], $0xffff  }
0x27e: {  	v9 =	vmov s15;
	v24 =	vld.idx.msk [tilespmem:v11+s0+$0xFFFFFFE0 ss:$0x1], $0xffff  }
0x27f: {  	v25 =	vld.idx.msk [tilespmem:v10+s0+$0xFFFFFFD0 ss:$0x1], $0xffff  }
0x280: {  	v26 =	vld.idx.msk [tilespmem:v7+s0+$0x0 ss:$0x1], $0xffff  }
0x281: {  	v27 =	vld.idx.msk [tilespmem:v11+s0+$0xFFFFFFF0 ss:$0x1], $0xffff  }
0x282: {  	v28 =	vld.idx.msk [tilespmem:v10+s0+$0xFFFFFFE0 ss:$0x1], $0xffff  }
0x283: {  	v29 =	vld.idx.msk [tilespmem:v9+s0+$0xFFFFFFD0 ss:$0x1], $0xffff  }
0x284: {  	v30 =	vld.idx.msk [tilespmem:v9+s0+$0xFFFFFFE0 ss:$0x1], $0xffff  }
0x285: {  	v31 =	vld.idx.msk [tilespmem:v11+s0+$0x0 ss:$0x1], $0xffff  }
0x286: {  	v32 =	vld.idx.msk [tilespmem:v10+s0+$0xFFFFFFF0 ss:$0x1], $0xffff  }
0x287: {  	v33 =	vld.idx.msk [tilespmem:v9+s0+$0xFFFFFFF0 ss:$0x1], $0xffff  }
0x288: {  	v17 =	vadd.f32 v18, v17;
	v18 =	vadd.f32 v20, v19;
	v19 =	vld.idx.msk [tilespmem:v11+s0+$0x10 ss:$0x1], $0xffff  }
0x289: {  	s20 =	simm.s32 $0x80;
	v20 =	vld.idx.msk [tilespmem:v10+s0+$0x0 ss:$0x1], $0xffff  }
0x28a: {  	v16 =	vadd.f32 v21, v16;
	v14 =	vadd.f32 v23, v14;
	v21 =	vld.idx.msk [tilespmem:v12+s20+$0x0 ss:$0x1], $0xffff  }
0x28b: {  	v23 =	vld.idx.msk [tilespmem:v7+s20+$0xFFFFFFD0 ss:$0x1], $0xffff;
	v15 =	vsub.f32 v17, v15;
	v17 =	vsub.f32 v18, v22  }
0x28c: {  	v18 =	vld.idx.msk [tilespmem:v9+s0+$0x0 ss:$0x1], $0xffff;
	v13 =	vsub.f32 v16, v13  }
0x28d: {  	v16 =	vld.idx.msk [tilespmem:v7+s20+$0xFFFFFFF0 ss:$0x1], $0xffff;
	v22 =	vadd.f32 v25, v24;
	v15 =	vmul.f32 v15, v15;
	v17 =	vmul.f32 v17, v17  }
0x28e: {  	v14 =	vsub.f32 v14, v26;
	v24 =	vadd.f32 v28, v27;
	v25 =	vld.idx.msk [tilespmem:v12+s20+$0xFFFFFFD0 ss:$0x1], $0xffff  }
0x28f: {  	v26 =	vadd.f32 v32, v31;
	v27 =	vld.idx.msk [tilespmem:v12+s20+$0xFFFFFFE0 ss:$0x1], $0xffff;
	v13 =	vmul.f32 v13, v13;
	v15 =	vadd.f32 v17, v15  }
0x290: {  	v24 =	vsub.f32 v24, v30;
	v19 =	vadd.f32 v20, v19;
	v20 =	vld.idx.msk [tilespmem:v8+s20+$0xFFFFFFF0 ss:$0x1], $0xffff  }
0x291: {  	v14 =	vmul.f32 v14, v14;
	v13 =	vadd.f32 v13, v15;
	v15 =	vsub.f32 v22, v29;
	v22 =	vld.idx.msk [tilespmem:v8+s20+$0xFFFFFFD0 ss:$0x1], $0xffff  }
0x292: {  	v26 =	vsub.f32 v26, v33;
	v17 =	vld.idx.msk [tilespmem:v12+s20+$0xFFFFFFF0 ss:$0x1], $0xffff  }
0x293: {  	v24 =	vmul.f32 v24, v24;
	v13 =	vadd.f32 v14, v13;
	v14 =	vmul.f32 v15, v15;
	v15 =	vld.idx.msk [tilespmem:v8+s20+$0xFFFFFFE0 ss:$0x1], $0xffff  }
0x294: {  	v18 =	vsub.f32 v19, v18;
	v19 =	vld.idx.msk [tilespmem:v8+s20+$0x0 ss:$0x1], $0xffff  }
0x295: {  	v29 =	vld.idx.msk [tilespmem:v7+s20+$0xFFFFFFE0 ss:$0x1], $0xffff;
	v28 =	vperm.xlane v13, v1;
	v14 =	vadd.f32 v24, v14;
	v24 =	vmul.f32 v26, v26  }
0x296: {  	v26 =	vld.idx.msk [tilespmem:v11+s20+$0xFFFFFFE0 ss:$0x1], $0xffff;
	v22 =	vadd.f32 v22, v25  }
0x297: {  	v18 =	vmul.f32 v18, v18;
	v25 =	vld.idx.msk [tilespmem:v7+s20+$0x0 ss:$0x1], $0xffff;
	v13 =	vadd.f32 v28, v13;
	v14 =	vadd.f32 v24, v14  }
0x298: {  	v24 =	vld.idx.msk [tilespmem:v10+s20+$0xFFFFFFD0 ss:$0x1], $0xffff;
	v15 =	vadd.f32 v15, v27  }
0x299: {  	v17 =	vadd.f32 v20, v17;
	v28 =	vld.idx.msk [tilespmem:v11+s20+$0x0 ss:$0x1], $0xffff;
	v27 =	vperm.xlane v13, v2;
	v14 =	vadd.f32 v18, v14  }
0x29a: {  	v20 =	vsub.f32 v22, v23;
	v22 =	vld.idx.msk [tilespmem:v10+s20+$0xFFFFFFE0 ss:$0x1], $0xffff;
	v15 =	vsub.f32 v15, v29  }
0x29b: {  	v16 =	vsub.f32 v17, v16;
	v18 =	vld.idx.msk [tilespmem:v11+s20+$0xFFFFFFF0 ss:$0x1], $0xffff;
	v13 =	vadd.f32 v27, v13;
	v23 =	vperm.xlane v14, v1  }
0x29c: {  	v17 =	vadd.f32 v19, v21;
	v19 =	vmul.f32 v20, v20;
	v20 =	vld.idx.msk [tilespmem:v9+s20+$0xFFFFFFE0 ss:$0x1], $0xffff;
	v15 =	vmul.f32 v15, v15  }
0x29d: {  	v29 =	vld.idx.msk [tilespmem:v9+s20+$0x0 ss:$0x1], $0xffff;
	v21 =	vperm.xlane v13, v3;
	v14 =	vadd.f32 v23, v14  }
0x29e: {  	v16 =	vmul.f32 v16, v16;
	v27 =	vld.idx.msk [tilespmem:v9+s20+$0xFFFFFFD0 ss:$0x1], $0xffff;
	v17 =	vsub.f32 v17, v25;
	v15 =	vadd.f32 v15, v19  }
0x29f: {  	v19 =	vld.idx.msk [tilespmem:v10+s20+$0xFFFFFFF0 ss:$0x1], $0xffff;
	v13 =	vadd.f32 v21, v13;
	v23 =	vperm.xlane v14, v2  }
0x2a0: {  	v25 =	vld.idx.msk [tilespmem:v11+s20+$0x10 ss:$0x1], $0xffff;
	v18 =	vadd.f32 v22, v18;
	v15 =	vadd.f32 v16, v15;
	v16 =	vmul.f32 v17, v17  }
0x2a1: {  	v24 =	vadd.f32 v24, v26;
	v21 =	vld.idx.msk [tilespmem:v9+s20+$0xFFFFFFF0 ss:$0x1], $0xffff;
	v17 =	vperm.xlane v13, v4;
	v14 =	vadd.f32 v23, v14  }
0x2a2: {  	s21 =	simm.s32 $0x100;
	v26 =	vld.idx.msk [tilespmem:v10+s20+$0x0 ss:$0x1], $0xffff;
	v20 =	vsub.f32 v18, v20;
	v22 =	vadd.f32 v16, v15  }
0x2a3: {  	v18 =	vld.idx.msk [tilespmem:v7+s21+$0xFFFFFFD0 ss:$0x1], $0xffff;
	v13 =	vadd.f32 v17, v13;
	v17 =	vsub.f32 v24, v27;
	v24 =	vperm.xlane v14, v3  }
0x2a4: {  	v23 =	vmov s12;
	v15 =	vld.idx.msk [tilespmem:v7+s21+$0xFFFFFFF0 ss:$0x1], $0xffff;
	v27 =	vadd.f32 v19, v28;
	v28 =	vperm.xlane v22, v1  }
0x2a5: {  	v16 =	vld.idx.msk [tilespmem:v12+s21+$0x0 ss:$0x1], $0xffff;
	vm0 =	veq.s32 v23, v0;
	v20 =	vmul.f32 v20, v20;
	v14 =	vadd.f32 v24, v14  }
0x2a6: {  	v19 =	vld.idx.msk [tilespmem:v12+s21+$0xFFFFFFF0 ss:$0x1], $0xffff;
	v23 =	vmul.f32 v17, v17;
	v21 =	vsub.f32 v27, v21;
	v17 =	vadd.f32 v28, v22  }
0x2a7: {  	v13 =	vsel vm0, v13, v5;
	v24 =	vld.idx.msk [tilespmem:v8+s21+$0xFFFFFFD0 ss:$0x1], $0xffff;
	v28 =	vadd.f32 v26, v25;
	v63 =	vperm.xlane v14, v4  }
0x2a8: {  	v22 =	vld.idx.msk [tilespmem:v12+s21+$0xFFFFFFD0 ss:$0x1], $0xffff;
	v26 =	vadd.f32 v20, v23;
	v27 =	vmul.f32 v21, v21;
	v21 =	vperm.xlane v17, v2  }
0x2a9: {  	s22 =	simm.s32 $0x600;
	s20 =	simm.s32 $0x0;
	v25 =	vld.idx.msk [tilespmem:v12+s21+$0xFFFFFFE0 ss:$0x1], $0xffff;
	v23 =	vsub.f32 v28, v29;
	v20 =	vadd.f32 v63, v14;
	v14 =	vimm.f32 $0.0e+00  }
.LBB2_7:
0x2aa: {  	p0 =	sne.s32 s22, $0x1E00;
	v28 =	vld.idx.msk [tilespmem:v8+s21+$0xFFFFFFE0 ss:$0x1], $0xffff;
	v26 =	vadd.f32 v27, v26;
	v17 =	vadd.f32 v21, v17  }
0x2ab: {  	v21 =	vld.idx.msk [tilespmem:v8+s21+$0xFFFFFFF0 ss:$0x1], $0xffff;
	v23 =	vmul.f32 v23, v23;
	v14 =	vsel vm0, v20, v14  }
0x2ac: {  	v20 =	vld.idx.msk [tilespmem:v7+s21+$0xFFFFFFE0 ss:$0x1], $0xffff;
	v27 =	vperm.xlane v17, v3  }
0x2ad: {  	v29 =	vld.idx.msk [tilespmem:v8+s21+$0x0 ss:$0x1], $0xffff;
	v23 =	vadd.f32 v23, v26  }
0x2ae: {  	v26 =	vld.idx.msk [tilespmem:v11+s21+$0xFFFFFFE0 ss:$0x1], $0xffff;
	v17 =	vadd.f32 v27, v17  }
0x2af: {  	v22 =	vadd.f32 v24, v22;
	v27 =	vld.idx.msk [tilespmem:v10+s21+$0xFFFFFFD0 ss:$0x1], $0xffff;
	v24 =	vperm.xlane v23, v1  }
0x2b0: {  	v25 =	vadd.f32 v28, v25;
	v28 =	vld.idx.msk [tilespmem:v7+s21+$0x0 ss:$0x1], $0xffff;
	v30 =	vperm.xlane v17, v4  }
0x2b1: {  	s20 =	sadd.s32 $0x1, s20;
	v18 =	vsub.f32 v22, v18;
	v19 =	vadd.f32 v21, v19;
	v22 =	vld.idx.msk [tilespmem:v11+s21+$0xFFFFFFF0 ss:$0x1], $0xffff  }
0x2b2: {  	v20 =	vsub.f32 v25, v20;
	v25 =	vmov s20;
	v21 =	vld.idx.msk [tilespmem:v10+s21+$0xFFFFFFE0 ss:$0x1], $0xffff;
	v17 =	vadd.f32 v30, v17  }
0x2b3: {  	v15 =	vsub.f32 v19, v15;
	v16 =	vadd.f32 v29, v16;
	vm0 =	veq.s32 v25, v0;
	v30 =	vld.idx.msk [tilespmem:v9+s21+$0xFFFFFFD0 ss:$0x1], $0xffff  }
0x2b4: {  	v18 =	vmul.f32 v18, v18;
	v20 =	vmul.f32 v20, v20;
	v19 =	vld.idx.msk [tilespmem:v9+s21+$0xFFFFFFE0 ss:$0x1], $0xffff;
	v13 =	vsel vm0, v17, v13  }
0x2b5: {  	v23 =	vadd.f32 v24, v23;
	v17 =	vadd.f32 v27, v26;
	v25 =	vld.idx.msk [tilespmem:v11+s21+$0x0 ss:$0x1], $0xffff  }
0x2b6: {  	v15 =	vmul.f32 v15, v15;
	v18 =	vadd.f32 v20, v18;
	v16 =	vsub.f32 v16, v28;
	v20 =	vld.idx.msk [tilespmem:v10+s21+$0xFFFFFFF0 ss:$0x1], $0xffff  }
0x2b7: {  	v26 =	vperm.xlane v23, v2;
	v24 =	vld.idx.msk [tilespmem:v9+s21+$0xFFFFFFF0 ss:$0x1], $0xffff  }
0x2b8: {  	v21 =	vadd.f32 v21, v22;
	v15 =	vadd.f32 v15, v18;
	v16 =	vmul.f32 v16, v16;
	v27 =	vld.idx.msk [tilespmem:v11+s21+$0x10 ss:$0x1], $0xffff  }
0x2b9: {  	v22 =	vadd.f32 v26, v23;
	v17 =	vsub.f32 v17, v30;
	v28 =	vld.idx.msk [tilespmem:v10+s21+$0x0 ss:$0x1], $0xffff  }
0x2ba: {  	v18 =	vsub.f32 v21, v19;
	v21 =	vadd.f32 v16, v15;
	v23 =	vld.idx.msk [tilespmem:v9+s21+$0x0 ss:$0x1], $0xffff;
	s21 =	sshra.s32 s22, $0x2  }
0x2bb: {  	v26 =	vmul.f32 v17, v17;
	v17 =	vperm.xlane v22, v3;
	v15 =	vld.idx.msk [tilespmem:v7+s21+$0xFFFFFFF0 ss:$0x1], $0xffff  }
0x2bc: {  	v29 =	vmul.f32 v18, v18;
	v20 =	vadd.f32 v20, v25;
	v25 =	vperm.xlane v21, v1;
	v16 =	vld.idx.msk [tilespmem:v12+s21+$0x0 ss:$0x1], $0xffff  }
.Ltmp2:
0x2bd: {  	v30 =	vadd.f32 v17, v22;
	v18 =	vld.idx.msk [tilespmem:v7+s21+$0xFFFFFFD0 ss:$0x1], $0xffff;
	(pc) =	sbr.rel @p0 .LBB2_7-.Ltmp2, $4  }
0x2be: {  	v20 =	vsub.f32 v20, v24;
	v17 =	vadd.f32 v25, v21;
	v19 =	vld.idx.msk [tilespmem:v12+s21+$0xFFFFFFF0 ss:$0x1], $0xffff  }
0x2bf: {  	v26 =	vadd.f32 v29, v26;
	v28 =	vadd.f32 v28, v27;
	v29 =	vperm.xlane v30, v4;
	v22 =	vld.idx.msk [tilespmem:v12+s21+$0xFFFFFFD0 ss:$0x1], $0xffff  }
0x2c0: {  	v27 =	vmul.f32 v20, v20;
	v21 =	vperm.xlane v17, v2;
	v24 =	vld.idx.msk [tilespmem:v8+s21+$0xFFFFFFD0 ss:$0x1], $0xffff  }
0x2c1: {  	s22 =	sadd.s32 $0x200, s22;
	v23 =	vsub.f32 v28, v23;
	v20 =	vadd.f32 v29, v30;
	v25 =	vld.idx.msk [tilespmem:v12+s21+$0xFFFFFFE0 ss:$0x1], $0xffff  }
0x2c2: {  	_ =	sdelay $0x3  }
0x2c3: {  	v12 =	vld.idx.msk [tilespmem:v8+s21+$0xFFFFFFE0 ss:$0x1], $0xffff  }
0x2c4: {  	v28 =	vld.idx.msk [tilespmem:v8+s21+$0xFFFFFFF0 ss:$0x1], $0xffff  }
0x2c5: {  	v29 =	vld.idx.msk [tilespmem:v7+s21+$0xFFFFFFE0 ss:$0x1], $0xffff  }
0x2c6: {  	v30 =	vld.idx.msk [tilespmem:v11+s21+$0xFFFFFFE0 ss:$0x1], $0xffff  }
0x2c7: {  	v31 =	vld.idx.msk [tilespmem:v10+s21+$0xFFFFFFD0 ss:$0x1], $0xffff  }
0x2c8: {  	v32 =	vld.idx.msk [tilespmem:v11+s21+$0xFFFFFFF0 ss:$0x1], $0xffff  }
0x2c9: {  	v33 =	vld.idx.msk [tilespmem:v10+s21+$0xFFFFFFE0 ss:$0x1], $0xffff  }
0x2ca: {  	v34 =	vld.idx.msk [tilespmem:v9+s21+$0xFFFFFFD0 ss:$0x1], $0xffff  }
0x2cb: {  	v36 =	vld.idx.msk [tilespmem:v11+s21+$0x0 ss:$0x1], $0xffff  }
0x2cc: {  	v37 =	vld.idx.msk [tilespmem:v10+s21+$0xFFFFFFF0 ss:$0x1], $0xffff  }
0x2cd: {  	v56 =	vld.idx.msk [tilespmem:v11+s21+$0x10 ss:$0x1], $0xffff  }
0x2ce: {  	v58 =	vld.idx.msk [tilespmem:v10+s21+$0x0 ss:$0x1], $0xffff  }
0x2cf: {  	v35 =	vld.idx.msk [tilespmem:v9+s21+$0xFFFFFFE0 ss:$0x1], $0xffff;
	v22 =	vadd.f32 v24, v22  }
0x2d0: {  	v26 =	vadd.f32 v27, v26;
	v8 =	vld.idx.msk [tilespmem:v8+s21+$0x0 ss:$0x1], $0xffff;
	v12 =	vadd.f32 v12, v25  }
0x2d1: {  	v38 =	vld.idx.msk [tilespmem:v9+s21+$0xFFFFFFF0 ss:$0x1], $0xffff;
	v57 =	vadd.f32 v31, v30;
	v18 =	vsub.f32 v22, v18  }
0x2d2: {  	v60 =	vld.idx.msk [tilespmem:v9+s21+$0x0 ss:$0x1], $0xffff;
	v59 =	vadd.f32 v33, v32;
	v19 =	vadd.f32 v28, v19  }
0x2d3: {  	v61 =	vadd.f32 v37, v36;
	v10 =	vadd.f32 v58, v56  }
0x2d4: {  	v7 =	vld.idx.msk [tilespmem:v7+s21+$0x0 ss:$0x1], $0xffff;
	v24 =	vsub.f32 v57, v34;
	v22 =	vsub.f32 v59, v35  }
0x2d5: {  	v8 =	vadd.f32 v8, v16;
	v12 =	vsub.f32 v12, v29  }
0x2d6: {  	v63 =	vsub.f32 v61, v38;
	v62 =	vmul.f32 v24, v24;
	v22 =	vmul.f32 v22, v22  }
0x2d7: {  	v15 =	vsub.f32 v19, v15;
	v27 =	vmul.f32 v18, v18;
	v9 =	vsub.f32 v10, v60  }
0x2d8: {  	v12 =	vmul.f32 v12, v12;
	v29 =	vmul.f32 v63, v63;
	v28 =	vadd.f32 v22, v62  }
0x2d9: {  	v30 =	vmul.f32 v23, v23;
	v7 =	vsub.f32 v8, v7;
	v31 =	vmul.f32 v15, v15  }
0x2da: {  	v9 =	vmul.f32 v9, v9;
	v11 =	vadd.f32 v12, v27;
	v8 =	vadd.f32 v29, v28  }
0x2db: {  	v10 =	vadd.f32 v30, v26  }
0x2dc: {  	v7 =	vmul.f32 v7, v7;
	v11 =	vadd.f32 v31, v11;
	v8 =	vadd.f32 v9, v8  }
0x2dd: {  	v32 =	vperm.xlane v10, v1  }
0x2de: {  	v7 =	vadd.f32 v7, v11;
	v33 =	vperm.xlane v8, v1  }
0x2df: {  	v9 =	vadd.f32 v32, v10  }
0x2e0: {  	v34 =	vperm.xlane v7, v1;
	v8 =	vadd.f32 v33, v8  }
0x2e1: {  	v35 =	vperm.xlane v9, v2  }
0x2e2: {  	v7 =	vadd.f32 v34, v7;
	v36 =	vperm.xlane v8, v2  }
0x2e3: {  	v9 =	vadd.f32 v35, v9  }
0x2e4: {  	v37 =	vperm.xlane v7, v2;
	v8 =	vadd.f32 v36, v8  }
0x2e5: {  	v38 =	vadd.f32 v21, v17;
	v39 =	vperm.xlane v9, v3  }
0x2e6: {  	v7 =	vadd.f32 v37, v7;
	v40 =	vperm.xlane v8, v3  }
0x2e7: {  	v41 =	vperm.xlane v38, v3;
	v9 =	vadd.f32 v39, v9  }
0x2e8: {  	v42 =	vperm.xlane v7, v3;
	v8 =	vadd.f32 v40, v8  }
0x2e9: {  	s0 =	sadd.s32 $0x1, s20;
	v43 =	vsel vm0, v20, v14;
	v10 =	vadd.f32 v41, v38;
	v44 =	vperm.xlane v9, v4  }
0x2ea: {  	v45 =	vmov s0;
	v7 =	vadd.f32 v42, v7;
	v46 =	vperm.xlane v8, v4  }
0x2eb: {  	s0 =	sadd.s32 $0x1, s0;
	vm15 =	veq.s32 v45, v0;
	v47 =	vperm.xlane v10, v4;
	v9 =	vadd.f32 v44, v9  }
0x2ec: {  	v49 =	vmov s0;
	v48 =	vperm.xlane v7, v4;
	v8 =	vadd.f32 v46, v8  }
0x2ed: {  	vm1 =	veq.s32 v49, v0;
	v10 =	vadd.f32 v47, v10;
	v9 =	vsel vm15, v9, v43  }
0x2ee: {  	v7 =	vadd.f32 v48, v7;
	v8 =	vsel vm1, v8, v9  }
0x2ef: {  	v50 =	vsel vm15, v10, v13;
	v8 =	vmax.f32 v8, $9.999999960e-13  }
0x2f0: {  	v7 =	vsel vm1, v7, v50;
	v51 =	vshrl.u32 v8, $0x1;
	v52 =	vmul.f32 $5.000000000e-01, v8  }
0x2f1: {  	v7 =	vmax.f32 v7, $9.999999960e-13;
	v9 =	vsub.s32 $0x5F3759DF, v51  }
0x2f2: {  	v54 =	vshrl.u32 v7, $0x1;
	v55 =	vmul.f32 $5.000000000e-01, v7;
	v53 =	vmul.f32 v9, v52  }
0x2f3: {  	v12 =	vsub.s32 $0x5F3759DF, v54  }
0x2f4: {  	v56 =	vmul.f32 v12, v55;
	v11 =	vmul.f32 v9, v53;
	_ =	sdelay $0x1  }
0x2f5: {  	v14 =	vmul.f32 v12, v56;
	v11 =	vsub.f32 $1.500000000e+00, v11;
	_ =	sdelay $0x1  }
0x2f6: {  	v57 =	vsub.f32 $1.500000000e+00, v14;
	v9 =	vmul.f32 v9, v11;
	_ =	sdelay $0x1  }
0x2f7: {  	v11 =	vmul.f32 v12, v57;
	v58 =	vmul.f32 v9, v52;
	_ =	sdelay $0x1  }
0x2f8: {  	v60 =	vmul.f32 v11, v55;
	v59 =	vmul.f32 v58, v9;
	_ =	sdelay $0x1  }
0x2f9: {  	v14 =	vmul.f32 v60, v11;
	v12 =	vsub.f32 $1.500000000e+00, v59;
	_ =	sdelay $0x1  }
0x2fa: {  	v61 =	vsub.f32 $1.500000000e+00, v14;
	v9 =	vmul.f32 v12, v9;
	_ =	sdelay $0x1  }
0x2fb: {  	v11 =	vmul.f32 v61, v11;
	v10 =	vmul.f32 v9, v52;
	_ =	sdelay $0x1  }
0x2fc: {  	v12 =	vmul.f32 v11, v55;
	v10 =	vmul.f32 v10, v9;
	_ =	sdelay $0x1  }
0x2fd: {  	v12 =	vmul.f32 v12, v11;
	v10 =	vsub.f32 $1.500000000e+00, v10;
	_ =	sdelay $0x1  }
0x2fe: {  	v62 =	vsub.f32 $1.500000000e+00, v12;
	v9 =	vmul.f32 v10, v9;
	_ =	sdelay $0x1  }
0x2ff: {  	v63 =	vmul.f32 v62, v11;
	v8 =	vmul.f32 v9, v8  }
0x300: {  	s19 =	sadd.s32 $0x1, s19  }
0x301: {  	p0 =	sne.s32 s19, $0x8;
	v7 =	vmul.f32 v63, v7;
	v8 =	vadd.f32 $1.000000000e+00, v8  }
.Ltmp3:
0x302: {  	_ = 	snop;
	(pc) =	sbr.rel @p0 .LBB2_6-.Ltmp3, $3  }
0x303: {  	v7 =	vsub.f32 v8, v7;
	_ =	sdelay $0x1  }
0x304: {  	s13 =	sadd.s32 $0x800, s13;
	s14 =	sadd.s32 $0x800, s14;
	s15 =	sadd.s32 $0x800, s15;
	v7 =	vmax.f32 v7, $0.0e+00  }
0x305: {  	s16 =	sadd.s32 $0x800, s16;
	s17 =	sadd.s32 $0x800, s17;
	s18 =	sadd.s32 $0x800, s18;
	v6 =	vadd.f32 v7, v6  }
0x306: {  	s11 =	sadd.s32 $0x1, s11  }
0x307: {  	p0 =	sne.s32 s11, s7  }
.Ltmp4:
0x308: {  	[tilespmem:$0x18400] =	vst v6;
	(pc) =	sbr.rel @p0 .LBB2_1-.Ltmp4, $4  }
0x309: {  	[hbm4b:s6+s1] =	stream.linear.scatter [tilespmem:s10], [sflag:$0x2], $0x80, $0x38;
	[tilespmem:$0x18480] =	vst v63  }
0x30a: {  	_ =	swait.ge [sflag:s8], $0x80  }
0x30b: {  	[sflag:s8] =	ssyncset.done $0x0  }
0x30c: {  	[sflag:s8] =	ssyncadd.s32 $0xFFFFFF80  }
0x30d: {  	_ =	sfence.sel $0x180000  }
0x30e: {  	[bflag:$0x0] =	sbarrier.arrive $0xFFFF  }
0x30f: {  	_ =	strace $0x90000047  }
0x310: {  	[bflag:$0x2] =	sbarrier.arrive $0xFFFF  }
0x311: {  	p0 =	sne.s32 s2, $0x0;
	s0 =	rddreg [dreg:$0x1]  }
0x312: {  	s0 =	sadd.s32 @!p0 $0x100000, s0  }
0x313: {  	[sflag:s0] =	ssyncadd.tile.s32 @!p0 $0x1;
	_ =	shalt  }
.Lfunc_end2:
_tile_overlayer_lowered:
.L_overlay_start_2:
0x314: {  	(tag) =	ssettag $0x2  }
0x315: {  	s0 =	rddreg [dreg:$0x0];
	s2 =	stileid.u32  }
0x316: {  	s1 =	rddreg [dreg:$0x1];
	p0 =	sne.s32 s2, $0x0  }
0x317: {  	s3 =	rddreg [dreg:$0x2];
	[bflag:$0x3] =	sbarrier.arrive $0xFFFF;
	s2 =	simm.s32 @!p0 $0x1C02  }
0x318: {  	[timem:s3], [sflag:s2] =	dma.local @!p0 [hbm:s0], s1  }
0x319: {  	s0 =	simm.s32 @!p0 $0x2  }
0x31a: {  	_ =	swait.ge @!p0 [sflag:s0], s1  }
0x31b: {  	s1 =	ssub.s32 @!p0 $0x0, s1;
	[sflag:s0] =	ssyncset.done @!p0 $0x0  }
0x31c: {  	[sflag:s0] =	ssyncadd.s32 @!p0 s1  }
0x31d: {  	[bflag:$0x3] =	sbarrier.arrive $0xFFFF  }
0x31e: {  	_ =	shalt  }

</sc_bundles>
